<compile_context>
chip_gen: v7x
topology: tpu7x:2x2x1
jax: 0.10.2.dev20260603
libtpu: 0.0.44.dev20260713+nightly
codegen_flags: <defaults>
</compile_context>

<pallas_src>
import functools

import jax
import jax.numpy as jnp
from jax import lax
from jax.experimental import pallas as pl
from jax.experimental.pallas import tpu as pltpu
from jax.experimental.pallas import tpu_sc as plsc

EPS = 0.1
ALPHA = 1.0
WINDOW = 32

_NUM_CORES = 2
_NUM_SUBCORES = 16
_NUM_WORKERS = _NUM_CORES * _NUM_SUBCORES


def _prep_kernel(lab_ref, idx_ref, ulm_ref, *, vocab):
    B, S = lab_ref.shape
    lab = lab_ref[...]
    sh = [lab]
    for d in range(1, WINDOW):
        sh.append(jnp.concatenate(
            [jnp.zeros((B, d), lab.dtype), lab[:, :S - d]], axis=1))
    bb = lax.broadcasted_iota(jnp.int32, (B, S), 0)
    ii = lax.broadcasted_iota(jnp.int32, (B, S), 1)
    r = bb * S + ii
    rbase = (r >> 3) * (vocab * 8) + (r & 7) * 128
    for d in range(WINDOW):
        c = jnp.where(sh[d] < 0, 0, sh[d])
        idx_ref[d] = rbase + ((c >> 7) << 10) + (c & 127)
    ulm_ref[0] = jnp.zeros((B, S), jnp.float32)
    for d in range(1, WINDOW):
        m = (sh[d] != 0) & (sh[d] != sh[0])
        for dp in range(1, d):
            m = m & (sh[d] != sh[dp])
        ulm_ref[d] = m.astype(jnp.float32)


def _prep(labels, vocab):
    B, S = labels.shape
    return pl.pallas_call(
        functools.partial(_prep_kernel, vocab=vocab),
        out_shape=(
            jax.ShapeDtypeStruct((WINDOW, B, S), jnp.int32),
            jax.ShapeDtypeStruct((WINDOW, B, S), jnp.float32),
        ),
    )(labels)


def _sc_gather(logits2d, idx):
    R, V = logits2d.shape
    W, _ = idx.shape
    rpw = R // _NUM_WORKERS

    lt_flat = (logits2d.reshape(R // 8, 8, V // 128, 128)
               .transpose(0, 2, 1, 3).reshape(-1))

    mesh = plsc.VectorSubcoreMesh(core_axis_name="c", subcore_axis_name="s")

    @functools.partial(
        pl.kernel,
        out_type=jax.ShapeDtypeStruct((W, R), jnp.float32),
        mesh=mesh,
        scratch_types=[
            pltpu.VMEM((W, rpw), jnp.int32),
            pltpu.VMEM((W, rpw), jnp.float32),
            pltpu.SemaphoreType.DMA,
        ],
    )
    def gk(logits_hbm, idx_hbm, out_hbm, idx_v, vals_v, sem):
        wid = lax.axis_index("s") * _NUM_CORES + lax.axis_index("c")
        base = wid * rpw
        pltpu.sync_copy(idx_hbm.at[:, pl.ds(base, rpw)], idx_v)
        copies = [
            pltpu.async_copy(logits_hbm.at[idx_v.at[j]], vals_v.at[j], sem)
            for j in range(W)
        ]
        for c in copies:
            c.wait()
        pltpu.sync_copy(vals_v, out_hbm.at[:, pl.ds(base, rpw)])

    return gk(lt_flat, idx)


def _rowstats_kernel(x_ref, lse_ref, rs_ref):
    x = x_ref[...]
    RB = x.shape[0]
    m = jnp.max(x, axis=1, keepdims=True)
    s = jnp.sum(jnp.exp(x - m), axis=1, keepdims=True)
    t = jnp.sum(x, axis=1, keepdims=True)
    lse_ref[...] = (jnp.log(s) + m).reshape(1, 1, RB)
    rs_ref[...] = t.reshape(1, 1, RB)


def _rowstats(x2d):
    R, V = x2d.shape
    RB = 256
    grid = R // RB
    return pl.pallas_call(
        _rowstats_kernel,
        grid=(grid,),
        in_specs=[pl.BlockSpec((RB, V), lambda g: (g, 0))],
        out_specs=(
            pl.BlockSpec((1, 1, RB), lambda g: (g, 0, 0)),
            pl.BlockSpec((1, 1, RB), lambda g: (g, 0, 0)),
        ),
        out_shape=(
            jax.ShapeDtypeStruct((grid, 1, RB), jnp.float32),
            jax.ShapeDtypeStruct((grid, 1, RB), jnp.float32),
        ),
    )(x2d)


def _combine_kernel(vals_ref, ulm_ref, lse_ref, rs_ref, out_ref, *,
                    batch, vocab):
    vals = vals_ref[...]
    lse = lse_ref[...]
    v0 = vals_ref[0:1, :]
    nll = lse - v0
    smooth = lse - rs_ref[...] * (1.0 / vocab)
    pt = (1.0 - EPS) * nll + EPS * smooth
    ce = jnp.sum(pt) * (1.0 / lse.shape[1])
    p = jnp.exp(vals - lse)
    term = -jnp.log(jnp.maximum(1.0 - p, 1e-5))
    u = jnp.sum(ulm_ref[...] * term)
    res = ce + ALPHA * jnp.log(1.0 + u * (1.0 / batch))
    out_ref[...] = jnp.broadcast_to(res, (1, 1))


def _combine(vals, ulm, lse, rs, batch, vocab):
    return pl.pallas_call(
        functools.partial(_combine_kernel, batch=batch, vocab=vocab),
        out_shape=jax.ShapeDtypeStruct((1, 1), jnp.float32),
    )(vals, ulm, lse, rs)


def kernel(logits, labels):
    B, S, V = logits.shape
    R = B * S
    idx3, ulm3 = _prep(labels, V)
    lse_c, rs_c = _rowstats(logits.reshape(R, V))
    vals = _sc_gather(logits.reshape(R, V), idx3.reshape(WINDOW, R))
    out = _combine(
        vals,
        ulm3.reshape(WINDOW, R),
        lse_c.reshape(1, R),
        rs_c.reshape(1, R),
        batch=B,
        vocab=V,
    )
    return out.reshape(())

# --- scband reference (transcript-rebuilt; emitter-appended) ---
"""Pipeline reference for scband-unlikelihood-loss-31817117729134 (READ-ONLY COPY).

The authoritative reference and input builder live on the scoring server;
editing this copy changes nothing except your own understanding.
"""

import jax, jax.numpy as jnp
import numpy as np

IGNORE_INDEX = -100
EPS = 0.1
ALPHA = 1.0
WINDOW = 32


def _forward(logits, labels):
    B, S, V = logits.shape
    # ----- label-smoothed cross entropy (torch CrossEntropyLoss semantics) -----
    logp = jax.nn.log_softmax(logits, axis=-1)
    valid = labels != IGNORE_INDEX
    labels_safe = jnp.where(valid, labels, 0)
    nll = -jnp.take_along_axis(logp, labels_safe[..., None], axis=-1)[..., 0]
    smooth = -jnp.mean(logp, axis=-1)
    per_tok = (1.0 - EPS) * nll + EPS * smooth
    n_valid = jnp.maximum(jnp.sum(valid.astype(jnp.float32)), 1.0)
    ce_l = jnp.sum(jnp.where(valid, per_tok, 0.0)) / n_valid
    # ----- unlikelihood term -----
    # candidates[b, i, j] = labels[b, j]
    cand = jnp.broadcast_to(labels[:, None, :], (B, S, S))
    # build_mask_lookahead(S, S) == triu(ones) incl. diagonal; 1 - it = strict lower triangle
    strict_lower = 1 - jnp.triu(jnp.ones((S, S), dtype=labels.dtype))
    cand = cand * strict_lower
    if WINDOW > 0:
        win = 1 - jnp.tril(jnp.ones((S, S), dtype=labels.dtype), k=-WINDOW)
        cand = cand * win
    # zero out candidates equal to the current target token
    cand = jnp.where(cand == labels[:, :, None], 0, cand)
    bi = jnp.arange(B)[:, None, None]
    si = jnp.arange(S)[None, :, None]
    ct = jnp.zeros(logits.shape, logits.dtype).at[bi, si, cand].set(1.0)
    ct = ct.at[..., 0].set(0.0)
    ct = jax.lax.stop_gradient(ct)
    inner = jnp.clip(1.0 - jax.nn.softmax(logits, axis=-1), 1e-5, None)
    u = -jnp.log(inner) * ct
    u_l = jnp.log(1.0 + jnp.sum(u) / B)
    return ce_l + ALPHA * u_l


def setup_inputs(seed: int = 0) -> dict:
    key = jax.random.key(seed)
    k1, k2 = jax.random.split(key)
    B, S, V = 2, 2048, 8192
    logits = jax.random.normal(k1, (B, S, V), dtype=jnp.float32)
    labels = jax.random.randint(k2, (B, S), 0, V, dtype=jnp.int32)
    return {"logits": logits, "labels": labels}


def reference(logits, labels):
    return _forward(logits, labels)

if __name__ == "__main__":
    import jax
    _d = setup_inputs()
    print(jax.jit(kernel)(*tuple(_d.values())))

</pallas_src>

<mosaic_0001>
#map = affine_map<(d0, d1) -> (0)>
#map1 = affine_map<(d0, d1) -> (0, 0)>
module attributes {stable_mosaic.version = 14 : i64} {
  func.func @gk(%arg0: i32, %arg1: i32, %arg2: memref<33554432xf32, #tpu.memory_space<hbm>>, %arg3: memref<32x4096xi32, #tpu.memory_space<hbm>>, %arg4: memref<32x4096xf32, #tpu.memory_space<hbm>>, %arg5: memref<32x128xi32, #tpu.memory_space<vmem>>, %arg6: memref<32x128xf32, #tpu.memory_space<vmem>>, %arg7: memref<!tpu.dma_semaphore, #tpu.memory_space<semaphore_mem>>) attributes {dimension_semantics = [#tpu.dimension_semantics<core_parallel>, #tpu.dimension_semantics<subcore_parallel>], iteration_bounds = array<i64: 2, 16>, scalar_prefetch = 0 : i64, scratch_operands = 3 : i64, tpu.core_type = #tpu.core_type<sc_vector_subcore>, window_params = [{transform_indices = #map}, {transform_indices = #map1}, {transform_indices = #map1}]} {
    %mul3A = arith.constant 2 : i32
    %mul3A_0 = arith.muli %arg1, %mul3A : i32
    %add3A = arith.addi %mul3A_0, %arg0 : i32
    %mul3A_1 = arith.constant 128 : i32
    %mul3A_2 = arith.muli %add3A, %mul3A_1 : i32
    "tpu.region"() ({
      %run_scoped3A = tpu.sem_alloc : memref<!tpu.dma_semaphore, #tpu.memory_space<semaphore_mem>>
      %dma_start3A_641 = arith.constant 0 : i32
      %dma_start3A_642 = tpu.memref_slice %arg3[%dma_start3A_641, %mul3A_2] : memref<32x4096xi32, #tpu.memory_space<hbm>> -> memref<32x128xi32, #tpu.memory_space<hbm>>
      %dma_start3A_643 = arith.constant 0 : i32
      %dma_start3A_644 = tpu.memref_slice %arg3[%dma_start3A_643, %mul3A_2] : memref<32x4096xi32, #tpu.memory_space<hbm>> -> memref<32x128xi32, #tpu.memory_space<hbm>>
      tpu.enqueue_dma source(%dma_start3A_644 : memref<32x128xi32, #tpu.memory_space<hbm>>) target(%arg5 : memref<32x128xi32, #tpu.memory_space<vmem>>) target_semaphore(%run_scoped3A : memref<!tpu.dma_semaphore, #tpu.memory_space<semaphore_mem>>)
      %dma_wait3A_645 = arith.constant 0 : i32
      %dma_wait3A_646 = tpu.memref_slice %arg3[%dma_wait3A_645, %mul3A_2] : memref<32x4096xi32, #tpu.memory_space<hbm>> -> memref<32x128xi32, #tpu.memory_space<hbm>>
      %dma_wait3A_647 = arith.constant 0 : i32
      %dma_wait3A_648 = tpu.memref_slice %arg3[%dma_wait3A_647, %mul3A_2] : memref<32x4096xi32, #tpu.memory_space<hbm>> -> memref<32x128xi32, #tpu.memory_space<hbm>>
      tpu.wait_dma2 semaphore(%run_scoped3A : memref<!tpu.dma_semaphore, #tpu.memory_space<semaphore_mem>>) src(%dma_wait3A_648 : memref<32x128xi32, #tpu.memory_space<hbm>>) dst(%arg5 : memref<32x128xi32, #tpu.memory_space<vmem>>)
      tpu.yield
    }) : () -> ()
    %dma_start3A = arith.constant 0 : i32
    %dma_start3A_3 = arith.constant 0 : i32
    %dma_start3A_4 = arith.constant 0 : i32
    %dma_start3A_5 = tpu.memref_slice %arg6[%dma_start3A_3, %dma_start3A_4] : memref<32x128xf32, #tpu.memory_space<vmem>> -> memref<1x128xf32, #tpu.memory_space<vmem>>
    %dma_start3A_6 = tpu.memref_squeeze %dma_start3A_5 : memref<1x128xf32, #tpu.memory_space<vmem>> -> memref<128xf32, #tpu.memory_space<vmem>>
    %dma_start3A_7 = arith.constant 0 : i32
    %dma_start3A_8 = tpu.memref_slice %arg5[%dma_start3A, %dma_start3A_7] : memref<32x128xi32, #tpu.memory_space<vmem>> -> memref<1x128xi32, #tpu.memory_space<vmem>>
    %dma_start3A_9 = tpu.memref_squeeze %dma_start3A_8 : memref<1x128xi32, #tpu.memory_space<vmem>> -> memref<128xi32, #tpu.memory_space<vmem>>
    %dma_start3A_10 = arith.constant 0 : i32
    %dma_start3A_11 = tpu.memref_slice %arg2[%dma_start3A_10] : memref<33554432xf32, #tpu.memory_space<hbm>> -> memref<33554432xf32, #tpu.memory_space<hbm>>
    tpu.enqueue_indirect_dma source(%dma_start3A_11 : memref<33554432xf32, #tpu.memory_space<hbm>>) target(%dma_start3A_6 : memref<128xf32, #tpu.memory_space<vmem>>) offsets(%dma_start3A_9 : memref<128xi32, #tpu.memory_space<vmem>>) semaphore(%arg7 : memref<!tpu.dma_semaphore, #tpu.memory_space<semaphore_mem>>)
    %dma_start3A_12 = arith.constant 1 : i32
    %dma_start3A_13 = arith.constant 1 : i32
    %dma_start3A_14 = arith.constant 0 : i32
    %dma_start3A_15 = tpu.memref_slice %arg6[%dma_start3A_13, %dma_start3A_14] : memref<32x128xf32, #tpu.memory_space<vmem>> -> memref<1x128xf32, #tpu.memory_space<vmem>>
    %dma_start3A_16 = tpu.memref_squeeze %dma_start3A_15 : memref<1x128xf32, #tpu.memory_space<vmem>> -> memref<128xf32, #tpu.memory_space<vmem>>
    %dma_start3A_17 = arith.constant 0 : i32
    %dma_start3A_18 = tpu.memref_slice %arg5[%dma_start3A_12, %dma_start3A_17] : memref<32x128xi32, #tpu.memory_space<vmem>> -> memref<1x128xi32, #tpu.memory_space<vmem>>
    %dma_start3A_19 = tpu.memref_squeeze %dma_start3A_18 : memref<1x128xi32, #tpu.memory_space<vmem>> -> memref<128xi32, #tpu.memory_space<vmem>>
    %dma_start3A_20 = arith.constant 0 : i32
    %dma_start3A_21 = tpu.memref_slice %arg2[%dma_start3A_20] : memref<33554432xf32, #tpu.memory_space<hbm>> -> memref<33554432xf32, #tpu.memory_space<hbm>>
    tpu.enqueue_indirect_dma source(%dma_start3A_21 : memref<33554432xf32, #tpu.memory_space<hbm>>) target(%dma_start3A_16 : memref<128xf32, #tpu.memory_space<vmem>>) offsets(%dma_start3A_19 : memref<128xi32, #tpu.memory_space<vmem>>) semaphore(%arg7 : memref<!tpu.dma_semaphore, #tpu.memory_space<semaphore_mem>>)
    %dma_start3A_22 = arith.constant 2 : i32
    %dma_start3A_23 = arith.constant 2 : i32
    %dma_start3A_24 = arith.constant 0 : i32
    %dma_start3A_25 = tpu.memref_slice %arg6[%dma_start3A_23, %dma_start3A_24] : memref<32x128xf32, #tpu.memory_space<vmem>> -> memref<1x128xf32, #tpu.memory_space<vmem>>
    %dma_start3A_26 = tpu.memref_squeeze %dma_start3A_25 : memref<1x128xf32, #tpu.memory_space<vmem>> -> memref<128xf32, #tpu.memory_space<vmem>>
    %dma_start3A_27 = arith.constant 0 : i32
    %dma_start3A_28 = tpu.memref_slice %arg5[%dma_start3A_22, %dma_start3A_27] : memref<32x128xi32, #tpu.memory_space<vmem>> -> memref<1x128xi32, #tpu.memory_space<vmem>>
    %dma_start3A_29 = tpu.memref_squeeze %dma_start3A_28 : memref<1x128xi32, #tpu.memory_space<vmem>> -> memref<128xi32, #tpu.memory_space<vmem>>
    %dma_start3A_30 = arith.constant 0 : i32
    %dma_start3A_31 = tpu.memref_slice %arg2[%dma_start3A_30] : memref<33554432xf32, #tpu.memory_space<hbm>> -> memref<33554432xf32, #tpu.memory_space<hbm>>
    tpu.enqueue_indirect_dma source(%dma_start3A_31 : memref<33554432xf32, #tpu.memory_space<hbm>>) target(%dma_start3A_26 : memref<128xf32, #tpu.memory_space<vmem>>) offsets(%dma_start3A_29 : memref<128xi32, #tpu.memory_space<vmem>>) semaphore(%arg7 : memref<!tpu.dma_semaphore, #tpu.memory_space<semaphore_mem>>)
    %dma_start3A_32 = arith.constant 3 : i32
    %dma_start3A_33 = arith.constant 3 : i32
    %dma_start3A_34 = arith.constant 0 : i32
    %dma_start3A_35 = tpu.memref_slice %arg6[%dma_start3A_33, %dma_start3A_34] : memref<32x128xf32, #tpu.memory_space<vmem>> -> memref<1x128xf32, #tpu.memory_space<vmem>>
    %dma_start3A_36 = tpu.memref_squeeze %dma_start3A_35 : memref<1x128xf32, #tpu.memory_space<vmem>> -> memref<128xf32, #tpu.memory_space<vmem>>
    %dma_start3A_37 = arith.constant 0 : i32
    %dma_start3A_38 = tpu.memref_slice %arg5[%dma_start3A_32, %dma_start3A_37] : memref<32x128xi32, #tpu.memory_space<vmem>> -> memref<1x128xi32, #tpu.memory_space<vmem>>
    %dma_start3A_39 = tpu.memref_squeeze %dma_start3A_38 : memref<1x128xi32, #tpu.memory_space<vmem>> -> memref<128xi32, #tpu.memory_space<vmem>>
    %dma_start3A_40 = arith.constant 0 : i32
    %dma_start3A_41 = tpu.memref_slice %arg2[%dma_start3A_40] : memref<33554432xf32, #tpu.memory_space<hbm>> -> memref<33554432xf32, #tpu.memory_space<hbm>>
    tpu.enqueue_indirect_dma source(%dma_start3A_41 : memref<33554432xf32, #tpu.memory_space<hbm>>) target(%dma_start3A_36 : memref<128xf32, #tpu.memory_space<vmem>>) offsets(%dma_start3A_39 : memref<128xi32, #tpu.memory_space<vmem>>) semaphore(%arg7 : memref<!tpu.dma_semaphore, #tpu.memory_space<semaphore_mem>>)
    %dma_start3A_42 = arith.constant 4 : i32
    %dma_start3A_43 = arith.constant 4 : i32
    %dma_start3A_44 = arith.constant 0 : i32
    %dma_start3A_45 = tpu.memref_slice %arg6[%dma_start3A_43, %dma_start3A_44] : memref<32x128xf32, #tpu.memory_space<vmem>> -> memref<1x128xf32, #tpu.memory_space<vmem>>
    %dma_start3A_46 = tpu.memref_squeeze %dma_start3A_45 : memref<1x128xf32, #tpu.memory_space<vmem>> -> memref<128xf32, #tpu.memory_space<vmem>>
    %dma_start3A_47 = arith.constant 0 : i32
    %dma_start3A_48 = tpu.memref_slice %arg5[%dma_start3A_42, %dma_start3A_47] : memref<32x128xi32, #tpu.memory_space<vmem>> -> memref<1x128xi32, #tpu.memory_space<vmem>>
    %dma_start3A_49 = tpu.memref_squeeze %dma_start3A_48 : memref<1x128xi32, #tpu.memory_space<vmem>> -> memref<128xi32, #tpu.memory_space<vmem>>
    %dma_start3A_50 = arith.constant 0 : i32
    %dma_start3A_51 = tpu.memref_slice %arg2[%dma_start3A_50] : memref<33554432xf32, #tpu.memory_space<hbm>> -> memref<33554432xf32, #tpu.memory_space<hbm>>
    tpu.enqueue_indirect_dma source(%dma_start3A_51 : memref<33554432xf32, #tpu.memory_space<hbm>>) target(%dma_start3A_46 : memref<128xf32, #tpu.memory_space<vmem>>) offsets(%dma_start3A_49 : memref<128xi32, #tpu.memory_space<vmem>>) semaphore(%arg7 : memref<!tpu.dma_semaphore, #tpu.memory_space<semaphore_mem>>)
    %dma_start3A_52 = arith.constant 5 : i32
    %dma_start3A_53 = arith.constant 5 : i32
    %dma_start3A_54 = arith.constant 0 : i32
    %dma_start3A_55 = tpu.memref_slice %arg6[%dma_start3A_53, %dma_start3A_54] : memref<32x128xf32, #tpu.memory_space<vmem>> -> memref<1x128xf32, #tpu.memory_space<vmem>>
    %dma_start3A_56 = tpu.memref_squeeze %dma_start3A_55 : memref<1x128xf32, #tpu.memory_space<vmem>> -> memref<128xf32, #tpu.memory_space<vmem>>
    %dma_start3A_57 = arith.constant 0 : i32
    %dma_start3A_58 = tpu.memref_slice %arg5[%dma_start3A_52, %dma_start3A_57] : memref<32x128xi32, #tpu.memory_space<vmem>> -> memref<1x128xi32, #tpu.memory_space<vmem>>
    %dma_start3A_59 = tpu.memref_squeeze %dma_start3A_58 : memref<1x128xi32, #tpu.memory_space<vmem>> -> memref<128xi32, #tpu.memory_space<vmem>>
    %dma_start3A_60 = arith.constant 0 : i32
    %dma_start3A_61 = tpu.memref_slice %arg2[%dma_start3A_60] : memref<33554432xf32, #tpu.memory_space<hbm>> -> memref<33554432xf32, #tpu.memory_space<hbm>>
    tpu.enqueue_indirect_dma source(%dma_start3A_61 : memref<33554432xf32, #tpu.memory_space<hbm>>) target(%dma_start3A_56 : memref<128xf32, #tpu.memory_space<vmem>>) offsets(%dma_start3A_59 : memref<128xi32, #tpu.memory_space<vmem>>) semaphore(%arg7 : memref<!tpu.dma_semaphore, #tpu.memory_space<semaphore_mem>>)
    %dma_start3A_62 = arith.constant 6 : i32
    %dma_start3A_63 = arith.constant 6 : i32
    %dma_start3A_64 = arith.constant 0 : i32
    %dma_start3A_65 = tpu.memref_slice %arg6[%dma_start3A_63, %dma_start3A_64] : memref<32x128xf32, #tpu.memory_space<vmem>> -> memref<1x128xf32, #tpu.memory_space<vmem>>
    %dma_start3A_66 = tpu.memref_squeeze %dma_start3A_65 : memref<1x128xf32, #tpu.memory_space<vmem>> -> memref<128xf32, #tpu.memory_space<vmem>>
    %dma_start3A_67 = arith.constant 0 : i32
    %dma_start3A_68 = tpu.memref_slice %arg5[%dma_start3A_62, %dma_start3A_67] : memref<32x128xi32, #tpu.memory_space<vmem>> -> memref<1x128xi32, #tpu.memory_space<vmem>>
    %dma_start3A_69 = tpu.memref_squeeze %dma_start3A_68 : memref<1x128xi32, #tpu.memory_space<vmem>> -> memref<128xi32, #tpu.memory_space<vmem>>
    %dma_start3A_70 = arith.constant 0 : i32
    %dma_start3A_71 = tpu.memref_slice %arg2[%dma_start3A_70] : memref<33554432xf32, #tpu.memory_space<hbm>> -> memref<33554432xf32, #tpu.memory_space<hbm>>
    tpu.enqueue_indirect_dma source(%dma_start3A_71 : memref<33554432xf32, #tpu.memory_space<hbm>>) target(%dma_start3A_66 : memref<128xf32, #tpu.memory_space<vmem>>) offsets(%dma_start3A_69 : memref<128xi32, #tpu.memory_space<vmem>>) semaphore(%arg7 : memref<!tpu.dma_semaphore, #tpu.memory_space<semaphore_mem>>)
    %dma_start3A_72 = arith.constant 7 : i32
    %dma_start3A_73 = arith.constant 7 : i32
    %dma_start3A_74 = arith.constant 0 : i32
    %dma_start3A_75 = tpu.memref_slice %arg6[%dma_start3A_73, %dma_start3A_74] : memref<32x128xf32, #tpu.memory_space<vmem>> -> memref<1x128xf32, #tpu.memory_space<vmem>>
    %dma_start3A_76 = tpu.memref_squeeze %dma_start3A_75 : memref<1x128xf32, #tpu.memory_space<vmem>> -> memref<128xf32, #tpu.memory_space<vmem>>
    %dma_start3A_77 = arith.constant 0 : i32
    %dma_start3A_78 = tpu.memref_slice %arg5[%dma_start3A_72, %dma_start3A_77] : memref<32x128xi32, #tpu.memory_space<vmem>> -> memref<1x128xi32, #tpu.memory_space<vmem>>
    %dma_start3A_79 = tpu.memref_squeeze %dma_start3A_78 : memref<1x128xi32, #tpu.memory_space<vmem>> -> memref<128xi32, #tpu.memory_space<vmem>>
    %dma_start3A_80 = arith.constant 0 : i32
    %dma_start3A_81 = tpu.memref_slice %arg2[%dma_start3A_80] : memref<33554432xf32, #tpu.memory_space<hbm>> -> memref<33554432xf32, #tpu.memory_space<hbm>>
    tpu.enqueue_indirect_dma source(%dma_start3A_81 : memref<33554432xf32, #tpu.memory_space<hbm>>) target(%dma_start3A_76 : memref<128xf32, #tpu.memory_space<vmem>>) offsets(%dma_start3A_79 : memref<128xi32, #tpu.memory_space<vmem>>) semaphore(%arg7 : memref<!tpu.dma_semaphore, #tpu.memory_space<semaphore_mem>>)
    %dma_start3A_82 = arith.constant 8 : i32
    %dma_start3A_83 = arith.constant 8 : i32
    %dma_start3A_84 = arith.constant 0 : i32
    %dma_start3A_85 = tpu.memref_slice %arg6[%dma_start3A_83, %dma_start3A_84] : memref<32x128xf32, #tpu.memory_space<vmem>> -> memref<1x128xf32, #tpu.memory_space<vmem>>
    %dma_start3A_86 = tpu.memref_squeeze %dma_start3A_85 : memref<1x128xf32, #tpu.memory_space<vmem>> -> memref<128xf32, #tpu.memory_space<vmem>>
    %dma_start3A_87 = arith.constant 0 : i32
    %dma_start3A_88 = tpu.memref_slice %arg5[%dma_start3A_82, %dma_start3A_87] : memref<32x128xi32, #tpu.memory_space<vmem>> -> memref<1x128xi32, #tpu.memory_space<vmem>>
    %dma_start3A_89 = tpu.memref_squeeze %dma_start3A_88 : memref<1x128xi32, #tpu.memory_space<vmem>> -> memref<128xi32, #tpu.memory_space<vmem>>
    %dma_start3A_90 = arith.constant 0 : i32
    %dma_start3A_91 = tpu.memref_slice %arg2[%dma_start3A_90] : memref<33554432xf32, #tpu.memory_space<hbm>> -> memref<33554432xf32, #tpu.memory_space<hbm>>
    tpu.enqueue_indirect_dma source(%dma_start3A_91 : memref<33554432xf32, #tpu.memory_space<hbm>>) target(%dma_start3A_86 : memref<128xf32, #tpu.memory_space<vmem>>) offsets(%dma_start3A_89 : memref<128xi32, #tpu.memory_space<vmem>>) semaphore(%arg7 : memref<!tpu.dma_semaphore, #tpu.memory_space<semaphore_mem>>)
    %dma_start3A_92 = arith.constant 9 : i32
    %dma_start3A_93 = arith.constant 9 : i32
    %dma_start3A_94 = arith.constant 0 : i32
    %dma_start3A_95 = tpu.memref_slice %arg6[%dma_start3A_93, %dma_start3A_94] : memref<32x128xf32, #tpu.memory_space<vmem>> -> memref<1x128xf32, #tpu.memory_space<vmem>>
    %dma_start3A_96 = tpu.memref_squeeze %dma_start3A_95 : memref<1x128xf32, #tpu.memory_space<vmem>> -> memref<128xf32, #tpu.memory_space<vmem>>
    %dma_start3A_97 = arith.constant 0 : i32
    %dma_start3A_98 = tpu.memref_slice %arg5[%dma_start3A_92, %dma_start3A_97] : memref<32x128xi32, #tpu.memory_space<vmem>> -> memref<1x128xi32, #tpu.memory_space<vmem>>
    %dma_start3A_99 = tpu.memref_squeeze %dma_start3A_98 : memref<1x128xi32, #tpu.memory_space<vmem>> -> memref<128xi32, #tpu.memory_space<vmem>>
    %dma_start3A_100 = arith.constant 0 : i32
    %dma_start3A_101 = tpu.memref_slice %arg2[%dma_start3A_100] : memref<33554432xf32, #tpu.memory_space<hbm>> -> memref<33554432xf32, #tpu.memory_space<hbm>>
    tpu.enqueue_indirect_dma source(%dma_start3A_101 : memref<33554432xf32, #tpu.memory_space<hbm>>) target(%dma_start3A_96 : memref<128xf32, #tpu.memory_space<vmem>>) offsets(%dma_start3A_99 : memref<128xi32, #tpu.memory_space<vmem>>) semaphore(%arg7 : memref<!tpu.dma_semaphore, #tpu.memory_space<semaphore_mem>>)
    %dma_start3A_102 = arith.constant 10 : i32
    %dma_start3A_103 = arith.constant 10 : i32
    %dma_start3A_104 = arith.constant 0 : i32
    %dma_start3A_105 = tpu.memref_slice %arg6[%dma_start3A_103, %dma_start3A_104] : memref<32x128xf32, #tpu.memory_space<vmem>> -> memref<1x128xf32, #tpu.memory_space<vmem>>
    %dma_start3A_106 = tpu.memref_squeeze %dma_start3A_105 : memref<1x128xf32, #tpu.memory_space<vmem>> -> memref<128xf32, #tpu.memory_space<vmem>>
    %dma_start3A_107 = arith.constant 0 : i32
    %dma_start3A_108 = tpu.memref_slice %arg5[%dma_start3A_102, %dma_start3A_107] : memref<32x128xi32, #tpu.memory_space<vmem>> -> memref<1x128xi32, #tpu.memory_space<vmem>>
    %dma_start3A_109 = tpu.memref_squeeze %dma_start3A_108 : memref<1x128xi32, #tpu.memory_space<vmem>> -> memref<128xi32, #tpu.memory_space<vmem>>
    %dma_start3A_110 = arith.constant 0 : i32
    %dma_start3A_111 = tpu.memref_slice %arg2[%dma_start3A_110] : memref<33554432xf32, #tpu.memory_space<hbm>> -> memref<33554432xf32, #tpu.memory_space<hbm>>
    tpu.enqueue_indirect_dma source(%dma_start3A_111 : memref<33554432xf32, #tpu.memory_space<hbm>>) target(%dma_start3A_106 : memref<128xf32, #tpu.memory_space<vmem>>) offsets(%dma_start3A_109 : memref<128xi32, #tpu.memory_space<vmem>>) semaphore(%arg7 : memref<!tpu.dma_semaphore, #tpu.memory_space<semaphore_mem>>)
    %dma_start3A_112 = arith.constant 11 : i32
    %dma_start3A_113 = arith.constant 11 : i32
    %dma_start3A_114 = arith.constant 0 : i32
    %dma_start3A_115 = tpu.memref_slice %arg6[%dma_start3A_113, %dma_start3A_114] : memref<32x128xf32, #tpu.memory_space<vmem>> -> memref<1x128xf32, #tpu.memory_space<vmem>>
    %dma_start3A_116 = tpu.memref_squeeze %dma_start3A_115 : memref<1x128xf32, #tpu.memory_space<vmem>> -> memref<128xf32, #tpu.memory_space<vmem>>
    %dma_start3A_117 = arith.constant 0 : i32
    %dma_start3A_118 = tpu.memref_slice %arg5[%dma_start3A_112, %dma_start3A_117] : memref<32x128xi32, #tpu.memory_space<vmem>> -> memref<1x128xi32, #tpu.memory_space<vmem>>
    %dma_start3A_119 = tpu.memref_squeeze %dma_start3A_118 : memref<1x128xi32, #tpu.memory_space<vmem>> -> memref<128xi32, #tpu.memory_space<vmem>>
    %dma_start3A_120 = arith.constant 0 : i32
    %dma_start3A_121 = tpu.memref_slice %arg2[%dma_start3A_120] : memref<33554432xf32, #tpu.memory_space<hbm>> -> memref<33554432xf32, #tpu.memory_space<hbm>>
    tpu.enqueue_indirect_dma source(%dma_start3A_121 : memref<33554432xf32, #tpu.memory_space<hbm>>) target(%dma_start3A_116 : memref<128xf32, #tpu.memory_space<vmem>>) offsets(%dma_start3A_119 : memref<128xi32, #tpu.memory_space<vmem>>) semaphore(%arg7 : memref<!tpu.dma_semaphore, #tpu.memory_space<semaphore_mem>>)
    %dma_start3A_122 = arith.constant 12 : i32
    %dma_start3A_123 = arith.constant 12 : i32
    %dma_start3A_124 = arith.constant 0 : i32
    %dma_start3A_125 = tpu.memref_slice %arg6[%dma_start3A_123, %dma_start3A_124] : memref<32x128xf32, #tpu.memory_space<vmem>> -> memref<1x128xf32, #tpu.memory_space<vmem>>
    %dma_start3A_126 = tpu.memref_squeeze %dma_start3A_125 : memref<1x128xf32, #tpu.memory_space<vmem>> -> memref<128xf32, #tpu.memory_space<vmem>>
    %dma_start3A_127 = arith.constant 0 : i32
    %dma_start3A_128 = tpu.memref_slice %arg5[%dma_start3A_122, %dma_start3A_127] : memref<32x128xi32, #tpu.memory_space<vmem>> -> memref<1x128xi32, #tpu.memory_space<vmem>>
    %dma_start3A_129 = tpu.memref_squeeze %dma_start3A_128 : memref<1x128xi32, #tpu.memory_space<vmem>> -> memref<128xi32, #tpu.memory_space<vmem>>
    %dma_start3A_130 = arith.constant 0 : i32
    %dma_start3A_131 = tpu.memref_slice %arg2[%dma_start3A_130] : memref<33554432xf32, #tpu.memory_space<hbm>> -> memref<33554432xf32, #tpu.memory_space<hbm>>
    tpu.enqueue_indirect_dma source(%dma_start3A_131 : memref<33554432xf32, #tpu.memory_space<hbm>>) target(%dma_start3A_126 : memref<128xf32, #tpu.memory_space<vmem>>) offsets(%dma_start3A_129 : memref<128xi32, #tpu.memory_space<vmem>>) semaphore(%arg7 : memref<!tpu.dma_semaphore, #tpu.memory_space<semaphore_mem>>)
    %dma_start3A_132 = arith.constant 13 : i32
    %dma_start3A_133 = arith.constant 13 : i32
    %dma_start3A_134 = arith.constant 0 : i32
    %dma_start3A_135 = tpu.memref_slice %arg6[%dma_start3A_133, %dma_start3A_134] : memref<32x128xf32, #tpu.memory_space<vmem>> -> memref<1x128xf32, #tpu.memory_space<vmem>>
    %dma_start3A_136 = tpu.memref_squeeze %dma_start3A_135 : memref<1x128xf32, #tpu.memory_space<vmem>> -> memref<128xf32, #tpu.memory_space<vmem>>
    %dma_start3A_137 = arith.constant 0 : i32
    %dma_start3A_138 = tpu.memref_slice %arg5[%dma_start3A_132, %dma_start3A_137] : memref<32x128xi32, #tpu.memory_space<vmem>> -> memref<1x128xi32, #tpu.memory_space<vmem>>
    %dma_start3A_139 = tpu.memref_squeeze %dma_start3A_138 : memref<1x128xi32, #tpu.memory_space<vmem>> -> memref<128xi32, #tpu.memory_space<vmem>>
    %dma_start3A_140 = arith.constant 0 : i32
    %dma_start3A_141 = tpu.memref_slice %arg2[%dma_start3A_140] : memref<33554432xf32, #tpu.memory_space<hbm>> -> memref<33554432xf32, #tpu.memory_space<hbm>>
    tpu.enqueue_indirect_dma source(%dma_start3A_141 : memref<33554432xf32, #tpu.memory_space<hbm>>) target(%dma_start3A_136 : memref<128xf32, #tpu.memory_space<vmem>>) offsets(%dma_start3A_139 : memref<128xi32, #tpu.memory_space<vmem>>) semaphore(%arg7 : memref<!tpu.dma_semaphore, #tpu.memory_space<semaphore_mem>>)
    %dma_start3A_142 = arith.constant 14 : i32
    %dma_start3A_143 = arith.constant 14 : i32
    %dma_start3A_144 = arith.constant 0 : i32
    %dma_start3A_145 = tpu.memref_slice %arg6[%dma_start3A_143, %dma_start3A_144] : memref<32x128xf32, #tpu.memory_space<vmem>> -> memref<1x128xf32, #tpu.memory_space<vmem>>
    %dma_start3A_146 = tpu.memref_squeeze %dma_start3A_145 : memref<1x128xf32, #tpu.memory_space<vmem>> -> memref<128xf32, #tpu.memory_space<vmem>>
    %dma_start3A_147 = arith.constant 0 : i32
    %dma_start3A_148 = tpu.memref_slice %arg5[%dma_start3A_142, %dma_start3A_147] : memref<32x128xi32, #tpu.memory_space<vmem>> -> memref<1x128xi32, #tpu.memory_space<vmem>>
    %dma_start3A_149 = tpu.memref_squeeze %dma_start3A_148 : memref<1x128xi32, #tpu.memory_space<vmem>> -> memref<128xi32, #tpu.memory_space<vmem>>
    %dma_start3A_150 = arith.constant 0 : i32
    %dma_start3A_151 = tpu.memref_slice %arg2[%dma_start3A_150] : memref<33554432xf32, #tpu.memory_space<hbm>> -> memref<33554432xf32, #tpu.memory_space<hbm>>
    tpu.enqueue_indirect_dma source(%dma_start3A_151 : memref<33554432xf32, #tpu.memory_space<hbm>>) target(%dma_start3A_146 : memref<128xf32, #tpu.memory_space<vmem>>) offsets(%dma_start3A_149 : memref<128xi32, #tpu.memory_space<vmem>>) semaphore(%arg7 : memref<!tpu.dma_semaphore, #tpu.memory_space<semaphore_mem>>)
    %dma_start3A_152 = arith.constant 15 : i32
    %dma_start3A_153 = arith.constant 15 : i32
    %dma_start3A_154 = arith.constant 0 : i32
    %dma_start3A_155 = tpu.memref_slice %arg6[%dma_start3A_153, %dma_start3A_154] : memref<32x128xf32, #tpu.memory_space<vmem>> -> memref<1x128xf32, #tpu.memory_space<vmem>>
    %dma_start3A_156 = tpu.memref_squeeze %dma_start3A_155 : memref<1x128xf32, #tpu.memory_space<vmem>> -> memref<128xf32, #tpu.memory_space<vmem>>
    %dma_start3A_157 = arith.constant 0 : i32
    %dma_start3A_158 = tpu.memref_slice %arg5[%dma_start3A_152, %dma_start3A_157] : memref<32x128xi32, #tpu.memory_space<vmem>> -> memref<1x128xi32, #tpu.memory_space<vmem>>
    %dma_start3A_159 = tpu.memref_squeeze %dma_start3A_158 : memref<1x128xi32, #tpu.memory_space<vmem>> -> memref<128xi32, #tpu.memory_space<vmem>>
    %dma_start3A_160 = arith.constant 0 : i32
    %dma_start3A_161 = tpu.memref_slice %arg2[%dma_start3A_160] : memref<33554432xf32, #tpu.memory_space<hbm>> -> memref<33554432xf32, #tpu.memory_space<hbm>>
    tpu.enqueue_indirect_dma source(%dma_start3A_161 : memref<33554432xf32, #tpu.memory_space<hbm>>) target(%dma_start3A_156 : memref<128xf32, #tpu.memory_space<vmem>>) offsets(%dma_start3A_159 : memref<128xi32, #tpu.memory_space<vmem>>) semaphore(%arg7 : memref<!tpu.dma_semaphore, #tpu.memory_space<semaphore_mem>>)
    %dma_start3A_162 = arith.constant 16 : i32
    %dma_start3A_163 = arith.constant 16 : i32
    %dma_start3A_164 = arith.constant 0 : i32
    %dma_start3A_165 = tpu.memref_slice %arg6[%dma_start3A_163, %dma_start3A_164] : memref<32x128xf32, #tpu.memory_space<vmem>> -> memref<1x128xf32, #tpu.memory_space<vmem>>
    %dma_start3A_166 = tpu.memref_squeeze %dma_start3A_165 : memref<1x128xf32, #tpu.memory_space<vmem>> -> memref<128xf32, #tpu.memory_space<vmem>>
    %dma_start3A_167 = arith.constant 0 : i32
    %dma_start3A_168 = tpu.memref_slice %arg5[%dma_start3A_162, %dma_start3A_167] : memref<32x128xi32, #tpu.memory_space<vmem>> -> memref<1x128xi32, #tpu.memory_space<vmem>>
    %dma_start3A_169 = tpu.memref_squeeze %dma_start3A_168 : memref<1x128xi32, #tpu.memory_space<vmem>> -> memref<128xi32, #tpu.memory_space<vmem>>
    %dma_start3A_170 = arith.constant 0 : i32
    %dma_start3A_171 = tpu.memref_slice %arg2[%dma_start3A_170] : memref<33554432xf32, #tpu.memory_space<hbm>> -> memref<33554432xf32, #tpu.memory_space<hbm>>
    tpu.enqueue_indirect_dma source(%dma_start3A_171 : memref<33554432xf32, #tpu.memory_space<hbm>>) target(%dma_start3A_166 : memref<128xf32, #tpu.memory_space<vmem>>) offsets(%dma_start3A_169 : memref<128xi32, #tpu.memory_space<vmem>>) semaphore(%arg7 : memref<!tpu.dma_semaphore, #tpu.memory_space<semaphore_mem>>)
    %dma_start3A_172 = arith.constant 17 : i32
    %dma_start3A_173 = arith.constant 17 : i32
    %dma_start3A_174 = arith.constant 0 : i32
    %dma_start3A_175 = tpu.memref_slice %arg6[%dma_start3A_173, %dma_start3A_174] : memref<32x128xf32, #tpu.memory_space<vmem>> -> memref<1x128xf32, #tpu.memory_space<vmem>>
    %dma_start3A_176 = tpu.memref_squeeze %dma_start3A_175 : memref<1x128xf32, #tpu.memory_space<vmem>> -> memref<128xf32, #tpu.memory_space<vmem>>
    %dma_start3A_177 = arith.constant 0 : i32
    %dma_start3A_178 = tpu.memref_slice %arg5[%dma_start3A_172, %dma_start3A_177] : memref<32x128xi32, #tpu.memory_space<vmem>> -> memref<1x128xi32, #tpu.memory_space<vmem>>
    %dma_start3A_179 = tpu.memref_squeeze %dma_start3A_178 : memref<1x128xi32, #tpu.memory_space<vmem>> -> memref<128xi32, #tpu.memory_space<vmem>>
    %dma_start3A_180 = arith.constant 0 : i32
    %dma_start3A_181 = tpu.memref_slice %arg2[%dma_start3A_180] : memref<33554432xf32, #tpu.memory_space<hbm>> -> memref<33554432xf32, #tpu.memory_space<hbm>>
    tpu.enqueue_indirect_dma source(%dma_start3A_181 : memref<33554432xf32, #tpu.memory_space<hbm>>) target(%dma_start3A_176 : memref<128xf32, #tpu.memory_space<vmem>>) offsets(%dma_start3A_179 : memref<128xi32, #tpu.memory_space<vmem>>) semaphore(%arg7 : memref<!tpu.dma_semaphore, #tpu.memory_space<semaphore_mem>>)
    %dma_start3A_182 = arith.constant 18 : i32
    %dma_start3A_183 = arith.constant 18 : i32
    %dma_start3A_184 = arith.constant 0 : i32
    %dma_start3A_185 = tpu.memref_slice %arg6[%dma_start3A_183, %dma_start3A_184] : memref<32x128xf32, #tpu.memory_space<vmem>> -> memref<1x128xf32, #tpu.memory_space<vmem>>
    %dma_start3A_186 = tpu.memref_squeeze %dma_start3A_185 : memref<1x128xf32, #tpu.memory_space<vmem>> -> memref<128xf32, #tpu.memory_space<vmem>>
    %dma_start3A_187 = arith.constant 0 : i32
    %dma_start3A_188 = tpu.memref_slice %arg5[%dma_start3A_182, %dma_start3A_187] : memref<32x128xi32, #tpu.memory_space<vmem>> -> memref<1x128xi32, #tpu.memory_space<vmem>>
    %dma_start3A_189 = tpu.memref_squeeze %dma_start3A_188 : memref<1x128xi32, #tpu.memory_space<vmem>> -> memref<128xi32, #tpu.memory_space<vmem>>
    %dma_start3A_190 = arith.constant 0 : i32
    %dma_start3A_191 = tpu.memref_slice %arg2[%dma_start3A_190] : memref<33554432xf32, #tpu.memory_space<hbm>> -> memref<33554432xf32, #tpu.memory_space<hbm>>
    tpu.enqueue_indirect_dma source(%dma_start3A_191 : memref<33554432xf32, #tpu.memory_space<hbm>>) target(%dma_start3A_186 : memref<128xf32, #tpu.memory_space<vmem>>) offsets(%dma_start3A_189 : memref<128xi32, #tpu.memory_space<vmem>>) semaphore(%arg7 : memref<!tpu.dma_semaphore, #tpu.memory_space<semaphore_mem>>)
    %dma_start3A_192 = arith.constant 19 : i32
    %dma_start3A_193 = arith.constant 19 : i32
    %dma_start3A_194 = arith.constant 0 : i32
    %dma_start3A_195 = tpu.memref_slice %arg6[%dma_start3A_193, %dma_start3A_194] : memref<32x128xf32, #tpu.memory_space<vmem>> -> memref<1x128xf32, #tpu.memory_space<vmem>>
    %dma_start3A_196 = tpu.memref_squeeze %dma_start3A_195 : memref<1x128xf32, #tpu.memory_space<vmem>> -> memref<128xf32, #tpu.memory_space<vmem>>
    %dma_start3A_197 = arith.constant 0 : i32
    %dma_start3A_198 = tpu.memref_slice %arg5[%dma_start3A_192, %dma_start3A_197] : memref<32x128xi32, #tpu.memory_space<vmem>> -> memref<1x128xi32, #tpu.memory_space<vmem>>
    %dma_start3A_199 = tpu.memref_squeeze %dma_start3A_198 : memref<1x128xi32, #tpu.memory_space<vmem>> -> memref<128xi32, #tpu.memory_space<vmem>>
    %dma_start3A_200 = arith.constant 0 : i32
    %dma_start3A_201 = tpu.memref_slice %arg2[%dma_start3A_200] : memref<33554432xf32, #tpu.memory_space<hbm>> -> memref<33554432xf32, #tpu.memory_space<hbm>>
    tpu.enqueue_indirect_dma source(%dma_start3A_201 : memref<33554432xf32, #tpu.memory_space<hbm>>) target(%dma_start3A_196 : memref<128xf32, #tpu.memory_space<vmem>>) offsets(%dma_start3A_199 : memref<128xi32, #tpu.memory_space<vmem>>) semaphore(%arg7 : memref<!tpu.dma_semaphore, #tpu.memory_space<semaphore_mem>>)
    %dma_start3A_202 = arith.constant 20 : i32
    %dma_start3A_203 = arith.constant 20 : i32
    %dma_start3A_204 = arith.constant 0 : i32
    %dma_start3A_205 = tpu.memref_slice %arg6[%dma_start3A_203, %dma_start3A_204] : memref<32x128xf32, #tpu.memory_space<vmem>> -> memref<1x128xf32, #tpu.memory_space<vmem>>
    %dma_start3A_206 = tpu.memref_squeeze %dma_start3A_205 : memref<1x128xf32, #tpu.memory_space<vmem>> -> memref<128xf32, #tpu.memory_space<vmem>>
    %dma_start3A_207 = arith.constant 0 : i32
    %dma_start3A_208 = tpu.memref_slice %arg5[%dma_start3A_202, %dma_start3A_207] : memref<32x128xi32, #tpu.memory_space<vmem>> -> memref<1x128xi32, #tpu.memory_space<vmem>>
    %dma_start3A_209 = tpu.memref_squeeze %dma_start3A_208 : memref<1x128xi32, #tpu.memory_space<vmem>> -> memref<128xi32, #tpu.memory_space<vmem>>
    %dma_start3A_210 = arith.constant 0 : i32
    %dma_start3A_211 = tpu.memref_slice %arg2[%dma_start3A_210] : memref<33554432xf32, #tpu.memory_space<hbm>> -> memref<33554432xf32, #tpu.memory_space<hbm>>
    tpu.enqueue_indirect_dma source(%dma_start3A_211 : memref<33554432xf32, #tpu.memory_space<hbm>>) target(%dma_start3A_206 : memref<128xf32, #tpu.memory_space<vmem>>) offsets(%dma_start3A_209 : memref<128xi32, #tpu.memory_space<vmem>>) semaphore(%arg7 : memref<!tpu.dma_semaphore, #tpu.memory_space<semaphore_mem>>)
    %dma_start3A_212 = arith.constant 21 : i32
    %dma_start3A_213 = arith.constant 21 : i32
    %dma_start3A_214 = arith.constant 0 : i32
    %dma_start3A_215 = tpu.memref_slice %arg6[%dma_start3A_213, %dma_start3A_214] : memref<32x128xf32, #tpu.memory_space<vmem>> -> memref<1x128xf32, #tpu.memory_space<vmem>>
    %dma_start3A_216 = tpu.memref_squeeze %dma_start3A_215 : memref<1x128xf32, #tpu.memory_space<vmem>> -> memref<128xf32, #tpu.memory_space<vmem>>
    %dma_start3A_217 = arith.constant 0 : i32
    %dma_start3A_218 = tpu.memref_slice %arg5[%dma_start3A_212, %dma_start3A_217] : memref<32x128xi32, #tpu.memory_space<vmem>> -> memref<1x128xi32, #tpu.memory_space<vmem>>
    %dma_start3A_219 = tpu.memref_squeeze %dma_start3A_218 : memref<1x128xi32, #tpu.memory_space<vmem>> -> memref<128xi32, #tpu.memory_space<vmem>>
    %dma_start3A_220 = arith.constant 0 : i32
    %dma_start3A_221 = tpu.memref_slice %arg2[%dma_start3A_220] : memref<33554432xf32, #tpu.memory_space<hbm>> -> memref<33554432xf32, #tpu.memory_space<hbm>>
    tpu.enqueue_indirect_dma source(%dma_start3A_221 : memref<33554432xf32, #tpu.memory_space<hbm>>) target(%dma_start3A_216 : memref<128xf32, #tpu.memory_space<vmem>>) offsets(%dma_start3A_219 : memref<128xi32, #tpu.memory_space<vmem>>) semaphore(%arg7 : memref<!tpu.dma_semaphore, #tpu.memory_space<semaphore_mem>>)
    %dma_start3A_222 = arith.constant 22 : i32
    %dma_start3A_223 = arith.constant 22 : i32
    %dma_start3A_224 = arith.constant 0 : i32
    %dma_start3A_225 = tpu.memref_slice %arg6[%dma_start3A_223, %dma_start3A_224] : memref<32x128xf32, #tpu.memory_space<vmem>> -> memref<1x128xf32, #tpu.memory_space<vmem>>
    %dma_start3A_226 = tpu.memref_squeeze %dma_start3A_225 : memref<1x128xf32, #tpu.memory_space<vmem>> -> memref<128xf32, #tpu.memory_space<vmem>>
    %dma_start3A_227 = arith.constant 0 : i32
    %dma_start3A_228 = tpu.memref_slice %arg5[%dma_start3A_222, %dma_start3A_227] : memref<32x128xi32, #tpu.memory_space<vmem>> -> memref<1x128xi32, #tpu.memory_space<vmem>>
    %dma_start3A_229 = tpu.memref_squeeze %dma_start3A_228 : memref<1x128xi32, #tpu.memory_space<vmem>> -> memref<128xi32, #tpu.memory_space<vmem>>
    %dma_start3A_230 = arith.constant 0 : i32
    %dma_start3A_231 = tpu.memref_slice %arg2[%dma_start3A_230] : memref<33554432xf32, #tpu.memory_space<hbm>> -> memref<33554432xf32, #tpu.memory_space<hbm>>
    tpu.enqueue_indirect_dma source(%dma_start3A_231 : memref<33554432xf32, #tpu.memory_space<hbm>>) target(%dma_start3A_226 : memref<128xf32, #tpu.memory_space<vmem>>) offsets(%dma_start3A_229 : memref<128xi32, #tpu.memory_space<vmem>>) semaphore(%arg7 : memref<!tpu.dma_semaphore, #tpu.memory_space<semaphore_mem>>)
    %dma_start3A_232 = arith.constant 23 : i32
    %dma_start3A_233 = arith.constant 23 : i32
    %dma_start3A_234 = arith.constant 0 : i32
    %dma_start3A_235 = tpu.memref_slice %arg6[%dma_start3A_233, %dma_start3A_234] : memref<32x128xf32, #tpu.memory_space<vmem>> -> memref<1x128xf32, #tpu.memory_space<vmem>>
    %dma_start3A_236 = tpu.memref_squeeze %dma_start3A_235 : memref<1x128xf32, #tpu.memory_space<vmem>> -> memref<128xf32, #tpu.memory_space<vmem>>
    %dma_start3A_237 = arith.constant 0 : i32
    %dma_start3A_238 = tpu.memref_slice %arg5[%dma_start3A_232, %dma_start3A_237] : memref<32x128xi32, #tpu.memory_space<vmem>> -> memref<1x128xi32, #tpu.memory_space<vmem>>
    %dma_start3A_239 = tpu.memref_squeeze %dma_start3A_238 : memref<1x128xi32, #tpu.memory_space<vmem>> -> memref<128xi32, #tpu.memory_space<vmem>>
    %dma_start3A_240 = arith.constant 0 : i32
    %dma_start3A_241 = tpu.memref_slice %arg2[%dma_start3A_240] : memref<33554432xf32, #tpu.memory_space<hbm>> -> memref<33554432xf32, #tpu.memory_space<hbm>>
    tpu.enqueue_indirect_dma source(%dma_start3A_241 : memref<33554432xf32, #tpu.memory_space<hbm>>) target(%dma_start3A_236 : memref<128xf32, #tpu.memory_space<vmem>>) offsets(%dma_start3A_239 : memref<128xi32, #tpu.memory_space<vmem>>) semaphore(%arg7 : memref<!tpu.dma_semaphore, #tpu.memory_space<semaphore_mem>>)
    %dma_start3A_242 = arith.constant 24 : i32
    %dma_start3A_243 = arith.constant 24 : i32
    %dma_start3A_244 = arith.constant 0 : i32
    %dma_start3A_245 = tpu.memref_slice %arg6[%dma_start3A_243, %dma_start3A_244] : memref<32x128xf32, #tpu.memory_space<vmem>> -> memref<1x128xf32, #tpu.memory_space<vmem>>
    %dma_start3A_246 = tpu.memref_squeeze %dma_start3A_245 : memref<1x128xf32, #tpu.memory_space<vmem>> -> memref<128xf32, #tpu.memory_space<vmem>>
    %dma_start3A_247 = arith.constant 0 : i32
    %dma_start3A_248 = tpu.memref_slice %arg5[%dma_start3A_242, %dma_start3A_247] : memref<32x128xi32, #tpu.memory_space<vmem>> -> memref<1x128xi32, #tpu.memory_space<vmem>>
    %dma_start3A_249 = tpu.memref_squeeze %dma_start3A_248 : memref<1x128xi32, #tpu.memory_space<vmem>> -> memref<128xi32, #tpu.memory_space<vmem>>
    %dma_start3A_250 = arith.constant 0 : i32
    %dma_start3A_251 = tpu.memref_slice %arg2[%dma_start3A_250] : memref<33554432xf32, #tpu.memory_space<hbm>> -> memref<33554432xf32, #tpu.memory_space<hbm>>
    tpu.enqueue_indirect_dma source(%dma_start3A_251 : memref<33554432xf32, #tpu.memory_space<hbm>>) target(%dma_start3A_246 : memref<128xf32, #tpu.memory_space<vmem>>) offsets(%dma_start3A_249 : memref<128xi32, #tpu.memory_space<vmem>>) semaphore(%arg7 : memref<!tpu.dma_semaphore, #tpu.memory_space<semaphore_mem>>)
    %dma_start3A_252 = arith.constant 25 : i32
    %dma_start3A_253 = arith.constant 25 : i32
    %dma_start3A_254 = arith.constant 0 : i32
    %dma_start3A_255 = tpu.memref_slice %arg6[%dma_start3A_253, %dma_start3A_254] : memref<32x128xf32, #tpu.memory_space<vmem>> -> memref<1x128xf32, #tpu.memory_space<vmem>>
    %dma_start3A_256 = tpu.memref_squeeze %dma_start3A_255 : memref<1x128xf32, #tpu.memory_space<vmem>> -> memref<128xf32, #tpu.memory_space<vmem>>
    %dma_start3A_257 = arith.constant 0 : i32
    %dma_start3A_258 = tpu.memref_slice %arg5[%dma_start3A_252, %dma_start3A_257] : memref<32x128xi32, #tpu.memory_space<vmem>> -> memref<1x128xi32, #tpu.memory_space<vmem>>
    %dma_start3A_259 = tpu.memref_squeeze %dma_start3A_258 : memref<1x128xi32, #tpu.memory_space<vmem>> -> memref<128xi32, #tpu.memory_space<vmem>>
    %dma_start3A_260 = arith.constant 0 : i32
    %dma_start3A_261 = tpu.memref_slice %arg2[%dma_start3A_260] : memref<33554432xf32, #tpu.memory_space<hbm>> -> memref<33554432xf32, #tpu.memory_space<hbm>>
    tpu.enqueue_indirect_dma source(%dma_start3A_261 : memref<33554432xf32, #tpu.memory_space<hbm>>) target(%dma_start3A_256 : memref<128xf32, #tpu.memory_space<vmem>>) offsets(%dma_start3A_259 : memref<128xi32, #tpu.memory_space<vmem>>) semaphore(%arg7 : memref<!tpu.dma_semaphore, #tpu.memory_space<semaphore_mem>>)
    %dma_start3A_262 = arith.constant 26 : i32
    %dma_start3A_263 = arith.constant 26 : i32
    %dma_start3A_264 = arith.constant 0 : i32
    %dma_start3A_265 = tpu.memref_slice %arg6[%dma_start3A_263, %dma_start3A_264] : memref<32x128xf32, #tpu.memory_space<vmem>> -> memref<1x128xf32, #tpu.memory_space<vmem>>
    %dma_start3A_266 = tpu.memref_squeeze %dma_start3A_265 : memref<1x128xf32, #tpu.memory_space<vmem>> -> memref<128xf32, #tpu.memory_space<vmem>>
    %dma_start3A_267 = arith.constant 0 : i32
    %dma_start3A_268 = tpu.memref_slice %arg5[%dma_start3A_262, %dma_start3A_267] : memref<32x128xi32, #tpu.memory_space<vmem>> -> memref<1x128xi32, #tpu.memory_space<vmem>>
    %dma_start3A_269 = tpu.memref_squeeze %dma_start3A_268 : memref<1x128xi32, #tpu.memory_space<vmem>> -> memref<128xi32, #tpu.memory_space<vmem>>
    %dma_start3A_270 = arith.constant 0 : i32
    %dma_start3A_271 = tpu.memref_slice %arg2[%dma_start3A_270] : memref<33554432xf32, #tpu.memory_space<hbm>> -> memref<33554432xf32, #tpu.memory_space<hbm>>
    tpu.enqueue_indirect_dma source(%dma_start3A_271 : memref<33554432xf32, #tpu.memory_space<hbm>>) target(%dma_start3A_266 : memref<128xf32, #tpu.memory_space<vmem>>) offsets(%dma_start3A_269 : memref<128xi32, #tpu.memory_space<vmem>>) semaphore(%arg7 : memref<!tpu.dma_semaphore, #tpu.memory_space<semaphore_mem>>)
    %dma_start3A_272 = arith.constant 27 : i32
    %dma_start3A_273 = arith.constant 27 : i32
    %dma_start3A_274 = arith.constant 0 : i32
    %dma_start3A_275 = tpu.memref_slice %arg6[%dma_start3A_273, %dma_start3A_274] : memref<32x128xf32, #tpu.memory_space<vmem>> -> memref<1x128xf32, #tpu.memory_space<vmem>>
    %dma_start3A_276 = tpu.memref_squeeze %dma_start3A_275 : memref<1x128xf32, #tpu.memory_space<vmem>> -> memref<128xf32, #tpu.memory_space<vmem>>
    %dma_start3A_277 = arith.constant 0 : i32
    %dma_start3A_278 = tpu.memref_slice %arg5[%dma_start3A_272, %dma_start3A_277] : memref<32x128xi32, #tpu.memory_space<vmem>> -> memref<1x128xi32, #tpu.memory_space<vmem>>
    %dma_start3A_279 = tpu.memref_squeeze %dma_start3A_278 : memref<1x128xi32, #tpu.memory_space<vmem>> -> memref<128xi32, #tpu.memory_space<vmem>>
    %dma_start3A_280 = arith.constant 0 : i32
    %dma_start3A_281 = tpu.memref_slice %arg2[%dma_start3A_280] : memref<33554432xf32, #tpu.memory_space<hbm>> -> memref<33554432xf32, #tpu.memory_space<hbm>>
    tpu.enqueue_indirect_dma source(%dma_start3A_281 : memref<33554432xf32, #tpu.memory_space<hbm>>) target(%dma_start3A_276 : memref<128xf32, #tpu.memory_space<vmem>>) offsets(%dma_start3A_279 : memref<128xi32, #tpu.memory_space<vmem>>) semaphore(%arg7 : memref<!tpu.dma_semaphore, #tpu.memory_space<semaphore_mem>>)
    %dma_start3A_282 = arith.constant 28 : i32
    %dma_start3A_283 = arith.constant 28 : i32
    %dma_start3A_284 = arith.constant 0 : i32
    %dma_start3A_285 = tpu.memref_slice %arg6[%dma_start3A_283, %dma_start3A_284] : memref<32x128xf32, #tpu.memory_space<vmem>> -> memref<1x128xf32, #tpu.memory_space<vmem>>
    %dma_start3A_286 = tpu.memref_squeeze %dma_start3A_285 : memref<1x128xf32, #tpu.memory_space<vmem>> -> memref<128xf32, #tpu.memory_space<vmem>>
    %dma_start3A_287 = arith.constant 0 : i32
    %dma_start3A_288 = tpu.memref_slice %arg5[%dma_start3A_282, %dma_start3A_287] : memref<32x128xi32, #tpu.memory_space<vmem>> -> memref<1x128xi32, #tpu.memory_space<vmem>>
    %dma_start3A_289 = tpu.memref_squeeze %dma_start3A_288 : memref<1x128xi32, #tpu.memory_space<vmem>> -> memref<128xi32, #tpu.memory_space<vmem>>
    %dma_start3A_290 = arith.constant 0 : i32
    %dma_start3A_291 = tpu.memref_slice %arg2[%dma_start3A_290] : memref<33554432xf32, #tpu.memory_space<hbm>> -> memref<33554432xf32, #tpu.memory_space<hbm>>
    tpu.enqueue_indirect_dma source(%dma_start3A_291 : memref<33554432xf32, #tpu.memory_space<hbm>>) target(%dma_start3A_286 : memref<128xf32, #tpu.memory_space<vmem>>) offsets(%dma_start3A_289 : memref<128xi32, #tpu.memory_space<vmem>>) semaphore(%arg7 : memref<!tpu.dma_semaphore, #tpu.memory_space<semaphore_mem>>)
    %dma_start3A_292 = arith.constant 29 : i32
    %dma_start3A_293 = arith.constant 29 : i32
    %dma_start3A_294 = arith.constant 0 : i32
    %dma_start3A_295 = tpu.memref_slice %arg6[%dma_start3A_293, %dma_start3A_294] : memref<32x128xf32, #tpu.memory_space<vmem>> -> memref<1x128xf32, #tpu.memory_space<vmem>>
    %dma_start3A_296 = tpu.memref_squeeze %dma_start3A_295 : memref<1x128xf32, #tpu.memory_space<vmem>> -> memref<128xf32, #tpu.memory_space<vmem>>
    %dma_start3A_297 = arith.constant 0 : i32
    %dma_start3A_298 = tpu.memref_slice %arg5[%dma_start3A_292, %dma_start3A_297] : memref<32x128xi32, #tpu.memory_space<vmem>> -> memref<1x128xi32, #tpu.memory_space<vmem>>
    %dma_start3A_299 = tpu.memref_squeeze %dma_start3A_298 : memref<1x128xi32, #tpu.memory_space<vmem>> -> memref<128xi32, #tpu.memory_space<vmem>>
    %dma_start3A_300 = arith.constant 0 : i32
    %dma_start3A_301 = tpu.memref_slice %arg2[%dma_start3A_300] : memref<33554432xf32, #tpu.memory_space<hbm>> -> memref<33554432xf32, #tpu.memory_space<hbm>>
    tpu.enqueue_indirect_dma source(%dma_start3A_301 : memref<33554432xf32, #tpu.memory_space<hbm>>) target(%dma_start3A_296 : memref<128xf32, #tpu.memory_space<vmem>>) offsets(%dma_start3A_299 : memref<128xi32, #tpu.memory_space<vmem>>) semaphore(%arg7 : memref<!tpu.dma_semaphore, #tpu.memory_space<semaphore_mem>>)
    %dma_start3A_302 = arith.constant 30 : i32
    %dma_start3A_303 = arith.constant 30 : i32
    %dma_start3A_304 = arith.constant 0 : i32
    %dma_start3A_305 = tpu.memref_slice %arg6[%dma_start3A_303, %dma_start3A_304] : memref<32x128xf32, #tpu.memory_space<vmem>> -> memref<1x128xf32, #tpu.memory_space<vmem>>
    %dma_start3A_306 = tpu.memref_squeeze %dma_start3A_305 : memref<1x128xf32, #tpu.memory_space<vmem>> -> memref<128xf32, #tpu.memory_space<vmem>>
    %dma_start3A_307 = arith.constant 0 : i32
    %dma_start3A_308 = tpu.memref_slice %arg5[%dma_start3A_302, %dma_start3A_307] : memref<32x128xi32, #tpu.memory_space<vmem>> -> memref<1x128xi32, #tpu.memory_space<vmem>>
    %dma_start3A_309 = tpu.memref_squeeze %dma_start3A_308 : memref<1x128xi32, #tpu.memory_space<vmem>> -> memref<128xi32, #tpu.memory_space<vmem>>
    %dma_start3A_310 = arith.constant 0 : i32
    %dma_start3A_311 = tpu.memref_slice %arg2[%dma_start3A_310] : memref<33554432xf32, #tpu.memory_space<hbm>> -> memref<33554432xf32, #tpu.memory_space<hbm>>
    tpu.enqueue_indirect_dma source(%dma_start3A_311 : memref<33554432xf32, #tpu.memory_space<hbm>>) target(%dma_start3A_306 : memref<128xf32, #tpu.memory_space<vmem>>) offsets(%dma_start3A_309 : memref<128xi32, #tpu.memory_space<vmem>>) semaphore(%arg7 : memref<!tpu.dma_semaphore, #tpu.memory_space<semaphore_mem>>)
    %dma_start3A_312 = arith.constant 31 : i32
    %dma_start3A_313 = arith.constant 31 : i32
    %dma_start3A_314 = arith.constant 0 : i32
    %dma_start3A_315 = tpu.memref_slice %arg6[%dma_start3A_313, %dma_start3A_314] : memref<32x128xf32, #tpu.memory_space<vmem>> -> memref<1x128xf32, #tpu.memory_space<vmem>>
    %dma_start3A_316 = tpu.memref_squeeze %dma_start3A_315 : memref<1x128xf32, #tpu.memory_space<vmem>> -> memref<128xf32, #tpu.memory_space<vmem>>
    %dma_start3A_317 = arith.constant 0 : i32
    %dma_start3A_318 = tpu.memref_slice %arg5[%dma_start3A_312, %dma_start3A_317] : memref<32x128xi32, #tpu.memory_space<vmem>> -> memref<1x128xi32, #tpu.memory_space<vmem>>
    %dma_start3A_319 = tpu.memref_squeeze %dma_start3A_318 : memref<1x128xi32, #tpu.memory_space<vmem>> -> memref<128xi32, #tpu.memory_space<vmem>>
    %dma_start3A_320 = arith.constant 0 : i32
    %dma_start3A_321 = tpu.memref_slice %arg2[%dma_start3A_320] : memref<33554432xf32, #tpu.memory_space<hbm>> -> memref<33554432xf32, #tpu.memory_space<hbm>>
    tpu.enqueue_indirect_dma source(%dma_start3A_321 : memref<33554432xf32, #tpu.memory_space<hbm>>) target(%dma_start3A_316 : memref<128xf32, #tpu.memory_space<vmem>>) offsets(%dma_start3A_319 : memref<128xi32, #tpu.memory_space<vmem>>) semaphore(%arg7 : memref<!tpu.dma_semaphore, #tpu.memory_space<semaphore_mem>>)
    %dma_wait3A = arith.constant 0 : i32
    %dma_wait3A_322 = arith.constant 0 : i32
    %dma_wait3A_323 = arith.constant 0 : i32
    %dma_wait3A_324 = tpu.memref_slice %arg6[%dma_wait3A_322, %dma_wait3A_323] : memref<32x128xf32, #tpu.memory_space<vmem>> -> memref<1x128xf32, #tpu.memory_space<vmem>>
    %dma_wait3A_325 = tpu.memref_squeeze %dma_wait3A_324 : memref<1x128xf32, #tpu.memory_space<vmem>> -> memref<128xf32, #tpu.memory_space<vmem>>
    %dma_wait3A_326 = arith.constant 0 : i32
    %dma_wait3A_327 = tpu.memref_slice %arg5[%dma_wait3A, %dma_wait3A_326] : memref<32x128xi32, #tpu.memory_space<vmem>> -> memref<1x128xi32, #tpu.memory_space<vmem>>
    %dma_wait3A_328 = tpu.memref_squeeze %dma_wait3A_327 : memref<1x128xi32, #tpu.memory_space<vmem>> -> memref<128xi32, #tpu.memory_space<vmem>>
    %dma_wait3A_329 = arith.constant 0 : i32
    %dma_wait3A_330 = tpu.memref_slice %arg2[%dma_wait3A_329] : memref<33554432xf32, #tpu.memory_space<hbm>> -> memref<33554432xf32, #tpu.memory_space<hbm>>
    tpu.wait_indirect_dma semaphore(%arg7 : memref<!tpu.dma_semaphore, #tpu.memory_space<semaphore_mem>>) src(%dma_wait3A_330 : memref<33554432xf32, #tpu.memory_space<hbm>>) dst(%dma_wait3A_325 : memref<128xf32, #tpu.memory_space<vmem>>)
    %dma_wait3A_331 = arith.constant 1 : i32
    %dma_wait3A_332 = arith.constant 1 : i32
    %dma_wait3A_333 = arith.constant 0 : i32
    %dma_wait3A_334 = tpu.memref_slice %arg6[%dma_wait3A_332, %dma_wait3A_333] : memref<32x128xf32, #tpu.memory_space<vmem>> -> memref<1x128xf32, #tpu.memory_space<vmem>>
    %dma_wait3A_335 = tpu.memref_squeeze %dma_wait3A_334 : memref<1x128xf32, #tpu.memory_space<vmem>> -> memref<128xf32, #tpu.memory_space<vmem>>
    %dma_wait3A_336 = arith.constant 0 : i32
    %dma_wait3A_337 = tpu.memref_slice %arg5[%dma_wait3A_331, %dma_wait3A_336] : memref<32x128xi32, #tpu.memory_space<vmem>> -> memref<1x128xi32, #tpu.memory_space<vmem>>
    %dma_wait3A_338 = tpu.memref_squeeze %dma_wait3A_337 : memref<1x128xi32, #tpu.memory_space<vmem>> -> memref<128xi32, #tpu.memory_space<vmem>>
    %dma_wait3A_339 = arith.constant 0 : i32
    %dma_wait3A_340 = tpu.memref_slice %arg2[%dma_wait3A_339] : memref<33554432xf32, #tpu.memory_space<hbm>> -> memref<33554432xf32, #tpu.memory_space<hbm>>
    tpu.wait_indirect_dma semaphore(%arg7 : memref<!tpu.dma_semaphore, #tpu.memory_space<semaphore_mem>>) src(%dma_wait3A_340 : memref<33554432xf32, #tpu.memory_space<hbm>>) dst(%dma_wait3A_335 : memref<128xf32, #tpu.memory_space<vmem>>)
    %dma_wait3A_341 = arith.constant 2 : i32
    %dma_wait3A_342 = arith.constant 2 : i32
    %dma_wait3A_343 = arith.constant 0 : i32
    %dma_wait3A_344 = tpu.memref_slice %arg6[%dma_wait3A_342, %dma_wait3A_343] : memref<32x128xf32, #tpu.memory_space<vmem>> -> memref<1x128xf32, #tpu.memory_space<vmem>>
    %dma_wait3A_345 = tpu.memref_squeeze %dma_wait3A_344 : memref<1x128xf32, #tpu.memory_space<vmem>> -> memref<128xf32, #tpu.memory_space<vmem>>
    %dma_wait3A_346 = arith.constant 0 : i32
    %dma_wait3A_347 = tpu.memref_slice %arg5[%dma_wait3A_341, %dma_wait3A_346] : memref<32x128xi32, #tpu.memory_space<vmem>> -> memref<1x128xi32, #tpu.memory_space<vmem>>
    %dma_wait3A_348 = tpu.memref_squeeze %dma_wait3A_347 : memref<1x128xi32, #tpu.memory_space<vmem>> -> memref<128xi32, #tpu.memory_space<vmem>>
    %dma_wait3A_349 = arith.constant 0 : i32
    %dma_wait3A_350 = tpu.memref_slice %arg2[%dma_wait3A_349] : memref<33554432xf32, #tpu.memory_space<hbm>> -> memref<33554432xf32, #tpu.memory_space<hbm>>
    tpu.wait_indirect_dma semaphore(%arg7 : memref<!tpu.dma_semaphore, #tpu.memory_space<semaphore_mem>>) src(%dma_wait3A_350 : memref<33554432xf32, #tpu.memory_space<hbm>>) dst(%dma_wait3A_345 : memref<128xf32, #tpu.memory_space<vmem>>)
    %dma_wait3A_351 = arith.constant 3 : i32
    %dma_wait3A_352 = arith.constant 3 : i32
    %dma_wait3A_353 = arith.constant 0 : i32
    %dma_wait3A_354 = tpu.memref_slice %arg6[%dma_wait3A_352, %dma_wait3A_353] : memref<32x128xf32, #tpu.memory_space<vmem>> -> memref<1x128xf32, #tpu.memory_space<vmem>>
    %dma_wait3A_355 = tpu.memref_squeeze %dma_wait3A_354 : memref<1x128xf32, #tpu.memory_space<vmem>> -> memref<128xf32, #tpu.memory_space<vmem>>
    %dma_wait3A_356 = arith.constant 0 : i32
    %dma_wait3A_357 = tpu.memref_slice %arg5[%dma_wait3A_351, %dma_wait3A_356] : memref<32x128xi32, #tpu.memory_space<vmem>> -> memref<1x128xi32, #tpu.memory_space<vmem>>
    %dma_wait3A_358 = tpu.memref_squeeze %dma_wait3A_357 : memref<1x128xi32, #tpu.memory_space<vmem>> -> memref<128xi32, #tpu.memory_space<vmem>>
    %dma_wait3A_359 = arith.constant 0 : i32
    %dma_wait3A_360 = tpu.memref_slice %arg2[%dma_wait3A_359] : memref<33554432xf32, #tpu.memory_space<hbm>> -> memref<33554432xf32, #tpu.memory_space<hbm>>
    tpu.wait_indirect_dma semaphore(%arg7 : memref<!tpu.dma_semaphore, #tpu.memory_space<semaphore_mem>>) src(%dma_wait3A_360 : memref<33554432xf32, #tpu.memory_space<hbm>>) dst(%dma_wait3A_355 : memref<128xf32, #tpu.memory_space<vmem>>)
    %dma_wait3A_361 = arith.constant 4 : i32
    %dma_wait3A_362 = arith.constant 4 : i32
    %dma_wait3A_363 = arith.constant 0 : i32
    %dma_wait3A_364 = tpu.memref_slice %arg6[%dma_wait3A_362, %dma_wait3A_363] : memref<32x128xf32, #tpu.memory_space<vmem>> -> memref<1x128xf32, #tpu.memory_space<vmem>>
    %dma_wait3A_365 = tpu.memref_squeeze %dma_wait3A_364 : memref<1x128xf32, #tpu.memory_space<vmem>> -> memref<128xf32, #tpu.memory_space<vmem>>
    %dma_wait3A_366 = arith.constant 0 : i32
    %dma_wait3A_367 = tpu.memref_slice %arg5[%dma_wait3A_361, %dma_wait3A_366] : memref<32x128xi32, #tpu.memory_space<vmem>> -> memref<1x128xi32, #tpu.memory_space<vmem>>
    %dma_wait3A_368 = tpu.memref_squeeze %dma_wait3A_367 : memref<1x128xi32, #tpu.memory_space<vmem>> -> memref<128xi32, #tpu.memory_space<vmem>>
    %dma_wait3A_369 = arith.constant 0 : i32
    %dma_wait3A_370 = tpu.memref_slice %arg2[%dma_wait3A_369] : memref<33554432xf32, #tpu.memory_space<hbm>> -> memref<33554432xf32, #tpu.memory_space<hbm>>
    tpu.wait_indirect_dma semaphore(%arg7 : memref<!tpu.dma_semaphore, #tpu.memory_space<semaphore_mem>>) src(%dma_wait3A_370 : memref<33554432xf32, #tpu.memory_space<hbm>>) dst(%dma_wait3A_365 : memref<128xf32, #tpu.memory_space<vmem>>)
    %dma_wait3A_371 = arith.constant 5 : i32
    %dma_wait3A_372 = arith.constant 5 : i32
    %dma_wait3A_373 = arith.constant 0 : i32
    %dma_wait3A_374 = tpu.memref_slice %arg6[%dma_wait3A_372, %dma_wait3A_373] : memref<32x128xf32, #tpu.memory_space<vmem>> -> memref<1x128xf32, #tpu.memory_space<vmem>>
    %dma_wait3A_375 = tpu.memref_squeeze %dma_wait3A_374 : memref<1x128xf32, #tpu.memory_space<vmem>> -> memref<128xf32, #tpu.memory_space<vmem>>
    %dma_wait3A_376 = arith.constant 0 : i32
    %dma_wait3A_377 = tpu.memref_slice %arg5[%dma_wait3A_371, %dma_wait3A_376] : memref<32x128xi32, #tpu.memory_space<vmem>> -> memref<1x128xi32, #tpu.memory_space<vmem>>
    %dma_wait3A_378 = tpu.memref_squeeze %dma_wait3A_377 : memref<1x128xi32, #tpu.memory_space<vmem>> -> memref<128xi32, #tpu.memory_space<vmem>>
    %dma_wait3A_379 = arith.constant 0 : i32
    %dma_wait3A_380 = tpu.memref_slice %arg2[%dma_wait3A_379] : memref<33554432xf32, #tpu.memory_space<hbm>> -> memref<33554432xf32, #tpu.memory_space<hbm>>
    tpu.wait_indirect_dma semaphore(%arg7 : memref<!tpu.dma_semaphore, #tpu.memory_space<semaphore_mem>>) src(%dma_wait3A_380 : memref<33554432xf32, #tpu.memory_space<hbm>>) dst(%dma_wait3A_375 : memref<128xf32, #tpu.memory_space<vmem>>)
    %dma_wait3A_381 = arith.constant 6 : i32
    %dma_wait3A_382 = arith.constant 6 : i32
    %dma_wait3A_383 = arith.constant 0 : i32
    %dma_wait3A_384 = tpu.memref_slice %arg6[%dma_wait3A_382, %dma_wait3A_383] : memref<32x128xf32, #tpu.memory_space<vmem>> -> memref<1x128xf32, #tpu.memory_space<vmem>>
    %dma_wait3A_385 = tpu.memref_squeeze %dma_wait3A_384 : memref<1x128xf32, #tpu.memory_space<vmem>> -> memref<128xf32, #tpu.memory_space<vmem>>
    %dma_wait3A_386 = arith.constant 0 : i32
    %dma_wait3A_387 = tpu.memref_slice %arg5[%dma_wait3A_381, %dma_wait3A_386] : memref<32x128xi32, #tpu.memory_space<vmem>> -> memref<1x128xi32, #tpu.memory_space<vmem>>
    %dma_wait3A_388 = tpu.memref_squeeze %dma_wait3A_387 : memref<1x128xi32, #tpu.memory_space<vmem>> -> memref<128xi32, #tpu.memory_space<vmem>>
    %dma_wait3A_389 = arith.constant 0 : i32
    %dma_wait3A_390 = tpu.memref_slice %arg2[%dma_wait3A_389] : memref<33554432xf32, #tpu.memory_space<hbm>> -> memref<33554432xf32, #tpu.memory_space<hbm>>
    tpu.wait_indirect_dma semaphore(%arg7 : memref<!tpu.dma_semaphore, #tpu.memory_space<semaphore_mem>>) src(%dma_wait3A_390 : memref<33554432xf32, #tpu.memory_space<hbm>>) dst(%dma_wait3A_385 : memref<128xf32, #tpu.memory_space<vmem>>)
    %dma_wait3A_391 = arith.constant 7 : i32
    %dma_wait3A_392 = arith.constant 7 : i32
    %dma_wait3A_393 = arith.constant 0 : i32
    %dma_wait3A_394 = tpu.memref_slice %arg6[%dma_wait3A_392, %dma_wait3A_393] : memref<32x128xf32, #tpu.memory_space<vmem>> -> memref<1x128xf32, #tpu.memory_space<vmem>>
    %dma_wait3A_395 = tpu.memref_squeeze %dma_wait3A_394 : memref<1x128xf32, #tpu.memory_space<vmem>> -> memref<128xf32, #tpu.memory_space<vmem>>
    %dma_wait3A_396 = arith.constant 0 : i32
    %dma_wait3A_397 = tpu.memref_slice %arg5[%dma_wait3A_391, %dma_wait3A_396] : memref<32x128xi32, #tpu.memory_space<vmem>> -> memref<1x128xi32, #tpu.memory_space<vmem>>
    %dma_wait3A_398 = tpu.memref_squeeze %dma_wait3A_397 : memref<1x128xi32, #tpu.memory_space<vmem>> -> memref<128xi32, #tpu.memory_space<vmem>>
    %dma_wait3A_399 = arith.constant 0 : i32
    %dma_wait3A_400 = tpu.memref_slice %arg2[%dma_wait3A_399] : memref<33554432xf32, #tpu.memory_space<hbm>> -> memref<33554432xf32, #tpu.memory_space<hbm>>
    tpu.wait_indirect_dma semaphore(%arg7 : memref<!tpu.dma_semaphore, #tpu.memory_space<semaphore_mem>>) src(%dma_wait3A_400 : memref<33554432xf32, #tpu.memory_space<hbm>>) dst(%dma_wait3A_395 : memref<128xf32, #tpu.memory_space<vmem>>)
    %dma_wait3A_401 = arith.constant 8 : i32
    %dma_wait3A_402 = arith.constant 8 : i32
    %dma_wait3A_403 = arith.constant 0 : i32
    %dma_wait3A_404 = tpu.memref_slice %arg6[%dma_wait3A_402, %dma_wait3A_403] : memref<32x128xf32, #tpu.memory_space<vmem>> -> memref<1x128xf32, #tpu.memory_space<vmem>>
    %dma_wait3A_405 = tpu.memref_squeeze %dma_wait3A_404 : memref<1x128xf32, #tpu.memory_space<vmem>> -> memref<128xf32, #tpu.memory_space<vmem>>
    %dma_wait3A_406 = arith.constant 0 : i32
    %dma_wait3A_407 = tpu.memref_slice %arg5[%dma_wait3A_401, %dma_wait3A_406] : memref<32x128xi32, #tpu.memory_space<vmem>> -> memref<1x128xi32, #tpu.memory_space<vmem>>
    %dma_wait3A_408 = tpu.memref_squeeze %dma_wait3A_407 : memref<1x128xi32, #tpu.memory_space<vmem>> -> memref<128xi32, #tpu.memory_space<vmem>>
    %dma_wait3A_409 = arith.constant 0 : i32
    %dma_wait3A_410 = tpu.memref_slice %arg2[%dma_wait3A_409] : memref<33554432xf32, #tpu.memory_space<hbm>> -> memref<33554432xf32, #tpu.memory_space<hbm>>
    tpu.wait_indirect_dma semaphore(%arg7 : memref<!tpu.dma_semaphore, #tpu.memory_space<semaphore_mem>>) src(%dma_wait3A_410 : memref<33554432xf32, #tpu.memory_space<hbm>>) dst(%dma_wait3A_405 : memref<128xf32, #tpu.memory_space<vmem>>)
    %dma_wait3A_411 = arith.constant 9 : i32
    %dma_wait3A_412 = arith.constant 9 : i32
    %dma_wait3A_413 = arith.constant 0 : i32
    %dma_wait3A_414 = tpu.memref_slice %arg6[%dma_wait3A_412, %dma_wait3A_413] : memref<32x128xf32, #tpu.memory_space<vmem>> -> memref<1x128xf32, #tpu.memory_space<vmem>>
    %dma_wait3A_415 = tpu.memref_squeeze %dma_wait3A_414 : memref<1x128xf32, #tpu.memory_space<vmem>> -> memref<128xf32, #tpu.memory_space<vmem>>
    %dma_wait3A_416 = arith.constant 0 : i32
    %dma_wait3A_417 = tpu.memref_slice %arg5[%dma_wait3A_411, %dma_wait3A_416] : memref<32x128xi32, #tpu.memory_space<vmem>> -> memref<1x128xi32, #tpu.memory_space<vmem>>
    %dma_wait3A_418 = tpu.memref_squeeze %dma_wait3A_417 : memref<1x128xi32, #tpu.memory_space<vmem>> -> memref<128xi32, #tpu.memory_space<vmem>>
    %dma_wait3A_419 = arith.constant 0 : i32
    %dma_wait3A_420 = tpu.memref_slice %arg2[%dma_wait3A_419] : memref<33554432xf32, #tpu.memory_space<hbm>> -> memref<33554432xf32, #tpu.memory_space<hbm>>
    tpu.wait_indirect_dma semaphore(%arg7 : memref<!tpu.dma_semaphore, #tpu.memory_space<semaphore_mem>>) src(%dma_wait3A_420 : memref<33554432xf32, #tpu.memory_space<hbm>>) dst(%dma_wait3A_415 : memref<128xf32, #tpu.memory_space<vmem>>)
    %dma_wait3A_421 = arith.constant 10 : i32
    %dma_wait3A_422 = arith.constant 10 : i32
    %dma_wait3A_423 = arith.constant 0 : i32
    %dma_wait3A_424 = tpu.memref_slice %arg6[%dma_wait3A_422, %dma_wait3A_423] : memref<32x128xf32, #tpu.memory_space<vmem>> -> memref<1x128xf32, #tpu.memory_space<vmem>>
    %dma_wait3A_425 = tpu.memref_squeeze %dma_wait3A_424 : memref<1x128xf32, #tpu.memory_space<vmem>> -> memref<128xf32, #tpu.memory_space<vmem>>
    %dma_wait3A_426 = arith.constant 0 : i32
    %dma_wait3A_427 = tpu.memref_slice %arg5[%dma_wait3A_421, %dma_wait3A_426] : memref<32x128xi32, #tpu.memory_space<vmem>> -> memref<1x128xi32, #tpu.memory_space<vmem>>
    %dma_wait3A_428 = tpu.memref_squeeze %dma_wait3A_427 : memref<1x128xi32, #tpu.memory_space<vmem>> -> memref<128xi32, #tpu.memory_space<vmem>>
    %dma_wait3A_429 = arith.constant 0 : i32
    %dma_wait3A_430 = tpu.memref_slice %arg2[%dma_wait3A_429] : memref<33554432xf32, #tpu.memory_space<hbm>> -> memref<33554432xf32, #tpu.memory_space<hbm>>
    tpu.wait_indirect_dma semaphore(%arg7 : memref<!tpu.dma_semaphore, #tpu.memory_space<semaphore_mem>>) src(%dma_wait3A_430 : memref<33554432xf32, #tpu.memory_space<hbm>>) dst(%dma_wait3A_425 : memref<128xf32, #tpu.memory_space<vmem>>)
    %dma_wait3A_431 = arith.constant 11 : i32
    %dma_wait3A_432 = arith.constant 11 : i32
    %dma_wait3A_433 = arith.constant 0 : i32
    %dma_wait3A_434 = tpu.memref_slice %arg6[%dma_wait3A_432, %dma_wait3A_433] : memref<32x128xf32, #tpu.memory_space<vmem>> -> memref<1x128xf32, #tpu.memory_space<vmem>>
    %dma_wait3A_435 = tpu.memref_squeeze %dma_wait3A_434 : memref<1x128xf32, #tpu.memory_space<vmem>> -> memref<128xf32, #tpu.memory_space<vmem>>
    %dma_wait3A_436 = arith.constant 0 : i32
    %dma_wait3A_437 = tpu.memref_slice %arg5[%dma_wait3A_431, %dma_wait3A_436] : memref<32x128xi32, #tpu.memory_space<vmem>> -> memref<1x128xi32, #tpu.memory_space<vmem>>
    %dma_wait3A_438 = tpu.memref_squeeze %dma_wait3A_437 : memref<1x128xi32, #tpu.memory_space<vmem>> -> memref<128xi32, #tpu.memory_space<vmem>>
    %dma_wait3A_439 = arith.constant 0 : i32
    %dma_wait3A_440 = tpu.memref_slice %arg2[%dma_wait3A_439] : memref<33554432xf32, #tpu.memory_space<hbm>> -> memref<33554432xf32, #tpu.memory_space<hbm>>
    tpu.wait_indirect_dma semaphore(%arg7 : memref<!tpu.dma_semaphore, #tpu.memory_space<semaphore_mem>>) src(%dma_wait3A_440 : memref<33554432xf32, #tpu.memory_space<hbm>>) dst(%dma_wait3A_435 : memref<128xf32, #tpu.memory_space<vmem>>)
    %dma_wait3A_441 = arith.constant 12 : i32
    %dma_wait3A_442 = arith.constant 12 : i32
    %dma_wait3A_443 = arith.constant 0 : i32
    %dma_wait3A_444 = tpu.memref_slice %arg6[%dma_wait3A_442, %dma_wait3A_443] : memref<32x128xf32, #tpu.memory_space<vmem>> -> memref<1x128xf32, #tpu.memory_space<vmem>>
    %dma_wait3A_445 = tpu.memref_squeeze %dma_wait3A_444 : memref<1x128xf32, #tpu.memory_space<vmem>> -> memref<128xf32, #tpu.memory_space<vmem>>
    %dma_wait3A_446 = arith.constant 0 : i32
    %dma_wait3A_447 = tpu.memref_slice %arg5[%dma_wait3A_441, %dma_wait3A_446] : memref<32x128xi32, #tpu.memory_space<vmem>> -> memref<1x128xi32, #tpu.memory_space<vmem>>
    %dma_wait3A_448 = tpu.memref_squeeze %dma_wait3A_447 : memref<1x128xi32, #tpu.memory_space<vmem>> -> memref<128xi32, #tpu.memory_space<vmem>>
    %dma_wait3A_449 = arith.constant 0 : i32
    %dma_wait3A_450 = tpu.memref_slice %arg2[%dma_wait3A_449] : memref<33554432xf32, #tpu.memory_space<hbm>> -> memref<33554432xf32, #tpu.memory_space<hbm>>
    tpu.wait_indirect_dma semaphore(%arg7 : memref<!tpu.dma_semaphore, #tpu.memory_space<semaphore_mem>>) src(%dma_wait3A_450 : memref<33554432xf32, #tpu.memory_space<hbm>>) dst(%dma_wait3A_445 : memref<128xf32, #tpu.memory_space<vmem>>)
    %dma_wait3A_451 = arith.constant 13 : i32
    %dma_wait3A_452 = arith.constant 13 : i32
    %dma_wait3A_453 = arith.constant 0 : i32
    %dma_wait3A_454 = tpu.memref_slice %arg6[%dma_wait3A_452, %dma_wait3A_453] : memref<32x128xf32, #tpu.memory_space<vmem>> -> memref<1x128xf32, #tpu.memory_space<vmem>>
    %dma_wait3A_455 = tpu.memref_squeeze %dma_wait3A_454 : memref<1x128xf32, #tpu.memory_space<vmem>> -> memref<128xf32, #tpu.memory_space<vmem>>
    %dma_wait3A_456 = arith.constant 0 : i32
    %dma_wait3A_457 = tpu.memref_slice %arg5[%dma_wait3A_451, %dma_wait3A_456] : memref<32x128xi32, #tpu.memory_space<vmem>> -> memref<1x128xi32, #tpu.memory_space<vmem>>
    %dma_wait3A_458 = tpu.memref_squeeze %dma_wait3A_457 : memref<1x128xi32, #tpu.memory_space<vmem>> -> memref<128xi32, #tpu.memory_space<vmem>>
    %dma_wait3A_459 = arith.constant 0 : i32
    %dma_wait3A_460 = tpu.memref_slice %arg2[%dma_wait3A_459] : memref<33554432xf32, #tpu.memory_space<hbm>> -> memref<33554432xf32, #tpu.memory_space<hbm>>
    tpu.wait_indirect_dma semaphore(%arg7 : memref<!tpu.dma_semaphore, #tpu.memory_space<semaphore_mem>>) src(%dma_wait3A_460 : memref<33554432xf32, #tpu.memory_space<hbm>>) dst(%dma_wait3A_455 : memref<128xf32, #tpu.memory_space<vmem>>)
    %dma_wait3A_461 = arith.constant 14 : i32
    %dma_wait3A_462 = arith.constant 14 : i32
    %dma_wait3A_463 = arith.constant 0 : i32
    %dma_wait3A_464 = tpu.memref_slice %arg6[%dma_wait3A_462, %dma_wait3A_463] : memref<32x128xf32, #tpu.memory_space<vmem>> -> memref<1x128xf32, #tpu.memory_space<vmem>>
    %dma_wait3A_465 = tpu.memref_squeeze %dma_wait3A_464 : memref<1x128xf32, #tpu.memory_space<vmem>> -> memref<128xf32, #tpu.memory_space<vmem>>
    %dma_wait3A_466 = arith.constant 0 : i32
    %dma_wait3A_467 = tpu.memref_slice %arg5[%dma_wait3A_461, %dma_wait3A_466] : memref<32x128xi32, #tpu.memory_space<vmem>> -> memref<1x128xi32, #tpu.memory_space<vmem>>
    %dma_wait3A_468 = tpu.memref_squeeze %dma_wait3A_467 : memref<1x128xi32, #tpu.memory_space<vmem>> -> memref<128xi32, #tpu.memory_space<vmem>>
    %dma_wait3A_469 = arith.constant 0 : i32
    %dma_wait3A_470 = tpu.memref_slice %arg2[%dma_wait3A_469] : memref<33554432xf32, #tpu.memory_space<hbm>> -> memref<33554432xf32, #tpu.memory_space<hbm>>
    tpu.wait_indirect_dma semaphore(%arg7 : memref<!tpu.dma_semaphore, #tpu.memory_space<semaphore_mem>>) src(%dma_wait3A_470 : memref<33554432xf32, #tpu.memory_space<hbm>>) dst(%dma_wait3A_465 : memref<128xf32, #tpu.memory_space<vmem>>)
    %dma_wait3A_471 = arith.constant 15 : i32
    %dma_wait3A_472 = arith.constant 15 : i32
    %dma_wait3A_473 = arith.constant 0 : i32
    %dma_wait3A_474 = tpu.memref_slice %arg6[%dma_wait3A_472, %dma_wait3A_473] : memref<32x128xf32, #tpu.memory_space<vmem>> -> memref<1x128xf32, #tpu.memory_space<vmem>>
    %dma_wait3A_475 = tpu.memref_squeeze %dma_wait3A_474 : memref<1x128xf32, #tpu.memory_space<vmem>> -> memref<128xf32, #tpu.memory_space<vmem>>
    %dma_wait3A_476 = arith.constant 0 : i32
    %dma_wait3A_477 = tpu.memref_slice %arg5[%dma_wait3A_471, %dma_wait3A_476] : memref<32x128xi32, #tpu.memory_space<vmem>> -> memref<1x128xi32, #tpu.memory_space<vmem>>
    %dma_wait3A_478 = tpu.memref_squeeze %dma_wait3A_477 : memref<1x128xi32, #tpu.memory_space<vmem>> -> memref<128xi32, #tpu.memory_space<vmem>>
    %dma_wait3A_479 = arith.constant 0 : i32
    %dma_wait3A_480 = tpu.memref_slice %arg2[%dma_wait3A_479] : memref<33554432xf32, #tpu.memory_space<hbm>> -> memref<33554432xf32, #tpu.memory_space<hbm>>
    tpu.wait_indirect_dma semaphore(%arg7 : memref<!tpu.dma_semaphore, #tpu.memory_space<semaphore_mem>>) src(%dma_wait3A_480 : memref<33554432xf32, #tpu.memory_space<hbm>>) dst(%dma_wait3A_475 : memref<128xf32, #tpu.memory_space<vmem>>)
    %dma_wait3A_481 = arith.constant 16 : i32
    %dma_wait3A_482 = arith.constant 16 : i32
    %dma_wait3A_483 = arith.constant 0 : i32
    %dma_wait3A_484 = tpu.memref_slice %arg6[%dma_wait3A_482, %dma_wait3A_483] : memref<32x128xf32, #tpu.memory_space<vmem>> -> memref<1x128xf32, #tpu.memory_space<vmem>>
    %dma_wait3A_485 = tpu.memref_squeeze %dma_wait3A_484 : memref<1x128xf32, #tpu.memory_space<vmem>> -> memref<128xf32, #tpu.memory_space<vmem>>
    %dma_wait3A_486 = arith.constant 0 : i32
    %dma_wait3A_487 = tpu.memref_slice %arg5[%dma_wait3A_481, %dma_wait3A_486] : memref<32x128xi32, #tpu.memory_space<vmem>> -> memref<1x128xi32, #tpu.memory_space<vmem>>
    %dma_wait3A_488 = tpu.memref_squeeze %dma_wait3A_487 : memref<1x128xi32, #tpu.memory_space<vmem>> -> memref<128xi32, #tpu.memory_space<vmem>>
    %dma_wait3A_489 = arith.constant 0 : i32
    %dma_wait3A_490 = tpu.memref_slice %arg2[%dma_wait3A_489] : memref<33554432xf32, #tpu.memory_space<hbm>> -> memref<33554432xf32, #tpu.memory_space<hbm>>
    tpu.wait_indirect_dma semaphore(%arg7 : memref<!tpu.dma_semaphore, #tpu.memory_space<semaphore_mem>>) src(%dma_wait3A_490 : memref<33554432xf32, #tpu.memory_space<hbm>>) dst(%dma_wait3A_485 : memref<128xf32, #tpu.memory_space<vmem>>)
    %dma_wait3A_491 = arith.constant 17 : i32
    %dma_wait3A_492 = arith.constant 17 : i32
    %dma_wait3A_493 = arith.constant 0 : i32
    %dma_wait3A_494 = tpu.memref_slice %arg6[%dma_wait3A_492, %dma_wait3A_493] : memref<32x128xf32, #tpu.memory_space<vmem>> -> memref<1x128xf32, #tpu.memory_space<vmem>>
    %dma_wait3A_495 = tpu.memref_squeeze %dma_wait3A_494 : memref<1x128xf32, #tpu.memory_space<vmem>> -> memref<128xf32, #tpu.memory_space<vmem>>
    %dma_wait3A_496 = arith.constant 0 : i32
    %dma_wait3A_497 = tpu.memref_slice %arg5[%dma_wait3A_491, %dma_wait3A_496] : memref<32x128xi32, #tpu.memory_space<vmem>> -> memref<1x128xi32, #tpu.memory_space<vmem>>
    %dma_wait3A_498 = tpu.memref_squeeze %dma_wait3A_497 : memref<1x128xi32, #tpu.memory_space<vmem>> -> memref<128xi32, #tpu.memory_space<vmem>>
    %dma_wait3A_499 = arith.constant 0 : i32
    %dma_wait3A_500 = tpu.memref_slice %arg2[%dma_wait3A_499] : memref<33554432xf32, #tpu.memory_space<hbm>> -> memref<33554432xf32, #tpu.memory_space<hbm>>
    tpu.wait_indirect_dma semaphore(%arg7 : memref<!tpu.dma_semaphore, #tpu.memory_space<semaphore_mem>>) src(%dma_wait3A_500 : memref<33554432xf32, #tpu.memory_space<hbm>>) dst(%dma_wait3A_495 : memref<128xf32, #tpu.memory_space<vmem>>)
    %dma_wait3A_501 = arith.constant 18 : i32
    %dma_wait3A_502 = arith.constant 18 : i32
    %dma_wait3A_503 = arith.constant 0 : i32
    %dma_wait3A_504 = tpu.memref_slice %arg6[%dma_wait3A_502, %dma_wait3A_503] : memref<32x128xf32, #tpu.memory_space<vmem>> -> memref<1x128xf32, #tpu.memory_space<vmem>>
    %dma_wait3A_505 = tpu.memref_squeeze %dma_wait3A_504 : memref<1x128xf32, #tpu.memory_space<vmem>> -> memref<128xf32, #tpu.memory_space<vmem>>
    %dma_wait3A_506 = arith.constant 0 : i32
    %dma_wait3A_507 = tpu.memref_slice %arg5[%dma_wait3A_501, %dma_wait3A_506] : memref<32x128xi32, #tpu.memory_space<vmem>> -> memref<1x128xi32, #tpu.memory_space<vmem>>
    %dma_wait3A_508 = tpu.memref_squeeze %dma_wait3A_507 : memref<1x128xi32, #tpu.memory_space<vmem>> -> memref<128xi32, #tpu.memory_space<vmem>>
    %dma_wait3A_509 = arith.constant 0 : i32
    %dma_wait3A_510 = tpu.memref_slice %arg2[%dma_wait3A_509] : memref<33554432xf32, #tpu.memory_space<hbm>> -> memref<33554432xf32, #tpu.memory_space<hbm>>
    tpu.wait_indirect_dma semaphore(%arg7 : memref<!tpu.dma_semaphore, #tpu.memory_space<semaphore_mem>>) src(%dma_wait3A_510 : memref<33554432xf32, #tpu.memory_space<hbm>>) dst(%dma_wait3A_505 : memref<128xf32, #tpu.memory_space<vmem>>)
    %dma_wait3A_511 = arith.constant 19 : i32
    %dma_wait3A_512 = arith.constant 19 : i32
    %dma_wait3A_513 = arith.constant 0 : i32
    %dma_wait3A_514 = tpu.memref_slice %arg6[%dma_wait3A_512, %dma_wait3A_513] : memref<32x128xf32, #tpu.memory_space<vmem>> -> memref<1x128xf32, #tpu.memory_space<vmem>>
    %dma_wait3A_515 = tpu.memref_squeeze %dma_wait3A_514 : memref<1x128xf32, #tpu.memory_space<vmem>> -> memref<128xf32, #tpu.memory_space<vmem>>
    %dma_wait3A_516 = arith.constant 0 : i32
    %dma_wait3A_517 = tpu.memref_slice %arg5[%dma_wait3A_511, %dma_wait3A_516] : memref<32x128xi32, #tpu.memory_space<vmem>> -> memref<1x128xi32, #tpu.memory_space<vmem>>
    %dma_wait3A_518 = tpu.memref_squeeze %dma_wait3A_517 : memref<1x128xi32, #tpu.memory_space<vmem>> -> memref<128xi32, #tpu.memory_space<vmem>>
    %dma_wait3A_519 = arith.constant 0 : i32
    %dma_wait3A_520 = tpu.memref_slice %arg2[%dma_wait3A_519] : memref<33554432xf32, #tpu.memory_space<hbm>> -> memref<33554432xf32, #tpu.memory_space<hbm>>
    tpu.wait_indirect_dma semaphore(%arg7 : memref<!tpu.dma_semaphore, #tpu.memory_space<semaphore_mem>>) src(%dma_wait3A_520 : memref<33554432xf32, #tpu.memory_space<hbm>>) dst(%dma_wait3A_515 : memref<128xf32, #tpu.memory_space<vmem>>)
    %dma_wait3A_521 = arith.constant 20 : i32
    %dma_wait3A_522 = arith.constant 20 : i32
    %dma_wait3A_523 = arith.constant 0 : i32
    %dma_wait3A_524 = tpu.memref_slice %arg6[%dma_wait3A_522, %dma_wait3A_523] : memref<32x128xf32, #tpu.memory_space<vmem>> -> memref<1x128xf32, #tpu.memory_space<vmem>>
    %dma_wait3A_525 = tpu.memref_squeeze %dma_wait3A_524 : memref<1x128xf32, #tpu.memory_space<vmem>> -> memref<128xf32, #tpu.memory_space<vmem>>
    %dma_wait3A_526 = arith.constant 0 : i32
    %dma_wait3A_527 = tpu.memref_slice %arg5[%dma_wait3A_521, %dma_wait3A_526] : memref<32x128xi32, #tpu.memory_space<vmem>> -> memref<1x128xi32, #tpu.memory_space<vmem>>
    %dma_wait3A_528 = tpu.memref_squeeze %dma_wait3A_527 : memref<1x128xi32, #tpu.memory_space<vmem>> -> memref<128xi32, #tpu.memory_space<vmem>>
    %dma_wait3A_529 = arith.constant 0 : i32
    %dma_wait3A_530 = tpu.memref_slice %arg2[%dma_wait3A_529] : memref<33554432xf32, #tpu.memory_space<hbm>> -> memref<33554432xf32, #tpu.memory_space<hbm>>
    tpu.wait_indirect_dma semaphore(%arg7 : memref<!tpu.dma_semaphore, #tpu.memory_space<semaphore_mem>>) src(%dma_wait3A_530 : memref<33554432xf32, #tpu.memory_space<hbm>>) dst(%dma_wait3A_525 : memref<128xf32, #tpu.memory_space<vmem>>)
    %dma_wait3A_531 = arith.constant 21 : i32
    %dma_wait3A_532 = arith.constant 21 : i32
    %dma_wait3A_533 = arith.constant 0 : i32
    %dma_wait3A_534 = tpu.memref_slice %arg6[%dma_wait3A_532, %dma_wait3A_533] : memref<32x128xf32, #tpu.memory_space<vmem>> -> memref<1x128xf32, #tpu.memory_space<vmem>>
    %dma_wait3A_535 = tpu.memref_squeeze %dma_wait3A_534 : memref<1x128xf32, #tpu.memory_space<vmem>> -> memref<128xf32, #tpu.memory_space<vmem>>
    %dma_wait3A_536 = arith.constant 0 : i32
    %dma_wait3A_537 = tpu.memref_slice %arg5[%dma_wait3A_531, %dma_wait3A_536] : memref<32x128xi32, #tpu.memory_space<vmem>> -> memref<1x128xi32, #tpu.memory_space<vmem>>
    %dma_wait3A_538 = tpu.memref_squeeze %dma_wait3A_537 : memref<1x128xi32, #tpu.memory_space<vmem>> -> memref<128xi32, #tpu.memory_space<vmem>>
    %dma_wait3A_539 = arith.constant 0 : i32
    %dma_wait3A_540 = tpu.memref_slice %arg2[%dma_wait3A_539] : memref<33554432xf32, #tpu.memory_space<hbm>> -> memref<33554432xf32, #tpu.memory_space<hbm>>
    tpu.wait_indirect_dma semaphore(%arg7 : memref<!tpu.dma_semaphore, #tpu.memory_space<semaphore_mem>>) src(%dma_wait3A_540 : memref<33554432xf32, #tpu.memory_space<hbm>>) dst(%dma_wait3A_535 : memref<128xf32, #tpu.memory_space<vmem>>)
    %dma_wait3A_541 = arith.constant 22 : i32
    %dma_wait3A_542 = arith.constant 22 : i32
    %dma_wait3A_543 = arith.constant 0 : i32
    %dma_wait3A_544 = tpu.memref_slice %arg6[%dma_wait3A_542, %dma_wait3A_543] : memref<32x128xf32, #tpu.memory_space<vmem>> -> memref<1x128xf32, #tpu.memory_space<vmem>>
    %dma_wait3A_545 = tpu.memref_squeeze %dma_wait3A_544 : memref<1x128xf32, #tpu.memory_space<vmem>> -> memref<128xf32, #tpu.memory_space<vmem>>
    %dma_wait3A_546 = arith.constant 0 : i32
    %dma_wait3A_547 = tpu.memref_slice %arg5[%dma_wait3A_541, %dma_wait3A_546] : memref<32x128xi32, #tpu.memory_space<vmem>> -> memref<1x128xi32, #tpu.memory_space<vmem>>
    %dma_wait3A_548 = tpu.memref_squeeze %dma_wait3A_547 : memref<1x128xi32, #tpu.memory_space<vmem>> -> memref<128xi32, #tpu.memory_space<vmem>>
    %dma_wait3A_549 = arith.constant 0 : i32
    %dma_wait3A_550 = tpu.memref_slice %arg2[%dma_wait3A_549] : memref<33554432xf32, #tpu.memory_space<hbm>> -> memref<33554432xf32, #tpu.memory_space<hbm>>
    tpu.wait_indirect_dma semaphore(%arg7 : memref<!tpu.dma_semaphore, #tpu.memory_space<semaphore_mem>>) src(%dma_wait3A_550 : memref<33554432xf32, #tpu.memory_space<hbm>>) dst(%dma_wait3A_545 : memref<128xf32, #tpu.memory_space<vmem>>)
    %dma_wait3A_551 = arith.constant 23 : i32
    %dma_wait3A_552 = arith.constant 23 : i32
    %dma_wait3A_553 = arith.constant 0 : i32
    %dma_wait3A_554 = tpu.memref_slice %arg6[%dma_wait3A_552, %dma_wait3A_553] : memref<32x128xf32, #tpu.memory_space<vmem>> -> memref<1x128xf32, #tpu.memory_space<vmem>>
    %dma_wait3A_555 = tpu.memref_squeeze %dma_wait3A_554 : memref<1x128xf32, #tpu.memory_space<vmem>> -> memref<128xf32, #tpu.memory_space<vmem>>
    %dma_wait3A_556 = arith.constant 0 : i32
    %dma_wait3A_557 = tpu.memref_slice %arg5[%dma_wait3A_551, %dma_wait3A_556] : memref<32x128xi32, #tpu.memory_space<vmem>> -> memref<1x128xi32, #tpu.memory_space<vmem>>
    %dma_wait3A_558 = tpu.memref_squeeze %dma_wait3A_557 : memref<1x128xi32, #tpu.memory_space<vmem>> -> memref<128xi32, #tpu.memory_space<vmem>>
    %dma_wait3A_559 = arith.constant 0 : i32
    %dma_wait3A_560 = tpu.memref_slice %arg2[%dma_wait3A_559] : memref<33554432xf32, #tpu.memory_space<hbm>> -> memref<33554432xf32, #tpu.memory_space<hbm>>
    tpu.wait_indirect_dma semaphore(%arg7 : memref<!tpu.dma_semaphore, #tpu.memory_space<semaphore_mem>>) src(%dma_wait3A_560 : memref<33554432xf32, #tpu.memory_space<hbm>>) dst(%dma_wait3A_555 : memref<128xf32, #tpu.memory_space<vmem>>)
    %dma_wait3A_561 = arith.constant 24 : i32
    %dma_wait3A_562 = arith.constant 24 : i32
    %dma_wait3A_563 = arith.constant 0 : i32
    %dma_wait3A_564 = tpu.memref_slice %arg6[%dma_wait3A_562, %dma_wait3A_563] : memref<32x128xf32, #tpu.memory_space<vmem>> -> memref<1x128xf32, #tpu.memory_space<vmem>>
    %dma_wait3A_565 = tpu.memref_squeeze %dma_wait3A_564 : memref<1x128xf32, #tpu.memory_space<vmem>> -> memref<128xf32, #tpu.memory_space<vmem>>
    %dma_wait3A_566 = arith.constant 0 : i32
    %dma_wait3A_567 = tpu.memref_slice %arg5[%dma_wait3A_561, %dma_wait3A_566] : memref<32x128xi32, #tpu.memory_space<vmem>> -> memref<1x128xi32, #tpu.memory_space<vmem>>
    %dma_wait3A_568 = tpu.memref_squeeze %dma_wait3A_567 : memref<1x128xi32, #tpu.memory_space<vmem>> -> memref<128xi32, #tpu.memory_space<vmem>>
    %dma_wait3A_569 = arith.constant 0 : i32
    %dma_wait3A_570 = tpu.memref_slice %arg2[%dma_wait3A_569] : memref<33554432xf32, #tpu.memory_space<hbm>> -> memref<33554432xf32, #tpu.memory_space<hbm>>
    tpu.wait_indirect_dma semaphore(%arg7 : memref<!tpu.dma_semaphore, #tpu.memory_space<semaphore_mem>>) src(%dma_wait3A_570 : memref<33554432xf32, #tpu.memory_space<hbm>>) dst(%dma_wait3A_565 : memref<128xf32, #tpu.memory_space<vmem>>)
    %dma_wait3A_571 = arith.constant 25 : i32
    %dma_wait3A_572 = arith.constant 25 : i32
    %dma_wait3A_573 = arith.constant 0 : i32
    %dma_wait3A_574 = tpu.memref_slice %arg6[%dma_wait3A_572, %dma_wait3A_573] : memref<32x128xf32, #tpu.memory_space<vmem>> -> memref<1x128xf32, #tpu.memory_space<vmem>>
    %dma_wait3A_575 = tpu.memref_squeeze %dma_wait3A_574 : memref<1x128xf32, #tpu.memory_space<vmem>> -> memref<128xf32, #tpu.memory_space<vmem>>
    %dma_wait3A_576 = arith.constant 0 : i32
    %dma_wait3A_577 = tpu.memref_slice %arg5[%dma_wait3A_571, %dma_wait3A_576] : memref<32x128xi32, #tpu.memory_space<vmem>> -> memref<1x128xi32, #tpu.memory_space<vmem>>
    %dma_wait3A_578 = tpu.memref_squeeze %dma_wait3A_577 : memref<1x128xi32, #tpu.memory_space<vmem>> -> memref<128xi32, #tpu.memory_space<vmem>>
    %dma_wait3A_579 = arith.constant 0 : i32
    %dma_wait3A_580 = tpu.memref_slice %arg2[%dma_wait3A_579] : memref<33554432xf32, #tpu.memory_space<hbm>> -> memref<33554432xf32, #tpu.memory_space<hbm>>
    tpu.wait_indirect_dma semaphore(%arg7 : memref<!tpu.dma_semaphore, #tpu.memory_space<semaphore_mem>>) src(%dma_wait3A_580 : memref<33554432xf32, #tpu.memory_space<hbm>>) dst(%dma_wait3A_575 : memref<128xf32, #tpu.memory_space<vmem>>)
    %dma_wait3A_581 = arith.constant 26 : i32
    %dma_wait3A_582 = arith.constant 26 : i32
    %dma_wait3A_583 = arith.constant 0 : i32
    %dma_wait3A_584 = tpu.memref_slice %arg6[%dma_wait3A_582, %dma_wait3A_583] : memref<32x128xf32, #tpu.memory_space<vmem>> -> memref<1x128xf32, #tpu.memory_space<vmem>>
    %dma_wait3A_585 = tpu.memref_squeeze %dma_wait3A_584 : memref<1x128xf32, #tpu.memory_space<vmem>> -> memref<128xf32, #tpu.memory_space<vmem>>
    %dma_wait3A_586 = arith.constant 0 : i32
    %dma_wait3A_587 = tpu.memref_slice %arg5[%dma_wait3A_581, %dma_wait3A_586] : memref<32x128xi32, #tpu.memory_space<vmem>> -> memref<1x128xi32, #tpu.memory_space<vmem>>
    %dma_wait3A_588 = tpu.memref_squeeze %dma_wait3A_587 : memref<1x128xi32, #tpu.memory_space<vmem>> -> memref<128xi32, #tpu.memory_space<vmem>>
    %dma_wait3A_589 = arith.constant 0 : i32
    %dma_wait3A_590 = tpu.memref_slice %arg2[%dma_wait3A_589] : memref<33554432xf32, #tpu.memory_space<hbm>> -> memref<33554432xf32, #tpu.memory_space<hbm>>
    tpu.wait_indirect_dma semaphore(%arg7 : memref<!tpu.dma_semaphore, #tpu.memory_space<semaphore_mem>>) src(%dma_wait3A_590 : memref<33554432xf32, #tpu.memory_space<hbm>>) dst(%dma_wait3A_585 : memref<128xf32, #tpu.memory_space<vmem>>)
    %dma_wait3A_591 = arith.constant 27 : i32
    %dma_wait3A_592 = arith.constant 27 : i32
    %dma_wait3A_593 = arith.constant 0 : i32
    %dma_wait3A_594 = tpu.memref_slice %arg6[%dma_wait3A_592, %dma_wait3A_593] : memref<32x128xf32, #tpu.memory_space<vmem>> -> memref<1x128xf32, #tpu.memory_space<vmem>>
    %dma_wait3A_595 = tpu.memref_squeeze %dma_wait3A_594 : memref<1x128xf32, #tpu.memory_space<vmem>> -> memref<128xf32, #tpu.memory_space<vmem>>
    %dma_wait3A_596 = arith.constant 0 : i32
    %dma_wait3A_597 = tpu.memref_slice %arg5[%dma_wait3A_591, %dma_wait3A_596] : memref<32x128xi32, #tpu.memory_space<vmem>> -> memref<1x128xi32, #tpu.memory_space<vmem>>
    %dma_wait3A_598 = tpu.memref_squeeze %dma_wait3A_597 : memref<1x128xi32, #tpu.memory_space<vmem>> -> memref<128xi32, #tpu.memory_space<vmem>>
    %dma_wait3A_599 = arith.constant 0 : i32
    %dma_wait3A_600 = tpu.memref_slice %arg2[%dma_wait3A_599] : memref<33554432xf32, #tpu.memory_space<hbm>> -> memref<33554432xf32, #tpu.memory_space<hbm>>
    tpu.wait_indirect_dma semaphore(%arg7 : memref<!tpu.dma_semaphore, #tpu.memory_space<semaphore_mem>>) src(%dma_wait3A_600 : memref<33554432xf32, #tpu.memory_space<hbm>>) dst(%dma_wait3A_595 : memref<128xf32, #tpu.memory_space<vmem>>)
    %dma_wait3A_601 = arith.constant 28 : i32
    %dma_wait3A_602 = arith.constant 28 : i32
    %dma_wait3A_603 = arith.constant 0 : i32
    %dma_wait3A_604 = tpu.memref_slice %arg6[%dma_wait3A_602, %dma_wait3A_603] : memref<32x128xf32, #tpu.memory_space<vmem>> -> memref<1x128xf32, #tpu.memory_space<vmem>>
    %dma_wait3A_605 = tpu.memref_squeeze %dma_wait3A_604 : memref<1x128xf32, #tpu.memory_space<vmem>> -> memref<128xf32, #tpu.memory_space<vmem>>
    %dma_wait3A_606 = arith.constant 0 : i32
    %dma_wait3A_607 = tpu.memref_slice %arg5[%dma_wait3A_601, %dma_wait3A_606] : memref<32x128xi32, #tpu.memory_space<vmem>> -> memref<1x128xi32, #tpu.memory_space<vmem>>
    %dma_wait3A_608 = tpu.memref_squeeze %dma_wait3A_607 : memref<1x128xi32, #tpu.memory_space<vmem>> -> memref<128xi32, #tpu.memory_space<vmem>>
    %dma_wait3A_609 = arith.constant 0 : i32
    %dma_wait3A_610 = tpu.memref_slice %arg2[%dma_wait3A_609] : memref<33554432xf32, #tpu.memory_space<hbm>> -> memref<33554432xf32, #tpu.memory_space<hbm>>
    tpu.wait_indirect_dma semaphore(%arg7 : memref<!tpu.dma_semaphore, #tpu.memory_space<semaphore_mem>>) src(%dma_wait3A_610 : memref<33554432xf32, #tpu.memory_space<hbm>>) dst(%dma_wait3A_605 : memref<128xf32, #tpu.memory_space<vmem>>)
    %dma_wait3A_611 = arith.constant 29 : i32
    %dma_wait3A_612 = arith.constant 29 : i32
    %dma_wait3A_613 = arith.constant 0 : i32
    %dma_wait3A_614 = tpu.memref_slice %arg6[%dma_wait3A_612, %dma_wait3A_613] : memref<32x128xf32, #tpu.memory_space<vmem>> -> memref<1x128xf32, #tpu.memory_space<vmem>>
    %dma_wait3A_615 = tpu.memref_squeeze %dma_wait3A_614 : memref<1x128xf32, #tpu.memory_space<vmem>> -> memref<128xf32, #tpu.memory_space<vmem>>
    %dma_wait3A_616 = arith.constant 0 : i32
    %dma_wait3A_617 = tpu.memref_slice %arg5[%dma_wait3A_611, %dma_wait3A_616] : memref<32x128xi32, #tpu.memory_space<vmem>> -> memref<1x128xi32, #tpu.memory_space<vmem>>
    %dma_wait3A_618 = tpu.memref_squeeze %dma_wait3A_617 : memref<1x128xi32, #tpu.memory_space<vmem>> -> memref<128xi32, #tpu.memory_space<vmem>>
    %dma_wait3A_619 = arith.constant 0 : i32
    %dma_wait3A_620 = tpu.memref_slice %arg2[%dma_wait3A_619] : memref<33554432xf32, #tpu.memory_space<hbm>> -> memref<33554432xf32, #tpu.memory_space<hbm>>
    tpu.wait_indirect_dma semaphore(%arg7 : memref<!tpu.dma_semaphore, #tpu.memory_space<semaphore_mem>>) src(%dma_wait3A_620 : memref<33554432xf32, #tpu.memory_space<hbm>>) dst(%dma_wait3A_615 : memref<128xf32, #tpu.memory_space<vmem>>)
    %dma_wait3A_621 = arith.constant 30 : i32
    %dma_wait3A_622 = arith.constant 30 : i32
    %dma_wait3A_623 = arith.constant 0 : i32
    %dma_wait3A_624 = tpu.memref_slice %arg6[%dma_wait3A_622, %dma_wait3A_623] : memref<32x128xf32, #tpu.memory_space<vmem>> -> memref<1x128xf32, #tpu.memory_space<vmem>>
    %dma_wait3A_625 = tpu.memref_squeeze %dma_wait3A_624 : memref<1x128xf32, #tpu.memory_space<vmem>> -> memref<128xf32, #tpu.memory_space<vmem>>
    %dma_wait3A_626 = arith.constant 0 : i32
    %dma_wait3A_627 = tpu.memref_slice %arg5[%dma_wait3A_621, %dma_wait3A_626] : memref<32x128xi32, #tpu.memory_space<vmem>> -> memref<1x128xi32, #tpu.memory_space<vmem>>
    %dma_wait3A_628 = tpu.memref_squeeze %dma_wait3A_627 : memref<1x128xi32, #tpu.memory_space<vmem>> -> memref<128xi32, #tpu.memory_space<vmem>>
    %dma_wait3A_629 = arith.constant 0 : i32
    %dma_wait3A_630 = tpu.memref_slice %arg2[%dma_wait3A_629] : memref<33554432xf32, #tpu.memory_space<hbm>> -> memref<33554432xf32, #tpu.memory_space<hbm>>
    tpu.wait_indirect_dma semaphore(%arg7 : memref<!tpu.dma_semaphore, #tpu.memory_space<semaphore_mem>>) src(%dma_wait3A_630 : memref<33554432xf32, #tpu.memory_space<hbm>>) dst(%dma_wait3A_625 : memref<128xf32, #tpu.memory_space<vmem>>)
    %dma_wait3A_631 = arith.constant 31 : i32
    %dma_wait3A_632 = arith.constant 31 : i32
    %dma_wait3A_633 = arith.constant 0 : i32
    %dma_wait3A_634 = tpu.memref_slice %arg6[%dma_wait3A_632, %dma_wait3A_633] : memref<32x128xf32, #tpu.memory_space<vmem>> -> memref<1x128xf32, #tpu.memory_space<vmem>>
    %dma_wait3A_635 = tpu.memref_squeeze %dma_wait3A_634 : memref<1x128xf32, #tpu.memory_space<vmem>> -> memref<128xf32, #tpu.memory_space<vmem>>
    %dma_wait3A_636 = arith.constant 0 : i32
    %dma_wait3A_637 = tpu.memref_slice %arg5[%dma_wait3A_631, %dma_wait3A_636] : memref<32x128xi32, #tpu.memory_space<vmem>> -> memref<1x128xi32, #tpu.memory_space<vmem>>
    %dma_wait3A_638 = tpu.memref_squeeze %dma_wait3A_637 : memref<1x128xi32, #tpu.memory_space<vmem>> -> memref<128xi32, #tpu.memory_space<vmem>>
    %dma_wait3A_639 = arith.constant 0 : i32
    %dma_wait3A_640 = tpu.memref_slice %arg2[%dma_wait3A_639] : memref<33554432xf32, #tpu.memory_space<hbm>> -> memref<33554432xf32, #tpu.memory_space<hbm>>
    tpu.wait_indirect_dma semaphore(%arg7 : memref<!tpu.dma_semaphore, #tpu.memory_space<semaphore_mem>>) src(%dma_wait3A_640 : memref<33554432xf32, #tpu.memory_space<hbm>>) dst(%dma_wait3A_635 : memref<128xf32, #tpu.memory_space<vmem>>)
    "tpu.region"() ({
      %run_scoped3A = tpu.sem_alloc : memref<!tpu.dma_semaphore, #tpu.memory_space<semaphore_mem>>
      %dma_start3A_641 = arith.constant 0 : i32
      %dma_start3A_642 = tpu.memref_slice %arg4[%dma_start3A_641, %mul3A_2] : memref<32x4096xf32, #tpu.memory_space<hbm>> -> memref<32x128xf32, #tpu.memory_space<hbm>>
      %dma_start3A_643 = arith.constant 0 : i32
      %dma_start3A_644 = tpu.memref_slice %arg4[%dma_start3A_643, %mul3A_2] : memref<32x4096xf32, #tpu.memory_space<hbm>> -> memref<32x128xf32, #tpu.memory_space<hbm>>
      tpu.enqueue_dma source(%arg6 : memref<32x128xf32, #tpu.memory_space<vmem>>) target(%dma_start3A_644 : memref<32x128xf32, #tpu.memory_space<hbm>>) target_semaphore(%run_scoped3A : memref<!tpu.dma_semaphore, #tpu.memory_space<semaphore_mem>>)
      %dma_wait3A_645 = arith.constant 0 : i32
      %dma_wait3A_646 = tpu.memref_slice %arg4[%dma_wait3A_645, %mul3A_2] : memref<32x4096xf32, #tpu.memory_space<hbm>> -> memref<32x128xf32, #tpu.memory_space<hbm>>
      %dma_wait3A_647 = arith.constant 0 : i32
      %dma_wait3A_648 = tpu.memref_slice %arg4[%dma_wait3A_647, %mul3A_2] : memref<32x4096xf32, #tpu.memory_space<hbm>> -> memref<32x128xf32, #tpu.memory_space<hbm>>
      tpu.wait_dma2 semaphore(%run_scoped3A : memref<!tpu.dma_semaphore, #tpu.memory_space<semaphore_mem>>) src(%arg6 : memref<32x128xf32, #tpu.memory_space<vmem>>) dst(%dma_wait3A_648 : memref<32x128xf32, #tpu.memory_space<hbm>>)
      tpu.yield
    }) : () -> ()
    return
  }
}

module attributes {stable_mosaic.version = 14 : i64} {
  func.func @_rowstats_kernel(%arg0: i32, %arg1: memref<256x8192xf32, #tpu.memory_space<vmem>>, %arg2: memref<1x1x256xf32, #tpu.memory_space<vmem>>, %arg3: memref<1x1x256xf32, #tpu.memory_space<vmem>>) attributes {dimension_semantics = [#tpu.dimension_semantics<arbitrary>], iteration_bounds = array<i64: 16>, scalar_prefetch = 0 : i64, scratch_operands = 0 : i64, tpu.core_type = #tpu.core_type<tc>, window_params = [{transform_indices = @transform_0, window_bounds = array<i64: 256, 8192>}, {transform_indices = @transform_1, window_bounds = array<i64: 1, 1, 256>}, {transform_indices = @transform_2, window_bounds = array<i64: 1, 1, 256>}]} {
    %get3A = arith.constant 0 : index
    %get3A_0 = arith.constant 0 : index
    %get3A_1 = vector.load %arg1[%get3A, %get3A_0] : memref<256x8192xf32, #tpu.memory_space<vmem>>, vector<256x8192xf32>
    %reduce_max3A = arith.constant dense<0xFF800000> : vector<256xf32>
    %reduce_max3A_2 = vector.multi_reduction <maximumf>, %get3A_1, %reduce_max3A [1] : vector<256x8192xf32> to vector<256xf32>
    %broadcast_in_dim3A = vector.shape_cast %reduce_max3A_2 : vector<256xf32> to vector<256x1xf32>
    %sub3A = vector.broadcast %broadcast_in_dim3A : vector<256x1xf32> to vector<256x8192xf32>
    %sub3A_3 = arith.subf %get3A_1, %sub3A : vector<256x8192xf32>
    %exp3A = math.exp %sub3A_3 : vector<256x8192xf32>
    %reduce_sum3A = arith.constant dense<0.000000e+00> : vector<256xf32>
    %reduce_sum3A_4 = vector.multi_reduction <add>, %exp3A, %reduce_sum3A [1] : vector<256x8192xf32> to vector<256xf32>
    %broadcast_in_dim3A_5 = vector.shape_cast %reduce_sum3A_4 : vector<256xf32> to vector<256x1xf32>
    %reduce_sum3A_6 = arith.constant dense<0.000000e+00> : vector<256xf32>
    %reduce_sum3A_7 = vector.multi_reduction <add>, %get3A_1, %reduce_sum3A_6 [1] : vector<256x8192xf32> to vector<256xf32>
    %broadcast_in_dim3A_8 = vector.shape_cast %reduce_sum3A_7 : vector<256xf32> to vector<256x1xf32>
    %log3A = math.log %broadcast_in_dim3A_5 : vector<256x1xf32>
    %add3A = arith.addf %log3A, %broadcast_in_dim3A : vector<256x1xf32>
    %reshape3A = vector.shape_cast %add3A : vector<256x1xf32> to vector<1x1x256xf32>
    %swap3A = arith.constant 0 : index
    %swap3A_9 = arith.constant 0 : index
    %swap3A_10 = arith.constant 0 : index
    %swap3A_11 = vector.load %arg2[%swap3A, %swap3A_9, %swap3A_10] : memref<1x1x256xf32, #tpu.memory_space<vmem>>, vector<1x1x256xf32>
    tpu.vector_store %arg2[%swap3A, %swap3A_9, %swap3A_10], %reshape3A {strides = array<i32>} : memref<1x1x256xf32, #tpu.memory_space<vmem>>, vector<1x1x256xf32>,
    %reshape3A_12 = vector.shape_cast %broadcast_in_dim3A_8 : vector<256x1xf32> to vector<1x1x256xf32>
    %swap3A_13 = arith.constant 0 : index
    %swap3A_14 = arith.constant 0 : index
    %swap3A_15 = arith.constant 0 : index
    %swap3A_16 = vector.load %arg3[%swap3A_13, %swap3A_14, %swap3A_15] : memref<1x1x256xf32, #tpu.memory_space<vmem>>, vector<1x1x256xf32>
    tpu.vector_store %arg3[%swap3A_13, %swap3A_14, %swap3A_15], %reshape3A_12 {strides = array<i32>} : memref<1x1x256xf32, #tpu.memory_space<vmem>>, vector<1x1x256xf32>,
    return
  }
  func.func @transform_0(%arg0: i32) -> (i32, i32) {
    %c0_i32 = arith.constant 0 : i32
    %c0_i32_0 = arith.constant 0 : i32
    return %arg0, %c0_i32 : i32, i32
  }
  func.func @transform_1(%arg0: i32) -> (i32, i32, i32) {
    %c0_i32 = arith.constant 0 : i32
    %c0_i32_0 = arith.constant 0 : i32
    %c0_i32_1 = arith.constant 0 : i32
    return %arg0, %c0_i32, %c0_i32_0 : i32, i32, i32
  }
  func.func @transform_2(%arg0: i32) -> (i32, i32, i32) {
    %c0_i32 = arith.constant 0 : i32
    %c0_i32_0 = arith.constant 0 : i32
    %c0_i32_1 = arith.constant 0 : i32
    return %arg0, %c0_i32, %c0_i32_0 : i32, i32, i32
  }
}

module attributes {stable_mosaic.version = 14 : i64} {
  func.func @_prep_kernel(%arg0: memref<2x2048xi32, #tpu.memory_space<vmem>>, %arg1: memref<32x2x2048xi32, #tpu.memory_space<vmem>>, %arg2: memref<32x2x2048xf32, #tpu.memory_space<vmem>>) attributes {dimension_semantics = [], scalar_prefetch = 0 : i64, scratch_operands = 0 : i64, tpu.core_type = #tpu.core_type<tc>} {
    %get3A = arith.constant 0 : index
    %get3A_0 = arith.constant 0 : index
    %get3A_1 = vector.load %arg0[%get3A, %get3A_0] : memref<2x2048xi32, #tpu.memory_space<vmem>>, vector<2x2048xi32>
    %broadcast_in_dim3A = arith.constant 0 : i32
    %broadcast_in_dim3A_2 = vector.broadcast %broadcast_in_dim3A : i32 to vector<2x1xi32>
    %slice3A = vector.extract_strided_slice %get3A_1 {offsets = [0, 0], sizes = [2, 2047], strides = [1, 1]} : vector<2x2048xi32> to vector<2x2047xi32>
    %concatenate3A = tpu.concatenate %broadcast_in_dim3A_2, %slice3A in 1 : vector<2x1xi32>, vector<2x2047xi32> -> vector<2x2048xi32>
    %broadcast_in_dim3A_3 = arith.constant 0 : i32
    %broadcast_in_dim3A_4 = vector.broadcast %broadcast_in_dim3A_3 : i32 to vector<2x2xi32>
    %slice3A_5 = vector.extract_strided_slice %get3A_1 {offsets = [0, 0], sizes = [2, 2046], strides = [1, 1]} : vector<2x2048xi32> to vector<2x2046xi32>
    %concatenate3A_6 = tpu.concatenate %broadcast_in_dim3A_4, %slice3A_5 in 1 : vector<2x2xi32>, vector<2x2046xi32> -> vector<2x2048xi32>
    %broadcast_in_dim3A_7 = arith.constant 0 : i32
    %broadcast_in_dim3A_8 = vector.broadcast %broadcast_in_dim3A_7 : i32 to vector<2x3xi32>
    %slice3A_9 = vector.extract_strided_slice %get3A_1 {offsets = [0, 0], sizes = [2, 2045], strides = [1, 1]} : vector<2x2048xi32> to vector<2x2045xi32>
    %concatenate3A_10 = tpu.concatenate %broadcast_in_dim3A_8, %slice3A_9 in 1 : vector<2x3xi32>, vector<2x2045xi32> -> vector<2x2048xi32>
    %broadcast_in_dim3A_11 = arith.constant 0 : i32
    %broadcast_in_dim3A_12 = vector.broadcast %broadcast_in_dim3A_11 : i32 to vector<2x4xi32>
    %slice3A_13 = vector.extract_strided_slice %get3A_1 {offsets = [0, 0], sizes = [2, 2044], strides = [1, 1]} : vector<2x2048xi32> to vector<2x2044xi32>
    %concatenate3A_14 = tpu.concatenate %broadcast_in_dim3A_12, %slice3A_13 in 1 : vector<2x4xi32>, vector<2x2044xi32> -> vector<2x2048xi32>
    %broadcast_in_dim3A_15 = arith.constant 0 : i32
    %broadcast_in_dim3A_16 = vector.broadcast %broadcast_in_dim3A_15 : i32 to vector<2x5xi32>
    %slice3A_17 = vector.extract_strided_slice %get3A_1 {offsets = [0, 0], sizes = [2, 2043], strides = [1, 1]} : vector<2x2048xi32> to vector<2x2043xi32>
    %concatenate3A_18 = tpu.concatenate %broadcast_in_dim3A_16, %slice3A_17 in 1 : vector<2x5xi32>, vector<2x2043xi32> -> vector<2x2048xi32>
    %broadcast_in_dim3A_19 = arith.constant 0 : i32
    %broadcast_in_dim3A_20 = vector.broadcast %broadcast_in_dim3A_19 : i32 to vector<2x6xi32>
    %slice3A_21 = vector.extract_strided_slice %get3A_1 {offsets = [0, 0], sizes = [2, 2042], strides = [1, 1]} : vector<2x2048xi32> to vector<2x2042xi32>
    %concatenate3A_22 = tpu.concatenate %broadcast_in_dim3A_20, %slice3A_21 in 1 : vector<2x6xi32>, vector<2x2042xi32> -> vector<2x2048xi32>
    %broadcast_in_dim3A_23 = arith.constant 0 : i32
    %broadcast_in_dim3A_24 = vector.broadcast %broadcast_in_dim3A_23 : i32 to vector<2x7xi32>
    %slice3A_25 = vector.extract_strided_slice %get3A_1 {offsets = [0, 0], sizes = [2, 2041], strides = [1, 1]} : vector<2x2048xi32> to vector<2x2041xi32>
    %concatenate3A_26 = tpu.concatenate %broadcast_in_dim3A_24, %slice3A_25 in 1 : vector<2x7xi32>, vector<2x2041xi32> -> vector<2x2048xi32>
    %broadcast_in_dim3A_27 = arith.constant 0 : i32
    %broadcast_in_dim3A_28 = vector.broadcast %broadcast_in_dim3A_27 : i32 to vector<2x8xi32>
    %slice3A_29 = vector.extract_strided_slice %get3A_1 {offsets = [0, 0], sizes = [2, 2040], strides = [1, 1]} : vector<2x2048xi32> to vector<2x2040xi32>
    %concatenate3A_30 = tpu.concatenate %broadcast_in_dim3A_28, %slice3A_29 in 1 : vector<2x8xi32>, vector<2x2040xi32> -> vector<2x2048xi32>
    %broadcast_in_dim3A_31 = arith.constant 0 : i32
    %broadcast_in_dim3A_32 = vector.broadcast %broadcast_in_dim3A_31 : i32 to vector<2x9xi32>
    %slice3A_33 = vector.extract_strided_slice %get3A_1 {offsets = [0, 0], sizes = [2, 2039], strides = [1, 1]} : vector<2x2048xi32> to vector<2x2039xi32>
    %concatenate3A_34 = tpu.concatenate %broadcast_in_dim3A_32, %slice3A_33 in 1 : vector<2x9xi32>, vector<2x2039xi32> -> vector<2x2048xi32>
    %broadcast_in_dim3A_35 = arith.constant 0 : i32
    %broadcast_in_dim3A_36 = vector.broadcast %broadcast_in_dim3A_35 : i32 to vector<2x10xi32>
    %slice3A_37 = vector.extract_strided_slice %get3A_1 {offsets = [0, 0], sizes = [2, 2038], strides = [1, 1]} : vector<2x2048xi32> to vector<2x2038xi32>
    %concatenate3A_38 = tpu.concatenate %broadcast_in_dim3A_36, %slice3A_37 in 1 : vector<2x10xi32>, vector<2x2038xi32> -> vector<2x2048xi32>
    %broadcast_in_dim3A_39 = arith.constant 0 : i32
    %broadcast_in_dim3A_40 = vector.broadcast %broadcast_in_dim3A_39 : i32 to vector<2x11xi32>
    %slice3A_41 = vector.extract_strided_slice %get3A_1 {offsets = [0, 0], sizes = [2, 2037], strides = [1, 1]} : vector<2x2048xi32> to vector<2x2037xi32>
    %concatenate3A_42 = tpu.concatenate %broadcast_in_dim3A_40, %slice3A_41 in 1 : vector<2x11xi32>, vector<2x2037xi32> -> vector<2x2048xi32>
    %broadcast_in_dim3A_43 = arith.constant 0 : i32
    %broadcast_in_dim3A_44 = vector.broadcast %broadcast_in_dim3A_43 : i32 to vector<2x12xi32>
    %slice3A_45 = vector.extract_strided_slice %get3A_1 {offsets = [0, 0], sizes = [2, 2036], strides = [1, 1]} : vector<2x2048xi32> to vector<2x2036xi32>
    %concatenate3A_46 = tpu.concatenate %broadcast_in_dim3A_44, %slice3A_45 in 1 : vector<2x12xi32>, vector<2x2036xi32> -> vector<2x2048xi32>
    %broadcast_in_dim3A_47 = arith.constant 0 : i32
    %broadcast_in_dim3A_48 = vector.broadcast %broadcast_in_dim3A_47 : i32 to vector<2x13xi32>
    %slice3A_49 = vector.extract_strided_slice %get3A_1 {offsets = [0, 0], sizes = [2, 2035], strides = [1, 1]} : vector<2x2048xi32> to vector<2x2035xi32>
    %concatenate3A_50 = tpu.concatenate %broadcast_in_dim3A_48, %slice3A_49 in 1 : vector<2x13xi32>, vector<2x2035xi32> -> vector<2x2048xi32>
    %broadcast_in_dim3A_51 = arith.constant 0 : i32
    %broadcast_in_dim3A_52 = vector.broadcast %broadcast_in_dim3A_51 : i32 to vector<2x14xi32>
    %slice3A_53 = vector.extract_strided_slice %get3A_1 {offsets = [0, 0], sizes = [2, 2034], strides = [1, 1]} : vector<2x2048xi32> to vector<2x2034xi32>
    %concatenate3A_54 = tpu.concatenate %broadcast_in_dim3A_52, %slice3A_53 in 1 : vector<2x14xi32>, vector<2x2034xi32> -> vector<2x2048xi32>
    %broadcast_in_dim3A_55 = arith.constant 0 : i32
    %broadcast_in_dim3A_56 = vector.broadcast %broadcast_in_dim3A_55 : i32 to vector<2x15xi32>
    %slice3A_57 = vector.extract_strided_slice %get3A_1 {offsets = [0, 0], sizes = [2, 2033], strides = [1, 1]} : vector<2x2048xi32> to vector<2x2033xi32>
    %concatenate3A_58 = tpu.concatenate %broadcast_in_dim3A_56, %slice3A_57 in 1 : vector<2x15xi32>, vector<2x2033xi32> -> vector<2x2048xi32>
    %broadcast_in_dim3A_59 = arith.constant 0 : i32
    %broadcast_in_dim3A_60 = vector.broadcast %broadcast_in_dim3A_59 : i32 to vector<2x16xi32>
    %slice3A_61 = vector.extract_strided_slice %get3A_1 {offsets = [0, 0], sizes = [2, 2032], strides = [1, 1]} : vector<2x2048xi32> to vector<2x2032xi32>
    %concatenate3A_62 = tpu.concatenate %broadcast_in_dim3A_60, %slice3A_61 in 1 : vector<2x16xi32>, vector<2x2032xi32> -> vector<2x2048xi32>
    %broadcast_in_dim3A_63 = arith.constant 0 : i32
    %broadcast_in_dim3A_64 = vector.broadcast %broadcast_in_dim3A_63 : i32 to vector<2x17xi32>
    %slice3A_65 = vector.extract_strided_slice %get3A_1 {offsets = [0, 0], sizes = [2, 2031], strides = [1, 1]} : vector<2x2048xi32> to vector<2x2031xi32>
    %concatenate3A_66 = tpu.concatenate %broadcast_in_dim3A_64, %slice3A_65 in 1 : vector<2x17xi32>, vector<2x2031xi32> -> vector<2x2048xi32>
    %broadcast_in_dim3A_67 = arith.constant 0 : i32
    %broadcast_in_dim3A_68 = vector.broadcast %broadcast_in_dim3A_67 : i32 to vector<2x18xi32>
    %slice3A_69 = vector.extract_strided_slice %get3A_1 {offsets = [0, 0], sizes = [2, 2030], strides = [1, 1]} : vector<2x2048xi32> to vector<2x2030xi32>
    %concatenate3A_70 = tpu.concatenate %broadcast_in_dim3A_68, %slice3A_69 in 1 : vector<2x18xi32>, vector<2x2030xi32> -> vector<2x2048xi32>
    %broadcast_in_dim3A_71 = arith.constant 0 : i32
    %broadcast_in_dim3A_72 = vector.broadcast %broadcast_in_dim3A_71 : i32 to vector<2x19xi32>
    %slice3A_73 = vector.extract_strided_slice %get3A_1 {offsets = [0, 0], sizes = [2, 2029], strides = [1, 1]} : vector<2x2048xi32> to vector<2x2029xi32>
    %concatenate3A_74 = tpu.concatenate %broadcast_in_dim3A_72, %slice3A_73 in 1 : vector<2x19xi32>, vector<2x2029xi32> -> vector<2x2048xi32>
    %broadcast_in_dim3A_75 = arith.constant 0 : i32
    %broadcast_in_dim3A_76 = vector.broadcast %broadcast_in_dim3A_75 : i32 to vector<2x20xi32>
    %slice3A_77 = vector.extract_strided_slice %get3A_1 {offsets = [0, 0], sizes = [2, 2028], strides = [1, 1]} : vector<2x2048xi32> to vector<2x2028xi32>
    %concatenate3A_78 = tpu.concatenate %broadcast_in_dim3A_76, %slice3A_77 in 1 : vector<2x20xi32>, vector<2x2028xi32> -> vector<2x2048xi32>
    %broadcast_in_dim3A_79 = arith.constant 0 : i32
    %broadcast_in_dim3A_80 = vector.broadcast %broadcast_in_dim3A_79 : i32 to vector<2x21xi32>
    %slice3A_81 = vector.extract_strided_slice %get3A_1 {offsets = [0, 0], sizes = [2, 2027], strides = [1, 1]} : vector<2x2048xi32> to vector<2x2027xi32>
    %concatenate3A_82 = tpu.concatenate %broadcast_in_dim3A_80, %slice3A_81 in 1 : vector<2x21xi32>, vector<2x2027xi32> -> vector<2x2048xi32>
    %broadcast_in_dim3A_83 = arith.constant 0 : i32
    %broadcast_in_dim3A_84 = vector.broadcast %broadcast_in_dim3A_83 : i32 to vector<2x22xi32>
    %slice3A_85 = vector.extract_strided_slice %get3A_1 {offsets = [0, 0], sizes = [2, 2026], strides = [1, 1]} : vector<2x2048xi32> to vector<2x2026xi32>
    %concatenate3A_86 = tpu.concatenate %broadcast_in_dim3A_84, %slice3A_85 in 1 : vector<2x22xi32>, vector<2x2026xi32> -> vector<2x2048xi32>
    %broadcast_in_dim3A_87 = arith.constant 0 : i32
    %broadcast_in_dim3A_88 = vector.broadcast %broadcast_in_dim3A_87 : i32 to vector<2x23xi32>
    %slice3A_89 = vector.extract_strided_slice %get3A_1 {offsets = [0, 0], sizes = [2, 2025], strides = [1, 1]} : vector<2x2048xi32> to vector<2x2025xi32>
    %concatenate3A_90 = tpu.concatenate %broadcast_in_dim3A_88, %slice3A_89 in 1 : vector<2x23xi32>, vector<2x2025xi32> -> vector<2x2048xi32>
    %broadcast_in_dim3A_91 = arith.constant 0 : i32
    %broadcast_in_dim3A_92 = vector.broadcast %broadcast_in_dim3A_91 : i32 to vector<2x24xi32>
    %slice3A_93 = vector.extract_strided_slice %get3A_1 {offsets = [0, 0], sizes = [2, 2024], strides = [1, 1]} : vector<2x2048xi32> to vector<2x2024xi32>
    %concatenate3A_94 = tpu.concatenate %broadcast_in_dim3A_92, %slice3A_93 in 1 : vector<2x24xi32>, vector<2x2024xi32> -> vector<2x2048xi32>
    %broadcast_in_dim3A_95 = arith.constant 0 : i32
    %broadcast_in_dim3A_96 = vector.broadcast %broadcast_in_dim3A_95 : i32 to vector<2x25xi32>
    %slice3A_97 = vector.extract_strided_slice %get3A_1 {offsets = [0, 0], sizes = [2, 2023], strides = [1, 1]} : vector<2x2048xi32> to vector<2x2023xi32>
    %concatenate3A_98 = tpu.concatenate %broadcast_in_dim3A_96, %slice3A_97 in 1 : vector<2x25xi32>, vector<2x2023xi32> -> vector<2x2048xi32>
    %broadcast_in_dim3A_99 = arith.constant 0 : i32
    %broadcast_in_dim3A_100 = vector.broadcast %broadcast_in_dim3A_99 : i32 to vector<2x26xi32>
    %slice3A_101 = vector.extract_strided_slice %get3A_1 {offsets = [0, 0], sizes = [2, 2022], strides = [1, 1]} : vector<2x2048xi32> to vector<2x2022xi32>
    %concatenate3A_102 = tpu.concatenate %broadcast_in_dim3A_100, %slice3A_101 in 1 : vector<2x26xi32>, vector<2x2022xi32> -> vector<2x2048xi32>
    %broadcast_in_dim3A_103 = arith.constant 0 : i32
    %broadcast_in_dim3A_104 = vector.broadcast %broadcast_in_dim3A_103 : i32 to vector<2x27xi32>
    %slice3A_105 = vector.extract_strided_slice %get3A_1 {offsets = [0, 0], sizes = [2, 2021], strides = [1, 1]} : vector<2x2048xi32> to vector<2x2021xi32>
    %concatenate3A_106 = tpu.concatenate %broadcast_in_dim3A_104, %slice3A_105 in 1 : vector<2x27xi32>, vector<2x2021xi32> -> vector<2x2048xi32>
    %broadcast_in_dim3A_107 = arith.constant 0 : i32
    %broadcast_in_dim3A_108 = vector.broadcast %broadcast_in_dim3A_107 : i32 to vector<2x28xi32>
    %slice3A_109 = vector.extract_strided_slice %get3A_1 {offsets = [0, 0], sizes = [2, 2020], strides = [1, 1]} : vector<2x2048xi32> to vector<2x2020xi32>
    %concatenate3A_110 = tpu.concatenate %broadcast_in_dim3A_108, %slice3A_109 in 1 : vector<2x28xi32>, vector<2x2020xi32> -> vector<2x2048xi32>
    %broadcast_in_dim3A_111 = arith.constant 0 : i32
    %broadcast_in_dim3A_112 = vector.broadcast %broadcast_in_dim3A_111 : i32 to vector<2x29xi32>
    %slice3A_113 = vector.extract_strided_slice %get3A_1 {offsets = [0, 0], sizes = [2, 2019], strides = [1, 1]} : vector<2x2048xi32> to vector<2x2019xi32>
    %concatenate3A_114 = tpu.concatenate %broadcast_in_dim3A_112, %slice3A_113 in 1 : vector<2x29xi32>, vector<2x2019xi32> -> vector<2x2048xi32>
    %broadcast_in_dim3A_115 = arith.constant 0 : i32
    %broadcast_in_dim3A_116 = vector.broadcast %broadcast_in_dim3A_115 : i32 to vector<2x30xi32>
    %slice3A_117 = vector.extract_strided_slice %get3A_1 {offsets = [0, 0], sizes = [2, 2018], strides = [1, 1]} : vector<2x2048xi32> to vector<2x2018xi32>
    %concatenate3A_118 = tpu.concatenate %broadcast_in_dim3A_116, %slice3A_117 in 1 : vector<2x30xi32>, vector<2x2018xi32> -> vector<2x2048xi32>
    %broadcast_in_dim3A_119 = arith.constant 0 : i32
    %broadcast_in_dim3A_120 = vector.broadcast %broadcast_in_dim3A_119 : i32 to vector<2x31xi32>
    %slice3A_121 = vector.extract_strided_slice %get3A_1 {offsets = [0, 0], sizes = [2, 2017], strides = [1, 1]} : vector<2x2048xi32> to vector<2x2017xi32>
    %concatenate3A_122 = tpu.concatenate %broadcast_in_dim3A_120, %slice3A_121 in 1 : vector<2x31xi32>, vector<2x2017xi32> -> vector<2x2048xi32>
    %iota3A = tpu.iota {dimensions = array<i32: 0>} : vector<2x2048xi32>
    %iota3A_123 = tpu.iota {dimensions = array<i32: 1>} : vector<2x2048xi32>
    %mul3A = arith.constant 2048 : i32
    %mul3A_124 = vector.broadcast %mul3A : i32 to vector<2x2048xi32>
    %mul3A_125 = arith.muli %iota3A, %mul3A_124 : vector<2x2048xi32>
    %add3A = arith.addi %mul3A_125, %iota3A_123 : vector<2x2048xi32>
    %shift_right_arithmetic3A = arith.constant 3 : i32
    %shift_right_arithmetic3A_126 = vector.broadcast %shift_right_arithmetic3A : i32 to vector<2x2048xi32>
    %shift_right_arithmetic3A_127 = arith.shrsi %add3A, %shift_right_arithmetic3A_126 : vector<2x2048xi32>
    %mul3A_128 = arith.constant 65536 : i32
    %mul3A_129 = vector.broadcast %mul3A_128 : i32 to vector<2x2048xi32>
    %mul3A_130 = arith.muli %shift_right_arithmetic3A_127, %mul3A_129 : vector<2x2048xi32>
    %and3A = arith.constant 7 : i32
    %and3A_131 = vector.broadcast %and3A : i32 to vector<2x2048xi32>
    %and3A_132 = arith.andi %add3A, %and3A_131 : vector<2x2048xi32>
    %mul3A_133 = arith.constant 128 : i32
    %mul3A_134 = vector.broadcast %mul3A_133 : i32 to vector<2x2048xi32>
    %mul3A_135 = arith.muli %and3A_132, %mul3A_134 : vector<2x2048xi32>
    %add3A_136 = arith.addi %mul3A_130, %mul3A_135 : vector<2x2048xi32>
    %lt3A = arith.constant 0 : i32
    %lt3A_137 = vector.broadcast %lt3A : i32 to vector<2x2048xi32>
    %lt3A_138 = arith.cmpi slt, %get3A_1, %lt3A_137 : vector<2x2048xi32>
    %jit3A = arith.constant 0 : i32
    %broadcast_in_dim3A_139 = vector.broadcast %jit3A : i32 to vector<2x2048xi32>
    %select_n3A = arith.select %lt3A_138, %broadcast_in_dim3A_139, %get3A_1 : vector<2x2048xi1>, vector<2x2048xi32>
    %shift_right_arithmetic3A_140 = arith.constant 7 : i32
    %shift_right_arithmetic3A_141 = vector.broadcast %shift_right_arithmetic3A_140 : i32 to vector<2x2048xi32>
    %shift_right_arithmetic3A_142 = arith.shrsi %select_n3A, %shift_right_arithmetic3A_141 : vector<2x2048xi32>
    %shift_left3A = arith.constant 10 : i32
    %shift_left3A_143 = vector.broadcast %shift_left3A : i32 to vector<2x2048xi32>
    %shift_left3A_144 = arith.shli %shift_right_arithmetic3A_142, %shift_left3A_143 : vector<2x2048xi32>
    %add3A_145 = arith.addi %add3A_136, %shift_left3A_144 : vector<2x2048xi32>
    %and3A_146 = arith.constant 127 : i32
    %and3A_147 = vector.broadcast %and3A_146 : i32 to vector<2x2048xi32>
    %and3A_148 = arith.andi %select_n3A, %and3A_147 : vector<2x2048xi32>
    %add3A_149 = arith.addi %add3A_145, %and3A_148 : vector<2x2048xi32>
    %swap3A = arith.constant 0 : index
    %swap3A_150 = arith.constant 0 : index
    %swap3A_151 = arith.constant 0 : index
    %swap3A_152 = vector.load %arg1[%swap3A, %swap3A_150, %swap3A_151] : memref<32x2x2048xi32, #tpu.memory_space<vmem>>, vector<1x2x2048xi32>
    %swap3A_153 = vector.shape_cast %swap3A_152 : vector<1x2x2048xi32> to vector<2x2048xi32>
    %swap3A_154 = vector.shape_cast %add3A_149 : vector<2x2048xi32> to vector<1x2x2048xi32>
    tpu.vector_store %arg1[%swap3A, %swap3A_150, %swap3A_151], %swap3A_154 {strides = array<i32>} : memref<32x2x2048xi32, #tpu.memory_space<vmem>>, vector<1x2x2048xi32>,
    %lt3A_155 = arith.constant 0 : i32
    %lt3A_156 = vector.broadcast %lt3A_155 : i32 to vector<2x2048xi32>
    %lt3A_157 = arith.cmpi slt, %concatenate3A, %lt3A_156 : vector<2x2048xi32>
    %jit3A_158 = arith.constant 0 : i32
    %broadcast_in_dim3A_159 = vector.broadcast %jit3A_158 : i32 to vector<2x2048xi32>
    %select_n3A_160 = arith.select %lt3A_157, %broadcast_in_dim3A_159, %concatenate3A : vector<2x2048xi1>, vector<2x2048xi32>
    %shift_right_arithmetic3A_161 = arith.constant 7 : i32
    %shift_right_arithmetic3A_162 = vector.broadcast %shift_right_arithmetic3A_161 : i32 to vector<2x2048xi32>
    %shift_right_arithmetic3A_163 = arith.shrsi %select_n3A_160, %shift_right_arithmetic3A_162 : vector<2x2048xi32>
    %shift_left3A_164 = arith.constant 10 : i32
    %shift_left3A_165 = vector.broadcast %shift_left3A_164 : i32 to vector<2x2048xi32>
    %shift_left3A_166 = arith.shli %shift_right_arithmetic3A_163, %shift_left3A_165 : vector<2x2048xi32>
    %add3A_167 = arith.addi %add3A_136, %shift_left3A_166 : vector<2x2048xi32>
    %and3A_168 = arith.constant 127 : i32
    %and3A_169 = vector.broadcast %and3A_168 : i32 to vector<2x2048xi32>
    %and3A_170 = arith.andi %select_n3A_160, %and3A_169 : vector<2x2048xi32>
    %add3A_171 = arith.addi %add3A_167, %and3A_170 : vector<2x2048xi32>
    %swap3A_172 = arith.constant 1 : index
    %swap3A_173 = arith.constant 0 : index
    %swap3A_174 = arith.constant 0 : index
    %swap3A_175 = vector.load %arg1[%swap3A_172, %swap3A_173, %swap3A_174] : memref<32x2x2048xi32, #tpu.memory_space<vmem>>, vector<1x2x2048xi32>
    %swap3A_176 = vector.shape_cast %swap3A_175 : vector<1x2x2048xi32> to vector<2x2048xi32>
    %swap3A_177 = vector.shape_cast %add3A_171 : vector<2x2048xi32> to vector<1x2x2048xi32>
    tpu.vector_store %arg1[%swap3A_172, %swap3A_173, %swap3A_174], %swap3A_177 {strides = array<i32>} : memref<32x2x2048xi32, #tpu.memory_space<vmem>>, vector<1x2x2048xi32>,
    %lt3A_178 = arith.constant 0 : i32
    %lt3A_179 = vector.broadcast %lt3A_178 : i32 to vector<2x2048xi32>
    %lt3A_180 = arith.cmpi slt, %concatenate3A_6, %lt3A_179 : vector<2x2048xi32>
    %jit3A_181 = arith.constant 0 : i32
    %broadcast_in_dim3A_182 = vector.broadcast %jit3A_181 : i32 to vector<2x2048xi32>
    %select_n3A_183 = arith.select %lt3A_180, %broadcast_in_dim3A_182, %concatenate3A_6 : vector<2x2048xi1>, vector<2x2048xi32>
    %shift_right_arithmetic3A_184 = arith.constant 7 : i32
    %shift_right_arithmetic3A_185 = vector.broadcast %shift_right_arithmetic3A_184 : i32 to vector<2x2048xi32>
    %shift_right_arithmetic3A_186 = arith.shrsi %select_n3A_183, %shift_right_arithmetic3A_185 : vector<2x2048xi32>
    %shift_left3A_187 = arith.constant 10 : i32
    %shift_left3A_188 = vector.broadcast %shift_left3A_187 : i32 to vector<2x2048xi32>
    %shift_left3A_189 = arith.shli %shift_right_arithmetic3A_186, %shift_left3A_188 : vector<2x2048xi32>
    %add3A_190 = arith.addi %add3A_136, %shift_left3A_189 : vector<2x2048xi32>
    %and3A_191 = arith.constant 127 : i32
    %and3A_192 = vector.broadcast %and3A_191 : i32 to vector<2x2048xi32>
    %and3A_193 = arith.andi %select_n3A_183, %and3A_192 : vector<2x2048xi32>
    %add3A_194 = arith.addi %add3A_190, %and3A_193 : vector<2x2048xi32>
    %swap3A_195 = arith.constant 2 : index
    %swap3A_196 = arith.constant 0 : index
    %swap3A_197 = arith.constant 0 : index
    %swap3A_198 = vector.load %arg1[%swap3A_195, %swap3A_196, %swap3A_197] : memref<32x2x2048xi32, #tpu.memory_space<vmem>>, vector<1x2x2048xi32>
    %swap3A_199 = vector.shape_cast %swap3A_198 : vector<1x2x2048xi32> to vector<2x2048xi32>
    %swap3A_200 = vector.shape_cast %add3A_194 : vector<2x2048xi32> to vector<1x2x2048xi32>
    tpu.vector_store %arg1[%swap3A_195, %swap3A_196, %swap3A_197], %swap3A_200 {strides = array<i32>} : memref<32x2x2048xi32, #tpu.memory_space<vmem>>, vector<1x2x2048xi32>,
    %lt3A_201 = arith.constant 0 : i32
    %lt3A_202 = vector.broadcast %lt3A_201 : i32 to vector<2x2048xi32>
    %lt3A_203 = arith.cmpi slt, %concatenate3A_10, %lt3A_202 : vector<2x2048xi32>
    %jit3A_204 = arith.constant 0 : i32
    %broadcast_in_dim3A_205 = vector.broadcast %jit3A_204 : i32 to vector<2x2048xi32>
    %select_n3A_206 = arith.select %lt3A_203, %broadcast_in_dim3A_205, %concatenate3A_10 : vector<2x2048xi1>, vector<2x2048xi32>
    %shift_right_arithmetic3A_207 = arith.constant 7 : i32
    %shift_right_arithmetic3A_208 = vector.broadcast %shift_right_arithmetic3A_207 : i32 to vector<2x2048xi32>
    %shift_right_arithmetic3A_209 = arith.shrsi %select_n3A_206, %shift_right_arithmetic3A_208 : vector<2x2048xi32>
    %shift_left3A_210 = arith.constant 10 : i32
    %shift_left3A_211 = vector.broadcast %shift_left3A_210 : i32 to vector<2x2048xi32>
    %shift_left3A_212 = arith.shli %shift_right_arithmetic3A_209, %shift_left3A_211 : vector<2x2048xi32>
    %add3A_213 = arith.addi %add3A_136, %shift_left3A_212 : vector<2x2048xi32>
    %and3A_214 = arith.constant 127 : i32
    %and3A_215 = vector.broadcast %and3A_214 : i32 to vector<2x2048xi32>
    %and3A_216 = arith.andi %select_n3A_206, %and3A_215 : vector<2x2048xi32>
    %add3A_217 = arith.addi %add3A_213, %and3A_216 : vector<2x2048xi32>
    %swap3A_218 = arith.constant 3 : index
    %swap3A_219 = arith.constant 0 : index
    %swap3A_220 = arith.constant 0 : index
    %swap3A_221 = vector.load %arg1[%swap3A_218, %swap3A_219, %swap3A_220] : memref<32x2x2048xi32, #tpu.memory_space<vmem>>, vector<1x2x2048xi32>
    %swap3A_222 = vector.shape_cast %swap3A_221 : vector<1x2x2048xi32> to vector<2x2048xi32>
    %swap3A_223 = vector.shape_cast %add3A_217 : vector<2x2048xi32> to vector<1x2x2048xi32>
    tpu.vector_store %arg1[%swap3A_218, %swap3A_219, %swap3A_220], %swap3A_223 {strides = array<i32>} : memref<32x2x2048xi32, #tpu.memory_space<vmem>>, vector<1x2x2048xi32>,
    %lt3A_224 = arith.constant 0 : i32
    %lt3A_225 = vector.broadcast %lt3A_224 : i32 to vector<2x2048xi32>
    %lt3A_226 = arith.cmpi slt, %concatenate3A_14, %lt3A_225 : vector<2x2048xi32>
    %jit3A_227 = arith.constant 0 : i32
    %broadcast_in_dim3A_228 = vector.broadcast %jit3A_227 : i32 to vector<2x2048xi32>
    %select_n3A_229 = arith.select %lt3A_226, %broadcast_in_dim3A_228, %concatenate3A_14 : vector<2x2048xi1>, vector<2x2048xi32>
    %shift_right_arithmetic3A_230 = arith.constant 7 : i32
    %shift_right_arithmetic3A_231 = vector.broadcast %shift_right_arithmetic3A_230 : i32 to vector<2x2048xi32>
    %shift_right_arithmetic3A_232 = arith.shrsi %select_n3A_229, %shift_right_arithmetic3A_231 : vector<2x2048xi32>
    %shift_left3A_233 = arith.constant 10 : i32
    %shift_left3A_234 = vector.broadcast %shift_left3A_233 : i32 to vector<2x2048xi32>
    %shift_left3A_235 = arith.shli %shift_right_arithmetic3A_232, %shift_left3A_234 : vector<2x2048xi32>
    %add3A_236 = arith.addi %add3A_136, %shift_left3A_235 : vector<2x2048xi32>
    %and3A_237 = arith.constant 127 : i32
    %and3A_238 = vector.broadcast %and3A_237 : i32 to vector<2x2048xi32>
    %and3A_239 = arith.andi %select_n3A_229, %and3A_238 : vector<2x2048xi32>
    %add3A_240 = arith.addi %add3A_236, %and3A_239 : vector<2x2048xi32>
    %swap3A_241 = arith.constant 4 : index
    %swap3A_242 = arith.constant 0 : index
    %swap3A_243 = arith.constant 0 : index
    %swap3A_244 = vector.load %arg1[%swap3A_241, %swap3A_242, %swap3A_243] : memref<32x2x2048xi32, #tpu.memory_space<vmem>>, vector<1x2x2048xi32>
    %swap3A_245 = vector.shape_cast %swap3A_244 : vector<1x2x2048xi32> to vector<2x2048xi32>
    %swap3A_246 = vector.shape_cast %add3A_240 : vector<2x2048xi32> to vector<1x2x2048xi32>
    tpu.vector_store %arg1[%swap3A_241, %swap3A_242, %swap3A_243], %swap3A_246 {strides = array<i32>} : memref<32x2x2048xi32, #tpu.memory_space<vmem>>, vector<1x2x2048xi32>,
    %lt3A_247 = arith.constant 0 : i32
    %lt3A_248 = vector.broadcast %lt3A_247 : i32 to vector<2x2048xi32>
    %lt3A_249 = arith.cmpi slt, %concatenate3A_18, %lt3A_248 : vector<2x2048xi32>
    %jit3A_250 = arith.constant 0 : i32
    %broadcast_in_dim3A_251 = vector.broadcast %jit3A_250 : i32 to vector<2x2048xi32>
    %select_n3A_252 = arith.select %lt3A_249, %broadcast_in_dim3A_251, %concatenate3A_18 : vector<2x2048xi1>, vector<2x2048xi32>
    %shift_right_arithmetic3A_253 = arith.constant 7 : i32
    %shift_right_arithmetic3A_254 = vector.broadcast %shift_right_arithmetic3A_253 : i32 to vector<2x2048xi32>
    %shift_right_arithmetic3A_255 = arith.shrsi %select_n3A_252, %shift_right_arithmetic3A_254 : vector<2x2048xi32>
    %shift_left3A_256 = arith.constant 10 : i32
    %shift_left3A_257 = vector.broadcast %shift_left3A_256 : i32 to vector<2x2048xi32>
    %shift_left3A_258 = arith.shli %shift_right_arithmetic3A_255, %shift_left3A_257 : vector<2x2048xi32>
    %add3A_259 = arith.addi %add3A_136, %shift_left3A_258 : vector<2x2048xi32>
    %and3A_260 = arith.constant 127 : i32
    %and3A_261 = vector.broadcast %and3A_260 : i32 to vector<2x2048xi32>
    %and3A_262 = arith.andi %select_n3A_252, %and3A_261 : vector<2x2048xi32>
    %add3A_263 = arith.addi %add3A_259, %and3A_262 : vector<2x2048xi32>
    %swap3A_264 = arith.constant 5 : index
    %swap3A_265 = arith.constant 0 : index
    %swap3A_266 = arith.constant 0 : index
    %swap3A_267 = vector.load %arg1[%swap3A_264, %swap3A_265, %swap3A_266] : memref<32x2x2048xi32, #tpu.memory_space<vmem>>, vector<1x2x2048xi32>
    %swap3A_268 = vector.shape_cast %swap3A_267 : vector<1x2x2048xi32> to vector<2x2048xi32>
    %swap3A_269 = vector.shape_cast %add3A_263 : vector<2x2048xi32> to vector<1x2x2048xi32>
    tpu.vector_store %arg1[%swap3A_264, %swap3A_265, %swap3A_266], %swap3A_269 {strides = array<i32>} : memref<32x2x2048xi32, #tpu.memory_space<vmem>>, vector<1x2x2048xi32>,
    %lt3A_270 = arith.constant 0 : i32
    %lt3A_271 = vector.broadcast %lt3A_270 : i32 to vector<2x2048xi32>
    %lt3A_272 = arith.cmpi slt, %concatenate3A_22, %lt3A_271 : vector<2x2048xi32>
    %jit3A_273 = arith.constant 0 : i32
    %broadcast_in_dim3A_274 = vector.broadcast %jit3A_273 : i32 to vector<2x2048xi32>
    %select_n3A_275 = arith.select %lt3A_272, %broadcast_in_dim3A_274, %concatenate3A_22 : vector<2x2048xi1>, vector<2x2048xi32>
    %shift_right_arithmetic3A_276 = arith.constant 7 : i32
    %shift_right_arithmetic3A_277 = vector.broadcast %shift_right_arithmetic3A_276 : i32 to vector<2x2048xi32>
    %shift_right_arithmetic3A_278 = arith.shrsi %select_n3A_275, %shift_right_arithmetic3A_277 : vector<2x2048xi32>
    %shift_left3A_279 = arith.constant 10 : i32
    %shift_left3A_280 = vector.broadcast %shift_left3A_279 : i32 to vector<2x2048xi32>
    %shift_left3A_281 = arith.shli %shift_right_arithmetic3A_278, %shift_left3A_280 : vector<2x2048xi32>
    %add3A_282 = arith.addi %add3A_136, %shift_left3A_281 : vector<2x2048xi32>
    %and3A_283 = arith.constant 127 : i32
    %and3A_284 = vector.broadcast %and3A_283 : i32 to vector<2x2048xi32>
    %and3A_285 = arith.andi %select_n3A_275, %and3A_284 : vector<2x2048xi32>
    %add3A_286 = arith.addi %add3A_282, %and3A_285 : vector<2x2048xi32>
    %swap3A_287 = arith.constant 6 : index
    %swap3A_288 = arith.constant 0 : index
    %swap3A_289 = arith.constant 0 : index
    %swap3A_290 = vector.load %arg1[%swap3A_287, %swap3A_288, %swap3A_289] : memref<32x2x2048xi32, #tpu.memory_space<vmem>>, vector<1x2x2048xi32>
    %swap3A_291 = vector.shape_cast %swap3A_290 : vector<1x2x2048xi32> to vector<2x2048xi32>
    %swap3A_292 = vector.shape_cast %add3A_286 : vector<2x2048xi32> to vector<1x2x2048xi32>
    tpu.vector_store %arg1[%swap3A_287, %swap3A_288, %swap3A_289], %swap3A_292 {strides = array<i32>} : memref<32x2x2048xi32, #tpu.memory_space<vmem>>, vector<1x2x2048xi32>,
    %lt3A_293 = arith.constant 0 : i32
    %lt3A_294 = vector.broadcast %lt3A_293 : i32 to vector<2x2048xi32>
    %lt3A_295 = arith.cmpi slt, %concatenate3A_26, %lt3A_294 : vector<2x2048xi32>
    %jit3A_296 = arith.constant 0 : i32
    %broadcast_in_dim3A_297 = vector.broadcast %jit3A_296 : i32 to vector<2x2048xi32>
    %select_n3A_298 = arith.select %lt3A_295, %broadcast_in_dim3A_297, %concatenate3A_26 : vector<2x2048xi1>, vector<2x2048xi32>
    %shift_right_arithmetic3A_299 = arith.constant 7 : i32
    %shift_right_arithmetic3A_300 = vector.broadcast %shift_right_arithmetic3A_299 : i32 to vector<2x2048xi32>
    %shift_right_arithmetic3A_301 = arith.shrsi %select_n3A_298, %shift_right_arithmetic3A_300 : vector<2x2048xi32>
    %shift_left3A_302 = arith.constant 10 : i32
    %shift_left3A_303 = vector.broadcast %shift_left3A_302 : i32 to vector<2x2048xi32>
    %shift_left3A_304 = arith.shli %shift_right_arithmetic3A_301, %shift_left3A_303 : vector<2x2048xi32>
    %add3A_305 = arith.addi %add3A_136, %shift_left3A_304 : vector<2x2048xi32>
    %and3A_306 = arith.constant 127 : i32
    %and3A_307 = vector.broadcast %and3A_306 : i32 to vector<2x2048xi32>
    %and3A_308 = arith.andi %select_n3A_298, %and3A_307 : vector<2x2048xi32>
    %add3A_309 = arith.addi %add3A_305, %and3A_308 : vector<2x2048xi32>
    %swap3A_310 = arith.constant 7 : index
    %swap3A_311 = arith.constant 0 : index
    %swap3A_312 = arith.constant 0 : index
    %swap3A_313 = vector.load %arg1[%swap3A_310, %swap3A_311, %swap3A_312] : memref<32x2x2048xi32, #tpu.memory_space<vmem>>, vector<1x2x2048xi32>
    %swap3A_314 = vector.shape_cast %swap3A_313 : vector<1x2x2048xi32> to vector<2x2048xi32>
    %swap3A_315 = vector.shape_cast %add3A_309 : vector<2x2048xi32> to vector<1x2x2048xi32>
    tpu.vector_store %arg1[%swap3A_310, %swap3A_311, %swap3A_312], %swap3A_315 {strides = array<i32>} : memref<32x2x2048xi32, #tpu.memory_space<vmem>>, vector<1x2x2048xi32>,
    %lt3A_316 = arith.constant 0 : i32
    %lt3A_317 = vector.broadcast %lt3A_316 : i32 to vector<2x2048xi32>
    %lt3A_318 = arith.cmpi slt, %concatenate3A_30, %lt3A_317 : vector<2x2048xi32>
    %jit3A_319 = arith.constant 0 : i32
    %broadcast_in_dim3A_320 = vector.broadcast %jit3A_319 : i32 to vector<2x2048xi32>
    %select_n3A_321 = arith.select %lt3A_318, %broadcast_in_dim3A_320, %concatenate3A_30 : vector<2x2048xi1>, vector<2x2048xi32>
    %shift_right_arithmetic3A_322 = arith.constant 7 : i32
    %shift_right_arithmetic3A_323 = vector.broadcast %shift_right_arithmetic3A_322 : i32 to vector<2x2048xi32>
    %shift_right_arithmetic3A_324 = arith.shrsi %select_n3A_321, %shift_right_arithmetic3A_323 : vector<2x2048xi32>
    %shift_left3A_325 = arith.constant 10 : i32
    %shift_left3A_326 = vector.broadcast %shift_left3A_325 : i32 to vector<2x2048xi32>
    %shift_left3A_327 = arith.shli %shift_right_arithmetic3A_324, %shift_left3A_326 : vector<2x2048xi32>
    %add3A_328 = arith.addi %add3A_136, %shift_left3A_327 : vector<2x2048xi32>
    %and3A_329 = arith.constant 127 : i32
    %and3A_330 = vector.broadcast %and3A_329 : i32 to vector<2x2048xi32>
    %and3A_331 = arith.andi %select_n3A_321, %and3A_330 : vector<2x2048xi32>
    %add3A_332 = arith.addi %add3A_328, %and3A_331 : vector<2x2048xi32>
    %swap3A_333 = arith.constant 8 : index
    %swap3A_334 = arith.constant 0 : index
    %swap3A_335 = arith.constant 0 : index
    %swap3A_336 = vector.load %arg1[%swap3A_333, %swap3A_334, %swap3A_335] : memref<32x2x2048xi32, #tpu.memory_space<vmem>>, vector<1x2x2048xi32>
    %swap3A_337 = vector.shape_cast %swap3A_336 : vector<1x2x2048xi32> to vector<2x2048xi32>
    %swap3A_338 = vector.shape_cast %add3A_332 : vector<2x2048xi32> to vector<1x2x2048xi32>
    tpu.vector_store %arg1[%swap3A_333, %swap3A_334, %swap3A_335], %swap3A_338 {strides = array<i32>} : memref<32x2x2048xi32, #tpu.memory_space<vmem>>, vector<1x2x2048xi32>,
    %lt3A_339 = arith.constant 0 : i32
    %lt3A_340 = vector.broadcast %lt3A_339 : i32 to vector<2x2048xi32>
    %lt3A_341 = arith.cmpi slt, %concatenate3A_34, %lt3A_340 : vector<2x2048xi32>
    %jit3A_342 = arith.constant 0 : i32
    %broadcast_in_dim3A_343 = vector.broadcast %jit3A_342 : i32 to vector<2x2048xi32>
    %select_n3A_344 = arith.select %lt3A_341, %broadcast_in_dim3A_343, %concatenate3A_34 : vector<2x2048xi1>, vector<2x2048xi32>
    %shift_right_arithmetic3A_345 = arith.constant 7 : i32
    %shift_right_arithmetic3A_346 = vector.broadcast %shift_right_arithmetic3A_345 : i32 to vector<2x2048xi32>
    %shift_right_arithmetic3A_347 = arith.shrsi %select_n3A_344, %shift_right_arithmetic3A_346 : vector<2x2048xi32>
    %shift_left3A_348 = arith.constant 10 : i32
    %shift_left3A_349 = vector.broadcast %shift_left3A_348 : i32 to vector<2x2048xi32>
    %shift_left3A_350 = arith.shli %shift_right_arithmetic3A_347, %shift_left3A_349 : vector<2x2048xi32>
    %add3A_351 = arith.addi %add3A_136, %shift_left3A_350 : vector<2x2048xi32>
    %and3A_352 = arith.constant 127 : i32
    %and3A_353 = vector.broadcast %and3A_352 : i32 to vector<2x2048xi32>
    %and3A_354 = arith.andi %select_n3A_344, %and3A_353 : vector<2x2048xi32>
    %add3A_355 = arith.addi %add3A_351, %and3A_354 : vector<2x2048xi32>
    %swap3A_356 = arith.constant 9 : index
    %swap3A_357 = arith.constant 0 : index
    %swap3A_358 = arith.constant 0 : index
    %swap3A_359 = vector.load %arg1[%swap3A_356, %swap3A_357, %swap3A_358] : memref<32x2x2048xi32, #tpu.memory_space<vmem>>, vector<1x2x2048xi32>
    %swap3A_360 = vector.shape_cast %swap3A_359 : vector<1x2x2048xi32> to vector<2x2048xi32>
    %swap3A_361 = vector.shape_cast %add3A_355 : vector<2x2048xi32> to vector<1x2x2048xi32>
    tpu.vector_store %arg1[%swap3A_356, %swap3A_357, %swap3A_358], %swap3A_361 {strides = array<i32>} : memref<32x2x2048xi32, #tpu.memory_space<vmem>>, vector<1x2x2048xi32>,
    %lt3A_362 = arith.constant 0 : i32
    %lt3A_363 = vector.broadcast %lt3A_362 : i32 to vector<2x2048xi32>
    %lt3A_364 = arith.cmpi slt, %concatenate3A_38, %lt3A_363 : vector<2x2048xi32>
    %jit3A_365 = arith.constant 0 : i32
    %broadcast_in_dim3A_366 = vector.broadcast %jit3A_365 : i32 to vector<2x2048xi32>
    %select_n3A_367 = arith.select %lt3A_364, %broadcast_in_dim3A_366, %concatenate3A_38 : vector<2x2048xi1>, vector<2x2048xi32>
    %shift_right_arithmetic3A_368 = arith.constant 7 : i32
    %shift_right_arithmetic3A_369 = vector.broadcast %shift_right_arithmetic3A_368 : i32 to vector<2x2048xi32>
    %shift_right_arithmetic3A_370 = arith.shrsi %select_n3A_367, %shift_right_arithmetic3A_369 : vector<2x2048xi32>
    %shift_left3A_371 = arith.constant 10 : i32
    %shift_left3A_372 = vector.broadcast %shift_left3A_371 : i32 to vector<2x2048xi32>
    %shift_left3A_373 = arith.shli %shift_right_arithmetic3A_370, %shift_left3A_372 : vector<2x2048xi32>
    %add3A_374 = arith.addi %add3A_136, %shift_left3A_373 : vector<2x2048xi32>
    %and3A_375 = arith.constant 127 : i32
    %and3A_376 = vector.broadcast %and3A_375 : i32 to vector<2x2048xi32>
    %and3A_377 = arith.andi %select_n3A_367, %and3A_376 : vector<2x2048xi32>
    %add3A_378 = arith.addi %add3A_374, %and3A_377 : vector<2x2048xi32>
    %swap3A_379 = arith.constant 10 : index
    %swap3A_380 = arith.constant 0 : index
    %swap3A_381 = arith.constant 0 : index
    %swap3A_382 = vector.load %arg1[%swap3A_379, %swap3A_380, %swap3A_381] : memref<32x2x2048xi32, #tpu.memory_space<vmem>>, vector<1x2x2048xi32>
    %swap3A_383 = vector.shape_cast %swap3A_382 : vector<1x2x2048xi32> to vector<2x2048xi32>
    %swap3A_384 = vector.shape_cast %add3A_378 : vector<2x2048xi32> to vector<1x2x2048xi32>
    tpu.vector_store %arg1[%swap3A_379, %swap3A_380, %swap3A_381], %swap3A_384 {strides = array<i32>} : memref<32x2x2048xi32, #tpu.memory_space<vmem>>, vector<1x2x2048xi32>,
    %lt3A_385 = arith.constant 0 : i32
    %lt3A_386 = vector.broadcast %lt3A_385 : i32 to vector<2x2048xi32>
    %lt3A_387 = arith.cmpi slt, %concatenate3A_42, %lt3A_386 : vector<2x2048xi32>
    %jit3A_388 = arith.constant 0 : i32
    %broadcast_in_dim3A_389 = vector.broadcast %jit3A_388 : i32 to vector<2x2048xi32>
    %select_n3A_390 = arith.select %lt3A_387, %broadcast_in_dim3A_389, %concatenate3A_42 : vector<2x2048xi1>, vector<2x2048xi32>
    %shift_right_arithmetic3A_391 = arith.constant 7 : i32
    %shift_right_arithmetic3A_392 = vector.broadcast %shift_right_arithmetic3A_391 : i32 to vector<2x2048xi32>
    %shift_right_arithmetic3A_393 = arith.shrsi %select_n3A_390, %shift_right_arithmetic3A_392 : vector<2x2048xi32>
    %shift_left3A_394 = arith.constant 10 : i32
    %shift_left3A_395 = vector.broadcast %shift_left3A_394 : i32 to vector<2x2048xi32>
    %shift_left3A_396 = arith.shli %shift_right_arithmetic3A_393, %shift_left3A_395 : vector<2x2048xi32>
    %add3A_397 = arith.addi %add3A_136, %shift_left3A_396 : vector<2x2048xi32>
    %and3A_398 = arith.constant 127 : i32
    %and3A_399 = vector.broadcast %and3A_398 : i32 to vector<2x2048xi32>
    %and3A_400 = arith.andi %select_n3A_390, %and3A_399 : vector<2x2048xi32>
    %add3A_401 = arith.addi %add3A_397, %and3A_400 : vector<2x2048xi32>
    %swap3A_402 = arith.constant 11 : index
    %swap3A_403 = arith.constant 0 : index
    %swap3A_404 = arith.constant 0 : index
    %swap3A_405 = vector.load %arg1[%swap3A_402, %swap3A_403, %swap3A_404] : memref<32x2x2048xi32, #tpu.memory_space<vmem>>, vector<1x2x2048xi32>
    %swap3A_406 = vector.shape_cast %swap3A_405 : vector<1x2x2048xi32> to vector<2x2048xi32>
    %swap3A_407 = vector.shape_cast %add3A_401 : vector<2x2048xi32> to vector<1x2x2048xi32>
    tpu.vector_store %arg1[%swap3A_402, %swap3A_403, %swap3A_404], %swap3A_407 {strides = array<i32>} : memref<32x2x2048xi32, #tpu.memory_space<vmem>>, vector<1x2x2048xi32>,
    %lt3A_408 = arith.constant 0 : i32
    %lt3A_409 = vector.broadcast %lt3A_408 : i32 to vector<2x2048xi32>
    %lt3A_410 = arith.cmpi slt, %concatenate3A_46, %lt3A_409 : vector<2x2048xi32>
    %jit3A_411 = arith.constant 0 : i32
    %broadcast_in_dim3A_412 = vector.broadcast %jit3A_411 : i32 to vector<2x2048xi32>
    %select_n3A_413 = arith.select %lt3A_410, %broadcast_in_dim3A_412, %concatenate3A_46 : vector<2x2048xi1>, vector<2x2048xi32>
    %shift_right_arithmetic3A_414 = arith.constant 7 : i32
    %shift_right_arithmetic3A_415 = vector.broadcast %shift_right_arithmetic3A_414 : i32 to vector<2x2048xi32>
    %shift_right_arithmetic3A_416 = arith.shrsi %select_n3A_413, %shift_right_arithmetic3A_415 : vector<2x2048xi32>
    %shift_left3A_417 = arith.constant 10 : i32
    %shift_left3A_418 = vector.broadcast %shift_left3A_417 : i32 to vector<2x2048xi32>
    %shift_left3A_419 = arith.shli %shift_right_arithmetic3A_416, %shift_left3A_418 : vector<2x2048xi32>
    %add3A_420 = arith.addi %add3A_136, %shift_left3A_419 : vector<2x2048xi32>
    %and3A_421 = arith.constant 127 : i32
    %and3A_422 = vector.broadcast %and3A_421 : i32 to vector<2x2048xi32>
    %and3A_423 = arith.andi %select_n3A_413, %and3A_422 : vector<2x2048xi32>
    %add3A_424 = arith.addi %add3A_420, %and3A_423 : vector<2x2048xi32>
    %swap3A_425 = arith.constant 12 : index
    %swap3A_426 = arith.constant 0 : index
    %swap3A_427 = arith.constant 0 : index
    %swap3A_428 = vector.load %arg1[%swap3A_425, %swap3A_426, %swap3A_427] : memref<32x2x2048xi32, #tpu.memory_space<vmem>>, vector<1x2x2048xi32>
    %swap3A_429 = vector.shape_cast %swap3A_428 : vector<1x2x2048xi32> to vector<2x2048xi32>
    %swap3A_430 = vector.shape_cast %add3A_424 : vector<2x2048xi32> to vector<1x2x2048xi32>
    tpu.vector_store %arg1[%swap3A_425, %swap3A_426, %swap3A_427], %swap3A_430 {strides = array<i32>} : memref<32x2x2048xi32, #tpu.memory_space<vmem>>, vector<1x2x2048xi32>,
    %lt3A_431 = arith.constant 0 : i32
    %lt3A_432 = vector.broadcast %lt3A_431 : i32 to vector<2x2048xi32>
    %lt3A_433 = arith.cmpi slt, %concatenate3A_50, %lt3A_432 : vector<2x2048xi32>
    %jit3A_434 = arith.constant 0 : i32
    %broadcast_in_dim3A_435 = vector.broadcast %jit3A_434 : i32 to vector<2x2048xi32>
    %select_n3A_436 = arith.select %lt3A_433, %broadcast_in_dim3A_435, %concatenate3A_50 : vector<2x2048xi1>, vector<2x2048xi32>
    %shift_right_arithmetic3A_437 = arith.constant 7 : i32
    %shift_right_arithmetic3A_438 = vector.broadcast %shift_right_arithmetic3A_437 : i32 to vector<2x2048xi32>
    %shift_right_arithmetic3A_439 = arith.shrsi %select_n3A_436, %shift_right_arithmetic3A_438 : vector<2x2048xi32>
    %shift_left3A_440 = arith.constant 10 : i32
    %shift_left3A_441 = vector.broadcast %shift_left3A_440 : i32 to vector<2x2048xi32>
    %shift_left3A_442 = arith.shli %shift_right_arithmetic3A_439, %shift_left3A_441 : vector<2x2048xi32>
    %add3A_443 = arith.addi %add3A_136, %shift_left3A_442 : vector<2x2048xi32>
    %and3A_444 = arith.constant 127 : i32
    %and3A_445 = vector.broadcast %and3A_444 : i32 to vector<2x2048xi32>
    %and3A_446 = arith.andi %select_n3A_436, %and3A_445 : vector<2x2048xi32>
    %add3A_447 = arith.addi %add3A_443, %and3A_446 : vector<2x2048xi32>
    %swap3A_448 = arith.constant 13 : index
    %swap3A_449 = arith.constant 0 : index
    %swap3A_450 = arith.constant 0 : index
    %swap3A_451 = vector.load %arg1[%swap3A_448, %swap3A_449, %swap3A_450] : memref<32x2x2048xi32, #tpu.memory_space<vmem>>, vector<1x2x2048xi32>
    %swap3A_452 = vector.shape_cast %swap3A_451 : vector<1x2x2048xi32> to vector<2x2048xi32>
    %swap3A_453 = vector.shape_cast %add3A_447 : vector<2x2048xi32> to vector<1x2x2048xi32>
    tpu.vector_store %arg1[%swap3A_448, %swap3A_449, %swap3A_450], %swap3A_453 {strides = array<i32>} : memref<32x2x2048xi32, #tpu.memory_space<vmem>>, vector<1x2x2048xi32>,
    %lt3A_454 = arith.constant 0 : i32
    %lt3A_455 = vector.broadcast %lt3A_454 : i32 to vector<2x2048xi32>
    %lt3A_456 = arith.cmpi slt, %concatenate3A_54, %lt3A_455 : vector<2x2048xi32>
    %jit3A_457 = arith.constant 0 : i32
    %broadcast_in_dim3A_458 = vector.broadcast %jit3A_457 : i32 to vector<2x2048xi32>
    %select_n3A_459 = arith.select %lt3A_456, %broadcast_in_dim3A_458, %concatenate3A_54 : vector<2x2048xi1>, vector<2x2048xi32>
    %shift_right_arithmetic3A_460 = arith.constant 7 : i32
    %shift_right_arithmetic3A_461 = vector.broadcast %shift_right_arithmetic3A_460 : i32 to vector<2x2048xi32>
    %shift_right_arithmetic3A_462 = arith.shrsi %select_n3A_459, %shift_right_arithmetic3A_461 : vector<2x2048xi32>
    %shift_left3A_463 = arith.constant 10 : i32
    %shift_left3A_464 = vector.broadcast %shift_left3A_463 : i32 to vector<2x2048xi32>
    %shift_left3A_465 = arith.shli %shift_right_arithmetic3A_462, %shift_left3A_464 : vector<2x2048xi32>
    %add3A_466 = arith.addi %add3A_136, %shift_left3A_465 : vector<2x2048xi32>
    %and3A_467 = arith.constant 127 : i32
    %and3A_468 = vector.broadcast %and3A_467 : i32 to vector<2x2048xi32>
    %and3A_469 = arith.andi %select_n3A_459, %and3A_468 : vector<2x2048xi32>
    %add3A_470 = arith.addi %add3A_466, %and3A_469 : vector<2x2048xi32>
    %swap3A_471 = arith.constant 14 : index
    %swap3A_472 = arith.constant 0 : index
    %swap3A_473 = arith.constant 0 : index
    %swap3A_474 = vector.load %arg1[%swap3A_471, %swap3A_472, %swap3A_473] : memref<32x2x2048xi32, #tpu.memory_space<vmem>>, vector<1x2x2048xi32>
    %swap3A_475 = vector.shape_cast %swap3A_474 : vector<1x2x2048xi32> to vector<2x2048xi32>
    %swap3A_476 = vector.shape_cast %add3A_470 : vector<2x2048xi32> to vector<1x2x2048xi32>
    tpu.vector_store %arg1[%swap3A_471, %swap3A_472, %swap3A_473], %swap3A_476 {strides = array<i32>} : memref<32x2x2048xi32, #tpu.memory_space<vmem>>, vector<1x2x2048xi32>,
    %lt3A_477 = arith.constant 0 : i32
    %lt3A_478 = vector.broadcast %lt3A_477 : i32 to vector<2x2048xi32>
    %lt3A_479 = arith.cmpi slt, %concatenate3A_58, %lt3A_478 : vector<2x2048xi32>
    %jit3A_480 = arith.constant 0 : i32
    %broadcast_in_dim3A_481 = vector.broadcast %jit3A_480 : i32 to vector<2x2048xi32>
    %select_n3A_482 = arith.select %lt3A_479, %broadcast_in_dim3A_481, %concatenate3A_58 : vector<2x2048xi1>, vector<2x2048xi32>
    %shift_right_arithmetic3A_483 = arith.constant 7 : i32
    %shift_right_arithmetic3A_484 = vector.broadcast %shift_right_arithmetic3A_483 : i32 to vector<2x2048xi32>
    %shift_right_arithmetic3A_485 = arith.shrsi %select_n3A_482, %shift_right_arithmetic3A_484 : vector<2x2048xi32>
    %shift_left3A_486 = arith.constant 10 : i32
    %shift_left3A_487 = vector.broadcast %shift_left3A_486 : i32 to vector<2x2048xi32>
    %shift_left3A_488 = arith.shli %shift_right_arithmetic3A_485, %shift_left3A_487 : vector<2x2048xi32>
    %add3A_489 = arith.addi %add3A_136, %shift_left3A_488 : vector<2x2048xi32>
    %and3A_490 = arith.constant 127 : i32
    %and3A_491 = vector.broadcast %and3A_490 : i32 to vector<2x2048xi32>
    %and3A_492 = arith.andi %select_n3A_482, %and3A_491 : vector<2x2048xi32>
    %add3A_493 = arith.addi %add3A_489, %and3A_492 : vector<2x2048xi32>
    %swap3A_494 = arith.constant 15 : index
    %swap3A_495 = arith.constant 0 : index
    %swap3A_496 = arith.constant 0 : index
    %swap3A_497 = vector.load %arg1[%swap3A_494, %swap3A_495, %swap3A_496] : memref<32x2x2048xi32, #tpu.memory_space<vmem>>, vector<1x2x2048xi32>
    %swap3A_498 = vector.shape_cast %swap3A_497 : vector<1x2x2048xi32> to vector<2x2048xi32>
    %swap3A_499 = vector.shape_cast %add3A_493 : vector<2x2048xi32> to vector<1x2x2048xi32>
    tpu.vector_store %arg1[%swap3A_494, %swap3A_495, %swap3A_496], %swap3A_499 {strides = array<i32>} : memref<32x2x2048xi32, #tpu.memory_space<vmem>>, vector<1x2x2048xi32>,
    %lt3A_500 = arith.constant 0 : i32
    %lt3A_501 = vector.broadcast %lt3A_500 : i32 to vector<2x2048xi32>
    %lt3A_502 = arith.cmpi slt, %concatenate3A_62, %lt3A_501 : vector<2x2048xi32>
    %jit3A_503 = arith.constant 0 : i32
    %broadcast_in_dim3A_504 = vector.broadcast %jit3A_503 : i32 to vector<2x2048xi32>
    %select_n3A_505 = arith.select %lt3A_502, %broadcast_in_dim3A_504, %concatenate3A_62 : vector<2x2048xi1>, vector<2x2048xi32>
    %shift_right_arithmetic3A_506 = arith.constant 7 : i32
    %shift_right_arithmetic3A_507 = vector.broadcast %shift_right_arithmetic3A_506 : i32 to vector<2x2048xi32>
    %shift_right_arithmetic3A_508 = arith.shrsi %select_n3A_505, %shift_right_arithmetic3A_507 : vector<2x2048xi32>
    %shift_left3A_509 = arith.constant 10 : i32
    %shift_left3A_510 = vector.broadcast %shift_left3A_509 : i32 to vector<2x2048xi32>
    %shift_left3A_511 = arith.shli %shift_right_arithmetic3A_508, %shift_left3A_510 : vector<2x2048xi32>
    %add3A_512 = arith.addi %add3A_136, %shift_left3A_511 : vector<2x2048xi32>
    %and3A_513 = arith.constant 127 : i32
    %and3A_514 = vector.broadcast %and3A_513 : i32 to vector<2x2048xi32>
    %and3A_515 = arith.andi %select_n3A_505, %and3A_514 : vector<2x2048xi32>
    %add3A_516 = arith.addi %add3A_512, %and3A_515 : vector<2x2048xi32>
    %swap3A_517 = arith.constant 16 : index
    %swap3A_518 = arith.constant 0 : index
    %swap3A_519 = arith.constant 0 : index
    %swap3A_520 = vector.load %arg1[%swap3A_517, %swap3A_518, %swap3A_519] : memref<32x2x2048xi32, #tpu.memory_space<vmem>>, vector<1x2x2048xi32>
    %swap3A_521 = vector.shape_cast %swap3A_520 : vector<1x2x2048xi32> to vector<2x2048xi32>
    %swap3A_522 = vector.shape_cast %add3A_516 : vector<2x2048xi32> to vector<1x2x2048xi32>
    tpu.vector_store %arg1[%swap3A_517, %swap3A_518, %swap3A_519], %swap3A_522 {strides = array<i32>} : memref<32x2x2048xi32, #tpu.memory_space<vmem>>, vector<1x2x2048xi32>,
    %lt3A_523 = arith.constant 0 : i32
    %lt3A_524 = vector.broadcast %lt3A_523 : i32 to vector<2x2048xi32>
    %lt3A_525 = arith.cmpi slt, %concatenate3A_66, %lt3A_524 : vector<2x2048xi32>
    %jit3A_526 = arith.constant 0 : i32
    %broadcast_in_dim3A_527 = vector.broadcast %jit3A_526 : i32 to vector<2x2048xi32>
    %select_n3A_528 = arith.select %lt3A_525, %broadcast_in_dim3A_527, %concatenate3A_66 : vector<2x2048xi1>, vector<2x2048xi32>
    %shift_right_arithmetic3A_529 = arith.constant 7 : i32
    %shift_right_arithmetic3A_530 = vector.broadcast %shift_right_arithmetic3A_529 : i32 to vector<2x2048xi32>
    %shift_right_arithmetic3A_531 = arith.shrsi %select_n3A_528, %shift_right_arithmetic3A_530 : vector<2x2048xi32>
    %shift_left3A_532 = arith.constant 10 : i32
    %shift_left3A_533 = vector.broadcast %shift_left3A_532 : i32 to vector<2x2048xi32>
    %shift_left3A_534 = arith.shli %shift_right_arithmetic3A_531, %shift_left3A_533 : vector<2x2048xi32>
    %add3A_535 = arith.addi %add3A_136, %shift_left3A_534 : vector<2x2048xi32>
    %and3A_536 = arith.constant 127 : i32
    %and3A_537 = vector.broadcast %and3A_536 : i32 to vector<2x2048xi32>
    %and3A_538 = arith.andi %select_n3A_528, %and3A_537 : vector<2x2048xi32>
    %add3A_539 = arith.addi %add3A_535, %and3A_538 : vector<2x2048xi32>
    %swap3A_540 = arith.constant 17 : index
    %swap3A_541 = arith.constant 0 : index
    %swap3A_542 = arith.constant 0 : index
    %swap3A_543 = vector.load %arg1[%swap3A_540, %swap3A_541, %swap3A_542] : memref<32x2x2048xi32, #tpu.memory_space<vmem>>, vector<1x2x2048xi32>
    %swap3A_544 = vector.shape_cast %swap3A_543 : vector<1x2x2048xi32> to vector<2x2048xi32>
    %swap3A_545 = vector.shape_cast %add3A_539 : vector<2x2048xi32> to vector<1x2x2048xi32>
    tpu.vector_store %arg1[%swap3A_540, %swap3A_541, %swap3A_542], %swap3A_545 {strides = array<i32>} : memref<32x2x2048xi32, #tpu.memory_space<vmem>>, vector<1x2x2048xi32>,
    %lt3A_546 = arith.constant 0 : i32
    %lt3A_547 = vector.broadcast %lt3A_546 : i32 to vector<2x2048xi32>
    %lt3A_548 = arith.cmpi slt, %concatenate3A_70, %lt3A_547 : vector<2x2048xi32>
    %jit3A_549 = arith.constant 0 : i32
    %broadcast_in_dim3A_550 = vector.broadcast %jit3A_549 : i32 to vector<2x2048xi32>
    %select_n3A_551 = arith.select %lt3A_548, %broadcast_in_dim3A_550, %concatenate3A_70 : vector<2x2048xi1>, vector<2x2048xi32>
    %shift_right_arithmetic3A_552 = arith.constant 7 : i32
    %shift_right_arithmetic3A_553 = vector.broadcast %shift_right_arithmetic3A_552 : i32 to vector<2x2048xi32>
    %shift_right_arithmetic3A_554 = arith.shrsi %select_n3A_551, %shift_right_arithmetic3A_553 : vector<2x2048xi32>
    %shift_left3A_555 = arith.constant 10 : i32
    %shift_left3A_556 = vector.broadcast %shift_left3A_555 : i32 to vector<2x2048xi32>
    %shift_left3A_557 = arith.shli %shift_right_arithmetic3A_554, %shift_left3A_556 : vector<2x2048xi32>
    %add3A_558 = arith.addi %add3A_136, %shift_left3A_557 : vector<2x2048xi32>
    %and3A_559 = arith.constant 127 : i32
    %and3A_560 = vector.broadcast %and3A_559 : i32 to vector<2x2048xi32>
    %and3A_561 = arith.andi %select_n3A_551, %and3A_560 : vector<2x2048xi32>
    %add3A_562 = arith.addi %add3A_558, %and3A_561 : vector<2x2048xi32>
    %swap3A_563 = arith.constant 18 : index
    %swap3A_564 = arith.constant 0 : index
    %swap3A_565 = arith.constant 0 : index
    %swap3A_566 = vector.load %arg1[%swap3A_563, %swap3A_564, %swap3A_565] : memref<32x2x2048xi32, #tpu.memory_space<vmem>>, vector<1x2x2048xi32>
    %swap3A_567 = vector.shape_cast %swap3A_566 : vector<1x2x2048xi32> to vector<2x2048xi32>
    %swap3A_568 = vector.shape_cast %add3A_562 : vector<2x2048xi32> to vector<1x2x2048xi32>
    tpu.vector_store %arg1[%swap3A_563, %swap3A_564, %swap3A_565], %swap3A_568 {strides = array<i32>} : memref<32x2x2048xi32, #tpu.memory_space<vmem>>, vector<1x2x2048xi32>,
    %lt3A_569 = arith.constant 0 : i32
    %lt3A_570 = vector.broadcast %lt3A_569 : i32 to vector<2x2048xi32>
    %lt3A_571 = arith.cmpi slt, %concatenate3A_74, %lt3A_570 : vector<2x2048xi32>
    %jit3A_572 = arith.constant 0 : i32
    %broadcast_in_dim3A_573 = vector.broadcast %jit3A_572 : i32 to vector<2x2048xi32>
    %select_n3A_574 = arith.select %lt3A_571, %broadcast_in_dim3A_573, %concatenate3A_74 : vector<2x2048xi1>, vector<2x2048xi32>
    %shift_right_arithmetic3A_575 = arith.constant 7 : i32
    %shift_right_arithmetic3A_576 = vector.broadcast %shift_right_arithmetic3A_575 : i32 to vector<2x2048xi32>
    %shift_right_arithmetic3A_577 = arith.shrsi %select_n3A_574, %shift_right_arithmetic3A_576 : vector<2x2048xi32>
    %shift_left3A_578 = arith.constant 10 : i32
    %shift_left3A_579 = vector.broadcast %shift_left3A_578 : i32 to vector<2x2048xi32>
    %shift_left3A_580 = arith.shli %shift_right_arithmetic3A_577, %shift_left3A_579 : vector<2x2048xi32>
    %add3A_581 = arith.addi %add3A_136, %shift_left3A_580 : vector<2x2048xi32>
    %and3A_582 = arith.constant 127 : i32
    %and3A_583 = vector.broadcast %and3A_582 : i32 to vector<2x2048xi32>
    %and3A_584 = arith.andi %select_n3A_574, %and3A_583 : vector<2x2048xi32>
    %add3A_585 = arith.addi %add3A_581, %and3A_584 : vector<2x2048xi32>
    %swap3A_586 = arith.constant 19 : index
    %swap3A_587 = arith.constant 0 : index
    %swap3A_588 = arith.constant 0 : index
    %swap3A_589 = vector.load %arg1[%swap3A_586, %swap3A_587, %swap3A_588] : memref<32x2x2048xi32, #tpu.memory_space<vmem>>, vector<1x2x2048xi32>
    %swap3A_590 = vector.shape_cast %swap3A_589 : vector<1x2x2048xi32> to vector<2x2048xi32>
    %swap3A_591 = vector.shape_cast %add3A_585 : vector<2x2048xi32> to vector<1x2x2048xi32>
    tpu.vector_store %arg1[%swap3A_586, %swap3A_587, %swap3A_588], %swap3A_591 {strides = array<i32>} : memref<32x2x2048xi32, #tpu.memory_space<vmem>>, vector<1x2x2048xi32>,
    %lt3A_592 = arith.constant 0 : i32
    %lt3A_593 = vector.broadcast %lt3A_592 : i32 to vector<2x2048xi32>
    %lt3A_594 = arith.cmpi slt, %concatenate3A_78, %lt3A_593 : vector<2x2048xi32>
    %jit3A_595 = arith.constant 0 : i32
    %broadcast_in_dim3A_596 = vector.broadcast %jit3A_595 : i32 to vector<2x2048xi32>
    %select_n3A_597 = arith.select %lt3A_594, %broadcast_in_dim3A_596, %concatenate3A_78 : vector<2x2048xi1>, vector<2x2048xi32>
    %shift_right_arithmetic3A_598 = arith.constant 7 : i32
    %shift_right_arithmetic3A_599 = vector.broadcast %shift_right_arithmetic3A_598 : i32 to vector<2x2048xi32>
    %shift_right_arithmetic3A_600 = arith.shrsi %select_n3A_597, %shift_right_arithmetic3A_599 : vector<2x2048xi32>
    %shift_left3A_601 = arith.constant 10 : i32
    %shift_left3A_602 = vector.broadcast %shift_left3A_601 : i32 to vector<2x2048xi32>
    %shift_left3A_603 = arith.shli %shift_right_arithmetic3A_600, %shift_left3A_602 : vector<2x2048xi32>
    %add3A_604 = arith.addi %add3A_136, %shift_left3A_603 : vector<2x2048xi32>
    %and3A_605 = arith.constant 127 : i32
    %and3A_606 = vector.broadcast %and3A_605 : i32 to vector<2x2048xi32>
    %and3A_607 = arith.andi %select_n3A_597, %and3A_606 : vector<2x2048xi32>
    %add3A_608 = arith.addi %add3A_604, %and3A_607 : vector<2x2048xi32>
    %swap3A_609 = arith.constant 20 : index
    %swap3A_610 = arith.constant 0 : index
    %swap3A_611 = arith.constant 0 : index
    %swap3A_612 = vector.load %arg1[%swap3A_609, %swap3A_610, %swap3A_611] : memref<32x2x2048xi32, #tpu.memory_space<vmem>>, vector<1x2x2048xi32>
    %swap3A_613 = vector.shape_cast %swap3A_612 : vector<1x2x2048xi32> to vector<2x2048xi32>
    %swap3A_614 = vector.shape_cast %add3A_608 : vector<2x2048xi32> to vector<1x2x2048xi32>
    tpu.vector_store %arg1[%swap3A_609, %swap3A_610, %swap3A_611], %swap3A_614 {strides = array<i32>} : memref<32x2x2048xi32, #tpu.memory_space<vmem>>, vector<1x2x2048xi32>,
    %lt3A_615 = arith.constant 0 : i32
    %lt3A_616 = vector.broadcast %lt3A_615 : i32 to vector<2x2048xi32>
    %lt3A_617 = arith.cmpi slt, %concatenate3A_82, %lt3A_616 : vector<2x2048xi32>
    %jit3A_618 = arith.constant 0 : i32
    %broadcast_in_dim3A_619 = vector.broadcast %jit3A_618 : i32 to vector<2x2048xi32>
    %select_n3A_620 = arith.select %lt3A_617, %broadcast_in_dim3A_619, %concatenate3A_82 : vector<2x2048xi1>, vector<2x2048xi32>
    %shift_right_arithmetic3A_621 = arith.constant 7 : i32
    %shift_right_arithmetic3A_622 = vector.broadcast %shift_right_arithmetic3A_621 : i32 to vector<2x2048xi32>
    %shift_right_arithmetic3A_623 = arith.shrsi %select_n3A_620, %shift_right_arithmetic3A_622 : vector<2x2048xi32>
    %shift_left3A_624 = arith.constant 10 : i32
    %shift_left3A_625 = vector.broadcast %shift_left3A_624 : i32 to vector<2x2048xi32>
    %shift_left3A_626 = arith.shli %shift_right_arithmetic3A_623, %shift_left3A_625 : vector<2x2048xi32>
    %add3A_627 = arith.addi %add3A_136, %shift_left3A_626 : vector<2x2048xi32>
    %and3A_628 = arith.constant 127 : i32
    %and3A_629 = vector.broadcast %and3A_628 : i32 to vector<2x2048xi32>
    %and3A_630 = arith.andi %select_n3A_620, %and3A_629 : vector<2x2048xi32>
    %add3A_631 = arith.addi %add3A_627, %and3A_630 : vector<2x2048xi32>
    %swap3A_632 = arith.constant 21 : index
    %swap3A_633 = arith.constant 0 : index
    %swap3A_634 = arith.constant 0 : index
    %swap3A_635 = vector.load %arg1[%swap3A_632, %swap3A_633, %swap3A_634] : memref<32x2x2048xi32, #tpu.memory_space<vmem>>, vector<1x2x2048xi32>
    %swap3A_636 = vector.shape_cast %swap3A_635 : vector<1x2x2048xi32> to vector<2x2048xi32>
    %swap3A_637 = vector.shape_cast %add3A_631 : vector<2x2048xi32> to vector<1x2x2048xi32>
    tpu.vector_store %arg1[%swap3A_632, %swap3A_633, %swap3A_634], %swap3A_637 {strides = array<i32>} : memref<32x2x2048xi32, #tpu.memory_space<vmem>>, vector<1x2x2048xi32>,
    %lt3A_638 = arith.constant 0 : i32
    %lt3A_639 = vector.broadcast %lt3A_638 : i32 to vector<2x2048xi32>
    %lt3A_640 = arith.cmpi slt, %concatenate3A_86, %lt3A_639 : vector<2x2048xi32>
    %jit3A_641 = arith.constant 0 : i32
    %broadcast_in_dim3A_642 = vector.broadcast %jit3A_641 : i32 to vector<2x2048xi32>
    %select_n3A_643 = arith.select %lt3A_640, %broadcast_in_dim3A_642, %concatenate3A_86 : vector<2x2048xi1>, vector<2x2048xi32>
    %shift_right_arithmetic3A_644 = arith.constant 7 : i32
    %shift_right_arithmetic3A_645 = vector.broadcast %shift_right_arithmetic3A_644 : i32 to vector<2x2048xi32>
    %shift_right_arithmetic3A_646 = arith.shrsi %select_n3A_643, %shift_right_arithmetic3A_645 : vector<2x2048xi32>
    %shift_left3A_647 = arith.constant 10 : i32
    %shift_left3A_648 = vector.broadcast %shift_left3A_647 : i32 to vector<2x2048xi32>
    %shift_left3A_649 = arith.shli %shift_right_arithmetic3A_646, %shift_left3A_648 : vector<2x2048xi32>
    %add3A_650 = arith.addi %add3A_136, %shift_left3A_649 : vector<2x2048xi32>
    %and3A_651 = arith.constant 127 : i32
    %and3A_652 = vector.broadcast %and3A_651 : i32 to vector<2x2048xi32>
    %and3A_653 = arith.andi %select_n3A_643, %and3A_652 : vector<2x2048xi32>
    %add3A_654 = arith.addi %add3A_650, %and3A_653 : vector<2x2048xi32>
    %swap3A_655 = arith.constant 22 : index
    %swap3A_656 = arith.constant 0 : index
    %swap3A_657 = arith.constant 0 : index
    %swap3A_658 = vector.load %arg1[%swap3A_655, %swap3A_656, %swap3A_657] : memref<32x2x2048xi32, #tpu.memory_space<vmem>>, vector<1x2x2048xi32>
    %swap3A_659 = vector.shape_cast %swap3A_658 : vector<1x2x2048xi32> to vector<2x2048xi32>
    %swap3A_660 = vector.shape_cast %add3A_654 : vector<2x2048xi32> to vector<1x2x2048xi32>
    tpu.vector_store %arg1[%swap3A_655, %swap3A_656, %swap3A_657], %swap3A_660 {strides = array<i32>} : memref<32x2x2048xi32, #tpu.memory_space<vmem>>, vector<1x2x2048xi32>,
    %lt3A_661 = arith.constant 0 : i32
    %lt3A_662 = vector.broadcast %lt3A_661 : i32 to vector<2x2048xi32>
    %lt3A_663 = arith.cmpi slt, %concatenate3A_90, %lt3A_662 : vector<2x2048xi32>
    %jit3A_664 = arith.constant 0 : i32
    %broadcast_in_dim3A_665 = vector.broadcast %jit3A_664 : i32 to vector<2x2048xi32>
    %select_n3A_666 = arith.select %lt3A_663, %broadcast_in_dim3A_665, %concatenate3A_90 : vector<2x2048xi1>, vector<2x2048xi32>
    %shift_right_arithmetic3A_667 = arith.constant 7 : i32
    %shift_right_arithmetic3A_668 = vector.broadcast %shift_right_arithmetic3A_667 : i32 to vector<2x2048xi32>
    %shift_right_arithmetic3A_669 = arith.shrsi %select_n3A_666, %shift_right_arithmetic3A_668 : vector<2x2048xi32>
    %shift_left3A_670 = arith.constant 10 : i32
    %shift_left3A_671 = vector.broadcast %shift_left3A_670 : i32 to vector<2x2048xi32>
    %shift_left3A_672 = arith.shli %shift_right_arithmetic3A_669, %shift_left3A_671 : vector<2x2048xi32>
    %add3A_673 = arith.addi %add3A_136, %shift_left3A_672 : vector<2x2048xi32>
    %and3A_674 = arith.constant 127 : i32
    %and3A_675 = vector.broadcast %and3A_674 : i32 to vector<2x2048xi32>
    %and3A_676 = arith.andi %select_n3A_666, %and3A_675 : vector<2x2048xi32>
    %add3A_677 = arith.addi %add3A_673, %and3A_676 : vector<2x2048xi32>
    %swap3A_678 = arith.constant 23 : index
    %swap3A_679 = arith.constant 0 : index
    %swap3A_680 = arith.constant 0 : index
    %swap3A_681 = vector.load %arg1[%swap3A_678, %swap3A_679, %swap3A_680] : memref<32x2x2048xi32, #tpu.memory_space<vmem>>, vector<1x2x2048xi32>
    %swap3A_682 = vector.shape_cast %swap3A_681 : vector<1x2x2048xi32> to vector<2x2048xi32>
    %swap3A_683 = vector.shape_cast %add3A_677 : vector<2x2048xi32> to vector<1x2x2048xi32>
    tpu.vector_store %arg1[%swap3A_678, %swap3A_679, %swap3A_680], %swap3A_683 {strides = array<i32>} : memref<32x2x2048xi32, #tpu.memory_space<vmem>>, vector<1x2x2048xi32>,
    %lt3A_684 = arith.constant 0 : i32
    %lt3A_685 = vector.broadcast %lt3A_684 : i32 to vector<2x2048xi32>
    %lt3A_686 = arith.cmpi slt, %concatenate3A_94, %lt3A_685 : vector<2x2048xi32>
    %jit3A_687 = arith.constant 0 : i32
    %broadcast_in_dim3A_688 = vector.broadcast %jit3A_687 : i32 to vector<2x2048xi32>
    %select_n3A_689 = arith.select %lt3A_686, %broadcast_in_dim3A_688, %concatenate3A_94 : vector<2x2048xi1>, vector<2x2048xi32>
    %shift_right_arithmetic3A_690 = arith.constant 7 : i32
    %shift_right_arithmetic3A_691 = vector.broadcast %shift_right_arithmetic3A_690 : i32 to vector<2x2048xi32>
    %shift_right_arithmetic3A_692 = arith.shrsi %select_n3A_689, %shift_right_arithmetic3A_691 : vector<2x2048xi32>
    %shift_left3A_693 = arith.constant 10 : i32
    %shift_left3A_694 = vector.broadcast %shift_left3A_693 : i32 to vector<2x2048xi32>
    %shift_left3A_695 = arith.shli %shift_right_arithmetic3A_692, %shift_left3A_694 : vector<2x2048xi32>
    %add3A_696 = arith.addi %add3A_136, %shift_left3A_695 : vector<2x2048xi32>
    %and3A_697 = arith.constant 127 : i32
    %and3A_698 = vector.broadcast %and3A_697 : i32 to vector<2x2048xi32>
    %and3A_699 = arith.andi %select_n3A_689, %and3A_698 : vector<2x2048xi32>
    %add3A_700 = arith.addi %add3A_696, %and3A_699 : vector<2x2048xi32>
    %swap3A_701 = arith.constant 24 : index
    %swap3A_702 = arith.constant 0 : index
    %swap3A_703 = arith.constant 0 : index
    %swap3A_704 = vector.load %arg1[%swap3A_701, %swap3A_702, %swap3A_703] : memref<32x2x2048xi32, #tpu.memory_space<vmem>>, vector<1x2x2048xi32>
    %swap3A_705 = vector.shape_cast %swap3A_704 : vector<1x2x2048xi32> to vector<2x2048xi32>
    %swap3A_706 = vector.shape_cast %add3A_700 : vector<2x2048xi32> to vector<1x2x2048xi32>
    tpu.vector_store %arg1[%swap3A_701, %swap3A_702, %swap3A_703], %swap3A_706 {strides = array<i32>} : memref<32x2x2048xi32, #tpu.memory_space<vmem>>, vector<1x2x2048xi32>,
    %lt3A_707 = arith.constant 0 : i32
    %lt3A_708 = vector.broadcast %lt3A_707 : i32 to vector<2x2048xi32>
    %lt3A_709 = arith.cmpi slt, %concatenate3A_98, %lt3A_708 : vector<2x2048xi32>
    %jit3A_710 = arith.constant 0 : i32
    %broadcast_in_dim3A_711 = vector.broadcast %jit3A_710 : i32 to vector<2x2048xi32>
    %select_n3A_712 = arith.select %lt3A_709, %broadcast_in_dim3A_711, %concatenate3A_98 : vector<2x2048xi1>, vector<2x2048xi32>
    %shift_right_arithmetic3A_713 = arith.constant 7 : i32
    %shift_right_arithmetic3A_714 = vector.broadcast %shift_right_arithmetic3A_713 : i32 to vector<2x2048xi32>
    %shift_right_arithmetic3A_715 = arith.shrsi %select_n3A_712, %shift_right_arithmetic3A_714 : vector<2x2048xi32>
    %shift_left3A_716 = arith.constant 10 : i32
    %shift_left3A_717 = vector.broadcast %shift_left3A_716 : i32 to vector<2x2048xi32>
    %shift_left3A_718 = arith.shli %shift_right_arithmetic3A_715, %shift_left3A_717 : vector<2x2048xi32>
    %add3A_719 = arith.addi %add3A_136, %shift_left3A_718 : vector<2x2048xi32>
    %and3A_720 = arith.constant 127 : i32
    %and3A_721 = vector.broadcast %and3A_720 : i32 to vector<2x2048xi32>
    %and3A_722 = arith.andi %select_n3A_712, %and3A_721 : vector<2x2048xi32>
    %add3A_723 = arith.addi %add3A_719, %and3A_722 : vector<2x2048xi32>
    %swap3A_724 = arith.constant 25 : index
    %swap3A_725 = arith.constant 0 : index
    %swap3A_726 = arith.constant 0 : index
    %swap3A_727 = vector.load %arg1[%swap3A_724, %swap3A_725, %swap3A_726] : memref<32x2x2048xi32, #tpu.memory_space<vmem>>, vector<1x2x2048xi32>
    %swap3A_728 = vector.shape_cast %swap3A_727 : vector<1x2x2048xi32> to vector<2x2048xi32>
    %swap3A_729 = vector.shape_cast %add3A_723 : vector<2x2048xi32> to vector<1x2x2048xi32>
    tpu.vector_store %arg1[%swap3A_724, %swap3A_725, %swap3A_726], %swap3A_729 {strides = array<i32>} : memref<32x2x2048xi32, #tpu.memory_space<vmem>>, vector<1x2x2048xi32>,
    %lt3A_730 = arith.constant 0 : i32
    %lt3A_731 = vector.broadcast %lt3A_730 : i32 to vector<2x2048xi32>
    %lt3A_732 = arith.cmpi slt, %concatenate3A_102, %lt3A_731 : vector<2x2048xi32>
    %jit3A_733 = arith.constant 0 : i32
    %broadcast_in_dim3A_734 = vector.broadcast %jit3A_733 : i32 to vector<2x2048xi32>
    %select_n3A_735 = arith.select %lt3A_732, %broadcast_in_dim3A_734, %concatenate3A_102 : vector<2x2048xi1>, vector<2x2048xi32>
    %shift_right_arithmetic3A_736 = arith.constant 7 : i32
    %shift_right_arithmetic3A_737 = vector.broadcast %shift_right_arithmetic3A_736 : i32 to vector<2x2048xi32>
    %shift_right_arithmetic3A_738 = arith.shrsi %select_n3A_735, %shift_right_arithmetic3A_737 : vector<2x2048xi32>
    %shift_left3A_739 = arith.constant 10 : i32
    %shift_left3A_740 = vector.broadcast %shift_left3A_739 : i32 to vector<2x2048xi32>
    %shift_left3A_741 = arith.shli %shift_right_arithmetic3A_738, %shift_left3A_740 : vector<2x2048xi32>
    %add3A_742 = arith.addi %add3A_136, %shift_left3A_741 : vector<2x2048xi32>
    %and3A_743 = arith.constant 127 : i32
    %and3A_744 = vector.broadcast %and3A_743 : i32 to vector<2x2048xi32>
    %and3A_745 = arith.andi %select_n3A_735, %and3A_744 : vector<2x2048xi32>
    %add3A_746 = arith.addi %add3A_742, %and3A_745 : vector<2x2048xi32>
    %swap3A_747 = arith.constant 26 : index
    %swap3A_748 = arith.constant 0 : index
    %swap3A_749 = arith.constant 0 : index
    %swap3A_750 = vector.load %arg1[%swap3A_747, %swap3A_748, %swap3A_749] : memref<32x2x2048xi32, #tpu.memory_space<vmem>>, vector<1x2x2048xi32>
    %swap3A_751 = vector.shape_cast %swap3A_750 : vector<1x2x2048xi32> to vector<2x2048xi32>
    %swap3A_752 = vector.shape_cast %add3A_746 : vector<2x2048xi32> to vector<1x2x2048xi32>
    tpu.vector_store %arg1[%swap3A_747, %swap3A_748, %swap3A_749], %swap3A_752 {strides = array<i32>} : memref<32x2x2048xi32, #tpu.memory_space<vmem>>, vector<1x2x2048xi32>,
    %lt3A_753 = arith.constant 0 : i32
    %lt3A_754 = vector.broadcast %lt3A_753 : i32 to vector<2x2048xi32>
    %lt3A_755 = arith.cmpi slt, %concatenate3A_106, %lt3A_754 : vector<2x2048xi32>
    %jit3A_756 = arith.constant 0 : i32
    %broadcast_in_dim3A_757 = vector.broadcast %jit3A_756 : i32 to vector<2x2048xi32>
    %select_n3A_758 = arith.select %lt3A_755, %broadcast_in_dim3A_757, %concatenate3A_106 : vector<2x2048xi1>, vector<2x2048xi32>
    %shift_right_arithmetic3A_759 = arith.constant 7 : i32
    %shift_right_arithmetic3A_760 = vector.broadcast %shift_right_arithmetic3A_759 : i32 to vector<2x2048xi32>
    %shift_right_arithmetic3A_761 = arith.shrsi %select_n3A_758, %shift_right_arithmetic3A_760 : vector<2x2048xi32>
    %shift_left3A_762 = arith.constant 10 : i32
    %shift_left3A_763 = vector.broadcast %shift_left3A_762 : i32 to vector<2x2048xi32>
    %shift_left3A_764 = arith.shli %shift_right_arithmetic3A_761, %shift_left3A_763 : vector<2x2048xi32>
    %add3A_765 = arith.addi %add3A_136, %shift_left3A_764 : vector<2x2048xi32>
    %and3A_766 = arith.constant 127 : i32
    %and3A_767 = vector.broadcast %and3A_766 : i32 to vector<2x2048xi32>
    %and3A_768 = arith.andi %select_n3A_758, %and3A_767 : vector<2x2048xi32>
    %add3A_769 = arith.addi %add3A_765, %and3A_768 : vector<2x2048xi32>
    %swap3A_770 = arith.constant 27 : index
    %swap3A_771 = arith.constant 0 : index
    %swap3A_772 = arith.constant 0 : index
    %swap3A_773 = vector.load %arg1[%swap3A_770, %swap3A_771, %swap3A_772] : memref<32x2x2048xi32, #tpu.memory_space<vmem>>, vector<1x2x2048xi32>
    %swap3A_774 = vector.shape_cast %swap3A_773 : vector<1x2x2048xi32> to vector<2x2048xi32>
    %swap3A_775 = vector.shape_cast %add3A_769 : vector<2x2048xi32> to vector<1x2x2048xi32>
    tpu.vector_store %arg1[%swap3A_770, %swap3A_771, %swap3A_772], %swap3A_775 {strides = array<i32>} : memref<32x2x2048xi32, #tpu.memory_space<vmem>>, vector<1x2x2048xi32>,
    %lt3A_776 = arith.constant 0 : i32
    %lt3A_777 = vector.broadcast %lt3A_776 : i32 to vector<2x2048xi32>
    %lt3A_778 = arith.cmpi slt, %concatenate3A_110, %lt3A_777 : vector<2x2048xi32>
    %jit3A_779 = arith.constant 0 : i32
    %broadcast_in_dim3A_780 = vector.broadcast %jit3A_779 : i32 to vector<2x2048xi32>
    %select_n3A_781 = arith.select %lt3A_778, %broadcast_in_dim3A_780, %concatenate3A_110 : vector<2x2048xi1>, vector<2x2048xi32>
    %shift_right_arithmetic3A_782 = arith.constant 7 : i32
    %shift_right_arithmetic3A_783 = vector.broadcast %shift_right_arithmetic3A_782 : i32 to vector<2x2048xi32>
    %shift_right_arithmetic3A_784 = arith.shrsi %select_n3A_781, %shift_right_arithmetic3A_783 : vector<2x2048xi32>
    %shift_left3A_785 = arith.constant 10 : i32
    %shift_left3A_786 = vector.broadcast %shift_left3A_785 : i32 to vector<2x2048xi32>
    %shift_left3A_787 = arith.shli %shift_right_arithmetic3A_784, %shift_left3A_786 : vector<2x2048xi32>
    %add3A_788 = arith.addi %add3A_136, %shift_left3A_787 : vector<2x2048xi32>
    %and3A_789 = arith.constant 127 : i32
    %and3A_790 = vector.broadcast %and3A_789 : i32 to vector<2x2048xi32>
    %and3A_791 = arith.andi %select_n3A_781, %and3A_790 : vector<2x2048xi32>
    %add3A_792 = arith.addi %add3A_788, %and3A_791 : vector<2x2048xi32>
    %swap3A_793 = arith.constant 28 : index
    %swap3A_794 = arith.constant 0 : index
    %swap3A_795 = arith.constant 0 : index
    %swap3A_796 = vector.load %arg1[%swap3A_793, %swap3A_794, %swap3A_795] : memref<32x2x2048xi32, #tpu.memory_space<vmem>>, vector<1x2x2048xi32>
    %swap3A_797 = vector.shape_cast %swap3A_796 : vector<1x2x2048xi32> to vector<2x2048xi32>
    %swap3A_798 = vector.shape_cast %add3A_792 : vector<2x2048xi32> to vector<1x2x2048xi32>
    tpu.vector_store %arg1[%swap3A_793, %swap3A_794, %swap3A_795], %swap3A_798 {strides = array<i32>} : memref<32x2x2048xi32, #tpu.memory_space<vmem>>, vector<1x2x2048xi32>,
    %lt3A_799 = arith.constant 0 : i32
    %lt3A_800 = vector.broadcast %lt3A_799 : i32 to vector<2x2048xi32>
    %lt3A_801 = arith.cmpi slt, %concatenate3A_114, %lt3A_800 : vector<2x2048xi32>
    %jit3A_802 = arith.constant 0 : i32
    %broadcast_in_dim3A_803 = vector.broadcast %jit3A_802 : i32 to vector<2x2048xi32>
    %select_n3A_804 = arith.select %lt3A_801, %broadcast_in_dim3A_803, %concatenate3A_114 : vector<2x2048xi1>, vector<2x2048xi32>
    %shift_right_arithmetic3A_805 = arith.constant 7 : i32
    %shift_right_arithmetic3A_806 = vector.broadcast %shift_right_arithmetic3A_805 : i32 to vector<2x2048xi32>
    %shift_right_arithmetic3A_807 = arith.shrsi %select_n3A_804, %shift_right_arithmetic3A_806 : vector<2x2048xi32>
    %shift_left3A_808 = arith.constant 10 : i32
    %shift_left3A_809 = vector.broadcast %shift_left3A_808 : i32 to vector<2x2048xi32>
    %shift_left3A_810 = arith.shli %shift_right_arithmetic3A_807, %shift_left3A_809 : vector<2x2048xi32>
    %add3A_811 = arith.addi %add3A_136, %shift_left3A_810 : vector<2x2048xi32>
    %and3A_812 = arith.constant 127 : i32
    %and3A_813 = vector.broadcast %and3A_812 : i32 to vector<2x2048xi32>
    %and3A_814 = arith.andi %select_n3A_804, %and3A_813 : vector<2x2048xi32>
    %add3A_815 = arith.addi %add3A_811, %and3A_814 : vector<2x2048xi32>
    %swap3A_816 = arith.constant 29 : index
    %swap3A_817 = arith.constant 0 : index
    %swap3A_818 = arith.constant 0 : index
    %swap3A_819 = vector.load %arg1[%swap3A_816, %swap3A_817, %swap3A_818] : memref<32x2x2048xi32, #tpu.memory_space<vmem>>, vector<1x2x2048xi32>
    %swap3A_820 = vector.shape_cast %swap3A_819 : vector<1x2x2048xi32> to vector<2x2048xi32>
    %swap3A_821 = vector.shape_cast %add3A_815 : vector<2x2048xi32> to vector<1x2x2048xi32>
    tpu.vector_store %arg1[%swap3A_816, %swap3A_817, %swap3A_818], %swap3A_821 {strides = array<i32>} : memref<32x2x2048xi32, #tpu.memory_space<vmem>>, vector<1x2x2048xi32>,
    %lt3A_822 = arith.constant 0 : i32
    %lt3A_823 = vector.broadcast %lt3A_822 : i32 to vector<2x2048xi32>
    %lt3A_824 = arith.cmpi slt, %concatenate3A_118, %lt3A_823 : vector<2x2048xi32>
    %jit3A_825 = arith.constant 0 : i32
    %broadcast_in_dim3A_826 = vector.broadcast %jit3A_825 : i32 to vector<2x2048xi32>
    %select_n3A_827 = arith.select %lt3A_824, %broadcast_in_dim3A_826, %concatenate3A_118 : vector<2x2048xi1>, vector<2x2048xi32>
    %shift_right_arithmetic3A_828 = arith.constant 7 : i32
    %shift_right_arithmetic3A_829 = vector.broadcast %shift_right_arithmetic3A_828 : i32 to vector<2x2048xi32>
    %shift_right_arithmetic3A_830 = arith.shrsi %select_n3A_827, %shift_right_arithmetic3A_829 : vector<2x2048xi32>
    %shift_left3A_831 = arith.constant 10 : i32
    %shift_left3A_832 = vector.broadcast %shift_left3A_831 : i32 to vector<2x2048xi32>
    %shift_left3A_833 = arith.shli %shift_right_arithmetic3A_830, %shift_left3A_832 : vector<2x2048xi32>
    %add3A_834 = arith.addi %add3A_136, %shift_left3A_833 : vector<2x2048xi32>
    %and3A_835 = arith.constant 127 : i32
    %and3A_836 = vector.broadcast %and3A_835 : i32 to vector<2x2048xi32>
    %and3A_837 = arith.andi %select_n3A_827, %and3A_836 : vector<2x2048xi32>
    %add3A_838 = arith.addi %add3A_834, %and3A_837 : vector<2x2048xi32>
    %swap3A_839 = arith.constant 30 : index
    %swap3A_840 = arith.constant 0 : index
    %swap3A_841 = arith.constant 0 : index
    %swap3A_842 = vector.load %arg1[%swap3A_839, %swap3A_840, %swap3A_841] : memref<32x2x2048xi32, #tpu.memory_space<vmem>>, vector<1x2x2048xi32>
    %swap3A_843 = vector.shape_cast %swap3A_842 : vector<1x2x2048xi32> to vector<2x2048xi32>
    %swap3A_844 = vector.shape_cast %add3A_838 : vector<2x2048xi32> to vector<1x2x2048xi32>
    tpu.vector_store %arg1[%swap3A_839, %swap3A_840, %swap3A_841], %swap3A_844 {strides = array<i32>} : memref<32x2x2048xi32, #tpu.memory_space<vmem>>, vector<1x2x2048xi32>,
    %lt3A_845 = arith.constant 0 : i32
    %lt3A_846 = vector.broadcast %lt3A_845 : i32 to vector<2x2048xi32>
    %lt3A_847 = arith.cmpi slt, %concatenate3A_122, %lt3A_846 : vector<2x2048xi32>
    %jit3A_848 = arith.constant 0 : i32
    %broadcast_in_dim3A_849 = vector.broadcast %jit3A_848 : i32 to vector<2x2048xi32>
    %select_n3A_850 = arith.select %lt3A_847, %broadcast_in_dim3A_849, %concatenate3A_122 : vector<2x2048xi1>, vector<2x2048xi32>
    %shift_right_arithmetic3A_851 = arith.constant 7 : i32
    %shift_right_arithmetic3A_852 = vector.broadcast %shift_right_arithmetic3A_851 : i32 to vector<2x2048xi32>
    %shift_right_arithmetic3A_853 = arith.shrsi %select_n3A_850, %shift_right_arithmetic3A_852 : vector<2x2048xi32>
    %shift_left3A_854 = arith.constant 10 : i32
    %shift_left3A_855 = vector.broadcast %shift_left3A_854 : i32 to vector<2x2048xi32>
    %shift_left3A_856 = arith.shli %shift_right_arithmetic3A_853, %shift_left3A_855 : vector<2x2048xi32>
    %add3A_857 = arith.addi %add3A_136, %shift_left3A_856 : vector<2x2048xi32>
    %and3A_858 = arith.constant 127 : i32
    %and3A_859 = vector.broadcast %and3A_858 : i32 to vector<2x2048xi32>
    %and3A_860 = arith.andi %select_n3A_850, %and3A_859 : vector<2x2048xi32>
    %add3A_861 = arith.addi %add3A_857, %and3A_860 : vector<2x2048xi32>
    %swap3A_862 = arith.constant 31 : index
    %swap3A_863 = arith.constant 0 : index
    %swap3A_864 = arith.constant 0 : index
    %swap3A_865 = vector.load %arg1[%swap3A_862, %swap3A_863, %swap3A_864] : memref<32x2x2048xi32, #tpu.memory_space<vmem>>, vector<1x2x2048xi32>
    %swap3A_866 = vector.shape_cast %swap3A_865 : vector<1x2x2048xi32> to vector<2x2048xi32>
    %swap3A_867 = vector.shape_cast %add3A_861 : vector<2x2048xi32> to vector<1x2x2048xi32>
    tpu.vector_store %arg1[%swap3A_862, %swap3A_863, %swap3A_864], %swap3A_867 {strides = array<i32>} : memref<32x2x2048xi32, #tpu.memory_space<vmem>>, vector<1x2x2048xi32>,
    %broadcast_in_dim3A_868 = arith.constant 0.000000e+00 : f32
    %broadcast_in_dim3A_869 = vector.broadcast %broadcast_in_dim3A_868 : f32 to vector<2x2048xf32>
    %swap3A_870 = arith.constant 0 : index
    %swap3A_871 = arith.constant 0 : index
    %swap3A_872 = arith.constant 0 : index
    %swap3A_873 = vector.load %arg2[%swap3A_870, %swap3A_871, %swap3A_872] : memref<32x2x2048xf32, #tpu.memory_space<vmem>>, vector<1x2x2048xf32>
    %swap3A_874 = vector.shape_cast %swap3A_873 : vector<1x2x2048xf32> to vector<2x2048xf32>
    %swap3A_875 = vector.shape_cast %broadcast_in_dim3A_869 : vector<2x2048xf32> to vector<1x2x2048xf32>
    tpu.vector_store %arg2[%swap3A_870, %swap3A_871, %swap3A_872], %swap3A_875 {strides = array<i32>} : memref<32x2x2048xf32, #tpu.memory_space<vmem>>, vector<1x2x2048xf32>,
    %ne3A = arith.constant 0 : i32
    %ne3A_876 = vector.broadcast %ne3A : i32 to vector<2x2048xi32>
    %ne3A_877 = arith.cmpi ne, %concatenate3A, %ne3A_876 : vector<2x2048xi32>
    %ne3A_878 = arith.cmpi ne, %concatenate3A, %get3A_1 : vector<2x2048xi32>
    %and3A_879 = arith.andi %ne3A_877, %ne3A_878 : vector<2x2048xi1>
    %convert_element_type3A = arith.extui %and3A_879 : vector<2x2048xi1> to vector<2x2048xi32>
    %convert_element_type3A_880 = arith.sitofp %convert_element_type3A : vector<2x2048xi32> to vector<2x2048xf32>
    %swap3A_881 = arith.constant 1 : index
    %swap3A_882 = arith.constant 0 : index
    %swap3A_883 = arith.constant 0 : index
    %swap3A_884 = vector.load %arg2[%swap3A_881, %swap3A_882, %swap3A_883] : memref<32x2x2048xf32, #tpu.memory_space<vmem>>, vector<1x2x2048xf32>
    %swap3A_885 = vector.shape_cast %swap3A_884 : vector<1x2x2048xf32> to vector<2x2048xf32>
    %swap3A_886 = vector.shape_cast %convert_element_type3A_880 : vector<2x2048xf32> to vector<1x2x2048xf32>
    tpu.vector_store %arg2[%swap3A_881, %swap3A_882, %swap3A_883], %swap3A_886 {strides = array<i32>} : memref<32x2x2048xf32, #tpu.memory_space<vmem>>, vector<1x2x2048xf32>,
    %ne3A_887 = arith.constant 0 : i32
    %ne3A_888 = vector.broadcast %ne3A_887 : i32 to vector<2x2048xi32>
    %ne3A_889 = arith.cmpi ne, %concatenate3A_6, %ne3A_888 : vector<2x2048xi32>
    %ne3A_890 = arith.cmpi ne, %concatenate3A_6, %get3A_1 : vector<2x2048xi32>
    %and3A_891 = arith.andi %ne3A_889, %ne3A_890 : vector<2x2048xi1>
    %ne3A_892 = arith.cmpi ne, %concatenate3A_6, %concatenate3A : vector<2x2048xi32>
    %and3A_893 = arith.andi %and3A_891, %ne3A_892 : vector<2x2048xi1>
    %convert_element_type3A_894 = arith.extui %and3A_893 : vector<2x2048xi1> to vector<2x2048xi32>
    %convert_element_type3A_895 = arith.sitofp %convert_element_type3A_894 : vector<2x2048xi32> to vector<2x2048xf32>
    %swap3A_896 = arith.constant 2 : index
    %swap3A_897 = arith.constant 0 : index
    %swap3A_898 = arith.constant 0 : index
    %swap3A_899 = vector.load %arg2[%swap3A_896, %swap3A_897, %swap3A_898] : memref<32x2x2048xf32, #tpu.memory_space<vmem>>, vector<1x2x2048xf32>
    %swap3A_900 = vector.shape_cast %swap3A_899 : vector<1x2x2048xf32> to vector<2x2048xf32>
    %swap3A_901 = vector.shape_cast %convert_element_type3A_895 : vector<2x2048xf32> to vector<1x2x2048xf32>
    tpu.vector_store %arg2[%swap3A_896, %swap3A_897, %swap3A_898], %swap3A_901 {strides = array<i32>} : memref<32x2x2048xf32, #tpu.memory_space<vmem>>, vector<1x2x2048xf32>,
    %ne3A_902 = arith.constant 0 : i32
    %ne3A_903 = vector.broadcast %ne3A_902 : i32 to vector<2x2048xi32>
    %ne3A_904 = arith.cmpi ne, %concatenate3A_10, %ne3A_903 : vector<2x2048xi32>
    %ne3A_905 = arith.cmpi ne, %concatenate3A_10, %get3A_1 : vector<2x2048xi32>
    %and3A_906 = arith.andi %ne3A_904, %ne3A_905 : vector<2x2048xi1>
    %ne3A_907 = arith.cmpi ne, %concatenate3A_10, %concatenate3A : vector<2x2048xi32>
    %and3A_908 = arith.andi %and3A_906, %ne3A_907 : vector<2x2048xi1>
    %ne3A_909 = arith.cmpi ne, %concatenate3A_10, %concatenate3A_6 : vector<2x2048xi32>
    %and3A_910 = arith.andi %and3A_908, %ne3A_909 : vector<2x2048xi1>
    %convert_element_type3A_911 = arith.extui %and3A_910 : vector<2x2048xi1> to vector<2x2048xi32>
    %convert_element_type3A_912 = arith.sitofp %convert_element_type3A_911 : vector<2x2048xi32> to vector<2x2048xf32>
    %swap3A_913 = arith.constant 3 : index
    %swap3A_914 = arith.constant 0 : index
    %swap3A_915 = arith.constant 0 : index
    %swap3A_916 = vector.load %arg2[%swap3A_913, %swap3A_914, %swap3A_915] : memref<32x2x2048xf32, #tpu.memory_space<vmem>>, vector<1x2x2048xf32>
    %swap3A_917 = vector.shape_cast %swap3A_916 : vector<1x2x2048xf32> to vector<2x2048xf32>
    %swap3A_918 = vector.shape_cast %convert_element_type3A_912 : vector<2x2048xf32> to vector<1x2x2048xf32>
    tpu.vector_store %arg2[%swap3A_913, %swap3A_914, %swap3A_915], %swap3A_918 {strides = array<i32>} : memref<32x2x2048xf32, #tpu.memory_space<vmem>>, vector<1x2x2048xf32>,
    %ne3A_919 = arith.constant 0 : i32
    %ne3A_920 = vector.broadcast %ne3A_919 : i32 to vector<2x2048xi32>
    %ne3A_921 = arith.cmpi ne, %concatenate3A_14, %ne3A_920 : vector<2x2048xi32>
    %ne3A_922 = arith.cmpi ne, %concatenate3A_14, %get3A_1 : vector<2x2048xi32>
    %and3A_923 = arith.andi %ne3A_921, %ne3A_922 : vector<2x2048xi1>
    %ne3A_924 = arith.cmpi ne, %concatenate3A_14, %concatenate3A : vector<2x2048xi32>
    %and3A_925 = arith.andi %and3A_923, %ne3A_924 : vector<2x2048xi1>
    %ne3A_926 = arith.cmpi ne, %concatenate3A_14, %concatenate3A_6 : vector<2x2048xi32>
    %and3A_927 = arith.andi %and3A_925, %ne3A_926 : vector<2x2048xi1>
    %ne3A_928 = arith.cmpi ne, %concatenate3A_14, %concatenate3A_10 : vector<2x2048xi32>
    %and3A_929 = arith.andi %and3A_927, %ne3A_928 : vector<2x2048xi1>
    %convert_element_type3A_930 = arith.extui %and3A_929 : vector<2x2048xi1> to vector<2x2048xi32>
    %convert_element_type3A_931 = arith.sitofp %convert_element_type3A_930 : vector<2x2048xi32> to vector<2x2048xf32>
    %swap3A_932 = arith.constant 4 : index
    %swap3A_933 = arith.constant 0 : index
    %swap3A_934 = arith.constant 0 : index
    %swap3A_935 = vector.load %arg2[%swap3A_932, %swap3A_933, %swap3A_934] : memref<32x2x2048xf32, #tpu.memory_space<vmem>>, vector<1x2x2048xf32>
    %swap3A_936 = vector.shape_cast %swap3A_935 : vector<1x2x2048xf32> to vector<2x2048xf32>
    %swap3A_937 = vector.shape_cast %convert_element_type3A_931 : vector<2x2048xf32> to vector<1x2x2048xf32>
    tpu.vector_store %arg2[%swap3A_932, %swap3A_933, %swap3A_934], %swap3A_937 {strides = array<i32>} : memref<32x2x2048xf32, #tpu.memory_space<vmem>>, vector<1x2x2048xf32>,
    %ne3A_938 = arith.constant 0 : i32
    %ne3A_939 = vector.broadcast %ne3A_938 : i32 to vector<2x2048xi32>
    %ne3A_940 = arith.cmpi ne, %concatenate3A_18, %ne3A_939 : vector<2x2048xi32>
    %ne3A_941 = arith.cmpi ne, %concatenate3A_18, %get3A_1 : vector<2x2048xi32>
    %and3A_942 = arith.andi %ne3A_940, %ne3A_941 : vector<2x2048xi1>
    %ne3A_943 = arith.cmpi ne, %concatenate3A_18, %concatenate3A : vector<2x2048xi32>
    %and3A_944 = arith.andi %and3A_942, %ne3A_943 : vector<2x2048xi1>
    %ne3A_945 = arith.cmpi ne, %concatenate3A_18, %concatenate3A_6 : vector<2x2048xi32>
    %and3A_946 = arith.andi %and3A_944, %ne3A_945 : vector<2x2048xi1>
    %ne3A_947 = arith.cmpi ne, %concatenate3A_18, %concatenate3A_10 : vector<2x2048xi32>
    %and3A_948 = arith.andi %and3A_946, %ne3A_947 : vector<2x2048xi1>
    %ne3A_949 = arith.cmpi ne, %concatenate3A_18, %concatenate3A_14 : vector<2x2048xi32>
    %and3A_950 = arith.andi %and3A_948, %ne3A_949 : vector<2x2048xi1>
    %convert_element_type3A_951 = arith.extui %and3A_950 : vector<2x2048xi1> to vector<2x2048xi32>
    %convert_element_type3A_952 = arith.sitofp %convert_element_type3A_951 : vector<2x2048xi32> to vector<2x2048xf32>
    %swap3A_953 = arith.constant 5 : index
    %swap3A_954 = arith.constant 0 : index
    %swap3A_955 = arith.constant 0 : index
    %swap3A_956 = vector.load %arg2[%swap3A_953, %swap3A_954, %swap3A_955] : memref<32x2x2048xf32, #tpu.memory_space<vmem>>, vector<1x2x2048xf32>
    %swap3A_957 = vector.shape_cast %swap3A_956 : vector<1x2x2048xf32> to vector<2x2048xf32>
    %swap3A_958 = vector.shape_cast %convert_element_type3A_952 : vector<2x2048xf32> to vector<1x2x2048xf32>
    tpu.vector_store %arg2[%swap3A_953, %swap3A_954, %swap3A_955], %swap3A_958 {strides = array<i32>} : memref<32x2x2048xf32, #tpu.memory_space<vmem>>, vector<1x2x2048xf32>,
    %ne3A_959 = arith.constant 0 : i32
    %ne3A_960 = vector.broadcast %ne3A_959 : i32 to vector<2x2048xi32>
    %ne3A_961 = arith.cmpi ne, %concatenate3A_22, %ne3A_960 : vector<2x2048xi32>
    %ne3A_962 = arith.cmpi ne, %concatenate3A_22, %get3A_1 : vector<2x2048xi32>
    %and3A_963 = arith.andi %ne3A_961, %ne3A_962 : vector<2x2048xi1>
    %ne3A_964 = arith.cmpi ne, %concatenate3A_22, %concatenate3A : vector<2x2048xi32>
    %and3A_965 = arith.andi %and3A_963, %ne3A_964 : vector<2x2048xi1>
    %ne3A_966 = arith.cmpi ne, %concatenate3A_22, %concatenate3A_6 : vector<2x2048xi32>
    %and3A_967 = arith.andi %and3A_965, %ne3A_966 : vector<2x2048xi1>
    %ne3A_968 = arith.cmpi ne, %concatenate3A_22, %concatenate3A_10 : vector<2x2048xi32>
    %and3A_969 = arith.andi %and3A_967, %ne3A_968 : vector<2x2048xi1>
    %ne3A_970 = arith.cmpi ne, %concatenate3A_22, %concatenate3A_14 : vector<2x2048xi32>
    %and3A_971 = arith.andi %and3A_969, %ne3A_970 : vector<2x2048xi1>
    %ne3A_972 = arith.cmpi ne, %concatenate3A_22, %concatenate3A_18 : vector<2x2048xi32>
    %and3A_973 = arith.andi %and3A_971, %ne3A_972 : vector<2x2048xi1>
    %convert_element_type3A_974 = arith.extui %and3A_973 : vector<2x2048xi1> to vector<2x2048xi32>
    %convert_element_type3A_975 = arith.sitofp %convert_element_type3A_974 : vector<2x2048xi32> to vector<2x2048xf32>
    %swap3A_976 = arith.constant 6 : index
    %swap3A_977 = arith.constant 0 : index
    %swap3A_978 = arith.constant 0 : index
    %swap3A_979 = vector.load %arg2[%swap3A_976, %swap3A_977, %swap3A_978] : memref<32x2x2048xf32, #tpu.memory_space<vmem>>, vector<1x2x2048xf32>
    %swap3A_980 = vector.shape_cast %swap3A_979 : vector<1x2x2048xf32> to vector<2x2048xf32>
    %swap3A_981 = vector.shape_cast %convert_element_type3A_975 : vector<2x2048xf32> to vector<1x2x2048xf32>
    tpu.vector_store %arg2[%swap3A_976, %swap3A_977, %swap3A_978], %swap3A_981 {strides = array<i32>} : memref<32x2x2048xf32, #tpu.memory_space<vmem>>, vector<1x2x2048xf32>,
    %ne3A_982 = arith.constant 0 : i32
    %ne3A_983 = vector.broadcast %ne3A_982 : i32 to vector<2x2048xi32>
    %ne3A_984 = arith.cmpi ne, %concatenate3A_26, %ne3A_983 : vector<2x2048xi32>
    %ne3A_985 = arith.cmpi ne, %concatenate3A_26, %get3A_1 : vector<2x2048xi32>
    %and3A_986 = arith.andi %ne3A_984, %ne3A_985 : vector<2x2048xi1>
    %ne3A_987 = arith.cmpi ne, %concatenate3A_26, %concatenate3A : vector<2x2048xi32>
    %and3A_988 = arith.andi %and3A_986, %ne3A_987 : vector<2x2048xi1>
    %ne3A_989 = arith.cmpi ne, %concatenate3A_26, %concatenate3A_6 : vector<2x2048xi32>
    %and3A_990 = arith.andi %and3A_988, %ne3A_989 : vector<2x2048xi1>
    %ne3A_991 = arith.cmpi ne, %concatenate3A_26, %concatenate3A_10 : vector<2x2048xi32>
    %and3A_992 = arith.andi %and3A_990, %ne3A_991 : vector<2x2048xi1>
    %ne3A_993 = arith.cmpi ne, %concatenate3A_26, %concatenate3A_14 : vector<2x2048xi32>
    %and3A_994 = arith.andi %and3A_992, %ne3A_993 : vector<2x2048xi1>
    %ne3A_995 = arith.cmpi ne, %concatenate3A_26, %concatenate3A_18 : vector<2x2048xi32>
    %and3A_996 = arith.andi %and3A_994, %ne3A_995 : vector<2x2048xi1>
    %ne3A_997 = arith.cmpi ne, %concatenate3A_26, %concatenate3A_22 : vector<2x2048xi32>
    %and3A_998 = arith.andi %and3A_996, %ne3A_997 : vector<2x2048xi1>
    %convert_element_type3A_999 = arith.extui %and3A_998 : vector<2x2048xi1> to vector<2x2048xi32>
    %convert_element_type3A_1000 = arith.sitofp %convert_element_type3A_999 : vector<2x2048xi32> to vector<2x2048xf32>
    %swap3A_1001 = arith.constant 7 : index
    %swap3A_1002 = arith.constant 0 : index
    %swap3A_1003 = arith.constant 0 : index
    %swap3A_1004 = vector.load %arg2[%swap3A_1001, %swap3A_1002, %swap3A_1003] : memref<32x2x2048xf32, #tpu.memory_space<vmem>>, vector<1x2x2048xf32>
    %swap3A_1005 = vector.shape_cast %swap3A_1004 : vector<1x2x2048xf32> to vector<2x2048xf32>
    %swap3A_1006 = vector.shape_cast %convert_element_type3A_1000 : vector<2x2048xf32> to vector<1x2x2048xf32>
    tpu.vector_store %arg2[%swap3A_1001, %swap3A_1002, %swap3A_1003], %swap3A_1006 {strides = array<i32>} : memref<32x2x2048xf32, #tpu.memory_space<vmem>>, vector<1x2x2048xf32>,
    %ne3A_1007 = arith.constant 0 : i32
    %ne3A_1008 = vector.broadcast %ne3A_1007 : i32 to vector<2x2048xi32>
    %ne3A_1009 = arith.cmpi ne, %concatenate3A_30, %ne3A_1008 : vector<2x2048xi32>
    %ne3A_1010 = arith.cmpi ne, %concatenate3A_30, %get3A_1 : vector<2x2048xi32>
    %and3A_1011 = arith.andi %ne3A_1009, %ne3A_1010 : vector<2x2048xi1>
    %ne3A_1012 = arith.cmpi ne, %concatenate3A_30, %concatenate3A : vector<2x2048xi32>
    %and3A_1013 = arith.andi %and3A_1011, %ne3A_1012 : vector<2x2048xi1>
    %ne3A_1014 = arith.cmpi ne, %concatenate3A_30, %concatenate3A_6 : vector<2x2048xi32>
    %and3A_1015 = arith.andi %and3A_1013, %ne3A_1014 : vector<2x2048xi1>
    %ne3A_1016 = arith.cmpi ne, %concatenate3A_30, %concatenate3A_10 : vector<2x2048xi32>
    %and3A_1017 = arith.andi %and3A_1015, %ne3A_1016 : vector<2x2048xi1>
    %ne3A_1018 = arith.cmpi ne, %concatenate3A_30, %concatenate3A_14 : vector<2x2048xi32>
    %and3A_1019 = arith.andi %and3A_1017, %ne3A_1018 : vector<2x2048xi1>
    %ne3A_1020 = arith.cmpi ne, %concatenate3A_30, %concatenate3A_18 : vector<2x2048xi32>
    %and3A_1021 = arith.andi %and3A_1019, %ne3A_1020 : vector<2x2048xi1>
    %ne3A_1022 = arith.cmpi ne, %concatenate3A_30, %concatenate3A_22 : vector<2x2048xi32>
    %and3A_1023 = arith.andi %and3A_1021, %ne3A_1022 : vector<2x2048xi1>
    %ne3A_1024 = arith.cmpi ne, %concatenate3A_30, %concatenate3A_26 : vector<2x2048xi32>
    %and3A_1025 = arith.andi %and3A_1023, %ne3A_1024 : vector<2x2048xi1>
    %convert_element_type3A_1026 = arith.extui %and3A_1025 : vector<2x2048xi1> to vector<2x2048xi32>
    %convert_element_type3A_1027 = arith.sitofp %convert_element_type3A_1026 : vector<2x2048xi32> to vector<2x2048xf32>
    %swap3A_1028 = arith.constant 8 : index
    %swap3A_1029 = arith.constant 0 : index
    %swap3A_1030 = arith.constant 0 : index
    %swap3A_1031 = vector.load %arg2[%swap3A_1028, %swap3A_1029, %swap3A_1030] : memref<32x2x2048xf32, #tpu.memory_space<vmem>>, vector<1x2x2048xf32>
    %swap3A_1032 = vector.shape_cast %swap3A_1031 : vector<1x2x2048xf32> to vector<2x2048xf32>
    %swap3A_1033 = vector.shape_cast %convert_element_type3A_1027 : vector<2x2048xf32> to vector<1x2x2048xf32>
    tpu.vector_store %arg2[%swap3A_1028, %swap3A_1029, %swap3A_1030], %swap3A_1033 {strides = array<i32>} : memref<32x2x2048xf32, #tpu.memory_space<vmem>>, vector<1x2x2048xf32>,
    %ne3A_1034 = arith.constant 0 : i32
    %ne3A_1035 = vector.broadcast %ne3A_1034 : i32 to vector<2x2048xi32>
    %ne3A_1036 = arith.cmpi ne, %concatenate3A_34, %ne3A_1035 : vector<2x2048xi32>
    %ne3A_1037 = arith.cmpi ne, %concatenate3A_34, %get3A_1 : vector<2x2048xi32>
    %and3A_1038 = arith.andi %ne3A_1036, %ne3A_1037 : vector<2x2048xi1>
    %ne3A_1039 = arith.cmpi ne, %concatenate3A_34, %concatenate3A : vector<2x2048xi32>
    %and3A_1040 = arith.andi %and3A_1038, %ne3A_1039 : vector<2x2048xi1>
    %ne3A_1041 = arith.cmpi ne, %concatenate3A_34, %concatenate3A_6 : vector<2x2048xi32>
    %and3A_1042 = arith.andi %and3A_1040, %ne3A_1041 : vector<2x2048xi1>
    %ne3A_1043 = arith.cmpi ne, %concatenate3A_34, %concatenate3A_10 : vector<2x2048xi32>
    %and3A_1044 = arith.andi %and3A_1042, %ne3A_1043 : vector<2x2048xi1>
    %ne3A_1045 = arith.cmpi ne, %concatenate3A_34, %concatenate3A_14 : vector<2x2048xi32>
    %and3A_1046 = arith.andi %and3A_1044, %ne3A_1045 : vector<2x2048xi1>
    %ne3A_1047 = arith.cmpi ne, %concatenate3A_34, %concatenate3A_18 : vector<2x2048xi32>
    %and3A_1048 = arith.andi %and3A_1046, %ne3A_1047 : vector<2x2048xi1>
    %ne3A_1049 = arith.cmpi ne, %concatenate3A_34, %concatenate3A_22 : vector<2x2048xi32>
    %and3A_1050 = arith.andi %and3A_1048, %ne3A_1049 : vector<2x2048xi1>
    %ne3A_1051 = arith.cmpi ne, %concatenate3A_34, %concatenate3A_26 : vector<2x2048xi32>
    %and3A_1052 = arith.andi %and3A_1050, %ne3A_1051 : vector<2x2048xi1>
    %ne3A_1053 = arith.cmpi ne, %concatenate3A_34, %concatenate3A_30 : vector<2x2048xi32>
    %and3A_1054 = arith.andi %and3A_1052, %ne3A_1053 : vector<2x2048xi1>
    %convert_element_type3A_1055 = arith.extui %and3A_1054 : vector<2x2048xi1> to vector<2x2048xi32>
    %convert_element_type3A_1056 = arith.sitofp %convert_element_type3A_1055 : vector<2x2048xi32> to vector<2x2048xf32>
    %swap3A_1057 = arith.constant 9 : index
    %swap3A_1058 = arith.constant 0 : index
    %swap3A_1059 = arith.constant 0 : index
    %swap3A_1060 = vector.load %arg2[%swap3A_1057, %swap3A_1058, %swap3A_1059] : memref<32x2x2048xf32, #tpu.memory_space<vmem>>, vector<1x2x2048xf32>
    %swap3A_1061 = vector.shape_cast %swap3A_1060 : vector<1x2x2048xf32> to vector<2x2048xf32>
    %swap3A_1062 = vector.shape_cast %convert_element_type3A_1056 : vector<2x2048xf32> to vector<1x2x2048xf32>
    tpu.vector_store %arg2[%swap3A_1057, %swap3A_1058, %swap3A_1059], %swap3A_1062 {strides = array<i32>} : memref<32x2x2048xf32, #tpu.memory_space<vmem>>, vector<1x2x2048xf32>,
    %ne3A_1063 = arith.constant 0 : i32
    %ne3A_1064 = vector.broadcast %ne3A_1063 : i32 to vector<2x2048xi32>
    %ne3A_1065 = arith.cmpi ne, %concatenate3A_38, %ne3A_1064 : vector<2x2048xi32>
    %ne3A_1066 = arith.cmpi ne, %concatenate3A_38, %get3A_1 : vector<2x2048xi32>
    %and3A_1067 = arith.andi %ne3A_1065, %ne3A_1066 : vector<2x2048xi1>
    %ne3A_1068 = arith.cmpi ne, %concatenate3A_38, %concatenate3A : vector<2x2048xi32>
    %and3A_1069 = arith.andi %and3A_1067, %ne3A_1068 : vector<2x2048xi1>
    %ne3A_1070 = arith.cmpi ne, %concatenate3A_38, %concatenate3A_6 : vector<2x2048xi32>
    %and3A_1071 = arith.andi %and3A_1069, %ne3A_1070 : vector<2x2048xi1>
    %ne3A_1072 = arith.cmpi ne, %concatenate3A_38, %concatenate3A_10 : vector<2x2048xi32>
    %and3A_1073 = arith.andi %and3A_1071, %ne3A_1072 : vector<2x2048xi1>
    %ne3A_1074 = arith.cmpi ne, %concatenate3A_38, %concatenate3A_14 : vector<2x2048xi32>
    %and3A_1075 = arith.andi %and3A_1073, %ne3A_1074 : vector<2x2048xi1>
    %ne3A_1076 = arith.cmpi ne, %concatenate3A_38, %concatenate3A_18 : vector<2x2048xi32>
    %and3A_1077 = arith.andi %and3A_1075, %ne3A_1076 : vector<2x2048xi1>
    %ne3A_1078 = arith.cmpi ne, %concatenate3A_38, %concatenate3A_22 : vector<2x2048xi32>
    %and3A_1079 = arith.andi %and3A_1077, %ne3A_1078 : vector<2x2048xi1>
    %ne3A_1080 = arith.cmpi ne, %concatenate3A_38, %concatenate3A_26 : vector<2x2048xi32>
    %and3A_1081 = arith.andi %and3A_1079, %ne3A_1080 : vector<2x2048xi1>
    %ne3A_1082 = arith.cmpi ne, %concatenate3A_38, %concatenate3A_30 : vector<2x2048xi32>
    %and3A_1083 = arith.andi %and3A_1081, %ne3A_1082 : vector<2x2048xi1>
    %ne3A_1084 = arith.cmpi ne, %concatenate3A_38, %concatenate3A_34 : vector<2x2048xi32>
    %and3A_1085 = arith.andi %and3A_1083, %ne3A_1084 : vector<2x2048xi1>
    %convert_element_type3A_1086 = arith.extui %and3A_1085 : vector<2x2048xi1> to vector<2x2048xi32>
    %convert_element_type3A_1087 = arith.sitofp %convert_element_type3A_1086 : vector<2x2048xi32> to vector<2x2048xf32>
    %swap3A_1088 = arith.constant 10 : index
    %swap3A_1089 = arith.constant 0 : index
    %swap3A_1090 = arith.constant 0 : index
    %swap3A_1091 = vector.load %arg2[%swap3A_1088, %swap3A_1089, %swap3A_1090] : memref<32x2x2048xf32, #tpu.memory_space<vmem>>, vector<1x2x2048xf32>
    %swap3A_1092 = vector.shape_cast %swap3A_1091 : vector<1x2x2048xf32> to vector<2x2048xf32>
    %swap3A_1093 = vector.shape_cast %convert_element_type3A_1087 : vector<2x2048xf32> to vector<1x2x2048xf32>
    tpu.vector_store %arg2[%swap3A_1088, %swap3A_1089, %swap3A_1090], %swap3A_1093 {strides = array<i32>} : memref<32x2x2048xf32, #tpu.memory_space<vmem>>, vector<1x2x2048xf32>,
    %ne3A_1094 = arith.constant 0 : i32
    %ne3A_1095 = vector.broadcast %ne3A_1094 : i32 to vector<2x2048xi32>
    %ne3A_1096 = arith.cmpi ne, %concatenate3A_42, %ne3A_1095 : vector<2x2048xi32>
    %ne3A_1097 = arith.cmpi ne, %concatenate3A_42, %get3A_1 : vector<2x2048xi32>
    %and3A_1098 = arith.andi %ne3A_1096, %ne3A_1097 : vector<2x2048xi1>
    %ne3A_1099 = arith.cmpi ne, %concatenate3A_42, %concatenate3A : vector<2x2048xi32>
    %and3A_1100 = arith.andi %and3A_1098, %ne3A_1099 : vector<2x2048xi1>
    %ne3A_1101 = arith.cmpi ne, %concatenate3A_42, %concatenate3A_6 : vector<2x2048xi32>
    %and3A_1102 = arith.andi %and3A_1100, %ne3A_1101 : vector<2x2048xi1>
    %ne3A_1103 = arith.cmpi ne, %concatenate3A_42, %concatenate3A_10 : vector<2x2048xi32>
    %and3A_1104 = arith.andi %and3A_1102, %ne3A_1103 : vector<2x2048xi1>
    %ne3A_1105 = arith.cmpi ne, %concatenate3A_42, %concatenate3A_14 : vector<2x2048xi32>
    %and3A_1106 = arith.andi %and3A_1104, %ne3A_1105 : vector<2x2048xi1>
    %ne3A_1107 = arith.cmpi ne, %concatenate3A_42, %concatenate3A_18 : vector<2x2048xi32>
    %and3A_1108 = arith.andi %and3A_1106, %ne3A_1107 : vector<2x2048xi1>
    %ne3A_1109 = arith.cmpi ne, %concatenate3A_42, %concatenate3A_22 : vector<2x2048xi32>
    %and3A_1110 = arith.andi %and3A_1108, %ne3A_1109 : vector<2x2048xi1>
    %ne3A_1111 = arith.cmpi ne, %concatenate3A_42, %concatenate3A_26 : vector<2x2048xi32>
    %and3A_1112 = arith.andi %and3A_1110, %ne3A_1111 : vector<2x2048xi1>
    %ne3A_1113 = arith.cmpi ne, %concatenate3A_42, %concatenate3A_30 : vector<2x2048xi32>
    %and3A_1114 = arith.andi %and3A_1112, %ne3A_1113 : vector<2x2048xi1>
    %ne3A_1115 = arith.cmpi ne, %concatenate3A_42, %concatenate3A_34 : vector<2x2048xi32>
    %and3A_1116 = arith.andi %and3A_1114, %ne3A_1115 : vector<2x2048xi1>
    %ne3A_1117 = arith.cmpi ne, %concatenate3A_42, %concatenate3A_38 : vector<2x2048xi32>
    %and3A_1118 = arith.andi %and3A_1116, %ne3A_1117 : vector<2x2048xi1>
    %convert_element_type3A_1119 = arith.extui %and3A_1118 : vector<2x2048xi1> to vector<2x2048xi32>
    %convert_element_type3A_1120 = arith.sitofp %convert_element_type3A_1119 : vector<2x2048xi32> to vector<2x2048xf32>
    %swap3A_1121 = arith.constant 11 : index
    %swap3A_1122 = arith.constant 0 : index
    %swap3A_1123 = arith.constant 0 : index
    %swap3A_1124 = vector.load %arg2[%swap3A_1121, %swap3A_1122, %swap3A_1123] : memref<32x2x2048xf32, #tpu.memory_space<vmem>>, vector<1x2x2048xf32>
    %swap3A_1125 = vector.shape_cast %swap3A_1124 : vector<1x2x2048xf32> to vector<2x2048xf32>
    %swap3A_1126 = vector.shape_cast %convert_element_type3A_1120 : vector<2x2048xf32> to vector<1x2x2048xf32>
    tpu.vector_store %arg2[%swap3A_1121, %swap3A_1122, %swap3A_1123], %swap3A_1126 {strides = array<i32>} : memref<32x2x2048xf32, #tpu.memory_space<vmem>>, vector<1x2x2048xf32>,
    %ne3A_1127 = arith.constant 0 : i32
    %ne3A_1128 = vector.broadcast %ne3A_1127 : i32 to vector<2x2048xi32>
    %ne3A_1129 = arith.cmpi ne, %concatenate3A_46, %ne3A_1128 : vector<2x2048xi32>
    %ne3A_1130 = arith.cmpi ne, %concatenate3A_46, %get3A_1 : vector<2x2048xi32>
    %and3A_1131 = arith.andi %ne3A_1129, %ne3A_1130 : vector<2x2048xi1>
    %ne3A_1132 = arith.cmpi ne, %concatenate3A_46, %concatenate3A : vector<2x2048xi32>
    %and3A_1133 = arith.andi %and3A_1131, %ne3A_1132 : vector<2x2048xi1>
    %ne3A_1134 = arith.cmpi ne, %concatenate3A_46, %concatenate3A_6 : vector<2x2048xi32>
    %and3A_1135 = arith.andi %and3A_1133, %ne3A_1134 : vector<2x2048xi1>
    %ne3A_1136 = arith.cmpi ne, %concatenate3A_46, %concatenate3A_10 : vector<2x2048xi32>
    %and3A_1137 = arith.andi %and3A_1135, %ne3A_1136 : vector<2x2048xi1>
    %ne3A_1138 = arith.cmpi ne, %concatenate3A_46, %concatenate3A_14 : vector<2x2048xi32>
    %and3A_1139 = arith.andi %and3A_1137, %ne3A_1138 : vector<2x2048xi1>
    %ne3A_1140 = arith.cmpi ne, %concatenate3A_46, %concatenate3A_18 : vector<2x2048xi32>
    %and3A_1141 = arith.andi %and3A_1139, %ne3A_1140 : vector<2x2048xi1>
    %ne3A_1142 = arith.cmpi ne, %concatenate3A_46, %concatenate3A_22 : vector<2x2048xi32>
    %and3A_1143 = arith.andi %and3A_1141, %ne3A_1142 : vector<2x2048xi1>
    %ne3A_1144 = arith.cmpi ne, %concatenate3A_46, %concatenate3A_26 : vector<2x2048xi32>
    %and3A_1145 = arith.andi %and3A_1143, %ne3A_1144 : vector<2x2048xi1>
    %ne3A_1146 = arith.cmpi ne, %concatenate3A_46, %concatenate3A_30 : vector<2x2048xi32>
    %and3A_1147 = arith.andi %and3A_1145, %ne3A_1146 : vector<2x2048xi1>
    %ne3A_1148 = arith.cmpi ne, %concatenate3A_46, %concatenate3A_34 : vector<2x2048xi32>
    %and3A_1149 = arith.andi %and3A_1147, %ne3A_1148 : vector<2x2048xi1>
    %ne3A_1150 = arith.cmpi ne, %concatenate3A_46, %concatenate3A_38 : vector<2x2048xi32>
    %and3A_1151 = arith.andi %and3A_1149, %ne3A_1150 : vector<2x2048xi1>
    %ne3A_1152 = arith.cmpi ne, %concatenate3A_46, %concatenate3A_42 : vector<2x2048xi32>
    %and3A_1153 = arith.andi %and3A_1151, %ne3A_1152 : vector<2x2048xi1>
    %convert_element_type3A_1154 = arith.extui %and3A_1153 : vector<2x2048xi1> to vector<2x2048xi32>
    %convert_element_type3A_1155 = arith.sitofp %convert_element_type3A_1154 : vector<2x2048xi32> to vector<2x2048xf32>
    %swap3A_1156 = arith.constant 12 : index
    %swap3A_1157 = arith.constant 0 : index
    %swap3A_1158 = arith.constant 0 : index
    %swap3A_1159 = vector.load %arg2[%swap3A_1156, %swap3A_1157, %swap3A_1158] : memref<32x2x2048xf32, #tpu.memory_space<vmem>>, vector<1x2x2048xf32>
    %swap3A_1160 = vector.shape_cast %swap3A_1159 : vector<1x2x2048xf32> to vector<2x2048xf32>
    %swap3A_1161 = vector.shape_cast %convert_element_type3A_1155 : vector<2x2048xf32> to vector<1x2x2048xf32>
    tpu.vector_store %arg2[%swap3A_1156, %swap3A_1157, %swap3A_1158], %swap3A_1161 {strides = array<i32>} : memref<32x2x2048xf32, #tpu.memory_space<vmem>>, vector<1x2x2048xf32>,
    %ne3A_1162 = arith.constant 0 : i32
    %ne3A_1163 = vector.broadcast %ne3A_1162 : i32 to vector<2x2048xi32>
    %ne3A_1164 = arith.cmpi ne, %concatenate3A_50, %ne3A_1163 : vector<2x2048xi32>
    %ne3A_1165 = arith.cmpi ne, %concatenate3A_50, %get3A_1 : vector<2x2048xi32>
    %and3A_1166 = arith.andi %ne3A_1164, %ne3A_1165 : vector<2x2048xi1>
    %ne3A_1167 = arith.cmpi ne, %concatenate3A_50, %concatenate3A : vector<2x2048xi32>
    %and3A_1168 = arith.andi %and3A_1166, %ne3A_1167 : vector<2x2048xi1>
    %ne3A_1169 = arith.cmpi ne, %concatenate3A_50, %concatenate3A_6 : vector<2x2048xi32>
    %and3A_1170 = arith.andi %and3A_1168, %ne3A_1169 : vector<2x2048xi1>
    %ne3A_1171 = arith.cmpi ne, %concatenate3A_50, %concatenate3A_10 : vector<2x2048xi32>
    %and3A_1172 = arith.andi %and3A_1170, %ne3A_1171 : vector<2x2048xi1>
    %ne3A_1173 = arith.cmpi ne, %concatenate3A_50, %concatenate3A_14 : vector<2x2048xi32>
    %and3A_1174 = arith.andi %and3A_1172, %ne3A_1173 : vector<2x2048xi1>
    %ne3A_1175 = arith.cmpi ne, %concatenate3A_50, %concatenate3A_18 : vector<2x2048xi32>
    %and3A_1176 = arith.andi %and3A_1174, %ne3A_1175 : vector<2x2048xi1>
    %ne3A_1177 = arith.cmpi ne, %concatenate3A_50, %concatenate3A_22 : vector<2x2048xi32>
    %and3A_1178 = arith.andi %and3A_1176, %ne3A_1177 : vector<2x2048xi1>
    %ne3A_1179 = arith.cmpi ne, %concatenate3A_50, %concatenate3A_26 : vector<2x2048xi32>
    %and3A_1180 = arith.andi %and3A_1178, %ne3A_1179 : vector<2x2048xi1>
    %ne3A_1181 = arith.cmpi ne, %concatenate3A_50, %concatenate3A_30 : vector<2x2048xi32>
    %and3A_1182 = arith.andi %and3A_1180, %ne3A_1181 : vector<2x2048xi1>
    %ne3A_1183 = arith.cmpi ne, %concatenate3A_50, %concatenate3A_34 : vector<2x2048xi32>
    %and3A_1184 = arith.andi %and3A_1182, %ne3A_1183 : vector<2x2048xi1>
    %ne3A_1185 = arith.cmpi ne, %concatenate3A_50, %concatenate3A_38 : vector<2x2048xi32>
    %and3A_1186 = arith.andi %and3A_1184, %ne3A_1185 : vector<2x2048xi1>
    %ne3A_1187 = arith.cmpi ne, %concatenate3A_50, %concatenate3A_42 : vector<2x2048xi32>
    %and3A_1188 = arith.andi %and3A_1186, %ne3A_1187 : vector<2x2048xi1>
    %ne3A_1189 = arith.cmpi ne, %concatenate3A_50, %concatenate3A_46 : vector<2x2048xi32>
    %and3A_1190 = arith.andi %and3A_1188, %ne3A_1189 : vector<2x2048xi1>
    %convert_element_type3A_1191 = arith.extui %and3A_1190 : vector<2x2048xi1> to vector<2x2048xi32>
    %convert_element_type3A_1192 = arith.sitofp %convert_element_type3A_1191 : vector<2x2048xi32> to vector<2x2048xf32>
    %swap3A_1193 = arith.constant 13 : index
    %swap3A_1194 = arith.constant 0 : index
    %swap3A_1195 = arith.constant 0 : index
    %swap3A_1196 = vector.load %arg2[%swap3A_1193, %swap3A_1194, %swap3A_1195] : memref<32x2x2048xf32, #tpu.memory_space<vmem>>, vector<1x2x2048xf32>
    %swap3A_1197 = vector.shape_cast %swap3A_1196 : vector<1x2x2048xf32> to vector<2x2048xf32>
    %swap3A_1198 = vector.shape_cast %convert_element_type3A_1192 : vector<2x2048xf32> to vector<1x2x2048xf32>
    tpu.vector_store %arg2[%swap3A_1193, %swap3A_1194, %swap3A_1195], %swap3A_1198 {strides = array<i32>} : memref<32x2x2048xf32, #tpu.memory_space<vmem>>, vector<1x2x2048xf32>,
    %ne3A_1199 = arith.constant 0 : i32
    %ne3A_1200 = vector.broadcast %ne3A_1199 : i32 to vector<2x2048xi32>
    %ne3A_1201 = arith.cmpi ne, %concatenate3A_54, %ne3A_1200 : vector<2x2048xi32>
    %ne3A_1202 = arith.cmpi ne, %concatenate3A_54, %get3A_1 : vector<2x2048xi32>
    %and3A_1203 = arith.andi %ne3A_1201, %ne3A_1202 : vector<2x2048xi1>
    %ne3A_1204 = arith.cmpi ne, %concatenate3A_54, %concatenate3A : vector<2x2048xi32>
    %and3A_1205 = arith.andi %and3A_1203, %ne3A_1204 : vector<2x2048xi1>
    %ne3A_1206 = arith.cmpi ne, %concatenate3A_54, %concatenate3A_6 : vector<2x2048xi32>
    %and3A_1207 = arith.andi %and3A_1205, %ne3A_1206 : vector<2x2048xi1>
    %ne3A_1208 = arith.cmpi ne, %concatenate3A_54, %concatenate3A_10 : vector<2x2048xi32>
    %and3A_1209 = arith.andi %and3A_1207, %ne3A_1208 : vector<2x2048xi1>
    %ne3A_1210 = arith.cmpi ne, %concatenate3A_54, %concatenate3A_14 : vector<2x2048xi32>
    %and3A_1211 = arith.andi %and3A_1209, %ne3A_1210 : vector<2x2048xi1>
    %ne3A_1212 = arith.cmpi ne, %concatenate3A_54, %concatenate3A_18 : vector<2x2048xi32>
    %and3A_1213 = arith.andi %and3A_1211, %ne3A_1212 : vector<2x2048xi1>
    %ne3A_1214 = arith.cmpi ne, %concatenate3A_54, %concatenate3A_22 : vector<2x2048xi32>
    %and3A_1215 = arith.andi %and3A_1213, %ne3A_1214 : vector<2x2048xi1>
    %ne3A_1216 = arith.cmpi ne, %concatenate3A_54, %concatenate3A_26 : vector<2x2048xi32>
    %and3A_1217 = arith.andi %and3A_1215, %ne3A_1216 : vector<2x2048xi1>
    %ne3A_1218 = arith.cmpi ne, %concatenate3A_54, %concatenate3A_30 : vector<2x2048xi32>
    %and3A_1219 = arith.andi %and3A_1217, %ne3A_1218 : vector<2x2048xi1>
    %ne3A_1220 = arith.cmpi ne, %concatenate3A_54, %concatenate3A_34 : vector<2x2048xi32>
    %and3A_1221 = arith.andi %and3A_1219, %ne3A_1220 : vector<2x2048xi1>
    %ne3A_1222 = arith.cmpi ne, %concatenate3A_54, %concatenate3A_38 : vector<2x2048xi32>
    %and3A_1223 = arith.andi %and3A_1221, %ne3A_1222 : vector<2x2048xi1>
    %ne3A_1224 = arith.cmpi ne, %concatenate3A_54, %concatenate3A_42 : vector<2x2048xi32>
    %and3A_1225 = arith.andi %and3A_1223, %ne3A_1224 : vector<2x2048xi1>
    %ne3A_1226 = arith.cmpi ne, %concatenate3A_54, %concatenate3A_46 : vector<2x2048xi32>
    %and3A_1227 = arith.andi %and3A_1225, %ne3A_1226 : vector<2x2048xi1>
    %ne3A_1228 = arith.cmpi ne, %concatenate3A_54, %concatenate3A_50 : vector<2x2048xi32>
    %and3A_1229 = arith.andi %and3A_1227, %ne3A_1228 : vector<2x2048xi1>
    %convert_element_type3A_1230 = arith.extui %and3A_1229 : vector<2x2048xi1> to vector<2x2048xi32>
    %convert_element_type3A_1231 = arith.sitofp %convert_element_type3A_1230 : vector<2x2048xi32> to vector<2x2048xf32>
    %swap3A_1232 = arith.constant 14 : index
    %swap3A_1233 = arith.constant 0 : index
    %swap3A_1234 = arith.constant 0 : index
    %swap3A_1235 = vector.load %arg2[%swap3A_1232, %swap3A_1233, %swap3A_1234] : memref<32x2x2048xf32, #tpu.memory_space<vmem>>, vector<1x2x2048xf32>
    %swap3A_1236 = vector.shape_cast %swap3A_1235 : vector<1x2x2048xf32> to vector<2x2048xf32>
    %swap3A_1237 = vector.shape_cast %convert_element_type3A_1231 : vector<2x2048xf32> to vector<1x2x2048xf32>
    tpu.vector_store %arg2[%swap3A_1232, %swap3A_1233, %swap3A_1234], %swap3A_1237 {strides = array<i32>} : memref<32x2x2048xf32, #tpu.memory_space<vmem>>, vector<1x2x2048xf32>,
    %ne3A_1238 = arith.constant 0 : i32
    %ne3A_1239 = vector.broadcast %ne3A_1238 : i32 to vector<2x2048xi32>
    %ne3A_1240 = arith.cmpi ne, %concatenate3A_58, %ne3A_1239 : vector<2x2048xi32>
    %ne3A_1241 = arith.cmpi ne, %concatenate3A_58, %get3A_1 : vector<2x2048xi32>
    %and3A_1242 = arith.andi %ne3A_1240, %ne3A_1241 : vector<2x2048xi1>
    %ne3A_1243 = arith.cmpi ne, %concatenate3A_58, %concatenate3A : vector<2x2048xi32>
    %and3A_1244 = arith.andi %and3A_1242, %ne3A_1243 : vector<2x2048xi1>
    %ne3A_1245 = arith.cmpi ne, %concatenate3A_58, %concatenate3A_6 : vector<2x2048xi32>
    %and3A_1246 = arith.andi %and3A_1244, %ne3A_1245 : vector<2x2048xi1>
    %ne3A_1247 = arith.cmpi ne, %concatenate3A_58, %concatenate3A_10 : vector<2x2048xi32>
    %and3A_1248 = arith.andi %and3A_1246, %ne3A_1247 : vector<2x2048xi1>
    %ne3A_1249 = arith.cmpi ne, %concatenate3A_58, %concatenate3A_14 : vector<2x2048xi32>
    %and3A_1250 = arith.andi %and3A_1248, %ne3A_1249 : vector<2x2048xi1>
    %ne3A_1251 = arith.cmpi ne, %concatenate3A_58, %concatenate3A_18 : vector<2x2048xi32>
    %and3A_1252 = arith.andi %and3A_1250, %ne3A_1251 : vector<2x2048xi1>
    %ne3A_1253 = arith.cmpi ne, %concatenate3A_58, %concatenate3A_22 : vector<2x2048xi32>
    %and3A_1254 = arith.andi %and3A_1252, %ne3A_1253 : vector<2x2048xi1>
    %ne3A_1255 = arith.cmpi ne, %concatenate3A_58, %concatenate3A_26 : vector<2x2048xi32>
    %and3A_1256 = arith.andi %and3A_1254, %ne3A_1255 : vector<2x2048xi1>
    %ne3A_1257 = arith.cmpi ne, %concatenate3A_58, %concatenate3A_30 : vector<2x2048xi32>
    %and3A_1258 = arith.andi %and3A_1256, %ne3A_1257 : vector<2x2048xi1>
    %ne3A_1259 = arith.cmpi ne, %concatenate3A_58, %concatenate3A_34 : vector<2x2048xi32>
    %and3A_1260 = arith.andi %and3A_1258, %ne3A_1259 : vector<2x2048xi1>
    %ne3A_1261 = arith.cmpi ne, %concatenate3A_58, %concatenate3A_38 : vector<2x2048xi32>
    %and3A_1262 = arith.andi %and3A_1260, %ne3A_1261 : vector<2x2048xi1>
    %ne3A_1263 = arith.cmpi ne, %concatenate3A_58, %concatenate3A_42 : vector<2x2048xi32>
    %and3A_1264 = arith.andi %and3A_1262, %ne3A_1263 : vector<2x2048xi1>
    %ne3A_1265 = arith.cmpi ne, %concatenate3A_58, %concatenate3A_46 : vector<2x2048xi32>
    %and3A_1266 = arith.andi %and3A_1264, %ne3A_1265 : vector<2x2048xi1>
    %ne3A_1267 = arith.cmpi ne, %concatenate3A_58, %concatenate3A_50 : vector<2x2048xi32>
    %and3A_1268 = arith.andi %and3A_1266, %ne3A_1267 : vector<2x2048xi1>
    %ne3A_1269 = arith.cmpi ne, %concatenate3A_58, %concatenate3A_54 : vector<2x2048xi32>
    %and3A_1270 = arith.andi %and3A_1268, %ne3A_1269 : vector<2x2048xi1>
    %convert_element_type3A_1271 = arith.extui %and3A_1270 : vector<2x2048xi1> to vector<2x2048xi32>
    %convert_element_type3A_1272 = arith.sitofp %convert_element_type3A_1271 : vector<2x2048xi32> to vector<2x2048xf32>
    %swap3A_1273 = arith.constant 15 : index
    %swap3A_1274 = arith.constant 0 : index
    %swap3A_1275 = arith.constant 0 : index
    %swap3A_1276 = vector.load %arg2[%swap3A_1273, %swap3A_1274, %swap3A_1275] : memref<32x2x2048xf32, #tpu.memory_space<vmem>>, vector<1x2x2048xf32>
    %swap3A_1277 = vector.shape_cast %swap3A_1276 : vector<1x2x2048xf32> to vector<2x2048xf32>
    %swap3A_1278 = vector.shape_cast %convert_element_type3A_1272 : vector<2x2048xf32> to vector<1x2x2048xf32>
    tpu.vector_store %arg2[%swap3A_1273, %swap3A_1274, %swap3A_1275], %swap3A_1278 {strides = array<i32>} : memref<32x2x2048xf32, #tpu.memory_space<vmem>>, vector<1x2x2048xf32>,
    %ne3A_1279 = arith.constant 0 : i32
    %ne3A_1280 = vector.broadcast %ne3A_1279 : i32 to vector<2x2048xi32>
    %ne3A_1281 = arith.cmpi ne, %concatenate3A_62, %ne3A_1280 : vector<2x2048xi32>
    %ne3A_1282 = arith.cmpi ne, %concatenate3A_62, %get3A_1 : vector<2x2048xi32>
    %and3A_1283 = arith.andi %ne3A_1281, %ne3A_1282 : vector<2x2048xi1>
    %ne3A_1284 = arith.cmpi ne, %concatenate3A_62, %concatenate3A : vector<2x2048xi32>
    %and3A_1285 = arith.andi %and3A_1283, %ne3A_1284 : vector<2x2048xi1>
    %ne3A_1286 = arith.cmpi ne, %concatenate3A_62, %concatenate3A_6 : vector<2x2048xi32>
    %and3A_1287 = arith.andi %and3A_1285, %ne3A_1286 : vector<2x2048xi1>
    %ne3A_1288 = arith.cmpi ne, %concatenate3A_62, %concatenate3A_10 : vector<2x2048xi32>
    %and3A_1289 = arith.andi %and3A_1287, %ne3A_1288 : vector<2x2048xi1>
    %ne3A_1290 = arith.cmpi ne, %concatenate3A_62, %concatenate3A_14 : vector<2x2048xi32>
    %and3A_1291 = arith.andi %and3A_1289, %ne3A_1290 : vector<2x2048xi1>
    %ne3A_1292 = arith.cmpi ne, %concatenate3A_62, %concatenate3A_18 : vector<2x2048xi32>
    %and3A_1293 = arith.andi %and3A_1291, %ne3A_1292 : vector<2x2048xi1>
    %ne3A_1294 = arith.cmpi ne, %concatenate3A_62, %concatenate3A_22 : vector<2x2048xi32>
    %and3A_1295 = arith.andi %and3A_1293, %ne3A_1294 : vector<2x2048xi1>
    %ne3A_1296 = arith.cmpi ne, %concatenate3A_62, %concatenate3A_26 : vector<2x2048xi32>
    %and3A_1297 = arith.andi %and3A_1295, %ne3A_1296 : vector<2x2048xi1>
    %ne3A_1298 = arith.cmpi ne, %concatenate3A_62, %concatenate3A_30 : vector<2x2048xi32>
    %and3A_1299 = arith.andi %and3A_1297, %ne3A_1298 : vector<2x2048xi1>
    %ne3A_1300 = arith.cmpi ne, %concatenate3A_62, %concatenate3A_34 : vector<2x2048xi32>
    %and3A_1301 = arith.andi %and3A_1299, %ne3A_1300 : vector<2x2048xi1>
    %ne3A_1302 = arith.cmpi ne, %concatenate3A_62, %concatenate3A_38 : vector<2x2048xi32>
    %and3A_1303 = arith.andi %and3A_1301, %ne3A_1302 : vector<2x2048xi1>
    %ne3A_1304 = arith.cmpi ne, %concatenate3A_62, %concatenate3A_42 : vector<2x2048xi32>
    %and3A_1305 = arith.andi %and3A_1303, %ne3A_1304 : vector<2x2048xi1>
    %ne3A_1306 = arith.cmpi ne, %concatenate3A_62, %concatenate3A_46 : vector<2x2048xi32>
    %and3A_1307 = arith.andi %and3A_1305, %ne3A_1306 : vector<2x2048xi1>
    %ne3A_1308 = arith.cmpi ne, %concatenate3A_62, %concatenate3A_50 : vector<2x2048xi32>
    %and3A_1309 = arith.andi %and3A_1307, %ne3A_1308 : vector<2x2048xi1>
    %ne3A_1310 = arith.cmpi ne, %concatenate3A_62, %concatenate3A_54 : vector<2x2048xi32>
    %and3A_1311 = arith.andi %and3A_1309, %ne3A_1310 : vector<2x2048xi1>
    %ne3A_1312 = arith.cmpi ne, %concatenate3A_62, %concatenate3A_58 : vector<2x2048xi32>
    %and3A_1313 = arith.andi %and3A_1311, %ne3A_1312 : vector<2x2048xi1>
    %convert_element_type3A_1314 = arith.extui %and3A_1313 : vector<2x2048xi1> to vector<2x2048xi32>
    %convert_element_type3A_1315 = arith.sitofp %convert_element_type3A_1314 : vector<2x2048xi32> to vector<2x2048xf32>
    %swap3A_1316 = arith.constant 16 : index
    %swap3A_1317 = arith.constant 0 : index
    %swap3A_1318 = arith.constant 0 : index
    %swap3A_1319 = vector.load %arg2[%swap3A_1316, %swap3A_1317, %swap3A_1318] : memref<32x2x2048xf32, #tpu.memory_space<vmem>>, vector<1x2x2048xf32>
    %swap3A_1320 = vector.shape_cast %swap3A_1319 : vector<1x2x2048xf32> to vector<2x2048xf32>
    %swap3A_1321 = vector.shape_cast %convert_element_type3A_1315 : vector<2x2048xf32> to vector<1x2x2048xf32>
    tpu.vector_store %arg2[%swap3A_1316, %swap3A_1317, %swap3A_1318], %swap3A_1321 {strides = array<i32>} : memref<32x2x2048xf32, #tpu.memory_space<vmem>>, vector<1x2x2048xf32>,
    %ne3A_1322 = arith.constant 0 : i32
    %ne3A_1323 = vector.broadcast %ne3A_1322 : i32 to vector<2x2048xi32>
    %ne3A_1324 = arith.cmpi ne, %concatenate3A_66, %ne3A_1323 : vector<2x2048xi32>
    %ne3A_1325 = arith.cmpi ne, %concatenate3A_66, %get3A_1 : vector<2x2048xi32>
    %and3A_1326 = arith.andi %ne3A_1324, %ne3A_1325 : vector<2x2048xi1>
    %ne3A_1327 = arith.cmpi ne, %concatenate3A_66, %concatenate3A : vector<2x2048xi32>
    %and3A_1328 = arith.andi %and3A_1326, %ne3A_1327 : vector<2x2048xi1>
    %ne3A_1329 = arith.cmpi ne, %concatenate3A_66, %concatenate3A_6 : vector<2x2048xi32>
    %and3A_1330 = arith.andi %and3A_1328, %ne3A_1329 : vector<2x2048xi1>
    %ne3A_1331 = arith.cmpi ne, %concatenate3A_66, %concatenate3A_10 : vector<2x2048xi32>
    %and3A_1332 = arith.andi %and3A_1330, %ne3A_1331 : vector<2x2048xi1>
    %ne3A_1333 = arith.cmpi ne, %concatenate3A_66, %concatenate3A_14 : vector<2x2048xi32>
    %and3A_1334 = arith.andi %and3A_1332, %ne3A_1333 : vector<2x2048xi1>
    %ne3A_1335 = arith.cmpi ne, %concatenate3A_66, %concatenate3A_18 : vector<2x2048xi32>
    %and3A_1336 = arith.andi %and3A_1334, %ne3A_1335 : vector<2x2048xi1>
    %ne3A_1337 = arith.cmpi ne, %concatenate3A_66, %concatenate3A_22 : vector<2x2048xi32>
    %and3A_1338 = arith.andi %and3A_1336, %ne3A_1337 : vector<2x2048xi1>
    %ne3A_1339 = arith.cmpi ne, %concatenate3A_66, %concatenate3A_26 : vector<2x2048xi32>
    %and3A_1340 = arith.andi %and3A_1338, %ne3A_1339 : vector<2x2048xi1>
    %ne3A_1341 = arith.cmpi ne, %concatenate3A_66, %concatenate3A_30 : vector<2x2048xi32>
    %and3A_1342 = arith.andi %and3A_1340, %ne3A_1341 : vector<2x2048xi1>
    %ne3A_1343 = arith.cmpi ne, %concatenate3A_66, %concatenate3A_34 : vector<2x2048xi32>
    %and3A_1344 = arith.andi %and3A_1342, %ne3A_1343 : vector<2x2048xi1>
    %ne3A_1345 = arith.cmpi ne, %concatenate3A_66, %concatenate3A_38 : vector<2x2048xi32>
    %and3A_1346 = arith.andi %and3A_1344, %ne3A_1345 : vector<2x2048xi1>
    %ne3A_1347 = arith.cmpi ne, %concatenate3A_66, %concatenate3A_42 : vector<2x2048xi32>
    %and3A_1348 = arith.andi %and3A_1346, %ne3A_1347 : vector<2x2048xi1>
    %ne3A_1349 = arith.cmpi ne, %concatenate3A_66, %concatenate3A_46 : vector<2x2048xi32>
    %and3A_1350 = arith.andi %and3A_1348, %ne3A_1349 : vector<2x2048xi1>
    %ne3A_1351 = arith.cmpi ne, %concatenate3A_66, %concatenate3A_50 : vector<2x2048xi32>
    %and3A_1352 = arith.andi %and3A_1350, %ne3A_1351 : vector<2x2048xi1>
    %ne3A_1353 = arith.cmpi ne, %concatenate3A_66, %concatenate3A_54 : vector<2x2048xi32>
    %and3A_1354 = arith.andi %and3A_1352, %ne3A_1353 : vector<2x2048xi1>
    %ne3A_1355 = arith.cmpi ne, %concatenate3A_66, %concatenate3A_58 : vector<2x2048xi32>
    %and3A_1356 = arith.andi %and3A_1354, %ne3A_1355 : vector<2x2048xi1>
    %ne3A_1357 = arith.cmpi ne, %concatenate3A_66, %concatenate3A_62 : vector<2x2048xi32>
    %and3A_1358 = arith.andi %and3A_1356, %ne3A_1357 : vector<2x2048xi1>
    %convert_element_type3A_1359 = arith.extui %and3A_1358 : vector<2x2048xi1> to vector<2x2048xi32>
    %convert_element_type3A_1360 = arith.sitofp %convert_element_type3A_1359 : vector<2x2048xi32> to vector<2x2048xf32>
    %swap3A_1361 = arith.constant 17 : index
    %swap3A_1362 = arith.constant 0 : index
    %swap3A_1363 = arith.constant 0 : index
    %swap3A_1364 = vector.load %arg2[%swap3A_1361, %swap3A_1362, %swap3A_1363] : memref<32x2x2048xf32, #tpu.memory_space<vmem>>, vector<1x2x2048xf32>
    %swap3A_1365 = vector.shape_cast %swap3A_1364 : vector<1x2x2048xf32> to vector<2x2048xf32>
    %swap3A_1366 = vector.shape_cast %convert_element_type3A_1360 : vector<2x2048xf32> to vector<1x2x2048xf32>
    tpu.vector_store %arg2[%swap3A_1361, %swap3A_1362, %swap3A_1363], %swap3A_1366 {strides = array<i32>} : memref<32x2x2048xf32, #tpu.memory_space<vmem>>, vector<1x2x2048xf32>,
    %ne3A_1367 = arith.constant 0 : i32
    %ne3A_1368 = vector.broadcast %ne3A_1367 : i32 to vector<2x2048xi32>
    %ne3A_1369 = arith.cmpi ne, %concatenate3A_70, %ne3A_1368 : vector<2x2048xi32>
    %ne3A_1370 = arith.cmpi ne, %concatenate3A_70, %get3A_1 : vector<2x2048xi32>
    %and3A_1371 = arith.andi %ne3A_1369, %ne3A_1370 : vector<2x2048xi1>
    %ne3A_1372 = arith.cmpi ne, %concatenate3A_70, %concatenate3A : vector<2x2048xi32>
    %and3A_1373 = arith.andi %and3A_1371, %ne3A_1372 : vector<2x2048xi1>
    %ne3A_1374 = arith.cmpi ne, %concatenate3A_70, %concatenate3A_6 : vector<2x2048xi32>
    %and3A_1375 = arith.andi %and3A_1373, %ne3A_1374 : vector<2x2048xi1>
    %ne3A_1376 = arith.cmpi ne, %concatenate3A_70, %concatenate3A_10 : vector<2x2048xi32>
    %and3A_1377 = arith.andi %and3A_1375, %ne3A_1376 : vector<2x2048xi1>
    %ne3A_1378 = arith.cmpi ne, %concatenate3A_70, %concatenate3A_14 : vector<2x2048xi32>
    %and3A_1379 = arith.andi %and3A_1377, %ne3A_1378 : vector<2x2048xi1>
    %ne3A_1380 = arith.cmpi ne, %concatenate3A_70, %concatenate3A_18 : vector<2x2048xi32>
    %and3A_1381 = arith.andi %and3A_1379, %ne3A_1380 : vector<2x2048xi1>
    %ne3A_1382 = arith.cmpi ne, %concatenate3A_70, %concatenate3A_22 : vector<2x2048xi32>
    %and3A_1383 = arith.andi %and3A_1381, %ne3A_1382 : vector<2x2048xi1>
    %ne3A_1384 = arith.cmpi ne, %concatenate3A_70, %concatenate3A_26 : vector<2x2048xi32>
    %and3A_1385 = arith.andi %and3A_1383, %ne3A_1384 : vector<2x2048xi1>
    %ne3A_1386 = arith.cmpi ne, %concatenate3A_70, %concatenate3A_30 : vector<2x2048xi32>
    %and3A_1387 = arith.andi %and3A_1385, %ne3A_1386 : vector<2x2048xi1>
    %ne3A_1388 = arith.cmpi ne, %concatenate3A_70, %concatenate3A_34 : vector<2x2048xi32>
    %and3A_1389 = arith.andi %and3A_1387, %ne3A_1388 : vector<2x2048xi1>
    %ne3A_1390 = arith.cmpi ne, %concatenate3A_70, %concatenate3A_38 : vector<2x2048xi32>
    %and3A_1391 = arith.andi %and3A_1389, %ne3A_1390 : vector<2x2048xi1>
    %ne3A_1392 = arith.cmpi ne, %concatenate3A_70, %concatenate3A_42 : vector<2x2048xi32>
    %and3A_1393 = arith.andi %and3A_1391, %ne3A_1392 : vector<2x2048xi1>
    %ne3A_1394 = arith.cmpi ne, %concatenate3A_70, %concatenate3A_46 : vector<2x2048xi32>
    %and3A_1395 = arith.andi %and3A_1393, %ne3A_1394 : vector<2x2048xi1>
    %ne3A_1396 = arith.cmpi ne, %concatenate3A_70, %concatenate3A_50 : vector<2x2048xi32>
    %and3A_1397 = arith.andi %and3A_1395, %ne3A_1396 : vector<2x2048xi1>
    %ne3A_1398 = arith.cmpi ne, %concatenate3A_70, %concatenate3A_54 : vector<2x2048xi32>
    %and3A_1399 = arith.andi %and3A_1397, %ne3A_1398 : vector<2x2048xi1>
    %ne3A_1400 = arith.cmpi ne, %concatenate3A_70, %concatenate3A_58 : vector<2x2048xi32>
    %and3A_1401 = arith.andi %and3A_1399, %ne3A_1400 : vector<2x2048xi1>
    %ne3A_1402 = arith.cmpi ne, %concatenate3A_70, %concatenate3A_62 : vector<2x2048xi32>
    %and3A_1403 = arith.andi %and3A_1401, %ne3A_1402 : vector<2x2048xi1>
    %ne3A_1404 = arith.cmpi ne, %concatenate3A_70, %concatenate3A_66 : vector<2x2048xi32>
    %and3A_1405 = arith.andi %and3A_1403, %ne3A_1404 : vector<2x2048xi1>
    %convert_element_type3A_1406 = arith.extui %and3A_1405 : vector<2x2048xi1> to vector<2x2048xi32>
    %convert_element_type3A_1407 = arith.sitofp %convert_element_type3A_1406 : vector<2x2048xi32> to vector<2x2048xf32>
    %swap3A_1408 = arith.constant 18 : index
    %swap3A_1409 = arith.constant 0 : index
    %swap3A_1410 = arith.constant 0 : index
    %swap3A_1411 = vector.load %arg2[%swap3A_1408, %swap3A_1409, %swap3A_1410] : memref<32x2x2048xf32, #tpu.memory_space<vmem>>, vector<1x2x2048xf32>
    %swap3A_1412 = vector.shape_cast %swap3A_1411 : vector<1x2x2048xf32> to vector<2x2048xf32>
    %swap3A_1413 = vector.shape_cast %convert_element_type3A_1407 : vector<2x2048xf32> to vector<1x2x2048xf32>
    tpu.vector_store %arg2[%swap3A_1408, %swap3A_1409, %swap3A_1410], %swap3A_1413 {strides = array<i32>} : memref<32x2x2048xf32, #tpu.memory_space<vmem>>, vector<1x2x2048xf32>,
    %ne3A_1414 = arith.constant 0 : i32
    %ne3A_1415 = vector.broadcast %ne3A_1414 : i32 to vector<2x2048xi32>
    %ne3A_1416 = arith.cmpi ne, %concatenate3A_74, %ne3A_1415 : vector<2x2048xi32>
    %ne3A_1417 = arith.cmpi ne, %concatenate3A_74, %get3A_1 : vector<2x2048xi32>
    %and3A_1418 = arith.andi %ne3A_1416, %ne3A_1417 : vector<2x2048xi1>
    %ne3A_1419 = arith.cmpi ne, %concatenate3A_74, %concatenate3A : vector<2x2048xi32>
    %and3A_1420 = arith.andi %and3A_1418, %ne3A_1419 : vector<2x2048xi1>
    %ne3A_1421 = arith.cmpi ne, %concatenate3A_74, %concatenate3A_6 : vector<2x2048xi32>
    %and3A_1422 = arith.andi %and3A_1420, %ne3A_1421 : vector<2x2048xi1>
    %ne3A_1423 = arith.cmpi ne, %concatenate3A_74, %concatenate3A_10 : vector<2x2048xi32>
    %and3A_1424 = arith.andi %and3A_1422, %ne3A_1423 : vector<2x2048xi1>
    %ne3A_1425 = arith.cmpi ne, %concatenate3A_74, %concatenate3A_14 : vector<2x2048xi32>
    %and3A_1426 = arith.andi %and3A_1424, %ne3A_1425 : vector<2x2048xi1>
    %ne3A_1427 = arith.cmpi ne, %concatenate3A_74, %concatenate3A_18 : vector<2x2048xi32>
    %and3A_1428 = arith.andi %and3A_1426, %ne3A_1427 : vector<2x2048xi1>
    %ne3A_1429 = arith.cmpi ne, %concatenate3A_74, %concatenate3A_22 : vector<2x2048xi32>
    %and3A_1430 = arith.andi %and3A_1428, %ne3A_1429 : vector<2x2048xi1>
    %ne3A_1431 = arith.cmpi ne, %concatenate3A_74, %concatenate3A_26 : vector<2x2048xi32>
    %and3A_1432 = arith.andi %and3A_1430, %ne3A_1431 : vector<2x2048xi1>
    %ne3A_1433 = arith.cmpi ne, %concatenate3A_74, %concatenate3A_30 : vector<2x2048xi32>
    %and3A_1434 = arith.andi %and3A_1432, %ne3A_1433 : vector<2x2048xi1>
    %ne3A_1435 = arith.cmpi ne, %concatenate3A_74, %concatenate3A_34 : vector<2x2048xi32>
    %and3A_1436 = arith.andi %and3A_1434, %ne3A_1435 : vector<2x2048xi1>
    %ne3A_1437 = arith.cmpi ne, %concatenate3A_74, %concatenate3A_38 : vector<2x2048xi32>
    %and3A_1438 = arith.andi %and3A_1436, %ne3A_1437 : vector<2x2048xi1>
    %ne3A_1439 = arith.cmpi ne, %concatenate3A_74, %concatenate3A_42 : vector<2x2048xi32>
    %and3A_1440 = arith.andi %and3A_1438, %ne3A_1439 : vector<2x2048xi1>
    %ne3A_1441 = arith.cmpi ne, %concatenate3A_74, %concatenate3A_46 : vector<2x2048xi32>
    %and3A_1442 = arith.andi %and3A_1440, %ne3A_1441 : vector<2x2048xi1>
    %ne3A_1443 = arith.cmpi ne, %concatenate3A_74, %concatenate3A_50 : vector<2x2048xi32>
    %and3A_1444 = arith.andi %and3A_1442, %ne3A_1443 : vector<2x2048xi1>
    %ne3A_1445 = arith.cmpi ne, %concatenate3A_74, %concatenate3A_54 : vector<2x2048xi32>
    %and3A_1446 = arith.andi %and3A_1444, %ne3A_1445 : vector<2x2048xi1>
    %ne3A_1447 = arith.cmpi ne, %concatenate3A_74, %concatenate3A_58 : vector<2x2048xi32>
    %and3A_1448 = arith.andi %and3A_1446, %ne3A_1447 : vector<2x2048xi1>
    %ne3A_1449 = arith.cmpi ne, %concatenate3A_74, %concatenate3A_62 : vector<2x2048xi32>
    %and3A_1450 = arith.andi %and3A_1448, %ne3A_1449 : vector<2x2048xi1>
    %ne3A_1451 = arith.cmpi ne, %concatenate3A_74, %concatenate3A_66 : vector<2x2048xi32>
    %and3A_1452 = arith.andi %and3A_1450, %ne3A_1451 : vector<2x2048xi1>
    %ne3A_1453 = arith.cmpi ne, %concatenate3A_74, %concatenate3A_70 : vector<2x2048xi32>
    %and3A_1454 = arith.andi %and3A_1452, %ne3A_1453 : vector<2x2048xi1>
    %convert_element_type3A_1455 = arith.extui %and3A_1454 : vector<2x2048xi1> to vector<2x2048xi32>
    %convert_element_type3A_1456 = arith.sitofp %convert_element_type3A_1455 : vector<2x2048xi32> to vector<2x2048xf32>
    %swap3A_1457 = arith.constant 19 : index
    %swap3A_1458 = arith.constant 0 : index
    %swap3A_1459 = arith.constant 0 : index
    %swap3A_1460 = vector.load %arg2[%swap3A_1457, %swap3A_1458, %swap3A_1459] : memref<32x2x2048xf32, #tpu.memory_space<vmem>>, vector<1x2x2048xf32>
    %swap3A_1461 = vector.shape_cast %swap3A_1460 : vector<1x2x2048xf32> to vector<2x2048xf32>
    %swap3A_1462 = vector.shape_cast %convert_element_type3A_1456 : vector<2x2048xf32> to vector<1x2x2048xf32>
    tpu.vector_store %arg2[%swap3A_1457, %swap3A_1458, %swap3A_1459], %swap3A_1462 {strides = array<i32>} : memref<32x2x2048xf32, #tpu.memory_space<vmem>>, vector<1x2x2048xf32>,
    %ne3A_1463 = arith.constant 0 : i32
    %ne3A_1464 = vector.broadcast %ne3A_1463 : i32 to vector<2x2048xi32>
    %ne3A_1465 = arith.cmpi ne, %concatenate3A_78, %ne3A_1464 : vector<2x2048xi32>
    %ne3A_1466 = arith.cmpi ne, %concatenate3A_78, %get3A_1 : vector<2x2048xi32>
    %and3A_1467 = arith.andi %ne3A_1465, %ne3A_1466 : vector<2x2048xi1>
    %ne3A_1468 = arith.cmpi ne, %concatenate3A_78, %concatenate3A : vector<2x2048xi32>
    %and3A_1469 = arith.andi %and3A_1467, %ne3A_1468 : vector<2x2048xi1>
    %ne3A_1470 = arith.cmpi ne, %concatenate3A_78, %concatenate3A_6 : vector<2x2048xi32>
    %and3A_1471 = arith.andi %and3A_1469, %ne3A_1470 : vector<2x2048xi1>
    %ne3A_1472 = arith.cmpi ne, %concatenate3A_78, %concatenate3A_10 : vector<2x2048xi32>
    %and3A_1473 = arith.andi %and3A_1471, %ne3A_1472 : vector<2x2048xi1>
    %ne3A_1474 = arith.cmpi ne, %concatenate3A_78, %concatenate3A_14 : vector<2x2048xi32>
    %and3A_1475 = arith.andi %and3A_1473, %ne3A_1474 : vector<2x2048xi1>
    %ne3A_1476 = arith.cmpi ne, %concatenate3A_78, %concatenate3A_18 : vector<2x2048xi32>
    %and3A_1477 = arith.andi %and3A_1475, %ne3A_1476 : vector<2x2048xi1>
    %ne3A_1478 = arith.cmpi ne, %concatenate3A_78, %concatenate3A_22 : vector<2x2048xi32>
    %and3A_1479 = arith.andi %and3A_1477, %ne3A_1478 : vector<2x2048xi1>
    %ne3A_1480 = arith.cmpi ne, %concatenate3A_78, %concatenate3A_26 : vector<2x2048xi32>
    %and3A_1481 = arith.andi %and3A_1479, %ne3A_1480 : vector<2x2048xi1>
    %ne3A_1482 = arith.cmpi ne, %concatenate3A_78, %concatenate3A_30 : vector<2x2048xi32>
    %and3A_1483 = arith.andi %and3A_1481, %ne3A_1482 : vector<2x2048xi1>
    %ne3A_1484 = arith.cmpi ne, %concatenate3A_78, %concatenate3A_34 : vector<2x2048xi32>
    %and3A_1485 = arith.andi %and3A_1483, %ne3A_1484 : vector<2x2048xi1>
    %ne3A_1486 = arith.cmpi ne, %concatenate3A_78, %concatenate3A_38 : vector<2x2048xi32>
    %and3A_1487 = arith.andi %and3A_1485, %ne3A_1486 : vector<2x2048xi1>
    %ne3A_1488 = arith.cmpi ne, %concatenate3A_78, %concatenate3A_42 : vector<2x2048xi32>
    %and3A_1489 = arith.andi %and3A_1487, %ne3A_1488 : vector<2x2048xi1>
    %ne3A_1490 = arith.cmpi ne, %concatenate3A_78, %concatenate3A_46 : vector<2x2048xi32>
    %and3A_1491 = arith.andi %and3A_1489, %ne3A_1490 : vector<2x2048xi1>
    %ne3A_1492 = arith.cmpi ne, %concatenate3A_78, %concatenate3A_50 : vector<2x2048xi32>
    %and3A_1493 = arith.andi %and3A_1491, %ne3A_1492 : vector<2x2048xi1>
    %ne3A_1494 = arith.cmpi ne, %concatenate3A_78, %concatenate3A_54 : vector<2x2048xi32>
    %and3A_1495 = arith.andi %and3A_1493, %ne3A_1494 : vector<2x2048xi1>
    %ne3A_1496 = arith.cmpi ne, %concatenate3A_78, %concatenate3A_58 : vector<2x2048xi32>
    %and3A_1497 = arith.andi %and3A_1495, %ne3A_1496 : vector<2x2048xi1>
    %ne3A_1498 = arith.cmpi ne, %concatenate3A_78, %concatenate3A_62 : vector<2x2048xi32>
    %and3A_1499 = arith.andi %and3A_1497, %ne3A_1498 : vector<2x2048xi1>
    %ne3A_1500 = arith.cmpi ne, %concatenate3A_78, %concatenate3A_66 : vector<2x2048xi32>
    %and3A_1501 = arith.andi %and3A_1499, %ne3A_1500 : vector<2x2048xi1>
    %ne3A_1502 = arith.cmpi ne, %concatenate3A_78, %concatenate3A_70 : vector<2x2048xi32>
    %and3A_1503 = arith.andi %and3A_1501, %ne3A_1502 : vector<2x2048xi1>
    %ne3A_1504 = arith.cmpi ne, %concatenate3A_78, %concatenate3A_74 : vector<2x2048xi32>
    %and3A_1505 = arith.andi %and3A_1503, %ne3A_1504 : vector<2x2048xi1>
    %convert_element_type3A_1506 = arith.extui %and3A_1505 : vector<2x2048xi1> to vector<2x2048xi32>
    %convert_element_type3A_1507 = arith.sitofp %convert_element_type3A_1506 : vector<2x2048xi32> to vector<2x2048xf32>
    %swap3A_1508 = arith.constant 20 : index
    %swap3A_1509 = arith.constant 0 : index
    %swap3A_1510 = arith.constant 0 : index
    %swap3A_1511 = vector.load %arg2[%swap3A_1508, %swap3A_1509, %swap3A_1510] : memref<32x2x2048xf32, #tpu.memory_space<vmem>>, vector<1x2x2048xf32>
    %swap3A_1512 = vector.shape_cast %swap3A_1511 : vector<1x2x2048xf32> to vector<2x2048xf32>
    %swap3A_1513 = vector.shape_cast %convert_element_type3A_1507 : vector<2x2048xf32> to vector<1x2x2048xf32>
    tpu.vector_store %arg2[%swap3A_1508, %swap3A_1509, %swap3A_1510], %swap3A_1513 {strides = array<i32>} : memref<32x2x2048xf32, #tpu.memory_space<vmem>>, vector<1x2x2048xf32>,
    %ne3A_1514 = arith.constant 0 : i32
    %ne3A_1515 = vector.broadcast %ne3A_1514 : i32 to vector<2x2048xi32>
    %ne3A_1516 = arith.cmpi ne, %concatenate3A_82, %ne3A_1515 : vector<2x2048xi32>
    %ne3A_1517 = arith.cmpi ne, %concatenate3A_82, %get3A_1 : vector<2x2048xi32>
    %and3A_1518 = arith.andi %ne3A_1516, %ne3A_1517 : vector<2x2048xi1>
    %ne3A_1519 = arith.cmpi ne, %concatenate3A_82, %concatenate3A : vector<2x2048xi32>
    %and3A_1520 = arith.andi %and3A_1518, %ne3A_1519 : vector<2x2048xi1>
    %ne3A_1521 = arith.cmpi ne, %concatenate3A_82, %concatenate3A_6 : vector<2x2048xi32>
    %and3A_1522 = arith.andi %and3A_1520, %ne3A_1521 : vector<2x2048xi1>
    %ne3A_1523 = arith.cmpi ne, %concatenate3A_82, %concatenate3A_10 : vector<2x2048xi32>
    %and3A_1524 = arith.andi %and3A_1522, %ne3A_1523 : vector<2x2048xi1>
    %ne3A_1525 = arith.cmpi ne, %concatenate3A_82, %concatenate3A_14 : vector<2x2048xi32>
    %and3A_1526 = arith.andi %and3A_1524, %ne3A_1525 : vector<2x2048xi1>
    %ne3A_1527 = arith.cmpi ne, %concatenate3A_82, %concatenate3A_18 : vector<2x2048xi32>
    %and3A_1528 = arith.andi %and3A_1526, %ne3A_1527 : vector<2x2048xi1>
    %ne3A_1529 = arith.cmpi ne, %concatenate3A_82, %concatenate3A_22 : vector<2x2048xi32>
    %and3A_1530 = arith.andi %and3A_1528, %ne3A_1529 : vector<2x2048xi1>
    %ne3A_1531 = arith.cmpi ne, %concatenate3A_82, %concatenate3A_26 : vector<2x2048xi32>
    %and3A_1532 = arith.andi %and3A_1530, %ne3A_1531 : vector<2x2048xi1>
    %ne3A_1533 = arith.cmpi ne, %concatenate3A_82, %concatenate3A_30 : vector<2x2048xi32>
    %and3A_1534 = arith.andi %and3A_1532, %ne3A_1533 : vector<2x2048xi1>
    %ne3A_1535 = arith.cmpi ne, %concatenate3A_82, %concatenate3A_34 : vector<2x2048xi32>
    %and3A_1536 = arith.andi %and3A_1534, %ne3A_1535 : vector<2x2048xi1>
    %ne3A_1537 = arith.cmpi ne, %concatenate3A_82, %concatenate3A_38 : vector<2x2048xi32>
    %and3A_1538 = arith.andi %and3A_1536, %ne3A_1537 : vector<2x2048xi1>
    %ne3A_1539 = arith.cmpi ne, %concatenate3A_82, %concatenate3A_42 : vector<2x2048xi32>
    %and3A_1540 = arith.andi %and3A_1538, %ne3A_1539 : vector<2x2048xi1>
    %ne3A_1541 = arith.cmpi ne, %concatenate3A_82, %concatenate3A_46 : vector<2x2048xi32>
    %and3A_1542 = arith.andi %and3A_1540, %ne3A_1541 : vector<2x2048xi1>
    %ne3A_1543 = arith.cmpi ne, %concatenate3A_82, %concatenate3A_50 : vector<2x2048xi32>
    %and3A_1544 = arith.andi %and3A_1542, %ne3A_1543 : vector<2x2048xi1>
    %ne3A_1545 = arith.cmpi ne, %concatenate3A_82, %concatenate3A_54 : vector<2x2048xi32>
    %and3A_1546 = arith.andi %and3A_1544, %ne3A_1545 : vector<2x2048xi1>
    %ne3A_1547 = arith.cmpi ne, %concatenate3A_82, %concatenate3A_58 : vector<2x2048xi32>
    %and3A_1548 = arith.andi %and3A_1546, %ne3A_1547 : vector<2x2048xi1>
    %ne3A_1549 = arith.cmpi ne, %concatenate3A_82, %concatenate3A_62 : vector<2x2048xi32>
    %and3A_1550 = arith.andi %and3A_1548, %ne3A_1549 : vector<2x2048xi1>
    %ne3A_1551 = arith.cmpi ne, %concatenate3A_82, %concatenate3A_66 : vector<2x2048xi32>
    %and3A_1552 = arith.andi %and3A_1550, %ne3A_1551 : vector<2x2048xi1>
    %ne3A_1553 = arith.cmpi ne, %concatenate3A_82, %concatenate3A_70 : vector<2x2048xi32>
    %and3A_1554 = arith.andi %and3A_1552, %ne3A_1553 : vector<2x2048xi1>
    %ne3A_1555 = arith.cmpi ne, %concatenate3A_82, %concatenate3A_74 : vector<2x2048xi32>
    %and3A_1556 = arith.andi %and3A_1554, %ne3A_1555 : vector<2x2048xi1>
    %ne3A_1557 = arith.cmpi ne, %concatenate3A_82, %concatenate3A_78 : vector<2x2048xi32>
    %and3A_1558 = arith.andi %and3A_1556, %ne3A_1557 : vector<2x2048xi1>
    %convert_element_type3A_1559 = arith.extui %and3A_1558 : vector<2x2048xi1> to vector<2x2048xi32>
    %convert_element_type3A_1560 = arith.sitofp %convert_element_type3A_1559 : vector<2x2048xi32> to vector<2x2048xf32>
    %swap3A_1561 = arith.constant 21 : index
    %swap3A_1562 = arith.constant 0 : index
    %swap3A_1563 = arith.constant 0 : index
    %swap3A_1564 = vector.load %arg2[%swap3A_1561, %swap3A_1562, %swap3A_1563] : memref<32x2x2048xf32, #tpu.memory_space<vmem>>, vector<1x2x2048xf32>
    %swap3A_1565 = vector.shape_cast %swap3A_1564 : vector<1x2x2048xf32> to vector<2x2048xf32>
    %swap3A_1566 = vector.shape_cast %convert_element_type3A_1560 : vector<2x2048xf32> to vector<1x2x2048xf32>
    tpu.vector_store %arg2[%swap3A_1561, %swap3A_1562, %swap3A_1563], %swap3A_1566 {strides = array<i32>} : memref<32x2x2048xf32, #tpu.memory_space<vmem>>, vector<1x2x2048xf32>,
    %ne3A_1567 = arith.constant 0 : i32
    %ne3A_1568 = vector.broadcast %ne3A_1567 : i32 to vector<2x2048xi32>
    %ne3A_1569 = arith.cmpi ne, %concatenate3A_86, %ne3A_1568 : vector<2x2048xi32>
    %ne3A_1570 = arith.cmpi ne, %concatenate3A_86, %get3A_1 : vector<2x2048xi32>
    %and3A_1571 = arith.andi %ne3A_1569, %ne3A_1570 : vector<2x2048xi1>
    %ne3A_1572 = arith.cmpi ne, %concatenate3A_86, %concatenate3A : vector<2x2048xi32>
    %and3A_1573 = arith.andi %and3A_1571, %ne3A_1572 : vector<2x2048xi1>
    %ne3A_1574 = arith.cmpi ne, %concatenate3A_86, %concatenate3A_6 : vector<2x2048xi32>
    %and3A_1575 = arith.andi %and3A_1573, %ne3A_1574 : vector<2x2048xi1>
    %ne3A_1576 = arith.cmpi ne, %concatenate3A_86, %concatenate3A_10 : vector<2x2048xi32>
    %and3A_1577 = arith.andi %and3A_1575, %ne3A_1576 : vector<2x2048xi1>
    %ne3A_1578 = arith.cmpi ne, %concatenate3A_86, %concatenate3A_14 : vector<2x2048xi32>
    %and3A_1579 = arith.andi %and3A_1577, %ne3A_1578 : vector<2x2048xi1>
    %ne3A_1580 = arith.cmpi ne, %concatenate3A_86, %concatenate3A_18 : vector<2x2048xi32>
    %and3A_1581 = arith.andi %and3A_1579, %ne3A_1580 : vector<2x2048xi1>
    %ne3A_1582 = arith.cmpi ne, %concatenate3A_86, %concatenate3A_22 : vector<2x2048xi32>
    %and3A_1583 = arith.andi %and3A_1581, %ne3A_1582 : vector<2x2048xi1>
    %ne3A_1584 = arith.cmpi ne, %concatenate3A_86, %concatenate3A_26 : vector<2x2048xi32>
    %and3A_1585 = arith.andi %and3A_1583, %ne3A_1584 : vector<2x2048xi1>
    %ne3A_1586 = arith.cmpi ne, %concatenate3A_86, %concatenate3A_30 : vector<2x2048xi32>
    %and3A_1587 = arith.andi %and3A_1585, %ne3A_1586 : vector<2x2048xi1>
    %ne3A_1588 = arith.cmpi ne, %concatenate3A_86, %concatenate3A_34 : vector<2x2048xi32>
    %and3A_1589 = arith.andi %and3A_1587, %ne3A_1588 : vector<2x2048xi1>
    %ne3A_1590 = arith.cmpi ne, %concatenate3A_86, %concatenate3A_38 : vector<2x2048xi32>
    %and3A_1591 = arith.andi %and3A_1589, %ne3A_1590 : vector<2x2048xi1>
    %ne3A_1592 = arith.cmpi ne, %concatenate3A_86, %concatenate3A_42 : vector<2x2048xi32>
    %and3A_1593 = arith.andi %and3A_1591, %ne3A_1592 : vector<2x2048xi1>
    %ne3A_1594 = arith.cmpi ne, %concatenate3A_86, %concatenate3A_46 : vector<2x2048xi32>
    %and3A_1595 = arith.andi %and3A_1593, %ne3A_1594 : vector<2x2048xi1>
    %ne3A_1596 = arith.cmpi ne, %concatenate3A_86, %concatenate3A_50 : vector<2x2048xi32>
    %and3A_1597 = arith.andi %and3A_1595, %ne3A_1596 : vector<2x2048xi1>
    %ne3A_1598 = arith.cmpi ne, %concatenate3A_86, %concatenate3A_54 : vector<2x2048xi32>
    %and3A_1599 = arith.andi %and3A_1597, %ne3A_1598 : vector<2x2048xi1>
    %ne3A_1600 = arith.cmpi ne, %concatenate3A_86, %concatenate3A_58 : vector<2x2048xi32>
    %and3A_1601 = arith.andi %and3A_1599, %ne3A_1600 : vector<2x2048xi1>
    %ne3A_1602 = arith.cmpi ne, %concatenate3A_86, %concatenate3A_62 : vector<2x2048xi32>
    %and3A_1603 = arith.andi %and3A_1601, %ne3A_1602 : vector<2x2048xi1>
    %ne3A_1604 = arith.cmpi ne, %concatenate3A_86, %concatenate3A_66 : vector<2x2048xi32>
    %and3A_1605 = arith.andi %and3A_1603, %ne3A_1604 : vector<2x2048xi1>
    %ne3A_1606 = arith.cmpi ne, %concatenate3A_86, %concatenate3A_70 : vector<2x2048xi32>
    %and3A_1607 = arith.andi %and3A_1605, %ne3A_1606 : vector<2x2048xi1>
    %ne3A_1608 = arith.cmpi ne, %concatenate3A_86, %concatenate3A_74 : vector<2x2048xi32>
    %and3A_1609 = arith.andi %and3A_1607, %ne3A_1608 : vector<2x2048xi1>
    %ne3A_1610 = arith.cmpi ne, %concatenate3A_86, %concatenate3A_78 : vector<2x2048xi32>
    %and3A_1611 = arith.andi %and3A_1609, %ne3A_1610 : vector<2x2048xi1>
    %ne3A_1612 = arith.cmpi ne, %concatenate3A_86, %concatenate3A_82 : vector<2x2048xi32>
    %and3A_1613 = arith.andi %and3A_1611, %ne3A_1612 : vector<2x2048xi1>
    %convert_element_type3A_1614 = arith.extui %and3A_1613 : vector<2x2048xi1> to vector<2x2048xi32>
    %convert_element_type3A_1615 = arith.sitofp %convert_element_type3A_1614 : vector<2x2048xi32> to vector<2x2048xf32>
    %swap3A_1616 = arith.constant 22 : index
    %swap3A_1617 = arith.constant 0 : index
    %swap3A_1618 = arith.constant 0 : index
    %swap3A_1619 = vector.load %arg2[%swap3A_1616, %swap3A_1617, %swap3A_1618] : memref<32x2x2048xf32, #tpu.memory_space<vmem>>, vector<1x2x2048xf32>
    %swap3A_1620 = vector.shape_cast %swap3A_1619 : vector<1x2x2048xf32> to vector<2x2048xf32>
    %swap3A_1621 = vector.shape_cast %convert_element_type3A_1615 : vector<2x2048xf32> to vector<1x2x2048xf32>
    tpu.vector_store %arg2[%swap3A_1616, %swap3A_1617, %swap3A_1618], %swap3A_1621 {strides = array<i32>} : memref<32x2x2048xf32, #tpu.memory_space<vmem>>, vector<1x2x2048xf32>,
    %ne3A_1622 = arith.constant 0 : i32
    %ne3A_1623 = vector.broadcast %ne3A_1622 : i32 to vector<2x2048xi32>
    %ne3A_1624 = arith.cmpi ne, %concatenate3A_90, %ne3A_1623 : vector<2x2048xi32>
    %ne3A_1625 = arith.cmpi ne, %concatenate3A_90, %get3A_1 : vector<2x2048xi32>
    %and3A_1626 = arith.andi %ne3A_1624, %ne3A_1625 : vector<2x2048xi1>
    %ne3A_1627 = arith.cmpi ne, %concatenate3A_90, %concatenate3A : vector<2x2048xi32>
    %and3A_1628 = arith.andi %and3A_1626, %ne3A_1627 : vector<2x2048xi1>
    %ne3A_1629 = arith.cmpi ne, %concatenate3A_90, %concatenate3A_6 : vector<2x2048xi32>
    %and3A_1630 = arith.andi %and3A_1628, %ne3A_1629 : vector<2x2048xi1>
    %ne3A_1631 = arith.cmpi ne, %concatenate3A_90, %concatenate3A_10 : vector<2x2048xi32>
    %and3A_1632 = arith.andi %and3A_1630, %ne3A_1631 : vector<2x2048xi1>
    %ne3A_1633 = arith.cmpi ne, %concatenate3A_90, %concatenate3A_14 : vector<2x2048xi32>
    %and3A_1634 = arith.andi %and3A_1632, %ne3A_1633 : vector<2x2048xi1>
    %ne3A_1635 = arith.cmpi ne, %concatenate3A_90, %concatenate3A_18 : vector<2x2048xi32>
    %and3A_1636 = arith.andi %and3A_1634, %ne3A_1635 : vector<2x2048xi1>
    %ne3A_1637 = arith.cmpi ne, %concatenate3A_90, %concatenate3A_22 : vector<2x2048xi32>
    %and3A_1638 = arith.andi %and3A_1636, %ne3A_1637 : vector<2x2048xi1>
    %ne3A_1639 = arith.cmpi ne, %concatenate3A_90, %concatenate3A_26 : vector<2x2048xi32>
    %and3A_1640 = arith.andi %and3A_1638, %ne3A_1639 : vector<2x2048xi1>
    %ne3A_1641 = arith.cmpi ne, %concatenate3A_90, %concatenate3A_30 : vector<2x2048xi32>
    %and3A_1642 = arith.andi %and3A_1640, %ne3A_1641 : vector<2x2048xi1>
    %ne3A_1643 = arith.cmpi ne, %concatenate3A_90, %concatenate3A_34 : vector<2x2048xi32>
    %and3A_1644 = arith.andi %and3A_1642, %ne3A_1643 : vector<2x2048xi1>
    %ne3A_1645 = arith.cmpi ne, %concatenate3A_90, %concatenate3A_38 : vector<2x2048xi32>
    %and3A_1646 = arith.andi %and3A_1644, %ne3A_1645 : vector<2x2048xi1>
    %ne3A_1647 = arith.cmpi ne, %concatenate3A_90, %concatenate3A_42 : vector<2x2048xi32>
    %and3A_1648 = arith.andi %and3A_1646, %ne3A_1647 : vector<2x2048xi1>
    %ne3A_1649 = arith.cmpi ne, %concatenate3A_90, %concatenate3A_46 : vector<2x2048xi32>
    %and3A_1650 = arith.andi %and3A_1648, %ne3A_1649 : vector<2x2048xi1>
    %ne3A_1651 = arith.cmpi ne, %concatenate3A_90, %concatenate3A_50 : vector<2x2048xi32>
    %and3A_1652 = arith.andi %and3A_1650, %ne3A_1651 : vector<2x2048xi1>
    %ne3A_1653 = arith.cmpi ne, %concatenate3A_90, %concatenate3A_54 : vector<2x2048xi32>
    %and3A_1654 = arith.andi %and3A_1652, %ne3A_1653 : vector<2x2048xi1>
    %ne3A_1655 = arith.cmpi ne, %concatenate3A_90, %concatenate3A_58 : vector<2x2048xi32>
    %and3A_1656 = arith.andi %and3A_1654, %ne3A_1655 : vector<2x2048xi1>
    %ne3A_1657 = arith.cmpi ne, %concatenate3A_90, %concatenate3A_62 : vector<2x2048xi32>
    %and3A_1658 = arith.andi %and3A_1656, %ne3A_1657 : vector<2x2048xi1>
    %ne3A_1659 = arith.cmpi ne, %concatenate3A_90, %concatenate3A_66 : vector<2x2048xi32>
    %and3A_1660 = arith.andi %and3A_1658, %ne3A_1659 : vector<2x2048xi1>
    %ne3A_1661 = arith.cmpi ne, %concatenate3A_90, %concatenate3A_70 : vector<2x2048xi32>
    %and3A_1662 = arith.andi %and3A_1660, %ne3A_1661 : vector<2x2048xi1>
    %ne3A_1663 = arith.cmpi ne, %concatenate3A_90, %concatenate3A_74 : vector<2x2048xi32>
    %and3A_1664 = arith.andi %and3A_1662, %ne3A_1663 : vector<2x2048xi1>
    %ne3A_1665 = arith.cmpi ne, %concatenate3A_90, %concatenate3A_78 : vector<2x2048xi32>
    %and3A_1666 = arith.andi %and3A_1664, %ne3A_1665 : vector<2x2048xi1>
    %ne3A_1667 = arith.cmpi ne, %concatenate3A_90, %concatenate3A_82 : vector<2x2048xi32>
    %and3A_1668 = arith.andi %and3A_1666, %ne3A_1667 : vector<2x2048xi1>
    %ne3A_1669 = arith.cmpi ne, %concatenate3A_90, %concatenate3A_86 : vector<2x2048xi32>
    %and3A_1670 = arith.andi %and3A_1668, %ne3A_1669 : vector<2x2048xi1>
    %convert_element_type3A_1671 = arith.extui %and3A_1670 : vector<2x2048xi1> to vector<2x2048xi32>
    %convert_element_type3A_1672 = arith.sitofp %convert_element_type3A_1671 : vector<2x2048xi32> to vector<2x2048xf32>
    %swap3A_1673 = arith.constant 23 : index
    %swap3A_1674 = arith.constant 0 : index
    %swap3A_1675 = arith.constant 0 : index
    %swap3A_1676 = vector.load %arg2[%swap3A_1673, %swap3A_1674, %swap3A_1675] : memref<32x2x2048xf32, #tpu.memory_space<vmem>>, vector<1x2x2048xf32>
    %swap3A_1677 = vector.shape_cast %swap3A_1676 : vector<1x2x2048xf32> to vector<2x2048xf32>
    %swap3A_1678 = vector.shape_cast %convert_element_type3A_1672 : vector<2x2048xf32> to vector<1x2x2048xf32>
    tpu.vector_store %arg2[%swap3A_1673, %swap3A_1674, %swap3A_1675], %swap3A_1678 {strides = array<i32>} : memref<32x2x2048xf32, #tpu.memory_space<vmem>>, vector<1x2x2048xf32>,
    %ne3A_1679 = arith.constant 0 : i32
    %ne3A_1680 = vector.broadcast %ne3A_1679 : i32 to vector<2x2048xi32>
    %ne3A_1681 = arith.cmpi ne, %concatenate3A_94, %ne3A_1680 : vector<2x2048xi32>
    %ne3A_1682 = arith.cmpi ne, %concatenate3A_94, %get3A_1 : vector<2x2048xi32>
    %and3A_1683 = arith.andi %ne3A_1681, %ne3A_1682 : vector<2x2048xi1>
    %ne3A_1684 = arith.cmpi ne, %concatenate3A_94, %concatenate3A : vector<2x2048xi32>
    %and3A_1685 = arith.andi %and3A_1683, %ne3A_1684 : vector<2x2048xi1>
    %ne3A_1686 = arith.cmpi ne, %concatenate3A_94, %concatenate3A_6 : vector<2x2048xi32>
    %and3A_1687 = arith.andi %and3A_1685, %ne3A_1686 : vector<2x2048xi1>
    %ne3A_1688 = arith.cmpi ne, %concatenate3A_94, %concatenate3A_10 : vector<2x2048xi32>
    %and3A_1689 = arith.andi %and3A_1687, %ne3A_1688 : vector<2x2048xi1>
    %ne3A_1690 = arith.cmpi ne, %concatenate3A_94, %concatenate3A_14 : vector<2x2048xi32>
    %and3A_1691 = arith.andi %and3A_1689, %ne3A_1690 : vector<2x2048xi1>
    %ne3A_1692 = arith.cmpi ne, %concatenate3A_94, %concatenate3A_18 : vector<2x2048xi32>
    %and3A_1693 = arith.andi %and3A_1691, %ne3A_1692 : vector<2x2048xi1>
    %ne3A_1694 = arith.cmpi ne, %concatenate3A_94, %concatenate3A_22 : vector<2x2048xi32>
    %and3A_1695 = arith.andi %and3A_1693, %ne3A_1694 : vector<2x2048xi1>
    %ne3A_1696 = arith.cmpi ne, %concatenate3A_94, %concatenate3A_26 : vector<2x2048xi32>
    %and3A_1697 = arith.andi %and3A_1695, %ne3A_1696 : vector<2x2048xi1>
    %ne3A_1698 = arith.cmpi ne, %concatenate3A_94, %concatenate3A_30 : vector<2x2048xi32>
    %and3A_1699 = arith.andi %and3A_1697, %ne3A_1698 : vector<2x2048xi1>
    %ne3A_1700 = arith.cmpi ne, %concatenate3A_94, %concatenate3A_34 : vector<2x2048xi32>
    %and3A_1701 = arith.andi %and3A_1699, %ne3A_1700 : vector<2x2048xi1>
    %ne3A_1702 = arith.cmpi ne, %concatenate3A_94, %concatenate3A_38 : vector<2x2048xi32>
    %and3A_1703 = arith.andi %and3A_1701, %ne3A_1702 : vector<2x2048xi1>
    %ne3A_1704 = arith.cmpi ne, %concatenate3A_94, %concatenate3A_42 : vector<2x2048xi32>
    %and3A_1705 = arith.andi %and3A_1703, %ne3A_1704 : vector<2x2048xi1>
    %ne3A_1706 = arith.cmpi ne, %concatenate3A_94, %concatenate3A_46 : vector<2x2048xi32>
    %and3A_1707 = arith.andi %and3A_1705, %ne3A_1706 : vector<2x2048xi1>
    %ne3A_1708 = arith.cmpi ne, %concatenate3A_94, %concatenate3A_50 : vector<2x2048xi32>
    %and3A_1709 = arith.andi %and3A_1707, %ne3A_1708 : vector<2x2048xi1>
    %ne3A_1710 = arith.cmpi ne, %concatenate3A_94, %concatenate3A_54 : vector<2x2048xi32>
    %and3A_1711 = arith.andi %and3A_1709, %ne3A_1710 : vector<2x2048xi1>
    %ne3A_1712 = arith.cmpi ne, %concatenate3A_94, %concatenate3A_58 : vector<2x2048xi32>
    %and3A_1713 = arith.andi %and3A_1711, %ne3A_1712 : vector<2x2048xi1>
    %ne3A_1714 = arith.cmpi ne, %concatenate3A_94, %concatenate3A_62 : vector<2x2048xi32>
    %and3A_1715 = arith.andi %and3A_1713, %ne3A_1714 : vector<2x2048xi1>
    %ne3A_1716 = arith.cmpi ne, %concatenate3A_94, %concatenate3A_66 : vector<2x2048xi32>
    %and3A_1717 = arith.andi %and3A_1715, %ne3A_1716 : vector<2x2048xi1>
    %ne3A_1718 = arith.cmpi ne, %concatenate3A_94, %concatenate3A_70 : vector<2x2048xi32>
    %and3A_1719 = arith.andi %and3A_1717, %ne3A_1718 : vector<2x2048xi1>
    %ne3A_1720 = arith.cmpi ne, %concatenate3A_94, %concatenate3A_74 : vector<2x2048xi32>
    %and3A_1721 = arith.andi %and3A_1719, %ne3A_1720 : vector<2x2048xi1>
    %ne3A_1722 = arith.cmpi ne, %concatenate3A_94, %concatenate3A_78 : vector<2x2048xi32>
    %and3A_1723 = arith.andi %and3A_1721, %ne3A_1722 : vector<2x2048xi1>
    %ne3A_1724 = arith.cmpi ne, %concatenate3A_94, %concatenate3A_82 : vector<2x2048xi32>
    %and3A_1725 = arith.andi %and3A_1723, %ne3A_1724 : vector<2x2048xi1>
    %ne3A_1726 = arith.cmpi ne, %concatenate3A_94, %concatenate3A_86 : vector<2x2048xi32>
    %and3A_1727 = arith.andi %and3A_1725, %ne3A_1726 : vector<2x2048xi1>
    %ne3A_1728 = arith.cmpi ne, %concatenate3A_94, %concatenate3A_90 : vector<2x2048xi32>
    %and3A_1729 = arith.andi %and3A_1727, %ne3A_1728 : vector<2x2048xi1>
    %convert_element_type3A_1730 = arith.extui %and3A_1729 : vector<2x2048xi1> to vector<2x2048xi32>
    %convert_element_type3A_1731 = arith.sitofp %convert_element_type3A_1730 : vector<2x2048xi32> to vector<2x2048xf32>
    %swap3A_1732 = arith.constant 24 : index
    %swap3A_1733 = arith.constant 0 : index
    %swap3A_1734 = arith.constant 0 : index
    %swap3A_1735 = vector.load %arg2[%swap3A_1732, %swap3A_1733, %swap3A_1734] : memref<32x2x2048xf32, #tpu.memory_space<vmem>>, vector<1x2x2048xf32>
    %swap3A_1736 = vector.shape_cast %swap3A_1735 : vector<1x2x2048xf32> to vector<2x2048xf32>
    %swap3A_1737 = vector.shape_cast %convert_element_type3A_1731 : vector<2x2048xf32> to vector<1x2x2048xf32>
    tpu.vector_store %arg2[%swap3A_1732, %swap3A_1733, %swap3A_1734], %swap3A_1737 {strides = array<i32>} : memref<32x2x2048xf32, #tpu.memory_space<vmem>>, vector<1x2x2048xf32>,
    %ne3A_1738 = arith.constant 0 : i32
    %ne3A_1739 = vector.broadcast %ne3A_1738 : i32 to vector<2x2048xi32>
    %ne3A_1740 = arith.cmpi ne, %concatenate3A_98, %ne3A_1739 : vector<2x2048xi32>
    %ne3A_1741 = arith.cmpi ne, %concatenate3A_98, %get3A_1 : vector<2x2048xi32>
    %and3A_1742 = arith.andi %ne3A_1740, %ne3A_1741 : vector<2x2048xi1>
    %ne3A_1743 = arith.cmpi ne, %concatenate3A_98, %concatenate3A : vector<2x2048xi32>
    %and3A_1744 = arith.andi %and3A_1742, %ne3A_1743 : vector<2x2048xi1>
    %ne3A_1745 = arith.cmpi ne, %concatenate3A_98, %concatenate3A_6 : vector<2x2048xi32>
    %and3A_1746 = arith.andi %and3A_1744, %ne3A_1745 : vector<2x2048xi1>
    %ne3A_1747 = arith.cmpi ne, %concatenate3A_98, %concatenate3A_10 : vector<2x2048xi32>
    %and3A_1748 = arith.andi %and3A_1746, %ne3A_1747 : vector<2x2048xi1>
    %ne3A_1749 = arith.cmpi ne, %concatenate3A_98, %concatenate3A_14 : vector<2x2048xi32>
    %and3A_1750 = arith.andi %and3A_1748, %ne3A_1749 : vector<2x2048xi1>
    %ne3A_1751 = arith.cmpi ne, %concatenate3A_98, %concatenate3A_18 : vector<2x2048xi32>
    %and3A_1752 = arith.andi %and3A_1750, %ne3A_1751 : vector<2x2048xi1>
    %ne3A_1753 = arith.cmpi ne, %concatenate3A_98, %concatenate3A_22 : vector<2x2048xi32>
    %and3A_1754 = arith.andi %and3A_1752, %ne3A_1753 : vector<2x2048xi1>
    %ne3A_1755 = arith.cmpi ne, %concatenate3A_98, %concatenate3A_26 : vector<2x2048xi32>
    %and3A_1756 = arith.andi %and3A_1754, %ne3A_1755 : vector<2x2048xi1>
    %ne3A_1757 = arith.cmpi ne, %concatenate3A_98, %concatenate3A_30 : vector<2x2048xi32>
    %and3A_1758 = arith.andi %and3A_1756, %ne3A_1757 : vector<2x2048xi1>
    %ne3A_1759 = arith.cmpi ne, %concatenate3A_98, %concatenate3A_34 : vector<2x2048xi32>
    %and3A_1760 = arith.andi %and3A_1758, %ne3A_1759 : vector<2x2048xi1>
    %ne3A_1761 = arith.cmpi ne, %concatenate3A_98, %concatenate3A_38 : vector<2x2048xi32>
    %and3A_1762 = arith.andi %and3A_1760, %ne3A_1761 : vector<2x2048xi1>
    %ne3A_1763 = arith.cmpi ne, %concatenate3A_98, %concatenate3A_42 : vector<2x2048xi32>
    %and3A_1764 = arith.andi %and3A_1762, %ne3A_1763 : vector<2x2048xi1>
    %ne3A_1765 = arith.cmpi ne, %concatenate3A_98, %concatenate3A_46 : vector<2x2048xi32>
    %and3A_1766 = arith.andi %and3A_1764, %ne3A_1765 : vector<2x2048xi1>
    %ne3A_1767 = arith.cmpi ne, %concatenate3A_98, %concatenate3A_50 : vector<2x2048xi32>
    %and3A_1768 = arith.andi %and3A_1766, %ne3A_1767 : vector<2x2048xi1>
    %ne3A_1769 = arith.cmpi ne, %concatenate3A_98, %concatenate3A_54 : vector<2x2048xi32>
    %and3A_1770 = arith.andi %and3A_1768, %ne3A_1769 : vector<2x2048xi1>
    %ne3A_1771 = arith.cmpi ne, %concatenate3A_98, %concatenate3A_58 : vector<2x2048xi32>
    %and3A_1772 = arith.andi %and3A_1770, %ne3A_1771 : vector<2x2048xi1>
    %ne3A_1773 = arith.cmpi ne, %concatenate3A_98, %concatenate3A_62 : vector<2x2048xi32>
    %and3A_1774 = arith.andi %and3A_1772, %ne3A_1773 : vector<2x2048xi1>
    %ne3A_1775 = arith.cmpi ne, %concatenate3A_98, %concatenate3A_66 : vector<2x2048xi32>
    %and3A_1776 = arith.andi %and3A_1774, %ne3A_1775 : vector<2x2048xi1>
    %ne3A_1777 = arith.cmpi ne, %concatenate3A_98, %concatenate3A_70 : vector<2x2048xi32>
    %and3A_1778 = arith.andi %and3A_1776, %ne3A_1777 : vector<2x2048xi1>
    %ne3A_1779 = arith.cmpi ne, %concatenate3A_98, %concatenate3A_74 : vector<2x2048xi32>
    %and3A_1780 = arith.andi %and3A_1778, %ne3A_1779 : vector<2x2048xi1>
    %ne3A_1781 = arith.cmpi ne, %concatenate3A_98, %concatenate3A_78 : vector<2x2048xi32>
    %and3A_1782 = arith.andi %and3A_1780, %ne3A_1781 : vector<2x2048xi1>
    %ne3A_1783 = arith.cmpi ne, %concatenate3A_98, %concatenate3A_82 : vector<2x2048xi32>
    %and3A_1784 = arith.andi %and3A_1782, %ne3A_1783 : vector<2x2048xi1>
    %ne3A_1785 = arith.cmpi ne, %concatenate3A_98, %concatenate3A_86 : vector<2x2048xi32>
    %and3A_1786 = arith.andi %and3A_1784, %ne3A_1785 : vector<2x2048xi1>
    %ne3A_1787 = arith.cmpi ne, %concatenate3A_98, %concatenate3A_90 : vector<2x2048xi32>
    %and3A_1788 = arith.andi %and3A_1786, %ne3A_1787 : vector<2x2048xi1>
    %ne3A_1789 = arith.cmpi ne, %concatenate3A_98, %concatenate3A_94 : vector<2x2048xi32>
    %and3A_1790 = arith.andi %and3A_1788, %ne3A_1789 : vector<2x2048xi1>
    %convert_element_type3A_1791 = arith.extui %and3A_1790 : vector<2x2048xi1> to vector<2x2048xi32>
    %convert_element_type3A_1792 = arith.sitofp %convert_element_type3A_1791 : vector<2x2048xi32> to vector<2x2048xf32>
    %swap3A_1793 = arith.constant 25 : index
    %swap3A_1794 = arith.constant 0 : index
    %swap3A_1795 = arith.constant 0 : index
    %swap3A_1796 = vector.load %arg2[%swap3A_1793, %swap3A_1794, %swap3A_1795] : memref<32x2x2048xf32, #tpu.memory_space<vmem>>, vector<1x2x2048xf32>
    %swap3A_1797 = vector.shape_cast %swap3A_1796 : vector<1x2x2048xf32> to vector<2x2048xf32>
    %swap3A_1798 = vector.shape_cast %convert_element_type3A_1792 : vector<2x2048xf32> to vector<1x2x2048xf32>
    tpu.vector_store %arg2[%swap3A_1793, %swap3A_1794, %swap3A_1795], %swap3A_1798 {strides = array<i32>} : memref<32x2x2048xf32, #tpu.memory_space<vmem>>, vector<1x2x2048xf32>,
    %ne3A_1799 = arith.constant 0 : i32
    %ne3A_1800 = vector.broadcast %ne3A_1799 : i32 to vector<2x2048xi32>
    %ne3A_1801 = arith.cmpi ne, %concatenate3A_102, %ne3A_1800 : vector<2x2048xi32>
    %ne3A_1802 = arith.cmpi ne, %concatenate3A_102, %get3A_1 : vector<2x2048xi32>
    %and3A_1803 = arith.andi %ne3A_1801, %ne3A_1802 : vector<2x2048xi1>
    %ne3A_1804 = arith.cmpi ne, %concatenate3A_102, %concatenate3A : vector<2x2048xi32>
    %and3A_1805 = arith.andi %and3A_1803, %ne3A_1804 : vector<2x2048xi1>
    %ne3A_1806 = arith.cmpi ne, %concatenate3A_102, %concatenate3A_6 : vector<2x2048xi32>
    %and3A_1807 = arith.andi %and3A_1805, %ne3A_1806 : vector<2x2048xi1>
    %ne3A_1808 = arith.cmpi ne, %concatenate3A_102, %concatenate3A_10 : vector<2x2048xi32>
    %and3A_1809 = arith.andi %and3A_1807, %ne3A_1808 : vector<2x2048xi1>
    %ne3A_1810 = arith.cmpi ne, %concatenate3A_102, %concatenate3A_14 : vector<2x2048xi32>
    %and3A_1811 = arith.andi %and3A_1809, %ne3A_1810 : vector<2x2048xi1>
    %ne3A_1812 = arith.cmpi ne, %concatenate3A_102, %concatenate3A_18 : vector<2x2048xi32>
    %and3A_1813 = arith.andi %and3A_1811, %ne3A_1812 : vector<2x2048xi1>
    %ne3A_1814 = arith.cmpi ne, %concatenate3A_102, %concatenate3A_22 : vector<2x2048xi32>
    %and3A_1815 = arith.andi %and3A_1813, %ne3A_1814 : vector<2x2048xi1>
    %ne3A_1816 = arith.cmpi ne, %concatenate3A_102, %concatenate3A_26 : vector<2x2048xi32>
    %and3A_1817 = arith.andi %and3A_1815, %ne3A_1816 : vector<2x2048xi1>
    %ne3A_1818 = arith.cmpi ne, %concatenate3A_102, %concatenate3A_30 : vector<2x2048xi32>
    %and3A_1819 = arith.andi %and3A_1817, %ne3A_1818 : vector<2x2048xi1>
    %ne3A_1820 = arith.cmpi ne, %concatenate3A_102, %concatenate3A_34 : vector<2x2048xi32>
    %and3A_1821 = arith.andi %and3A_1819, %ne3A_1820 : vector<2x2048xi1>
    %ne3A_1822 = arith.cmpi ne, %concatenate3A_102, %concatenate3A_38 : vector<2x2048xi32>
    %and3A_1823 = arith.andi %and3A_1821, %ne3A_1822 : vector<2x2048xi1>
    %ne3A_1824 = arith.cmpi ne, %concatenate3A_102, %concatenate3A_42 : vector<2x2048xi32>
    %and3A_1825 = arith.andi %and3A_1823, %ne3A_1824 : vector<2x2048xi1>
    %ne3A_1826 = arith.cmpi ne, %concatenate3A_102, %concatenate3A_46 : vector<2x2048xi32>
    %and3A_1827 = arith.andi %and3A_1825, %ne3A_1826 : vector<2x2048xi1>
    %ne3A_1828 = arith.cmpi ne, %concatenate3A_102, %concatenate3A_50 : vector<2x2048xi32>
    %and3A_1829 = arith.andi %and3A_1827, %ne3A_1828 : vector<2x2048xi1>
    %ne3A_1830 = arith.cmpi ne, %concatenate3A_102, %concatenate3A_54 : vector<2x2048xi32>
    %and3A_1831 = arith.andi %and3A_1829, %ne3A_1830 : vector<2x2048xi1>
    %ne3A_1832 = arith.cmpi ne, %concatenate3A_102, %concatenate3A_58 : vector<2x2048xi32>
    %and3A_1833 = arith.andi %and3A_1831, %ne3A_1832 : vector<2x2048xi1>
    %ne3A_1834 = arith.cmpi ne, %concatenate3A_102, %concatenate3A_62 : vector<2x2048xi32>
    %and3A_1835 = arith.andi %and3A_1833, %ne3A_1834 : vector<2x2048xi1>
    %ne3A_1836 = arith.cmpi ne, %concatenate3A_102, %concatenate3A_66 : vector<2x2048xi32>
    %and3A_1837 = arith.andi %and3A_1835, %ne3A_1836 : vector<2x2048xi1>
    %ne3A_1838 = arith.cmpi ne, %concatenate3A_102, %concatenate3A_70 : vector<2x2048xi32>
    %and3A_1839 = arith.andi %and3A_1837, %ne3A_1838 : vector<2x2048xi1>
    %ne3A_1840 = arith.cmpi ne, %concatenate3A_102, %concatenate3A_74 : vector<2x2048xi32>
    %and3A_1841 = arith.andi %and3A_1839, %ne3A_1840 : vector<2x2048xi1>
    %ne3A_1842 = arith.cmpi ne, %concatenate3A_102, %concatenate3A_78 : vector<2x2048xi32>
    %and3A_1843 = arith.andi %and3A_1841, %ne3A_1842 : vector<2x2048xi1>
    %ne3A_1844 = arith.cmpi ne, %concatenate3A_102, %concatenate3A_82 : vector<2x2048xi32>
    %and3A_1845 = arith.andi %and3A_1843, %ne3A_1844 : vector<2x2048xi1>
    %ne3A_1846 = arith.cmpi ne, %concatenate3A_102, %concatenate3A_86 : vector<2x2048xi32>
    %and3A_1847 = arith.andi %and3A_1845, %ne3A_1846 : vector<2x2048xi1>
    %ne3A_1848 = arith.cmpi ne, %concatenate3A_102, %concatenate3A_90 : vector<2x2048xi32>
    %and3A_1849 = arith.andi %and3A_1847, %ne3A_1848 : vector<2x2048xi1>
    %ne3A_1850 = arith.cmpi ne, %concatenate3A_102, %concatenate3A_94 : vector<2x2048xi32>
    %and3A_1851 = arith.andi %and3A_1849, %ne3A_1850 : vector<2x2048xi1>
    %ne3A_1852 = arith.cmpi ne, %concatenate3A_102, %concatenate3A_98 : vector<2x2048xi32>
    %and3A_1853 = arith.andi %and3A_1851, %ne3A_1852 : vector<2x2048xi1>
    %convert_element_type3A_1854 = arith.extui %and3A_1853 : vector<2x2048xi1> to vector<2x2048xi32>
    %convert_element_type3A_1855 = arith.sitofp %convert_element_type3A_1854 : vector<2x2048xi32> to vector<2x2048xf32>
    %swap3A_1856 = arith.constant 26 : index
    %swap3A_1857 = arith.constant 0 : index
    %swap3A_1858 = arith.constant 0 : index
    %swap3A_1859 = vector.load %arg2[%swap3A_1856, %swap3A_1857, %swap3A_1858] : memref<32x2x2048xf32, #tpu.memory_space<vmem>>, vector<1x2x2048xf32>
    %swap3A_1860 = vector.shape_cast %swap3A_1859 : vector<1x2x2048xf32> to vector<2x2048xf32>
    %swap3A_1861 = vector.shape_cast %convert_element_type3A_1855 : vector<2x2048xf32> to vector<1x2x2048xf32>
    tpu.vector_store %arg2[%swap3A_1856, %swap3A_1857, %swap3A_1858], %swap3A_1861 {strides = array<i32>} : memref<32x2x2048xf32, #tpu.memory_space<vmem>>, vector<1x2x2048xf32>,
    %ne3A_1862 = arith.constant 0 : i32
    %ne3A_1863 = vector.broadcast %ne3A_1862 : i32 to vector<2x2048xi32>
    %ne3A_1864 = arith.cmpi ne, %concatenate3A_106, %ne3A_1863 : vector<2x2048xi32>
    %ne3A_1865 = arith.cmpi ne, %concatenate3A_106, %get3A_1 : vector<2x2048xi32>
    %and3A_1866 = arith.andi %ne3A_1864, %ne3A_1865 : vector<2x2048xi1>
    %ne3A_1867 = arith.cmpi ne, %concatenate3A_106, %concatenate3A : vector<2x2048xi32>
    %and3A_1868 = arith.andi %and3A_1866, %ne3A_1867 : vector<2x2048xi1>
    %ne3A_1869 = arith.cmpi ne, %concatenate3A_106, %concatenate3A_6 : vector<2x2048xi32>
    %and3A_1870 = arith.andi %and3A_1868, %ne3A_1869 : vector<2x2048xi1>
    %ne3A_1871 = arith.cmpi ne, %concatenate3A_106, %concatenate3A_10 : vector<2x2048xi32>
    %and3A_1872 = arith.andi %and3A_1870, %ne3A_1871 : vector<2x2048xi1>
    %ne3A_1873 = arith.cmpi ne, %concatenate3A_106, %concatenate3A_14 : vector<2x2048xi32>
    %and3A_1874 = arith.andi %and3A_1872, %ne3A_1873 : vector<2x2048xi1>
    %ne3A_1875 = arith.cmpi ne, %concatenate3A_106, %concatenate3A_18 : vector<2x2048xi32>
    %and3A_1876 = arith.andi %and3A_1874, %ne3A_1875 : vector<2x2048xi1>
    %ne3A_1877 = arith.cmpi ne, %concatenate3A_106, %concatenate3A_22 : vector<2x2048xi32>
    %and3A_1878 = arith.andi %and3A_1876, %ne3A_1877 : vector<2x2048xi1>
    %ne3A_1879 = arith.cmpi ne, %concatenate3A_106, %concatenate3A_26 : vector<2x2048xi32>
    %and3A_1880 = arith.andi %and3A_1878, %ne3A_1879 : vector<2x2048xi1>
    %ne3A_1881 = arith.cmpi ne, %concatenate3A_106, %concatenate3A_30 : vector<2x2048xi32>
    %and3A_1882 = arith.andi %and3A_1880, %ne3A_1881 : vector<2x2048xi1>
    %ne3A_1883 = arith.cmpi ne, %concatenate3A_106, %concatenate3A_34 : vector<2x2048xi32>
    %and3A_1884 = arith.andi %and3A_1882, %ne3A_1883 : vector<2x2048xi1>
    %ne3A_1885 = arith.cmpi ne, %concatenate3A_106, %concatenate3A_38 : vector<2x2048xi32>
    %and3A_1886 = arith.andi %and3A_1884, %ne3A_1885 : vector<2x2048xi1>
    %ne3A_1887 = arith.cmpi ne, %concatenate3A_106, %concatenate3A_42 : vector<2x2048xi32>
    %and3A_1888 = arith.andi %and3A_1886, %ne3A_1887 : vector<2x2048xi1>
    %ne3A_1889 = arith.cmpi ne, %concatenate3A_106, %concatenate3A_46 : vector<2x2048xi32>
    %and3A_1890 = arith.andi %and3A_1888, %ne3A_1889 : vector<2x2048xi1>
    %ne3A_1891 = arith.cmpi ne, %concatenate3A_106, %concatenate3A_50 : vector<2x2048xi32>
    %and3A_1892 = arith.andi %and3A_1890, %ne3A_1891 : vector<2x2048xi1>
    %ne3A_1893 = arith.cmpi ne, %concatenate3A_106, %concatenate3A_54 : vector<2x2048xi32>
    %and3A_1894 = arith.andi %and3A_1892, %ne3A_1893 : vector<2x2048xi1>
    %ne3A_1895 = arith.cmpi ne, %concatenate3A_106, %concatenate3A_58 : vector<2x2048xi32>
    %and3A_1896 = arith.andi %and3A_1894, %ne3A_1895 : vector<2x2048xi1>
    %ne3A_1897 = arith.cmpi ne, %concatenate3A_106, %concatenate3A_62 : vector<2x2048xi32>
    %and3A_1898 = arith.andi %and3A_1896, %ne3A_1897 : vector<2x2048xi1>
    %ne3A_1899 = arith.cmpi ne, %concatenate3A_106, %concatenate3A_66 : vector<2x2048xi32>
    %and3A_1900 = arith.andi %and3A_1898, %ne3A_1899 : vector<2x2048xi1>
    %ne3A_1901 = arith.cmpi ne, %concatenate3A_106, %concatenate3A_70 : vector<2x2048xi32>
    %and3A_1902 = arith.andi %and3A_1900, %ne3A_1901 : vector<2x2048xi1>
    %ne3A_1903 = arith.cmpi ne, %concatenate3A_106, %concatenate3A_74 : vector<2x2048xi32>
    %and3A_1904 = arith.andi %and3A_1902, %ne3A_1903 : vector<2x2048xi1>
    %ne3A_1905 = arith.cmpi ne, %concatenate3A_106, %concatenate3A_78 : vector<2x2048xi32>
    %and3A_1906 = arith.andi %and3A_1904, %ne3A_1905 : vector<2x2048xi1>
    %ne3A_1907 = arith.cmpi ne, %concatenate3A_106, %concatenate3A_82 : vector<2x2048xi32>
    %and3A_1908 = arith.andi %and3A_1906, %ne3A_1907 : vector<2x2048xi1>
    %ne3A_1909 = arith.cmpi ne, %concatenate3A_106, %concatenate3A_86 : vector<2x2048xi32>
    %and3A_1910 = arith.andi %and3A_1908, %ne3A_1909 : vector<2x2048xi1>
    %ne3A_1911 = arith.cmpi ne, %concatenate3A_106, %concatenate3A_90 : vector<2x2048xi32>
    %and3A_1912 = arith.andi %and3A_1910, %ne3A_1911 : vector<2x2048xi1>
    %ne3A_1913 = arith.cmpi ne, %concatenate3A_106, %concatenate3A_94 : vector<2x2048xi32>
    %and3A_1914 = arith.andi %and3A_1912, %ne3A_1913 : vector<2x2048xi1>
    %ne3A_1915 = arith.cmpi ne, %concatenate3A_106, %concatenate3A_98 : vector<2x2048xi32>
    %and3A_1916 = arith.andi %and3A_1914, %ne3A_1915 : vector<2x2048xi1>
    %ne3A_1917 = arith.cmpi ne, %concatenate3A_106, %concatenate3A_102 : vector<2x2048xi32>
    %and3A_1918 = arith.andi %and3A_1916, %ne3A_1917 : vector<2x2048xi1>
    %convert_element_type3A_1919 = arith.extui %and3A_1918 : vector<2x2048xi1> to vector<2x2048xi32>
    %convert_element_type3A_1920 = arith.sitofp %convert_element_type3A_1919 : vector<2x2048xi32> to vector<2x2048xf32>
    %swap3A_1921 = arith.constant 27 : index
    %swap3A_1922 = arith.constant 0 : index
    %swap3A_1923 = arith.constant 0 : index
    %swap3A_1924 = vector.load %arg2[%swap3A_1921, %swap3A_1922, %swap3A_1923] : memref<32x2x2048xf32, #tpu.memory_space<vmem>>, vector<1x2x2048xf32>
    %swap3A_1925 = vector.shape_cast %swap3A_1924 : vector<1x2x2048xf32> to vector<2x2048xf32>
    %swap3A_1926 = vector.shape_cast %convert_element_type3A_1920 : vector<2x2048xf32> to vector<1x2x2048xf32>
    tpu.vector_store %arg2[%swap3A_1921, %swap3A_1922, %swap3A_1923], %swap3A_1926 {strides = array<i32>} : memref<32x2x2048xf32, #tpu.memory_space<vmem>>, vector<1x2x2048xf32>,
    %ne3A_1927 = arith.constant 0 : i32
    %ne3A_1928 = vector.broadcast %ne3A_1927 : i32 to vector<2x2048xi32>
    %ne3A_1929 = arith.cmpi ne, %concatenate3A_110, %ne3A_1928 : vector<2x2048xi32>
    %ne3A_1930 = arith.cmpi ne, %concatenate3A_110, %get3A_1 : vector<2x2048xi32>
    %and3A_1931 = arith.andi %ne3A_1929, %ne3A_1930 : vector<2x2048xi1>
    %ne3A_1932 = arith.cmpi ne, %concatenate3A_110, %concatenate3A : vector<2x2048xi32>
    %and3A_1933 = arith.andi %and3A_1931, %ne3A_1932 : vector<2x2048xi1>
    %ne3A_1934 = arith.cmpi ne, %concatenate3A_110, %concatenate3A_6 : vector<2x2048xi32>
    %and3A_1935 = arith.andi %and3A_1933, %ne3A_1934 : vector<2x2048xi1>
    %ne3A_1936 = arith.cmpi ne, %concatenate3A_110, %concatenate3A_10 : vector<2x2048xi32>
    %and3A_1937 = arith.andi %and3A_1935, %ne3A_1936 : vector<2x2048xi1>
    %ne3A_1938 = arith.cmpi ne, %concatenate3A_110, %concatenate3A_14 : vector<2x2048xi32>
    %and3A_1939 = arith.andi %and3A_1937, %ne3A_1938 : vector<2x2048xi1>
    %ne3A_1940 = arith.cmpi ne, %concatenate3A_110, %concatenate3A_18 : vector<2x2048xi32>
    %and3A_1941 = arith.andi %and3A_1939, %ne3A_1940 : vector<2x2048xi1>
    %ne3A_1942 = arith.cmpi ne, %concatenate3A_110, %concatenate3A_22 : vector<2x2048xi32>
    %and3A_1943 = arith.andi %and3A_1941, %ne3A_1942 : vector<2x2048xi1>
    %ne3A_1944 = arith.cmpi ne, %concatenate3A_110, %concatenate3A_26 : vector<2x2048xi32>
    %and3A_1945 = arith.andi %and3A_1943, %ne3A_1944 : vector<2x2048xi1>
    %ne3A_1946 = arith.cmpi ne, %concatenate3A_110, %concatenate3A_30 : vector<2x2048xi32>
    %and3A_1947 = arith.andi %and3A_1945, %ne3A_1946 : vector<2x2048xi1>
    %ne3A_1948 = arith.cmpi ne, %concatenate3A_110, %concatenate3A_34 : vector<2x2048xi32>
    %and3A_1949 = arith.andi %and3A_1947, %ne3A_1948 : vector<2x2048xi1>
    %ne3A_1950 = arith.cmpi ne, %concatenate3A_110, %concatenate3A_38 : vector<2x2048xi32>
    %and3A_1951 = arith.andi %and3A_1949, %ne3A_1950 : vector<2x2048xi1>
    %ne3A_1952 = arith.cmpi ne, %concatenate3A_110, %concatenate3A_42 : vector<2x2048xi32>
    %and3A_1953 = arith.andi %and3A_1951, %ne3A_1952 : vector<2x2048xi1>
    %ne3A_1954 = arith.cmpi ne, %concatenate3A_110, %concatenate3A_46 : vector<2x2048xi32>
    %and3A_1955 = arith.andi %and3A_1953, %ne3A_1954 : vector<2x2048xi1>
    %ne3A_1956 = arith.cmpi ne, %concatenate3A_110, %concatenate3A_50 : vector<2x2048xi32>
    %and3A_1957 = arith.andi %and3A_1955, %ne3A_1956 : vector<2x2048xi1>
    %ne3A_1958 = arith.cmpi ne, %concatenate3A_110, %concatenate3A_54 : vector<2x2048xi32>
    %and3A_1959 = arith.andi %and3A_1957, %ne3A_1958 : vector<2x2048xi1>
    %ne3A_1960 = arith.cmpi ne, %concatenate3A_110, %concatenate3A_58 : vector<2x2048xi32>
    %and3A_1961 = arith.andi %and3A_1959, %ne3A_1960 : vector<2x2048xi1>
    %ne3A_1962 = arith.cmpi ne, %concatenate3A_110, %concatenate3A_62 : vector<2x2048xi32>
    %and3A_1963 = arith.andi %and3A_1961, %ne3A_1962 : vector<2x2048xi1>
    %ne3A_1964 = arith.cmpi ne, %concatenate3A_110, %concatenate3A_66 : vector<2x2048xi32>
    %and3A_1965 = arith.andi %and3A_1963, %ne3A_1964 : vector<2x2048xi1>
    %ne3A_1966 = arith.cmpi ne, %concatenate3A_110, %concatenate3A_70 : vector<2x2048xi32>
    %and3A_1967 = arith.andi %and3A_1965, %ne3A_1966 : vector<2x2048xi1>
    %ne3A_1968 = arith.cmpi ne, %concatenate3A_110, %concatenate3A_74 : vector<2x2048xi32>
    %and3A_1969 = arith.andi %and3A_1967, %ne3A_1968 : vector<2x2048xi1>
    %ne3A_1970 = arith.cmpi ne, %concatenate3A_110, %concatenate3A_78 : vector<2x2048xi32>
    %and3A_1971 = arith.andi %and3A_1969, %ne3A_1970 : vector<2x2048xi1>
    %ne3A_1972 = arith.cmpi ne, %concatenate3A_110, %concatenate3A_82 : vector<2x2048xi32>
    %and3A_1973 = arith.andi %and3A_1971, %ne3A_1972 : vector<2x2048xi1>
    %ne3A_1974 = arith.cmpi ne, %concatenate3A_110, %concatenate3A_86 : vector<2x2048xi32>
    %and3A_1975 = arith.andi %and3A_1973, %ne3A_1974 : vector<2x2048xi1>
    %ne3A_1976 = arith.cmpi ne, %concatenate3A_110, %concatenate3A_90 : vector<2x2048xi32>
    %and3A_1977 = arith.andi %and3A_1975, %ne3A_1976 : vector<2x2048xi1>
    %ne3A_1978 = arith.cmpi ne, %concatenate3A_110, %concatenate3A_94 : vector<2x2048xi32>
    %and3A_1979 = arith.andi %and3A_1977, %ne3A_1978 : vector<2x2048xi1>
    %ne3A_1980 = arith.cmpi ne, %concatenate3A_110, %concatenate3A_98 : vector<2x2048xi32>
    %and3A_1981 = arith.andi %and3A_1979, %ne3A_1980 : vector<2x2048xi1>
    %ne3A_1982 = arith.cmpi ne, %concatenate3A_110, %concatenate3A_102 : vector<2x2048xi32>
    %and3A_1983 = arith.andi %and3A_1981, %ne3A_1982 : vector<2x2048xi1>
    %ne3A_1984 = arith.cmpi ne, %concatenate3A_110, %concatenate3A_106 : vector<2x2048xi32>
    %and3A_1985 = arith.andi %and3A_1983, %ne3A_1984 : vector<2x2048xi1>
    %convert_element_type3A_1986 = arith.extui %and3A_1985 : vector<2x2048xi1> to vector<2x2048xi32>
    %convert_element_type3A_1987 = arith.sitofp %convert_element_type3A_1986 : vector<2x2048xi32> to vector<2x2048xf32>
    %swap3A_1988 = arith.constant 28 : index
    %swap3A_1989 = arith.constant 0 : index
    %swap3A_1990 = arith.constant 0 : index
    %swap3A_1991 = vector.load %arg2[%swap3A_1988, %swap3A_1989, %swap3A_1990] : memref<32x2x2048xf32, #tpu.memory_space<vmem>>, vector<1x2x2048xf32>
    %swap3A_1992 = vector.shape_cast %swap3A_1991 : vector<1x2x2048xf32> to vector<2x2048xf32>
    %swap3A_1993 = vector.shape_cast %convert_element_type3A_1987 : vector<2x2048xf32> to vector<1x2x2048xf32>
    tpu.vector_store %arg2[%swap3A_1988, %swap3A_1989, %swap3A_1990], %swap3A_1993 {strides = array<i32>} : memref<32x2x2048xf32, #tpu.memory_space<vmem>>, vector<1x2x2048xf32>,
    %ne3A_1994 = arith.constant 0 : i32
    %ne3A_1995 = vector.broadcast %ne3A_1994 : i32 to vector<2x2048xi32>
    %ne3A_1996 = arith.cmpi ne, %concatenate3A_114, %ne3A_1995 : vector<2x2048xi32>
    %ne3A_1997 = arith.cmpi ne, %concatenate3A_114, %get3A_1 : vector<2x2048xi32>
    %and3A_1998 = arith.andi %ne3A_1996, %ne3A_1997 : vector<2x2048xi1>
    %ne3A_1999 = arith.cmpi ne, %concatenate3A_114, %concatenate3A : vector<2x2048xi32>
    %and3A_2000 = arith.andi %and3A_1998, %ne3A_1999 : vector<2x2048xi1>
    %ne3A_2001 = arith.cmpi ne, %concatenate3A_114, %concatenate3A_6 : vector<2x2048xi32>
    %and3A_2002 = arith.andi %and3A_2000, %ne3A_2001 : vector<2x2048xi1>
    %ne3A_2003 = arith.cmpi ne, %concatenate3A_114, %concatenate3A_10 : vector<2x2048xi32>
    %and3A_2004 = arith.andi %and3A_2002, %ne3A_2003 : vector<2x2048xi1>
    %ne3A_2005 = arith.cmpi ne, %concatenate3A_114, %concatenate3A_14 : vector<2x2048xi32>
    %and3A_2006 = arith.andi %and3A_2004, %ne3A_2005 : vector<2x2048xi1>
    %ne3A_2007 = arith.cmpi ne, %concatenate3A_114, %concatenate3A_18 : vector<2x2048xi32>
    %and3A_2008 = arith.andi %and3A_2006, %ne3A_2007 : vector<2x2048xi1>
    %ne3A_2009 = arith.cmpi ne, %concatenate3A_114, %concatenate3A_22 : vector<2x2048xi32>
    %and3A_2010 = arith.andi %and3A_2008, %ne3A_2009 : vector<2x2048xi1>
    %ne3A_2011 = arith.cmpi ne, %concatenate3A_114, %concatenate3A_26 : vector<2x2048xi32>
    %and3A_2012 = arith.andi %and3A_2010, %ne3A_2011 : vector<2x2048xi1>
    %ne3A_2013 = arith.cmpi ne, %concatenate3A_114, %concatenate3A_30 : vector<2x2048xi32>
    %and3A_2014 = arith.andi %and3A_2012, %ne3A_2013 : vector<2x2048xi1>
    %ne3A_2015 = arith.cmpi ne, %concatenate3A_114, %concatenate3A_34 : vector<2x2048xi32>
    %and3A_2016 = arith.andi %and3A_2014, %ne3A_2015 : vector<2x2048xi1>
    %ne3A_2017 = arith.cmpi ne, %concatenate3A_114, %concatenate3A_38 : vector<2x2048xi32>
    %and3A_2018 = arith.andi %and3A_2016, %ne3A_2017 : vector<2x2048xi1>
    %ne3A_2019 = arith.cmpi ne, %concatenate3A_114, %concatenate3A_42 : vector<2x2048xi32>
    %and3A_2020 = arith.andi %and3A_2018, %ne3A_2019 : vector<2x2048xi1>
    %ne3A_2021 = arith.cmpi ne, %concatenate3A_114, %concatenate3A_46 : vector<2x2048xi32>
    %and3A_2022 = arith.andi %and3A_2020, %ne3A_2021 : vector<2x2048xi1>
    %ne3A_2023 = arith.cmpi ne, %concatenate3A_114, %concatenate3A_50 : vector<2x2048xi32>
    %and3A_2024 = arith.andi %and3A_2022, %ne3A_2023 : vector<2x2048xi1>
    %ne3A_2025 = arith.cmpi ne, %concatenate3A_114, %concatenate3A_54 : vector<2x2048xi32>
    %and3A_2026 = arith.andi %and3A_2024, %ne3A_2025 : vector<2x2048xi1>
    %ne3A_2027 = arith.cmpi ne, %concatenate3A_114, %concatenate3A_58 : vector<2x2048xi32>
    %and3A_2028 = arith.andi %and3A_2026, %ne3A_2027 : vector<2x2048xi1>
    %ne3A_2029 = arith.cmpi ne, %concatenate3A_114, %concatenate3A_62 : vector<2x2048xi32>
    %and3A_2030 = arith.andi %and3A_2028, %ne3A_2029 : vector<2x2048xi1>
    %ne3A_2031 = arith.cmpi ne, %concatenate3A_114, %concatenate3A_66 : vector<2x2048xi32>
    %and3A_2032 = arith.andi %and3A_2030, %ne3A_2031 : vector<2x2048xi1>
    %ne3A_2033 = arith.cmpi ne, %concatenate3A_114, %concatenate3A_70 : vector<2x2048xi32>
    %and3A_2034 = arith.andi %and3A_2032, %ne3A_2033 : vector<2x2048xi1>
    %ne3A_2035 = arith.cmpi ne, %concatenate3A_114, %concatenate3A_74 : vector<2x2048xi32>
    %and3A_2036 = arith.andi %and3A_2034, %ne3A_2035 : vector<2x2048xi1>
    %ne3A_2037 = arith.cmpi ne, %concatenate3A_114, %concatenate3A_78 : vector<2x2048xi32>
    %and3A_2038 = arith.andi %and3A_2036, %ne3A_2037 : vector<2x2048xi1>
    %ne3A_2039 = arith.cmpi ne, %concatenate3A_114, %concatenate3A_82 : vector<2x2048xi32>
    %and3A_2040 = arith.andi %and3A_2038, %ne3A_2039 : vector<2x2048xi1>
    %ne3A_2041 = arith.cmpi ne, %concatenate3A_114, %concatenate3A_86 : vector<2x2048xi32>
    %and3A_2042 = arith.andi %and3A_2040, %ne3A_2041 : vector<2x2048xi1>
    %ne3A_2043 = arith.cmpi ne, %concatenate3A_114, %concatenate3A_90 : vector<2x2048xi32>
    %and3A_2044 = arith.andi %and3A_2042, %ne3A_2043 : vector<2x2048xi1>
    %ne3A_2045 = arith.cmpi ne, %concatenate3A_114, %concatenate3A_94 : vector<2x2048xi32>
    %and3A_2046 = arith.andi %and3A_2044, %ne3A_2045 : vector<2x2048xi1>
    %ne3A_2047 = arith.cmpi ne, %concatenate3A_114, %concatenate3A_98 : vector<2x2048xi32>
    %and3A_2048 = arith.andi %and3A_2046, %ne3A_2047 : vector<2x2048xi1>
    %ne3A_2049 = arith.cmpi ne, %concatenate3A_114, %concatenate3A_102 : vector<2x2048xi32>
    %and3A_2050 = arith.andi %and3A_2048, %ne3A_2049 : vector<2x2048xi1>
    %ne3A_2051 = arith.cmpi ne, %concatenate3A_114, %concatenate3A_106 : vector<2x2048xi32>
    %and3A_2052 = arith.andi %and3A_2050, %ne3A_2051 : vector<2x2048xi1>
    %ne3A_2053 = arith.cmpi ne, %concatenate3A_114, %concatenate3A_110 : vector<2x2048xi32>
    %and3A_2054 = arith.andi %and3A_2052, %ne3A_2053 : vector<2x2048xi1>
    %convert_element_type3A_2055 = arith.extui %and3A_2054 : vector<2x2048xi1> to vector<2x2048xi32>
    %convert_element_type3A_2056 = arith.sitofp %convert_element_type3A_2055 : vector<2x2048xi32> to vector<2x2048xf32>
    %swap3A_2057 = arith.constant 29 : index
    %swap3A_2058 = arith.constant 0 : index
    %swap3A_2059 = arith.constant 0 : index
    %swap3A_2060 = vector.load %arg2[%swap3A_2057, %swap3A_2058, %swap3A_2059] : memref<32x2x2048xf32, #tpu.memory_space<vmem>>, vector<1x2x2048xf32>
    %swap3A_2061 = vector.shape_cast %swap3A_2060 : vector<1x2x2048xf32> to vector<2x2048xf32>
    %swap3A_2062 = vector.shape_cast %convert_element_type3A_2056 : vector<2x2048xf32> to vector<1x2x2048xf32>
    tpu.vector_store %arg2[%swap3A_2057, %swap3A_2058, %swap3A_2059], %swap3A_2062 {strides = array<i32>} : memref<32x2x2048xf32, #tpu.memory_space<vmem>>, vector<1x2x2048xf32>,
    %ne3A_2063 = arith.constant 0 : i32
    %ne3A_2064 = vector.broadcast %ne3A_2063 : i32 to vector<2x2048xi32>
    %ne3A_2065 = arith.cmpi ne, %concatenate3A_118, %ne3A_2064 : vector<2x2048xi32>
    %ne3A_2066 = arith.cmpi ne, %concatenate3A_118, %get3A_1 : vector<2x2048xi32>
    %and3A_2067 = arith.andi %ne3A_2065, %ne3A_2066 : vector<2x2048xi1>
    %ne3A_2068 = arith.cmpi ne, %concatenate3A_118, %concatenate3A : vector<2x2048xi32>
    %and3A_2069 = arith.andi %and3A_2067, %ne3A_2068 : vector<2x2048xi1>
    %ne3A_2070 = arith.cmpi ne, %concatenate3A_118, %concatenate3A_6 : vector<2x2048xi32>
    %and3A_2071 = arith.andi %and3A_2069, %ne3A_2070 : vector<2x2048xi1>
    %ne3A_2072 = arith.cmpi ne, %concatenate3A_118, %concatenate3A_10 : vector<2x2048xi32>
    %and3A_2073 = arith.andi %and3A_2071, %ne3A_2072 : vector<2x2048xi1>
    %ne3A_2074 = arith.cmpi ne, %concatenate3A_118, %concatenate3A_14 : vector<2x2048xi32>
    %and3A_2075 = arith.andi %and3A_2073, %ne3A_2074 : vector<2x2048xi1>
    %ne3A_2076 = arith.cmpi ne, %concatenate3A_118, %concatenate3A_18 : vector<2x2048xi32>
    %and3A_2077 = arith.andi %and3A_2075, %ne3A_2076 : vector<2x2048xi1>
    %ne3A_2078 = arith.cmpi ne, %concatenate3A_118, %concatenate3A_22 : vector<2x2048xi32>
    %and3A_2079 = arith.andi %and3A_2077, %ne3A_2078 : vector<2x2048xi1>
    %ne3A_2080 = arith.cmpi ne, %concatenate3A_118, %concatenate3A_26 : vector<2x2048xi32>
    %and3A_2081 = arith.andi %and3A_2079, %ne3A_2080 : vector<2x2048xi1>
    %ne3A_2082 = arith.cmpi ne, %concatenate3A_118, %concatenate3A_30 : vector<2x2048xi32>
    %and3A_2083 = arith.andi %and3A_2081, %ne3A_2082 : vector<2x2048xi1>
    %ne3A_2084 = arith.cmpi ne, %concatenate3A_118, %concatenate3A_34 : vector<2x2048xi32>
    %and3A_2085 = arith.andi %and3A_2083, %ne3A_2084 : vector<2x2048xi1>
    %ne3A_2086 = arith.cmpi ne, %concatenate3A_118, %concatenate3A_38 : vector<2x2048xi32>
    %and3A_2087 = arith.andi %and3A_2085, %ne3A_2086 : vector<2x2048xi1>
    %ne3A_2088 = arith.cmpi ne, %concatenate3A_118, %concatenate3A_42 : vector<2x2048xi32>
    %and3A_2089 = arith.andi %and3A_2087, %ne3A_2088 : vector<2x2048xi1>
    %ne3A_2090 = arith.cmpi ne, %concatenate3A_118, %concatenate3A_46 : vector<2x2048xi32>
    %and3A_2091 = arith.andi %and3A_2089, %ne3A_2090 : vector<2x2048xi1>
    %ne3A_2092 = arith.cmpi ne, %concatenate3A_118, %concatenate3A_50 : vector<2x2048xi32>
    %and3A_2093 = arith.andi %and3A_2091, %ne3A_2092 : vector<2x2048xi1>
    %ne3A_2094 = arith.cmpi ne, %concatenate3A_118, %concatenate3A_54 : vector<2x2048xi32>
    %and3A_2095 = arith.andi %and3A_2093, %ne3A_2094 : vector<2x2048xi1>
    %ne3A_2096 = arith.cmpi ne, %concatenate3A_118, %concatenate3A_58 : vector<2x2048xi32>
    %and3A_2097 = arith.andi %and3A_2095, %ne3A_2096 : vector<2x2048xi1>
    %ne3A_2098 = arith.cmpi ne, %concatenate3A_118, %concatenate3A_62 : vector<2x2048xi32>
    %and3A_2099 = arith.andi %and3A_2097, %ne3A_2098 : vector<2x2048xi1>
    %ne3A_2100 = arith.cmpi ne, %concatenate3A_118, %concatenate3A_66 : vector<2x2048xi32>
    %and3A_2101 = arith.andi %and3A_2099, %ne3A_2100 : vector<2x2048xi1>
    %ne3A_2102 = arith.cmpi ne, %concatenate3A_118, %concatenate3A_70 : vector<2x2048xi32>
    %and3A_2103 = arith.andi %and3A_2101, %ne3A_2102 : vector<2x2048xi1>
    %ne3A_2104 = arith.cmpi ne, %concatenate3A_118, %concatenate3A_74 : vector<2x2048xi32>
    %and3A_2105 = arith.andi %and3A_2103, %ne3A_2104 : vector<2x2048xi1>
    %ne3A_2106 = arith.cmpi ne, %concatenate3A_118, %concatenate3A_78 : vector<2x2048xi32>
    %and3A_2107 = arith.andi %and3A_2105, %ne3A_2106 : vector<2x2048xi1>
    %ne3A_2108 = arith.cmpi ne, %concatenate3A_118, %concatenate3A_82 : vector<2x2048xi32>
    %and3A_2109 = arith.andi %and3A_2107, %ne3A_2108 : vector<2x2048xi1>
    %ne3A_2110 = arith.cmpi ne, %concatenate3A_118, %concatenate3A_86 : vector<2x2048xi32>
    %and3A_2111 = arith.andi %and3A_2109, %ne3A_2110 : vector<2x2048xi1>
    %ne3A_2112 = arith.cmpi ne, %concatenate3A_118, %concatenate3A_90 : vector<2x2048xi32>
    %and3A_2113 = arith.andi %and3A_2111, %ne3A_2112 : vector<2x2048xi1>
    %ne3A_2114 = arith.cmpi ne, %concatenate3A_118, %concatenate3A_94 : vector<2x2048xi32>
    %and3A_2115 = arith.andi %and3A_2113, %ne3A_2114 : vector<2x2048xi1>
    %ne3A_2116 = arith.cmpi ne, %concatenate3A_118, %concatenate3A_98 : vector<2x2048xi32>
    %and3A_2117 = arith.andi %and3A_2115, %ne3A_2116 : vector<2x2048xi1>
    %ne3A_2118 = arith.cmpi ne, %concatenate3A_118, %concatenate3A_102 : vector<2x2048xi32>
    %and3A_2119 = arith.andi %and3A_2117, %ne3A_2118 : vector<2x2048xi1>
    %ne3A_2120 = arith.cmpi ne, %concatenate3A_118, %concatenate3A_106 : vector<2x2048xi32>
    %and3A_2121 = arith.andi %and3A_2119, %ne3A_2120 : vector<2x2048xi1>
    %ne3A_2122 = arith.cmpi ne, %concatenate3A_118, %concatenate3A_110 : vector<2x2048xi32>
    %and3A_2123 = arith.andi %and3A_2121, %ne3A_2122 : vector<2x2048xi1>
    %ne3A_2124 = arith.cmpi ne, %concatenate3A_118, %concatenate3A_114 : vector<2x2048xi32>
    %and3A_2125 = arith.andi %and3A_2123, %ne3A_2124 : vector<2x2048xi1>
    %convert_element_type3A_2126 = arith.extui %and3A_2125 : vector<2x2048xi1> to vector<2x2048xi32>
    %convert_element_type3A_2127 = arith.sitofp %convert_element_type3A_2126 : vector<2x2048xi32> to vector<2x2048xf32>
    %swap3A_2128 = arith.constant 30 : index
    %swap3A_2129 = arith.constant 0 : index
    %swap3A_2130 = arith.constant 0 : index
    %swap3A_2131 = vector.load %arg2[%swap3A_2128, %swap3A_2129, %swap3A_2130] : memref<32x2x2048xf32, #tpu.memory_space<vmem>>, vector<1x2x2048xf32>
    %swap3A_2132 = vector.shape_cast %swap3A_2131 : vector<1x2x2048xf32> to vector<2x2048xf32>
    %swap3A_2133 = vector.shape_cast %convert_element_type3A_2127 : vector<2x2048xf32> to vector<1x2x2048xf32>
    tpu.vector_store %arg2[%swap3A_2128, %swap3A_2129, %swap3A_2130], %swap3A_2133 {strides = array<i32>} : memref<32x2x2048xf32, #tpu.memory_space<vmem>>, vector<1x2x2048xf32>,
    %ne3A_2134 = arith.constant 0 : i32
    %ne3A_2135 = vector.broadcast %ne3A_2134 : i32 to vector<2x2048xi32>
    %ne3A_2136 = arith.cmpi ne, %concatenate3A_122, %ne3A_2135 : vector<2x2048xi32>
    %ne3A_2137 = arith.cmpi ne, %concatenate3A_122, %get3A_1 : vector<2x2048xi32>
    %and3A_2138 = arith.andi %ne3A_2136, %ne3A_2137 : vector<2x2048xi1>
    %ne3A_2139 = arith.cmpi ne, %concatenate3A_122, %concatenate3A : vector<2x2048xi32>
    %and3A_2140 = arith.andi %and3A_2138, %ne3A_2139 : vector<2x2048xi1>
    %ne3A_2141 = arith.cmpi ne, %concatenate3A_122, %concatenate3A_6 : vector<2x2048xi32>
    %and3A_2142 = arith.andi %and3A_2140, %ne3A_2141 : vector<2x2048xi1>
    %ne3A_2143 = arith.cmpi ne, %concatenate3A_122, %concatenate3A_10 : vector<2x2048xi32>
    %and3A_2144 = arith.andi %and3A_2142, %ne3A_2143 : vector<2x2048xi1>
    %ne3A_2145 = arith.cmpi ne, %concatenate3A_122, %concatenate3A_14 : vector<2x2048xi32>
    %and3A_2146 = arith.andi %and3A_2144, %ne3A_2145 : vector<2x2048xi1>
    %ne3A_2147 = arith.cmpi ne, %concatenate3A_122, %concatenate3A_18 : vector<2x2048xi32>
    %and3A_2148 = arith.andi %and3A_2146, %ne3A_2147 : vector<2x2048xi1>
    %ne3A_2149 = arith.cmpi ne, %concatenate3A_122, %concatenate3A_22 : vector<2x2048xi32>
    %and3A_2150 = arith.andi %and3A_2148, %ne3A_2149 : vector<2x2048xi1>
    %ne3A_2151 = arith.cmpi ne, %concatenate3A_122, %concatenate3A_26 : vector<2x2048xi32>
    %and3A_2152 = arith.andi %and3A_2150, %ne3A_2151 : vector<2x2048xi1>
    %ne3A_2153 = arith.cmpi ne, %concatenate3A_122, %concatenate3A_30 : vector<2x2048xi32>
    %and3A_2154 = arith.andi %and3A_2152, %ne3A_2153 : vector<2x2048xi1>
    %ne3A_2155 = arith.cmpi ne, %concatenate3A_122, %concatenate3A_34 : vector<2x2048xi32>
    %and3A_2156 = arith.andi %and3A_2154, %ne3A_2155 : vector<2x2048xi1>
    %ne3A_2157 = arith.cmpi ne, %concatenate3A_122, %concatenate3A_38 : vector<2x2048xi32>
    %and3A_2158 = arith.andi %and3A_2156, %ne3A_2157 : vector<2x2048xi1>
    %ne3A_2159 = arith.cmpi ne, %concatenate3A_122, %concatenate3A_42 : vector<2x2048xi32>
    %and3A_2160 = arith.andi %and3A_2158, %ne3A_2159 : vector<2x2048xi1>
    %ne3A_2161 = arith.cmpi ne, %concatenate3A_122, %concatenate3A_46 : vector<2x2048xi32>
    %and3A_2162 = arith.andi %and3A_2160, %ne3A_2161 : vector<2x2048xi1>
    %ne3A_2163 = arith.cmpi ne, %concatenate3A_122, %concatenate3A_50 : vector<2x2048xi32>
    %and3A_2164 = arith.andi %and3A_2162, %ne3A_2163 : vector<2x2048xi1>
    %ne3A_2165 = arith.cmpi ne, %concatenate3A_122, %concatenate3A_54 : vector<2x2048xi32>
    %and3A_2166 = arith.andi %and3A_2164, %ne3A_2165 : vector<2x2048xi1>
    %ne3A_2167 = arith.cmpi ne, %concatenate3A_122, %concatenate3A_58 : vector<2x2048xi32>
    %and3A_2168 = arith.andi %and3A_2166, %ne3A_2167 : vector<2x2048xi1>
    %ne3A_2169 = arith.cmpi ne, %concatenate3A_122, %concatenate3A_62 : vector<2x2048xi32>
    %and3A_2170 = arith.andi %and3A_2168, %ne3A_2169 : vector<2x2048xi1>
    %ne3A_2171 = arith.cmpi ne, %concatenate3A_122, %concatenate3A_66 : vector<2x2048xi32>
    %and3A_2172 = arith.andi %and3A_2170, %ne3A_2171 : vector<2x2048xi1>
    %ne3A_2173 = arith.cmpi ne, %concatenate3A_122, %concatenate3A_70 : vector<2x2048xi32>
    %and3A_2174 = arith.andi %and3A_2172, %ne3A_2173 : vector<2x2048xi1>
    %ne3A_2175 = arith.cmpi ne, %concatenate3A_122, %concatenate3A_74 : vector<2x2048xi32>
    %and3A_2176 = arith.andi %and3A_2174, %ne3A_2175 : vector<2x2048xi1>
    %ne3A_2177 = arith.cmpi ne, %concatenate3A_122, %concatenate3A_78 : vector<2x2048xi32>
    %and3A_2178 = arith.andi %and3A_2176, %ne3A_2177 : vector<2x2048xi1>
    %ne3A_2179 = arith.cmpi ne, %concatenate3A_122, %concatenate3A_82 : vector<2x2048xi32>
    %and3A_2180 = arith.andi %and3A_2178, %ne3A_2179 : vector<2x2048xi1>
    %ne3A_2181 = arith.cmpi ne, %concatenate3A_122, %concatenate3A_86 : vector<2x2048xi32>
    %and3A_2182 = arith.andi %and3A_2180, %ne3A_2181 : vector<2x2048xi1>
    %ne3A_2183 = arith.cmpi ne, %concatenate3A_122, %concatenate3A_90 : vector<2x2048xi32>
    %and3A_2184 = arith.andi %and3A_2182, %ne3A_2183 : vector<2x2048xi1>
    %ne3A_2185 = arith.cmpi ne, %concatenate3A_122, %concatenate3A_94 : vector<2x2048xi32>
    %and3A_2186 = arith.andi %and3A_2184, %ne3A_2185 : vector<2x2048xi1>
    %ne3A_2187 = arith.cmpi ne, %concatenate3A_122, %concatenate3A_98 : vector<2x2048xi32>
    %and3A_2188 = arith.andi %and3A_2186, %ne3A_2187 : vector<2x2048xi1>
    %ne3A_2189 = arith.cmpi ne, %concatenate3A_122, %concatenate3A_102 : vector<2x2048xi32>
    %and3A_2190 = arith.andi %and3A_2188, %ne3A_2189 : vector<2x2048xi1>
    %ne3A_2191 = arith.cmpi ne, %concatenate3A_122, %concatenate3A_106 : vector<2x2048xi32>
    %and3A_2192 = arith.andi %and3A_2190, %ne3A_2191 : vector<2x2048xi1>
    %ne3A_2193 = arith.cmpi ne, %concatenate3A_122, %concatenate3A_110 : vector<2x2048xi32>
    %and3A_2194 = arith.andi %and3A_2192, %ne3A_2193 : vector<2x2048xi1>
    %ne3A_2195 = arith.cmpi ne, %concatenate3A_122, %concatenate3A_114 : vector<2x2048xi32>
    %and3A_2196 = arith.andi %and3A_2194, %ne3A_2195 : vector<2x2048xi1>
    %ne3A_2197 = arith.cmpi ne, %concatenate3A_122, %concatenate3A_118 : vector<2x2048xi32>
    %and3A_2198 = arith.andi %and3A_2196, %ne3A_2197 : vector<2x2048xi1>
    %convert_element_type3A_2199 = arith.extui %and3A_2198 : vector<2x2048xi1> to vector<2x2048xi32>
    %convert_element_type3A_2200 = arith.sitofp %convert_element_type3A_2199 : vector<2x2048xi32> to vector<2x2048xf32>
    %swap3A_2201 = arith.constant 31 : index
    %swap3A_2202 = arith.constant 0 : index
    %swap3A_2203 = arith.constant 0 : index
    %swap3A_2204 = vector.load %arg2[%swap3A_2201, %swap3A_2202, %swap3A_2203] : memref<32x2x2048xf32, #tpu.memory_space<vmem>>, vector<1x2x2048xf32>
    %swap3A_2205 = vector.shape_cast %swap3A_2204 : vector<1x2x2048xf32> to vector<2x2048xf32>
    %swap3A_2206 = vector.shape_cast %convert_element_type3A_2200 : vector<2x2048xf32> to vector<1x2x2048xf32>
    tpu.vector_store %arg2[%swap3A_2201, %swap3A_2202, %swap3A_2203], %swap3A_2206 {strides = array<i32>} : memref<32x2x2048xf32, #tpu.memory_space<vmem>>, vector<1x2x2048xf32>,
    return
  }
}

module attributes {stable_mosaic.version = 14 : i64} {
  func.func @_combine_kernel(%arg0: memref<32x4096xf32, #tpu.memory_space<vmem>>, %arg1: memref<32x4096xf32, #tpu.memory_space<vmem>>, %arg2: memref<1x4096xf32, #tpu.memory_space<vmem>>, %arg3: memref<1x4096xf32, #tpu.memory_space<vmem>>, %arg4: memref<1x1xf32, #tpu.memory_space<vmem>>) attributes {dimension_semantics = [], scalar_prefetch = 0 : i64, scratch_operands = 0 : i64, tpu.core_type = #tpu.core_type<tc>} {
    %get3A = arith.constant 0 : index
    %get3A_0 = arith.constant 0 : index
    %get3A_1 = vector.load %arg0[%get3A, %get3A_0] : memref<32x4096xf32, #tpu.memory_space<vmem>>, vector<32x4096xf32>
    %get3A_2 = arith.constant 0 : index
    %get3A_3 = arith.constant 0 : index
    %get3A_4 = vector.load %arg2[%get3A_2, %get3A_3] : memref<1x4096xf32, #tpu.memory_space<vmem>>, vector<1x4096xf32>
    %get3A_5 = arith.constant 0 : index
    %get3A_6 = arith.constant 0 : index
    %get3A_7 = vector.load %arg0[%get3A_5, %get3A_6] : memref<32x4096xf32, #tpu.memory_space<vmem>>, vector<1x4096xf32>
    %sub3A = arith.subf %get3A_4, %get3A_7 : vector<1x4096xf32>
    %get3A_8 = arith.constant 0 : index
    %get3A_9 = arith.constant 0 : index
    %get3A_10 = vector.load %arg3[%get3A_8, %get3A_9] : memref<1x4096xf32, #tpu.memory_space<vmem>>, vector<1x4096xf32>
    %mul3A = arith.constant 1.22070313E-4 : f32
    %mul3A_11 = vector.broadcast %mul3A : f32 to vector<1x4096xf32>
    %mul3A_12 = arith.mulf %get3A_10, %mul3A_11 : vector<1x4096xf32>
    %sub3A_13 = arith.subf %get3A_4, %mul3A_12 : vector<1x4096xf32>
    %mul3A_14 = arith.constant 0.899999976 : f32
    %mul3A_15 = vector.broadcast %mul3A_14 : f32 to vector<1x4096xf32>
    %mul3A_16 = arith.mulf %mul3A_15, %sub3A : vector<1x4096xf32>
    %mul3A_17 = arith.constant 1.000000e-01 : f32
    %mul3A_18 = vector.broadcast %mul3A_17 : f32 to vector<1x4096xf32>
    %mul3A_19 = arith.mulf %mul3A_18, %sub3A_13 : vector<1x4096xf32>
    %add3A = arith.addf %mul3A_16, %mul3A_19 : vector<1x4096xf32>
    %reduce_sum3A = vector.shape_cast %add3A : vector<1x4096xf32> to vector<1x1x4096xf32>
    %reduce_sum3A_20 = arith.constant dense<0.000000e+00> : vector<1xf32>
    %reduce_sum3A_21 = vector.multi_reduction <add>, %reduce_sum3A, %reduce_sum3A_20 [1, 2] : vector<1x1x4096xf32> to vector<1xf32>
    %reduce_sum3A_22 = vector.shape_cast %reduce_sum3A_21 : vector<1xf32> to vector<1x1x1xf32>
    %reduce_sum3A_23 = vector.extract %reduce_sum3A_22[0, 0, 0] : f32 from vector<1x1x1xf32>
    %mul3A_24 = arith.constant 2.44140625E-4 : f32
    %mul3A_25 = arith.mulf %reduce_sum3A_23, %mul3A_24 : f32
    %sub3A_26 = vector.broadcast %get3A_4 : vector<1x4096xf32> to vector<32x4096xf32>
    %sub3A_27 = arith.subf %get3A_1, %sub3A_26 : vector<32x4096xf32>
    %exp3A = math.exp %sub3A_27 : vector<32x4096xf32>
    %sub3A_28 = arith.constant 1.000000e+00 : f32
    %sub3A_29 = vector.broadcast %sub3A_28 : f32 to vector<32x4096xf32>
    %sub3A_30 = arith.subf %sub3A_29, %exp3A : vector<32x4096xf32>
    %max3A = arith.constant 9.99999974E-6 : f32
    %max3A_31 = vector.broadcast %max3A : f32 to vector<32x4096xf32>
    %max3A_32 = arith.maximumf %sub3A_30, %max3A_31 : vector<32x4096xf32>
    %log3A = math.log %max3A_32 : vector<32x4096xf32>
    %neg3A = arith.constant 0.000000e+00 : f32
    %neg3A_33 = vector.broadcast %neg3A : f32 to vector<32x4096xf32>
    %neg3A_34 = arith.subf %neg3A_33, %log3A : vector<32x4096xf32>
    %get3A_35 = arith.constant 0 : index
    %get3A_36 = arith.constant 0 : index
    %get3A_37 = vector.load %arg1[%get3A_35, %get3A_36] : memref<32x4096xf32, #tpu.memory_space<vmem>>, vector<32x4096xf32>
    %mul3A_38 = arith.mulf %get3A_37, %neg3A_34 : vector<32x4096xf32>
    %reduce_sum3A_39 = vector.shape_cast %mul3A_38 : vector<32x4096xf32> to vector<1x32x4096xf32>
    %reduce_sum3A_40 = arith.constant dense<0.000000e+00> : vector<1xf32>
    %reduce_sum3A_41 = vector.multi_reduction <add>, %reduce_sum3A_39, %reduce_sum3A_40 [1, 2] : vector<1x32x4096xf32> to vector<1xf32>
    %reduce_sum3A_42 = vector.shape_cast %reduce_sum3A_41 : vector<1xf32> to vector<1x1x1xf32>
    %reduce_sum3A_43 = vector.extract %reduce_sum3A_42[0, 0, 0] : f32 from vector<1x1x1xf32>
    %mul3A_44 = arith.constant 5.000000e-01 : f32
    %mul3A_45 = arith.mulf %reduce_sum3A_43, %mul3A_44 : f32
    %add3A_46 = arith.constant 1.000000e+00 : f32
    %add3A_47 = arith.addf %add3A_46, %mul3A_45 : f32
    %log3A_48 = math.log %add3A_47 : f32
    %mul3A_49 = arith.constant 1.000000e+00 : f32
    %mul3A_50 = arith.mulf %mul3A_49, %log3A_48 : f32
    %add3A_51 = arith.addf %mul3A_25, %mul3A_50 : f32
    %broadcast_in_dim3A = vector.broadcast %add3A_51 : f32 to vector<1x1xf32>
    %swap3A = arith.constant 0 : index
    %swap3A_52 = arith.constant 0 : index
    %swap3A_53 = vector.load %arg4[%swap3A, %swap3A_52] : memref<1x1xf32, #tpu.memory_space<vmem>>, vector<1x1xf32>
    tpu.vector_store %arg4[%swap3A, %swap3A_52], %broadcast_in_dim3A {strides = array<i32>} : memref<1x1xf32, #tpu.memory_space<vmem>>, vector<1x1xf32>,
    return
  }
}

</mosaic_0001>

<sc_bundles>
// kernel: kernel.6.cloned.1.call-start
scs
__scs_entry_jumppad:
0x0: {  	(pc) =	sbr.rel $0x88, $3  }
0x1: {  	(tag) =	ssettag $0x0;
	lr =	simm.s32 $0x1  }
0x2: {  	[smem:$0x3F9F] =	sst lr;
	_ =	strace $0xD0000000  }
0x3: {  	_ = 	snop  }
0x4: {  	_ = 	snop  }
0x5: {  	_ = 	snop  }
0x6: {  	_ = 	snop  }
0x7: {  	_ = 	snop  }
__scs_overlays_trampoline_lowered:
0x8: {  	[smem:$0x3FAE] =	sst s0  }
0x9: {  	[smem:$0x3FAF] =	sst s1  }
0xa: {  	[smem:$0x3FB0] =	sst s2  }
0xb: {  	[smem:$0x3FB1] =	sst s3  }
0xc: {  	[smem:$0x3FB2] =	sst s4  }
0xd: {  	[smem:$0x3FB3] =	sst s5  }
0xe: {  	[smem:$0x3FB4] =	sst s6  }
0xf: {  	[smem:$0x3FB5] =	sst s7  }
0x10: {  	[smem:$0x3FB6] =	sst s8  }
0x11: {  	[smem:$0x3FB7] =	sst s9;
	s0 =	simm.s32 @!p0 $0x0  }
0x12: {  	s1 =	sld [smem:$0x3F9D];
	s0 =	simm.s32 @p0 $0x1  }
0x13: {  	[smem:$0x3FB8] =	sst s0;
	s0 =	simm.s32 @!p1 $0x0  }
0x14: {  	s2 =	sld [smem:$0x3F9C];
	s0 =	simm.s32 @p1 $0x1  }
0x15: {  	[smem:$0x3FB9] =	sst s0;
	s0 =	simm.s32 @!p2 $0x0  }
0x16: {  	s3 =	sld [smem:$0x3FDB];
	s0 =	simm.s32 @p2 $0x1  }
0x17: {  	s4 =	simm.s32 $0x1BF5;
	[smem:$0x3FBB] =	sst s0  }
0x18: {  	s0 =	sld [smem:$0x3F9E];
	_ =	swait.ge [sflag:s4], $0x0  }
0x19: {  	s7 =	sld [smem:$0x3F9F]  }
0x1a: {  	s8 =	sadd.s32 $0xFFFFE003, lr  }
0x1b: {  	s9 =	sadd.s32 $0xFFFFFEF7, lr;
	s5 =	simm.s32 $0xFFFFFFFF;
	p2 =	slt.u32 s8, $0xFFFFF086  }
0x1c: {  	p1 =	slt.u32 s9, $0xF7A;
	s5 =	simm.s32 @!p2 $0x0  }
0x1d: {  	s5 =	simm.s32 @p1 $0x1;
	p0 =	seq.s32 s7, s2  }
0x1e: {  	s7 =	smul.u32 @!p0 $0xF7A, s2;
	p2 =	seq.s32 @!p0 s5, $0x0  }
0x1f: {  	s9 =	smul.u32 $0xF7A, s1;
	s8 =	simm.s32 @!p0 $0x1BF5;
	p2 =	por !p2, p0  }
0x20: {  	[sflag:s8] =	ssyncset.s32 @!p0 $0xFFFFF086;
	s6 =	sadd.s32 @!p0 s3, s7;
	s7 =	simm.s32 @!p0 $0x108  }
0x21: {  	s3 =	sadd.s32 s3, s9;
	s6 =	sadd.s32 @!p0 $0x88, s6;
	s7 =	simm.s32 @p2 $0x1082  }
0x22: {  	[simem:s7], [sflag:s8] =	dma.local @!p0 [hbm:s6], $0xF7A  }
0x23: {  	s9 =	sor.u32 $0xD0000000, s2;
	s6 =	simm.s32 $0x108;
	_ =	swait.ge @!p0 [sflag:s8], $0x0  }
0x24: {  	s3 =	sadd.s32 $0x88, s3;
	s6 =	simm.s32 @!p1 $0x1082;
	[sflag:s4] =	ssyncset.s32 $0xFFFFF086  }
0x25: {  	[simem:s6], [sflag:s4] =	dma.local [hbm:s3], $0xF7A  }
0x26: {  	[smem:$0x3F9F] =	sst s1;
	(tag) =	ssettag s2;
	_ =	strace s9  }
0x27: {  	s1 =	sld [smem:$0x3FAF]  }
0x28: {  	s2 =	sld [smem:$0x3FB0]  }
0x29: {  	s4 =	sld [smem:$0x3FB2]  }
0x2a: {  	p0 =	seq.s32 s5, $0x0;
	s5 =	sld [smem:$0x3FB3]  }
0x2b: {  	s6 =	sld [smem:$0x3FB4]  }
0x2c: {  	s7 =	sld [smem:$0x3FB5]  }
0x2d: {  	s3 =	simm.s32 $0x108;
	s8 =	sld [smem:$0x3FB6]  }
0x2e: {  	s3 =	simm.s32 @!p0 $0x1082;
	s9 =	sld [smem:$0x3FB7]  }
0x2f: {  	lr =	sadd.s32 s0, s3;
	s0 =	sld [smem:$0x3FAE]  }
0x30: {  	s3 =	sld [smem:$0x3FB1]  }
0x31: {  	[smem:$0x3FBA] =	sst s10  }
0x32: {  	s10 =	sld [smem:$0x3FB8];
	_ =	sdelay $0x3  }
0x33: {  	p0 =	seq.s32 s10, $0x1;
	s10 =	sld [smem:$0x3FBA];
	_ =	sdelay $0x3  }
0x34: {  	[smem:$0x3FBA] =	sst s10  }
0x35: {  	s10 =	sld [smem:$0x3FB9];
	_ =	sdelay $0x3  }
0x36: {  	p1 =	seq.s32 s10, $0x1;
	s10 =	sld [smem:$0x3FBA];
	_ =	sdelay $0x3  }
0x37: {  	[smem:$0x3FBA] =	sst s10  }
0x38: {  	s10 =	sld [smem:$0x3FBB]  }
0x39: {  	_ = 	snop;
	(pc) =	sbr.ind lr, $3  }
0x3a: {  	_ = 	snop  }
0x3b: {  	_ = 	snop  }
0x3c: {  	p2 =	seq.s32 s10, $0x1;
	s10 =	sld [smem:$0x3FBA]  }
0x3d: {  	_ =	shalt  }
0x3e: {  	_ =	shalt  }
0x3f: {  	_ =	shalt  }
0x40: {  	_ =	shalt  }
0x41: {  	_ =	shalt  }
0x42: {  	_ =	shalt  }
0x43: {  	_ =	shalt  }
0x44: {  	_ =	shalt  }
0x45: {  	_ =	shalt  }
0x46: {  	_ =	shalt  }
0x47: {  	_ =	shalt  }
0x48: {  	_ =	shalt  }
0x49: {  	_ =	shalt  }
0x4a: {  	_ =	shalt  }
0x4b: {  	_ =	shalt  }
0x4c: {  	_ =	shalt  }
0x4d: {  	_ =	shalt  }
0x4e: {  	_ =	shalt  }
0x4f: {  	_ =	shalt  }
0x50: {  	_ =	shalt  }
0x51: {  	_ =	shalt  }
0x52: {  	_ =	shalt  }
0x53: {  	_ =	shalt  }
0x54: {  	_ =	shalt  }
0x55: {  	_ =	shalt  }
0x56: {  	_ =	shalt  }
0x57: {  	_ =	shalt  }
0x58: {  	_ =	shalt  }
0x59: {  	_ =	shalt  }
0x5a: {  	_ =	shalt  }
0x5b: {  	_ =	shalt  }
0x5c: {  	_ =	shalt  }
0x5d: {  	_ =	shalt  }
0x5e: {  	_ =	shalt  }
0x5f: {  	_ =	shalt  }
0x60: {  	_ =	shalt  }
0x61: {  	_ =	shalt  }
0x62: {  	_ =	shalt  }
0x63: {  	_ =	shalt  }
0x64: {  	_ =	shalt  }
0x65: {  	_ =	shalt  }
0x66: {  	_ =	shalt  }
0x67: {  	_ =	shalt  }
0x68: {  	_ =	shalt  }
0x69: {  	_ =	shalt  }
0x6a: {  	_ =	shalt  }
0x6b: {  	_ =	shalt  }
0x6c: {  	_ =	shalt  }
0x6d: {  	_ =	shalt  }
0x6e: {  	_ =	shalt  }
0x6f: {  	_ =	shalt  }
0x70: {  	_ =	shalt  }
0x71: {  	_ =	shalt  }
0x72: {  	_ =	shalt  }
0x73: {  	_ =	shalt  }
0x74: {  	_ =	shalt  }
0x75: {  	_ =	shalt  }
0x76: {  	_ =	shalt  }
0x77: {  	_ =	shalt  }
0x78: {  	_ =	shalt  }
0x79: {  	_ =	shalt  }
0x7a: {  	_ =	shalt  }
0x7b: {  	_ =	shalt  }
0x7c: {  	_ =	shalt  }
0x7d: {  	_ =	shalt  }
0x7e: {  	_ =	shalt  }
0x7f: {  	_ =	shalt  }
0x80: {  	_ =	shalt  }
0x81: {  	_ =	shalt  }
0x82: {  	_ =	shalt  }
0x83: {  	_ =	shalt  }
0x84: {  	_ =	shalt  }
0x85: {  	_ =	shalt  }
0x86: {  	_ =	shalt  }
0x87: {  	_ =	shalt  }
.Lfunc_end0:
.L_simem_size_0:
called_computation_lowered:
.L_overlay_start_0:
0x88: {  	s2 =	sld [smem:$0x3FD9]  }
0x89: {  	s3 =	sld [smem:$0x3FFE];
	_ =	sdelay $0x1  }
0x8a: {  	s1 =	srdreg.scid  }
0x8b: {  	s0 =	sand.u32 $0x1, s1  }
0x8c: {  	s17 =	sshll.u32 s0, $0xA;
	s2 =	sadd.s32 s3, s2  }
0x8d: {  	s2 =	sadd.s32 s2, s17  }
0x8e: {  	[smem:$0x3FC6] =	sst s2  }
0x8f: {  	_ = 	snop  }
0x90: {  	s2 =	sld [smem:$0x3FC9];
	(tm) =	ssettm $0x1  }
0x91: {  	s18 =	sld [smem:$0x3FFB];
	_ =	sdelay $0x3  }
0x92: {  	_ =	strace s18  }
0x93: {  	s3 =	sld [smem:$0x3FFC];
	_ =	sdelay $0x3  }
0x94: {  	_ =	strace s3  }
0x95: {  	s3 =	sld [smem:$0x3FFD];
	_ =	sdelay $0x3  }
0x96: {  	_ =	strace s3  }
0x97: {  	_ =	strace $0x8FFFFFFF  }
0x98: {  	s19 =	sld [smem:$0x3FDB];
	_ =	sdelay $0x1  }
0x99: {  	s4 =	simm.s32 $_scs_section_size  }
0x9a: {  	s5 =	simm.s32 $_size__tile_overlayer_lowered;
	s6 =	simm.s32 $_tile_overlayer_lowered  }
0x9b: {  	s22 =	simm.s32 $0x1BFF;
	s21 =	sshll.u32 s6, $0x1;
	s3 =	sadd.s32 s4, s19  }
0x9c: {  	s7 =	simm.s32 $0x0;
	s20 =	sshll.u32 s5, $0x1;
	s5 =	sadd.s32 s21, s3  }
0x9d: {  	[timem:s7], [sflag:s22] =	dma.local [hbm:s5], s20  }
0x9e: {  	_ =	swait.ge [sflag:s22], s20  }
0x9f: {  	s4 =	ssub.s32 $0x0, s20;
	[sflag:s22] =	ssyncset.done $0x0  }
0xa0: {  	[sflag:s22] =	ssyncadd.s32 s4;
	_ =	sdelay $0x1  }
0xa1: {  	s23 =	simm.s32 $0x1B8B  }
0xa2: {  	_ =	swait.ge [sflag:s23], $0x1  }
0xa3: {  	[sflag:s23] =	ssyncset.done $0x0  }
0xa4: {  	s25 =	simm.s32 $0x1B8E;
	s24 =	sld [smem:$0x3FFE];
	[sflag:s23] =	ssyncadd.s32 $0xFFFFFFFF  }
0xa5: {  	s26 =	simm.s32 $execute0_lowered;
	[smem:$0x3FD2] =	sst s25  }
0xa6: {  	s5 =	sshll.u32 s26, $0x1;
	_ =	strace $0x80000046;
	[dreg:$0x1] =	wrdreg $0xFFFFFFFF  }
0xa7: {  	s28 =	simm.s32 $_size_execute0_lowered;
	s3 =	sadd.s32 s3, s5;
	[dreg:$0x0] =	wrdreg $0x0  }
0xa8: {  	s5 =	sshll.u32 s28, $0x1;
	[dreg:$0x2] =	wrdreg s3  }
0xa9: {  	[dreg:$0x3] =	wrdreg s5  }
0xaa: {  	[dreg:$0x4] =	wrdreg $0xC0  }
0xab: {  	_ =	task [dreg:s7], $0x5FFFF  }
0xac: {  	[dreg:$0x1] =	wrdreg $0xFFFFFFFF  }
0xad: {  	[dreg:$0x0] =	wrdreg $0x60  }
0xae: {  	[dreg:$0x2] =	wrdreg s2  }
0xaf: {  	[dreg:$0x3] =	wrdreg s24  }
0xb0: {  	[dreg:$0x4] =	wrdreg $0x9  }
0xb1: {  	_ =	task.clear_ibuf [dreg:s7], $0x5FFFF;
	_ =	strace $0x90000046  }
0xb2: {  	s29 =	simm.s32 $0x9;
	_ =	strace $0x80000048  }
0xb3: {  	_ =	swait.ge [sflag:s29], $0x1  }
0xb4: {  	[sflag:s29] =	ssyncadd.s32 $0xFFFFFFFF  }
0xb5: {  	_ =	strace $0x90000048  }
0xb6: {  	_ =	sfence  }
0xb7: {  	s30 =	sld [smem:$0x0];
	_ =	sdelay $0x2  }
0xb8: {  	s31 =	sshll.u32 s1, $0xD;
	s1 =	sshrl.u32 s1, $0x2  }
0xb9: {  	s3 =	sand.u32 $0x4000, s31;
	s1 =	sadd.s32 s1, s30  }
0xba: {  	s0 =	sor.u32 s3, s0;
	s1 =	sshll.u32 s1, $0x11  }
0xbb: {  	s0 =	sor.u32 s1, s0  }
0xbc: {  	s0 =	sadd.s32 $0x8F2B, s0  }
0xbd: {  	[sflag:s0] =	ssyncadd.remote.s32 $0x1  }
0xbe: {  	_ =	sfence.sel $0xFFFF  }
0xbf: {  	[dreg:$0x0] =	wrdreg $0xFFFFFFFF;
	(pc) =	sbr.abs _section_cstart, $3  }
0xc0: {  	[dreg:$0x1] =	wrdreg $0xFFFFFFFF  }
0xc1: {  	_ =	task.clear_ibuf [dreg:s7], $0x2FFFF;
	_ =	strace $0x9FFFFFFF  }
0xc2: {  	(tm) =	ssettm $0x7FFFFFFF  }
0xc3: {  	_ =	shalt  }
tec
execute0_lowered:
.L_overlay_start_1:
0x0: {  	(tag) =	ssettag $0x1  }
0x1: {  	s2 =	rddreg [dreg:$0x0];
	s3 =	stileid.u32  }
0x2: {  	s13 =	rddreg [dreg:$0x1];
	s4 =	sshll.u32 s3, $0x8;
	s3 =	simm.s32 $0x0  }
0x3: {  	s14 =	simm.s32 $0x1080;
	[smem:$0x7FF] =	sst s3  }
0x4: {  	s15 =	simm.s32 $0x100;
	_ =	strace $0x80000047;
	[dreg:$0x5] =	wrdreg s14  }
0x5: {  	s16 =	simm.s32 $0x1100;
	[dreg:$0x6] =	wrdreg s15  }
0x6: {  	s17 =	simm.s32 $0x180;
	[dreg:$0x7] =	wrdreg s16  }
0x7: {  	s18 =	simm.s32 $0x1180;
	[dreg:$0x8] =	wrdreg s17  }
0x8: {  	s19 =	simm.s32 $0x200;
	[dreg:$0x9] =	wrdreg s18  }
0x9: {  	s20 =	simm.s32 $0x1200;
	[dreg:$0xa] =	wrdreg s19  }
0xa: {  	s21 =	simm.s32 $0x280;
	[dreg:$0xb] =	wrdreg s20  }
0xb: {  	s22 =	simm.s32 $0x1280;
	[dreg:$0xc] =	wrdreg s21  }
0xc: {  	s23 =	simm.s32 $0x300;
	[dreg:$0xd] =	wrdreg s22  }
0xd: {  	s24 =	simm.s32 $0x1300;
	[dreg:$0xe] =	wrdreg s23  }
0xe: {  	s25 =	simm.s32 $0x380;
	[dreg:$0xf] =	wrdreg s24  }
0xf: {  	s26 =	simm.s32 $0x1380;
	[dreg:$0x10] =	wrdreg s25  }
0x10: {  	s28 =	simm.s32 $0x1400;
	[dreg:$0x11] =	wrdreg s26  }
0x11: {  	s29 =	simm.s32 $0x480;
	[dreg:$0x12] =	wrdreg s28  }
0x12: {  	s6 =	simm.s32 $0x1500;
	[dreg:$0x13] =	wrdreg s29  }
0x13: {  	s7 =	simm.s32 $0x580;
	[dreg:$0x16] =	wrdreg s6  }
0x14: {  	s8 =	simm.s32 $0x1580;
	[dreg:$0x17] =	wrdreg s7  }
0x15: {  	s9 =	simm.s32 $0x600;
	[dreg:$0x18] =	wrdreg s8  }
0x16: {  	s0 =	srdreg.scid;
	s10 =	simm.s32 $0x1600;
	[dreg:$0x19] =	wrdreg s9  }
0x17: {  	s11 =	simm.s32 $0x680;
	s1 =	sand.u32 $0x1, s0;
	[dreg:$0x1a] =	wrdreg s10  }
0x18: {  	s12 =	simm.s32 $0x1680;
	s5 =	sshll.u32 s1, $0x7;
	[dreg:$0x1b] =	wrdreg s11  }
0x19: {  	s4 =	sor.u32 s5, s4;
	s5 =	simm.s32 $0x500;
	[dreg:$0x1c] =	wrdreg s12  }
0x1a: {  	s14 =	simm.s32 $0x1700;
	[dreg:$0x15] =	wrdreg s5  }
0x1b: {  	s15 =	simm.s32 $0x780;
	[dreg:$0x1e] =	wrdreg s14  }
0x1c: {  	s16 =	simm.s32 $0x1780;
	[dreg:$0x1f] =	wrdreg s15  }
0x1d: {  	s17 =	simm.s32 $0x800;
	[smem:$0x7F6] =	sst s16  }
0x1e: {  	s18 =	simm.s32 $0x1800;
	[smem:$0x7F8] =	sst s17  }
0x1f: {  	s19 =	simm.s32 $0x880;
	[smem:$0x7F5] =	sst s18  }
0x20: {  	s20 =	simm.s32 $0x1880;
	[smem:$0x7F9] =	sst s19  }
0x21: {  	s21 =	simm.s32 $0x900;
	[smem:$0x7F4] =	sst s20  }
0x22: {  	s22 =	simm.s32 $0x1900;
	[smem:$0x7FA] =	sst s21  }
0x23: {  	s23 =	simm.s32 $0x980;
	[smem:$0x7F3] =	sst s22  }
0x24: {  	s24 =	simm.s32 $0x1980;
	[smem:$0x7FB] =	sst s23  }
0x25: {  	s25 =	simm.s32 $0xA00;
	[smem:$0x7F2] =	sst s24  }
0x26: {  	s26 =	simm.s32 $0x1A00;
	[smem:$0x7FC] =	sst s25  }
0x27: {  	s28 =	simm.s32 $0xA80;
	[smem:$0x7F7] =	sst s26  }
0x28: {  	s0 =	sadd.s32 s4, s13;
	s13 =	simm.s32 $0x700;
	[smem:$0x7FD] =	sst s28  }
0x29: {  	s4 =	sadd.s32 $0xC00, s0;
	[dreg:$0x1d] =	wrdreg s13  }
0x2a: {  	s0 =	sadd.s32 $0x4C00, s0;
	[dreg:$0x3] =	wrdreg s4  }
0x2b: {  	[dreg:$0x4] =	wrdreg s0;
	s4 =	simm.s32 $0x1480  }
0x2c: {  	s6 =	simm.s32 $0x8000;
	[dreg:$0x14] =	wrdreg s4  }
0x2d: {  	s5 =	simm.s32 $0x2;
	s7 =	rddreg [dreg:$0x3];
	s4 =	simm.s32 $0x400  }
0x2e: {  	[tilespmem:s3], [sflag:$0x2] =	stream.strided.gather [hbm4b:s7+s4], $0x1000, s6, s4, $0x38;
	[tilespmem:$0x2000] =	vst v63  }
0x2f: {  	_ =	swait.ge [sflag:s5], $0x1000  }
0x30: {  	s0 =	sld [smem:$0x7F2]  }
0x31: {  	s9 =	sld [smem:$0x7F3]  }
0x32: {  	s10 =	sld [smem:$0x7F4]  }
0x33: {  	s11 =	sld [smem:$0x7F5]  }
0x34: {  	s12 =	sld [smem:$0x7F6]  }
0x35: {  	s13 =	rddreg [dreg:$0x1e]  }
0x36: {  	s14 =	rddreg [dreg:$0x1c]  }
0x37: {  	s15 =	rddreg [dreg:$0x1a]  }
0x38: {  	s16 =	rddreg [dreg:$0x18]  }
0x39: {  	s17 =	rddreg [dreg:$0x16]  }
0x3a: {  	s18 =	rddreg [dreg:$0x14]  }
0x3b: {  	s19 =	rddreg [dreg:$0x12]  }
0x3c: {  	s20 =	rddreg [dreg:$0x6]  }
0x3d: {  	s21 =	rddreg [dreg:$0x5]  }
0x3e: {  	s22 =	rddreg [dreg:$0x7]  }
0x3f: {  	s23 =	rddreg [dreg:$0x9]  }
0x40: {  	s29 =	rddreg [dreg:$0x8]  }
0x41: {  	s8 =	simm.s32 $0x80;
	[sflag:s5] =	ssyncset.done $0x0;
	s24 =	rddreg [dreg:$0xa]  }
0x42: {  	s7 =	simm.s32 $0x1000;
	s25 =	rddreg [dreg:$0xd];
	[sflag:s5] =	ssyncadd.s32 $0xFFFFF000  }
0x43: {  	[tilespmem:s7], [sflag:$0x1] =	stream.indirect.gather [hbm4b:s2+s8], $0x1, s3, s8, $0xb8;
	[tilespmem:$0x2000] =	vst v63  }
0x44: {  	s26 =	rddreg [dreg:$0xc]  }
0x45: {  	[tilespmem:s21], [sflag:$0x1] =	stream.indirect.gather [hbm4b:s2+s8], $0x1, s8, s8, $0xb8;
	[tilespmem:$0x2000] =	vst v63  }
0x46: {  	s28 =	rddreg [dreg:$0xf]  }
0x47: {  	[tilespmem:s22], [sflag:$0x1] =	stream.indirect.gather [hbm4b:s2+s8], $0x1, s20, s8, $0xb8;
	[tilespmem:$0x2000] =	vst v63  }
0x48: {  	s21 =	rddreg [dreg:$0x1f]  }
0x49: {  	[tilespmem:s23], [sflag:$0x1] =	stream.indirect.gather [hbm4b:s2+s8], $0x1, s29, s8, $0xb8;
	[tilespmem:$0x2000] =	vst v63  }
0x4a: {  	s22 =	rddreg [dreg:$0xb]  }
0x4b: {  	[tilespmem:s22], [sflag:$0x1] =	stream.indirect.gather [hbm4b:s2+s8], $0x1, s24, s8, $0xb8;
	[tilespmem:$0x2000] =	vst v63  }
0x4c: {  	s29 =	rddreg [dreg:$0xe]  }
0x4d: {  	[tilespmem:s25], [sflag:$0x1] =	stream.indirect.gather [hbm4b:s2+s8], $0x1, s26, s8, $0xb8;
	[tilespmem:$0x2000] =	vst v63  }
0x4e: {  	s23 =	rddreg [dreg:$0x11]  }
0x4f: {  	[tilespmem:s28], [sflag:$0x1] =	stream.indirect.gather [hbm4b:s2+s8], $0x1, s29, s8, $0xb8;
	[tilespmem:$0x2000] =	vst v63  }
0x50: {  	s24 =	rddreg [dreg:$0x10]  }
0x51: {  	[tilespmem:s23], [sflag:$0x1] =	stream.indirect.gather [hbm4b:s2+s8], $0x1, s24, s8, $0xb8;
	[tilespmem:$0x2000] =	vst v63  }
0x52: {  	s20 =	sld [smem:$0x7F7]  }
0x53: {  	[tilespmem:s19], [sflag:$0x1] =	stream.indirect.gather [hbm4b:s2+s8], $0x1, s4, s8, $0xb8;
	[tilespmem:$0x2000] =	vst v63  }
0x54: {  	s25 =	rddreg [dreg:$0x13]  }
0x55: {  	[tilespmem:s18], [sflag:$0x1] =	stream.indirect.gather [hbm4b:s2+s8], $0x1, s25, s8, $0xb8;
	[tilespmem:$0x2000] =	vst v63  }
0x56: {  	s26 =	rddreg [dreg:$0x15]  }
0x57: {  	[tilespmem:s17], [sflag:$0x1] =	stream.indirect.gather [hbm4b:s2+s8], $0x1, s26, s8, $0xb8;
	[tilespmem:$0x2000] =	vst v63  }
0x58: {  	s28 =	rddreg [dreg:$0x17]  }
0x59: {  	[tilespmem:s16], [sflag:$0x1] =	stream.indirect.gather [hbm4b:s2+s8], $0x1, s28, s8, $0xb8;
	[tilespmem:$0x2000] =	vst v63  }
0x5a: {  	s29 =	rddreg [dreg:$0x19]  }
0x5b: {  	[tilespmem:s15], [sflag:$0x1] =	stream.indirect.gather [hbm4b:s2+s8], $0x1, s29, s8, $0xb8;
	[tilespmem:$0x2000] =	vst v63  }
0x5c: {  	s18 =	rddreg [dreg:$0x1b]  }
0x5d: {  	[tilespmem:s14], [sflag:$0x1] =	stream.indirect.gather [hbm4b:s2+s8], $0x1, s18, s8, $0xb8;
	[tilespmem:$0x2000] =	vst v63  }
0x5e: {  	s19 =	rddreg [dreg:$0x1d]  }
0x5f: {  	[tilespmem:s13], [sflag:$0x1] =	stream.indirect.gather [hbm4b:s2+s8], $0x1, s19, s8, $0xb8;
	[tilespmem:$0x2000] =	vst v63  }
0x60: {  	s22 =	sld [smem:$0x7F8]  }
0x61: {  	[tilespmem:s12], [sflag:$0x1] =	stream.indirect.gather [hbm4b:s2+s8], $0x1, s21, s8, $0xb8;
	[tilespmem:$0x2000] =	vst v63  }
0x62: {  	s23 =	sld [smem:$0x7F9]  }
0x63: {  	[tilespmem:s11], [sflag:$0x1] =	stream.indirect.gather [hbm4b:s2+s8], $0x1, s22, s8, $0xb8;
	[tilespmem:$0x2000] =	vst v63  }
0x64: {  	s24 =	sld [smem:$0x7FA]  }
0x65: {  	[tilespmem:s10], [sflag:$0x1] =	stream.indirect.gather [hbm4b:s2+s8], $0x1, s23, s8, $0xb8;
	[tilespmem:$0x2000] =	vst v63  }
0x66: {  	s25 =	sld [smem:$0x7FB]  }
0x67: {  	[tilespmem:s9], [sflag:$0x1] =	stream.indirect.gather [hbm4b:s2+s8], $0x1, s24, s8, $0xb8;
	[tilespmem:$0x2000] =	vst v63  }
0x68: {  	s26 =	sld [smem:$0x7FC]  }
0x69: {  	[tilespmem:s0], [sflag:$0x1] =	stream.indirect.gather [hbm4b:s2+s8], $0x1, s25, s8, $0xb8;
	[tilespmem:$0x2000] =	vst v63  }
0x6a: {  	s28 =	sld [smem:$0x7FD]  }
0x6b: {  	[tilespmem:s20], [sflag:$0x1] =	stream.indirect.gather [hbm4b:s2+s8], $0x1, s26, s8, $0xb8;
	[tilespmem:$0x2000] =	vst v63  }
0x6c: {  	s29 =	simm.s32 $0x1A80  }
0x6d: {  	[tilespmem:s29], [sflag:$0x1] =	stream.indirect.gather [hbm4b:s2+s8], $0x1, s28, s8, $0xb8;
	[tilespmem:$0x2000] =	vst v63  }
0x6e: {  	s11 =	simm.s32 $0x1B00;
	s10 =	simm.s32 $0xB00  }
0x6f: {  	[tilespmem:s11], [sflag:$0x1] =	stream.indirect.gather [hbm4b:s2+s8], $0x1, s10, s8, $0xb8;
	[tilespmem:$0x2000] =	vst v63  }
0x70: {  	s13 =	simm.s32 $0x1B80;
	s12 =	simm.s32 $0xB80  }
0x71: {  	[tilespmem:s13], [sflag:$0x1] =	stream.indirect.gather [hbm4b:s2+s8], $0x1, s12, s8, $0xb8;
	[tilespmem:$0x2000] =	vst v63  }
0x72: {  	s15 =	simm.s32 $0x1C00;
	s14 =	simm.s32 $0xC00  }
0x73: {  	[tilespmem:s15], [sflag:$0x1] =	stream.indirect.gather [hbm4b:s2+s8], $0x1, s14, s8, $0xb8;
	[tilespmem:$0x2000] =	vst v63  }
0x74: {  	s17 =	simm.s32 $0x1C80;
	s16 =	simm.s32 $0xC80  }
0x75: {  	[tilespmem:s17], [sflag:$0x1] =	stream.indirect.gather [hbm4b:s2+s8], $0x1, s16, s8, $0xb8;
	[tilespmem:$0x2000] =	vst v63  }
0x76: {  	s18 =	simm.s32 $0xD00;
	s19 =	simm.s32 $0x1D00  }
0x77: {  	[tilespmem:s19], [sflag:$0x1] =	stream.indirect.gather [hbm4b:s2+s8], $0x1, s18, s8, $0xb8;
	[tilespmem:$0x2000] =	vst v63  }
0x78: {  	s21 =	simm.s32 $0x1D80;
	s20 =	simm.s32 $0xD80  }
0x79: {  	[tilespmem:s21], [sflag:$0x1] =	stream.indirect.gather [hbm4b:s2+s8], $0x1, s20, s8, $0xb8;
	[tilespmem:$0x2000] =	vst v63  }
0x7a: {  	s22 =	simm.s32 $0xE00;
	s23 =	simm.s32 $0x1E00  }
0x7b: {  	[tilespmem:s23], [sflag:$0x1] =	stream.indirect.gather [hbm4b:s2+s8], $0x1, s22, s8, $0xb8;
	[tilespmem:$0x2000] =	vst v63  }
0x7c: {  	s24 =	simm.s32 $0xE80;
	s25 =	simm.s32 $0x1E80  }
0x7d: {  	[tilespmem:s25], [sflag:$0x1] =	stream.indirect.gather [hbm4b:s2+s8], $0x1, s24, s8, $0xb8;
	[tilespmem:$0x2000] =	vst v63  }
0x7e: {  	s26 =	simm.s32 $0xF00;
	s28 =	simm.s32 $0x1F00  }
0x7f: {  	[tilespmem:s28], [sflag:$0x1] =	stream.indirect.gather [hbm4b:s2+s8], $0x1, s26, s8, $0xb8;
	[tilespmem:$0x2000] =	vst v63  }
0x80: {  	s30 =	simm.s32 $0xF80;
	s31 =	simm.s32 $0x1F80;
	s20 =	simm.s32 $0x1  }
0x81: {  	[tilespmem:s31], [sflag:$0x1] =	stream.indirect.gather [hbm4b:s2+s8], $0x1, s30, s8, $0xb8;
	[tilespmem:$0x2000] =	vst v63  }
0x82: {  	_ =	swait.ge [sflag:s20], $0x80  }
0x83: {  	[sflag:s20] =	ssyncset.done $0x0  }
0x84: {  	[sflag:s20] =	ssyncadd.s32 $0xFFFFFF80  }
0x85: {  	_ =	swait.ge [sflag:s20], $0x80  }
0x86: {  	[sflag:s20] =	ssyncset.done $0x0  }
0x87: {  	[sflag:s20] =	ssyncadd.s32 $0xFFFFFF80  }
0x88: {  	_ =	swait.ge [sflag:s20], $0x80  }
0x89: {  	[sflag:s20] =	ssyncset.done $0x0  }
0x8a: {  	[sflag:s20] =	ssyncadd.s32 $0xFFFFFF80  }
0x8b: {  	_ =	swait.ge [sflag:s20], $0x80  }
0x8c: {  	[sflag:s20] =	ssyncset.done $0x0  }
0x8d: {  	[sflag:s20] =	ssyncadd.s32 $0xFFFFFF80  }
0x8e: {  	_ =	swait.ge [sflag:s20], $0x80  }
0x8f: {  	[sflag:s20] =	ssyncset.done $0x0  }
0x90: {  	[sflag:s20] =	ssyncadd.s32 $0xFFFFFF80  }
0x91: {  	_ =	swait.ge [sflag:s20], $0x80  }
0x92: {  	[sflag:s20] =	ssyncset.done $0x0  }
0x93: {  	[sflag:s20] =	ssyncadd.s32 $0xFFFFFF80  }
0x94: {  	_ =	swait.ge [sflag:s20], $0x80  }
0x95: {  	[sflag:s20] =	ssyncset.done $0x0  }
0x96: {  	[sflag:s20] =	ssyncadd.s32 $0xFFFFFF80  }
0x97: {  	_ =	swait.ge [sflag:s20], $0x80  }
0x98: {  	[sflag:s20] =	ssyncset.done $0x0  }
0x99: {  	[sflag:s20] =	ssyncadd.s32 $0xFFFFFF80  }
0x9a: {  	_ =	swait.ge [sflag:s20], $0x80  }
0x9b: {  	[sflag:s20] =	ssyncset.done $0x0  }
0x9c: {  	[sflag:s20] =	ssyncadd.s32 $0xFFFFFF80  }
0x9d: {  	_ =	swait.ge [sflag:s20], $0x80  }
0x9e: {  	[sflag:s20] =	ssyncset.done $0x0  }
0x9f: {  	[sflag:s20] =	ssyncadd.s32 $0xFFFFFF80  }
0xa0: {  	_ =	swait.ge [sflag:s20], $0x80  }
0xa1: {  	[sflag:s20] =	ssyncset.done $0x0  }
0xa2: {  	[sflag:s20] =	ssyncadd.s32 $0xFFFFFF80  }
0xa3: {  	_ =	swait.ge [sflag:s20], $0x80  }
0xa4: {  	[sflag:s20] =	ssyncset.done $0x0  }
0xa5: {  	[sflag:s20] =	ssyncadd.s32 $0xFFFFFF80  }
0xa6: {  	_ =	swait.ge [sflag:s20], $0x80  }
0xa7: {  	[sflag:s20] =	ssyncset.done $0x0  }
0xa8: {  	[sflag:s20] =	ssyncadd.s32 $0xFFFFFF80  }
0xa9: {  	_ =	swait.ge [sflag:s20], $0x80  }
0xaa: {  	[sflag:s20] =	ssyncset.done $0x0  }
0xab: {  	[sflag:s20] =	ssyncadd.s32 $0xFFFFFF80  }
0xac: {  	_ =	swait.ge [sflag:s20], $0x80  }
0xad: {  	[sflag:s20] =	ssyncset.done $0x0  }
0xae: {  	[sflag:s20] =	ssyncadd.s32 $0xFFFFFF80  }
0xaf: {  	_ =	swait.ge [sflag:s20], $0x80  }
0xb0: {  	[sflag:s20] =	ssyncset.done $0x0  }
0xb1: {  	[sflag:s20] =	ssyncadd.s32 $0xFFFFFF80  }
0xb2: {  	_ =	swait.ge [sflag:s20], $0x80  }
0xb3: {  	[sflag:s20] =	ssyncset.done $0x0  }
0xb4: {  	[sflag:s20] =	ssyncadd.s32 $0xFFFFFF80  }
0xb5: {  	_ =	swait.ge [sflag:s20], $0x80  }
0xb6: {  	[sflag:s20] =	ssyncset.done $0x0  }
0xb7: {  	[sflag:s20] =	ssyncadd.s32 $0xFFFFFF80  }
0xb8: {  	_ =	swait.ge [sflag:s20], $0x80  }
0xb9: {  	[sflag:s20] =	ssyncset.done $0x0  }
0xba: {  	[sflag:s20] =	ssyncadd.s32 $0xFFFFFF80  }
0xbb: {  	_ =	swait.ge [sflag:s20], $0x80  }
0xbc: {  	[sflag:s20] =	ssyncset.done $0x0  }
0xbd: {  	[sflag:s20] =	ssyncadd.s32 $0xFFFFFF80  }
0xbe: {  	_ =	swait.ge [sflag:s20], $0x80  }
0xbf: {  	[sflag:s20] =	ssyncset.done $0x0  }
0xc0: {  	[sflag:s20] =	ssyncadd.s32 $0xFFFFFF80  }
0xc1: {  	_ =	swait.ge [sflag:s20], $0x80  }
0xc2: {  	[sflag:s20] =	ssyncset.done $0x0  }
0xc3: {  	[sflag:s20] =	ssyncadd.s32 $0xFFFFFF80  }
0xc4: {  	_ =	swait.ge [sflag:s20], $0x80  }
0xc5: {  	[sflag:s20] =	ssyncset.done $0x0  }
0xc6: {  	[sflag:s20] =	ssyncadd.s32 $0xFFFFFF80  }
0xc7: {  	_ =	swait.ge [sflag:s20], $0x80  }
0xc8: {  	[sflag:s20] =	ssyncset.done $0x0  }
0xc9: {  	s29 =	ssub.s32 $0x2, s1;
	[sflag:s20] =	ssyncadd.s32 $0xFFFFFF80  }
0xca: {  	s1 =	sshrl.u32 s29, $0x1;
	_ =	swait.ge [sflag:s20], $0x80  }
0xcb: {  	s0 =	ssub.s32 s29, s1;
	[sflag:s20] =	ssyncset.done $0x0  }
0xcc: {  	s0 =	smax.u32 s0, $0x1;
	[sflag:s20] =	ssyncadd.s32 $0xFFFFFF80  }
0xcd: {  	p0 =	sne.s32 s0, $0x1;
	_ =	swait.ge [sflag:s20], $0x80  }
.Ltmp0:
0xce: {  	[sflag:s20] =	ssyncset.done $0x0;
	(pc) =	sbr.rel @!p0 .LBB2_2-.Ltmp0, $4  }
0xcf: {  	[sflag:s20] =	ssyncadd.s32 $0xFFFFFF80  }
0xd0: {  	_ =	swait.ge [sflag:s20], $0x80  }
0xd1: {  	[sflag:s20] =	ssyncset.done $0x0  }
0xd2: {  	s1 =	sadd.s32 $0xFFFFFFFF, s0;
	[sflag:s20] =	ssyncadd.s32 $0xFFFFFF80  }
.LBB2_1:
0xd3: {  	_ =	swait.ge [sflag:s20], $0x80  }
0xd4: {  	[sflag:s20] =	ssyncset.done $0x0  }
0xd5: {  	[sflag:s20] =	ssyncadd.s32 $0xFFFFFF80  }
0xd6: {  	_ =	swait.ge [sflag:s20], $0x80  }
0xd7: {  	[sflag:s20] =	ssyncset.done $0x0  }
0xd8: {  	[sflag:s20] =	ssyncadd.s32 $0xFFFFFF80  }
0xd9: {  	_ =	swait.ge [sflag:s20], $0x80  }
0xda: {  	[sflag:s20] =	ssyncset.done $0x0  }
0xdb: {  	[sflag:s20] =	ssyncadd.s32 $0xFFFFFF80  }
0xdc: {  	_ =	swait.ge [sflag:s20], $0x80  }
0xdd: {  	[sflag:s20] =	ssyncset.done $0x0  }
0xde: {  	[sflag:s20] =	ssyncadd.s32 $0xFFFFFF80  }
0xdf: {  	_ =	swait.ge [sflag:s20], $0x80  }
0xe0: {  	[sflag:s20] =	ssyncset.done $0x0  }
0xe1: {  	s0 =	rddreg [dreg:$0x4];
	[sflag:s20] =	ssyncadd.s32 $0xFFFFFF80  }
0xe2: {  	[hbm4b:s0+s4] =	stream.strided.scatter [tilespmem:s7], [sflag:$0x2], $0x1000, s6, s4, $0x38;
	[tilespmem:$0x2000] =	vst v63  }
0xe3: {  	_ =	swait.ge [sflag:s5], $0x1000  }
0xe4: {  	[sflag:s5] =	ssyncset.done $0x0  }
0xe5: {  	s26 =	rddreg [dreg:$0x3];
	[sflag:s5] =	ssyncadd.s32 $0xFFFFF000  }
0xe6: {  	[tilespmem:s3], [sflag:$0x2] =	stream.strided.gather [hbm4b:s26+s4], $0x1000, s6, s4, $0x38;
	[tilespmem:$0x2000] =	vst v63  }
0xe7: {  	_ =	swait.ge [sflag:s5], $0x1000  }
0xe8: {  	s0 =	sld [smem:$0x7F2]  }
0xe9: {  	s9 =	sld [smem:$0x7F3]  }
0xea: {  	s10 =	sld [smem:$0x7F4]  }
0xeb: {  	s11 =	sld [smem:$0x7F5]  }
0xec: {  	s12 =	sld [smem:$0x7F6]  }
0xed: {  	s13 =	rddreg [dreg:$0x1e]  }
0xee: {  	s14 =	rddreg [dreg:$0x1c]  }
0xef: {  	s15 =	rddreg [dreg:$0x1a]  }
0xf0: {  	s16 =	rddreg [dreg:$0x18]  }
0xf1: {  	s17 =	rddreg [dreg:$0x16]  }
0xf2: {  	s18 =	rddreg [dreg:$0x14]  }
0xf3: {  	s19 =	rddreg [dreg:$0x12]  }
0xf4: {  	s21 =	rddreg [dreg:$0x11]  }
0xf5: {  	s22 =	rddreg [dreg:$0xf]  }
0xf6: {  	s23 =	rddreg [dreg:$0xd]  }
0xf7: {  	s24 =	rddreg [dreg:$0xb]  }
0xf8: {  	s25 =	rddreg [dreg:$0x6]  }
0xf9: {  	[sflag:s5] =	ssyncset.done $0x0;
	s26 =	rddreg [dreg:$0x5]  }
0xfa: {  	s28 =	rddreg [dreg:$0x7];
	[sflag:s5] =	ssyncadd.s32 $0xFFFFF000  }
0xfb: {  	[tilespmem:s7], [sflag:$0x1] =	stream.indirect.gather [hbm4b:s2+s8], $0x1, s3, s8, $0xb8;
	[tilespmem:$0x2000] =	vst v63  }
0xfc: {  	s29 =	rddreg [dreg:$0x9]  }
0xfd: {  	[tilespmem:s26], [sflag:$0x1] =	stream.indirect.gather [hbm4b:s2+s8], $0x1, s8, s8, $0xb8;
	[tilespmem:$0x2000] =	vst v63  }
0xfe: {  	s26 =	rddreg [dreg:$0x8]  }
0xff: {  	[tilespmem:s28], [sflag:$0x1] =	stream.indirect.gather [hbm4b:s2+s8], $0x1, s25, s8, $0xb8;
	[tilespmem:$0x2000] =	vst v63  }
0x100: {  	s28 =	rddreg [dreg:$0xa]  }
0x101: {  	[tilespmem:s29], [sflag:$0x1] =	stream.indirect.gather [hbm4b:s2+s8], $0x1, s26, s8, $0xb8;
	[tilespmem:$0x2000] =	vst v63  }
0x102: {  	s25 =	rddreg [dreg:$0x15]  }
0x103: {  	[tilespmem:s24], [sflag:$0x1] =	stream.indirect.gather [hbm4b:s2+s8], $0x1, s28, s8, $0xb8;
	[tilespmem:$0x2000] =	vst v63  }
0x104: {  	s29 =	rddreg [dreg:$0xc]  }
0x105: {  	[tilespmem:s23], [sflag:$0x1] =	stream.indirect.gather [hbm4b:s2+s8], $0x1, s29, s8, $0xb8;
	[tilespmem:$0x2000] =	vst v63  }
0x106: {  	s28 =	rddreg [dreg:$0xe]  }
0x107: {  	[tilespmem:s22], [sflag:$0x1] =	stream.indirect.gather [hbm4b:s2+s8], $0x1, s28, s8, $0xb8;
	[tilespmem:$0x2000] =	vst v63  }
0x108: {  	s29 =	rddreg [dreg:$0x10]  }
0x109: {  	[tilespmem:s21], [sflag:$0x1] =	stream.indirect.gather [hbm4b:s2+s8], $0x1, s29, s8, $0xb8;
	[tilespmem:$0x2000] =	vst v63  }
0x10a: {  	s26 =	rddreg [dreg:$0x17]  }
0x10b: {  	[tilespmem:s19], [sflag:$0x1] =	stream.indirect.gather [hbm4b:s2+s8], $0x1, s4, s8, $0xb8;
	[tilespmem:$0x2000] =	vst v63  }
0x10c: {  	s24 =	rddreg [dreg:$0x13]  }
0x10d: {  	[tilespmem:s18], [sflag:$0x1] =	stream.indirect.gather [hbm4b:s2+s8], $0x1, s24, s8, $0xb8;
	[tilespmem:$0x2000] =	vst v63  }
0x10e: {  	s23 =	sld [smem:$0x7F9]  }
0x10f: {  	[tilespmem:s17], [sflag:$0x1] =	stream.indirect.gather [hbm4b:s2+s8], $0x1, s25, s8, $0xb8;
	[tilespmem:$0x2000] =	vst v63  }
0x110: {  	s28 =	rddreg [dreg:$0x19]  }
0x111: {  	[tilespmem:s16], [sflag:$0x1] =	stream.indirect.gather [hbm4b:s2+s8], $0x1, s26, s8, $0xb8;
	[tilespmem:$0x2000] =	vst v63  }
0x112: {  	s29 =	rddreg [dreg:$0x1b]  }
0x113: {  	[tilespmem:s15], [sflag:$0x1] =	stream.indirect.gather [hbm4b:s2+s8], $0x1, s28, s8, $0xb8;
	[tilespmem:$0x2000] =	vst v63  }
0x114: {  	s21 =	sld [smem:$0x7F8]  }
0x115: {  	[tilespmem:s14], [sflag:$0x1] =	stream.indirect.gather [hbm4b:s2+s8], $0x1, s29, s8, $0xb8;
	[tilespmem:$0x2000] =	vst v63  }
0x116: {  	s18 =	rddreg [dreg:$0x1d]  }
0x117: {  	[tilespmem:s13], [sflag:$0x1] =	stream.indirect.gather [hbm4b:s2+s8], $0x1, s18, s8, $0xb8;
	[tilespmem:$0x2000] =	vst v63  }
0x118: {  	s19 =	rddreg [dreg:$0x1f]  }
0x119: {  	[tilespmem:s12], [sflag:$0x1] =	stream.indirect.gather [hbm4b:s2+s8], $0x1, s19, s8, $0xb8;
	[tilespmem:$0x2000] =	vst v63  }
0x11a: {  	s22 =	sld [smem:$0x7F7]  }
0x11b: {  	[tilespmem:s11], [sflag:$0x1] =	stream.indirect.gather [hbm4b:s2+s8], $0x1, s21, s8, $0xb8;
	[tilespmem:$0x2000] =	vst v63  }
0x11c: {  	s24 =	sld [smem:$0x7FA]  }
0x11d: {  	[tilespmem:s10], [sflag:$0x1] =	stream.indirect.gather [hbm4b:s2+s8], $0x1, s23, s8, $0xb8;
	[tilespmem:$0x2000] =	vst v63  }
0x11e: {  	s25 =	sld [smem:$0x7FB]  }
0x11f: {  	[tilespmem:s9], [sflag:$0x1] =	stream.indirect.gather [hbm4b:s2+s8], $0x1, s24, s8, $0xb8;
	[tilespmem:$0x2000] =	vst v63  }
0x120: {  	s26 =	sld [smem:$0x7FC]  }
0x121: {  	[tilespmem:s0], [sflag:$0x1] =	stream.indirect.gather [hbm4b:s2+s8], $0x1, s25, s8, $0xb8;
	[tilespmem:$0x2000] =	vst v63  }
0x122: {  	s28 =	sld [smem:$0x7FD]  }
0x123: {  	[tilespmem:s22], [sflag:$0x1] =	stream.indirect.gather [hbm4b:s2+s8], $0x1, s26, s8, $0xb8;
	[tilespmem:$0x2000] =	vst v63  }
0x124: {  	s29 =	simm.s32 $0x1A80  }
0x125: {  	[tilespmem:s29], [sflag:$0x1] =	stream.indirect.gather [hbm4b:s2+s8], $0x1, s28, s8, $0xb8;
	[tilespmem:$0x2000] =	vst v63  }
0x126: {  	s11 =	simm.s32 $0x1B00;
	s10 =	simm.s32 $0xB00  }
0x127: {  	[tilespmem:s11], [sflag:$0x1] =	stream.indirect.gather [hbm4b:s2+s8], $0x1, s10, s8, $0xb8;
	[tilespmem:$0x2000] =	vst v63  }
0x128: {  	s13 =	simm.s32 $0x1B80;
	s12 =	simm.s32 $0xB80  }
0x129: {  	[tilespmem:s13], [sflag:$0x1] =	stream.indirect.gather [hbm4b:s2+s8], $0x1, s12, s8, $0xb8;
	[tilespmem:$0x2000] =	vst v63  }
0x12a: {  	s15 =	simm.s32 $0x1C00;
	s14 =	simm.s32 $0xC00  }
0x12b: {  	[tilespmem:s15], [sflag:$0x1] =	stream.indirect.gather [hbm4b:s2+s8], $0x1, s14, s8, $0xb8;
	[tilespmem:$0x2000] =	vst v63  }
0x12c: {  	s17 =	simm.s32 $0x1C80;
	s16 =	simm.s32 $0xC80  }
0x12d: {  	[tilespmem:s17], [sflag:$0x1] =	stream.indirect.gather [hbm4b:s2+s8], $0x1, s16, s8, $0xb8;
	[tilespmem:$0x2000] =	vst v63  }
0x12e: {  	s18 =	simm.s32 $0xD00;
	s19 =	simm.s32 $0x1D00  }
0x12f: {  	[tilespmem:s19], [sflag:$0x1] =	stream.indirect.gather [hbm4b:s2+s8], $0x1, s18, s8, $0xb8;
	[tilespmem:$0x2000] =	vst v63  }
0x130: {  	s21 =	simm.s32 $0xD80;
	s22 =	simm.s32 $0x1D80  }
0x131: {  	[tilespmem:s22], [sflag:$0x1] =	stream.indirect.gather [hbm4b:s2+s8], $0x1, s21, s8, $0xb8;
	[tilespmem:$0x2000] =	vst v63  }
0x132: {  	s23 =	simm.s32 $0xE00;
	s24 =	simm.s32 $0x1E00  }
0x133: {  	[tilespmem:s24], [sflag:$0x1] =	stream.indirect.gather [hbm4b:s2+s8], $0x1, s23, s8, $0xb8;
	[tilespmem:$0x2000] =	vst v63  }
0x134: {  	s25 =	simm.s32 $0xE80;
	s26 =	simm.s32 $0x1E80  }
0x135: {  	[tilespmem:s26], [sflag:$0x1] =	stream.indirect.gather [hbm4b:s2+s8], $0x1, s25, s8, $0xb8;
	[tilespmem:$0x2000] =	vst v63  }
0x136: {  	s28 =	simm.s32 $0xF00;
	s29 =	simm.s32 $0x1F00  }
0x137: {  	[tilespmem:s29], [sflag:$0x1] =	stream.indirect.gather [hbm4b:s2+s8], $0x1, s28, s8, $0xb8;
	[tilespmem:$0x2000] =	vst v63  }
0x138: {  	_ = 	snop  }
0x139: {  	[tilespmem:s31], [sflag:$0x1] =	stream.indirect.gather [hbm4b:s2+s8], $0x1, s30, s8, $0xb8;
	[tilespmem:$0x2000] =	vst v63  }
0x13a: {  	_ =	swait.ge [sflag:s20], $0x80  }
0x13b: {  	[sflag:s20] =	ssyncset.done $0x0  }
0x13c: {  	[sflag:s20] =	ssyncadd.s32 $0xFFFFFF80  }
0x13d: {  	_ =	swait.ge [sflag:s20], $0x80  }
0x13e: {  	[sflag:s20] =	ssyncset.done $0x0  }
0x13f: {  	[sflag:s20] =	ssyncadd.s32 $0xFFFFFF80  }
0x140: {  	_ =	swait.ge [sflag:s20], $0x80  }
0x141: {  	[sflag:s20] =	ssyncset.done $0x0  }
0x142: {  	[sflag:s20] =	ssyncadd.s32 $0xFFFFFF80  }
0x143: {  	_ =	swait.ge [sflag:s20], $0x80  }
0x144: {  	[sflag:s20] =	ssyncset.done $0x0  }
0x145: {  	[sflag:s20] =	ssyncadd.s32 $0xFFFFFF80  }
0x146: {  	_ =	swait.ge [sflag:s20], $0x80  }
0x147: {  	[sflag:s20] =	ssyncset.done $0x0  }
0x148: {  	[sflag:s20] =	ssyncadd.s32 $0xFFFFFF80  }
0x149: {  	_ =	swait.ge [sflag:s20], $0x80  }
0x14a: {  	[sflag:s20] =	ssyncset.done $0x0  }
0x14b: {  	[sflag:s20] =	ssyncadd.s32 $0xFFFFFF80  }
0x14c: {  	_ =	swait.ge [sflag:s20], $0x80  }
0x14d: {  	[sflag:s20] =	ssyncset.done $0x0  }
0x14e: {  	[sflag:s20] =	ssyncadd.s32 $0xFFFFFF80  }
0x14f: {  	_ =	swait.ge [sflag:s20], $0x80  }
0x150: {  	[sflag:s20] =	ssyncset.done $0x0  }
0x151: {  	[sflag:s20] =	ssyncadd.s32 $0xFFFFFF80  }
0x152: {  	_ =	swait.ge [sflag:s20], $0x80  }
0x153: {  	[sflag:s20] =	ssyncset.done $0x0  }
0x154: {  	[sflag:s20] =	ssyncadd.s32 $0xFFFFFF80  }
0x155: {  	_ =	swait.ge [sflag:s20], $0x80  }
0x156: {  	[sflag:s20] =	ssyncset.done $0x0  }
0x157: {  	[sflag:s20] =	ssyncadd.s32 $0xFFFFFF80  }
0x158: {  	_ =	swait.ge [sflag:s20], $0x80  }
0x159: {  	[sflag:s20] =	ssyncset.done $0x0  }
0x15a: {  	[sflag:s20] =	ssyncadd.s32 $0xFFFFFF80  }
0x15b: {  	_ =	swait.ge [sflag:s20], $0x80  }
0x15c: {  	[sflag:s20] =	ssyncset.done $0x0  }
0x15d: {  	[sflag:s20] =	ssyncadd.s32 $0xFFFFFF80  }
0x15e: {  	_ =	swait.ge [sflag:s20], $0x80  }
0x15f: {  	[sflag:s20] =	ssyncset.done $0x0  }
0x160: {  	[sflag:s20] =	ssyncadd.s32 $0xFFFFFF80  }
0x161: {  	_ =	swait.ge [sflag:s20], $0x80  }
0x162: {  	[sflag:s20] =	ssyncset.done $0x0  }
0x163: {  	[sflag:s20] =	ssyncadd.s32 $0xFFFFFF80  }
0x164: {  	_ =	swait.ge [sflag:s20], $0x80  }
0x165: {  	[sflag:s20] =	ssyncset.done $0x0  }
0x166: {  	[sflag:s20] =	ssyncadd.s32 $0xFFFFFF80  }
0x167: {  	_ =	swait.ge [sflag:s20], $0x80  }
0x168: {  	[sflag:s20] =	ssyncset.done $0x0  }
0x169: {  	[sflag:s20] =	ssyncadd.s32 $0xFFFFFF80  }
0x16a: {  	_ =	swait.ge [sflag:s20], $0x80  }
0x16b: {  	[sflag:s20] =	ssyncset.done $0x0  }
0x16c: {  	[sflag:s20] =	ssyncadd.s32 $0xFFFFFF80  }
0x16d: {  	_ =	swait.ge [sflag:s20], $0x80  }
0x16e: {  	[sflag:s20] =	ssyncset.done $0x0  }
0x16f: {  	[sflag:s20] =	ssyncadd.s32 $0xFFFFFF80  }
0x170: {  	_ =	swait.ge [sflag:s20], $0x80  }
0x171: {  	[sflag:s20] =	ssyncset.done $0x0  }
0x172: {  	[sflag:s20] =	ssyncadd.s32 $0xFFFFFF80  }
0x173: {  	_ =	swait.ge [sflag:s20], $0x80  }
0x174: {  	[sflag:s20] =	ssyncset.done $0x0  }
0x175: {  	[sflag:s20] =	ssyncadd.s32 $0xFFFFFF80  }
0x176: {  	_ =	swait.ge [sflag:s20], $0x80  }
0x177: {  	[sflag:s20] =	ssyncset.done $0x0  }
0x178: {  	[sflag:s20] =	ssyncadd.s32 $0xFFFFFF80  }
0x179: {  	_ =	swait.ge [sflag:s20], $0x80  }
0x17a: {  	[sflag:s20] =	ssyncset.done $0x0  }
0x17b: {  	[sflag:s20] =	ssyncadd.s32 $0xFFFFFF80  }
0x17c: {  	_ =	swait.ge [sflag:s20], $0x80  }
0x17d: {  	[sflag:s20] =	ssyncset.done $0x0  }
0x17e: {  	[sflag:s20] =	ssyncadd.s32 $0xFFFFFF80  }
0x17f: {  	_ =	swait.ge [sflag:s20], $0x80  }
0x180: {  	[sflag:s20] =	ssyncset.done $0x0  }
0x181: {  	[sflag:s20] =	ssyncadd.s32 $0xFFFFFF80  }
0x182: {  	_ =	swait.ge [sflag:s20], $0x80  }
0x183: {  	[sflag:s20] =	ssyncset.done $0x0  }
0x184: {  	[sflag:s20] =	ssyncadd.s32 $0xFFFFFF80  }
0x185: {  	p0 =	sne.s32 s1, $0x1;
	_ =	swait.ge [sflag:s20], $0x80  }
.Ltmp1:
0x186: {  	[sflag:s20] =	ssyncset.done $0x0;
	(pc) =	sbr.rel @p0 .LBB2_1-.Ltmp1, $4  }
0x187: {  	[sflag:s20] =	ssyncadd.s32 $0xFFFFFF80  }
0x188: {  	_ =	swait.ge [sflag:s20], $0x80  }
0x189: {  	[sflag:s20] =	ssyncset.done $0x0  }
0x18a: {  	s1 =	sadd.s32 $0xFFFFFFFF, s1;
	[sflag:s20] =	ssyncadd.s32 $0xFFFFFF80  }
.LBB2_2:
0x18b: {  	_ =	swait.ge [sflag:s20], $0x80  }
0x18c: {  	[sflag:s20] =	ssyncset.done $0x0  }
0x18d: {  	[sflag:s20] =	ssyncadd.s32 $0xFFFFFF80  }
0x18e: {  	_ =	swait.ge [sflag:s20], $0x80  }
0x18f: {  	[sflag:s20] =	ssyncset.done $0x0  }
0x190: {  	[sflag:s20] =	ssyncadd.s32 $0xFFFFFF80  }
0x191: {  	_ =	swait.ge [sflag:s20], $0x80  }
0x192: {  	[sflag:s20] =	ssyncset.done $0x0  }
0x193: {  	[sflag:s20] =	ssyncadd.s32 $0xFFFFFF80  }
0x194: {  	_ =	swait.ge [sflag:s20], $0x80  }
0x195: {  	[sflag:s20] =	ssyncset.done $0x0  }
0x196: {  	[sflag:s20] =	ssyncadd.s32 $0xFFFFFF80  }
0x197: {  	_ =	swait.ge [sflag:s20], $0x80  }
0x198: {  	[sflag:s20] =	ssyncset.done $0x0  }
0x199: {  	s0 =	rddreg [dreg:$0x4];
	[sflag:s20] =	ssyncadd.s32 $0xFFFFFF80  }
0x19a: {  	[hbm4b:s0+s4] =	stream.strided.scatter [tilespmem:s7], [sflag:$0x2], $0x1000, s6, s4, $0x38;
	[tilespmem:$0x2000] =	vst v63  }
0x19b: {  	_ =	swait.ge [sflag:s5], $0x1000  }
0x19c: {  	[sflag:s5] =	ssyncset.done $0x0  }
0x19d: {  	[sflag:s5] =	ssyncadd.s32 $0xFFFFF000  }
0x19e: {  	_ =	sfence.sel $0x180000  }
0x19f: {  	[bflag:$0x0] =	sbarrier.arrive $0xFFFF  }
0x1a0: {  	_ =	strace $0x90000047  }
0x1a1: {  	s31 =	stileid.u32;
	[bflag:$0x2] =	sbarrier.arrive $0xFFFF  }
0x1a2: {  	p0 =	sne.s32 s31, $0x0;
	s0 =	rddreg [dreg:$0x2]  }
0x1a3: {  	s0 =	sadd.s32 @!p0 $0x100000, s0  }
0x1a4: {  	[sflag:s0] =	ssyncadd.tile.s32 @!p0 $0x1;
	_ =	shalt  }
.Lfunc_end2:
_tile_overlayer_lowered:
.L_overlay_start_2:
0x1a5: {  	(tag) =	ssettag $0x2  }
0x1a6: {  	s0 =	rddreg [dreg:$0x0];
	s2 =	stileid.u32  }
0x1a7: {  	s1 =	rddreg [dreg:$0x1];
	p0 =	sne.s32 s2, $0x0  }
0x1a8: {  	s3 =	rddreg [dreg:$0x2];
	[bflag:$0x3] =	sbarrier.arrive $0xFFFF;
	s2 =	simm.s32 @!p0 $0x1C02  }
0x1a9: {  	[timem:s3], [sflag:s2] =	dma.local @!p0 [hbm:s0], s1  }
0x1aa: {  	s0 =	simm.s32 @!p0 $0x2  }
0x1ab: {  	_ =	swait.ge @!p0 [sflag:s0], s1  }
0x1ac: {  	s1 =	ssub.s32 @!p0 $0x0, s1;
	[sflag:s0] =	ssyncset.done @!p0 $0x0  }
0x1ad: {  	[sflag:s0] =	ssyncadd.s32 @!p0 s1  }
0x1ae: {  	[bflag:$0x3] =	sbarrier.arrive $0xFFFF  }
0x1af: {  	_ =	shalt  }

</sc_bundles>
